<compile_context>
chip_gen: v7x
topology: tpu7x:2x2x1
jax: 0.10.2.dev20260603
libtpu: 0.0.44.dev20260713+nightly
codegen_flags: <defaults>
</compile_context>

<pallas_src>
import functools

import jax
import jax.numpy as jnp
from jax import lax
from jax.experimental import pallas as pl
from jax.experimental.pallas import tpu as pltpu
from jax.experimental.pallas import tpu_sc as plsc

BATCH = 16384
EMB = 64
LANES = 16
NUM_CORES = 2
NUM_SUBCORES = 16
NUM_WORKERS = NUM_CORES * NUM_SUBCORES
BPW = BATCH // NUM_WORKERS
CHUNK = 128
NCHUNK = BPW // CHUNK
NGROUP = BPW // LANES
MAX_ITEM_ROWS = 1000000 // LANES

_MESH = plsc.VectorSubcoreMesh(core_axis_name="c", subcore_axis_name="s")


def _lane_perm(x, idx):
    dnums = lax.GatherDimensionNumbers(
        offset_dims=(), collapsed_slice_dims=(0,), start_index_map=(0,))
    return lax.gather(x, idx[:, None], dnums, slice_sizes=(1,),
                      mode=lax.GatherScatterMode.PROMISE_IN_BOUNDS)


def _user_body(uid_hbm, utab_hbm, rows_hbm, uidx, u_v, sem):
    wid = lax.axis_index("s") * NUM_CORES + lax.axis_index("c")
    base = wid * BPW

    pltpu.sync_copy(uid_hbm.at[pl.ds(base, BPW)], uidx)

    def fetch_body(g, carry):
        uvec = uidx[pl.ds(g * LANES, LANES)]
        for j in range(LANES):
            r = g * LANES + j
            pltpu.async_copy(utab_hbm.at[uvec[j]], u_v.at[r], sem)
        return carry

    lax.fori_loop(0, NGROUP, fetch_body, 0)
    pltpu.make_async_copy(utab_hbm.at[pl.ds(0, BPW)], u_v, sem).wait()
    pltpu.sync_copy(u_v, rows_hbm.at[pl.ds(base, BPW), :])


_user_gather = functools.partial(
    pl.kernel,
    out_type=jax.ShapeDtypeStruct((BATCH, EMB), jnp.float32),
    scratch_types=[
        pltpu.VMEM((BPW,), jnp.int32),
        pltpu.VMEM((BPW, EMB), jnp.float32),
        pltpu.SemaphoreType.DMA,
    ],
    mesh=_MESH,
)(_user_body)


def _combine_body(iid_hbm, itab_hbm, ibias_hbm, urows_hbm, out_hbm,
                  iidx, iidx_flat, bidx, u_v, v_v, brows, out_v, sem):
    wid = lax.axis_index("s") * NUM_CORES + lax.axis_index("c")
    base = wid * BPW

    for j in range(NCHUNK):
        pltpu.sync_copy(iid_hbm.at[pl.ds(base + j * CHUNK, CHUNK)], iidx.at[j])
    pltpu.sync_copy(iid_hbm.at[pl.ds(base, BPW)], iidx_flat)
    pltpu.sync_copy(urows_hbm.at[pl.ds(base, BPW), :], u_v)

    for j in range(NCHUNK):
        for o in range(CHUNK // LANES):
            sl = pl.ds(o * LANES, LANES)
            bidx[j, sl] = jnp.right_shift(iidx[j, sl], 4)

    copies = []
    for j in range(NCHUNK):
        sl = pl.ds(j * CHUNK, CHUNK)
        copies.append(pltpu.async_copy(itab_hbm.at[iidx.at[j]], v_v.at[sl], sem))
        copies.append(pltpu.async_copy(ibias_hbm.at[bidx.at[j]], brows.at[sl], sem))
    for c in copies:
        c.wait()

    iota16 = lax.iota(jnp.int32, LANES)

    def group_body(g, carry):
        sl = pl.ds(g * LANES, LANES)
        res = jnp.zeros((LANES,), jnp.float32)
        lanes_vec = iidx_flat[sl] & (LANES - 1)
        for j in range(LANES):
            b = g * LANES + j
            acc = u_v[b, pl.ds(0, LANES)] * v_v[b, pl.ds(0, LANES)]
            for k in range(1, EMB // LANES):
                acc = acc + (u_v[b, pl.ds(k * LANES, LANES)]
                             * v_v[b, pl.ds(k * LANES, LANES)])
            lane = lanes_vec[j]
            acc = acc + jnp.where(iota16 == lane, brows[b, pl.ds(0, LANES)], 0.0)
            for step in (1, 2, 4, 8):
                acc = acc + _lane_perm(acc, iota16 ^ step)
            res = jnp.where(iota16 == j, acc, res)
        out_v[sl] = res
        return carry

    lax.fori_loop(0, NGROUP, group_body, 0)

    pltpu.sync_copy(out_v, out_hbm.at[pl.ds(base, BPW)])


_combine = functools.partial(
    pl.kernel,
    out_type=jax.ShapeDtypeStruct((BATCH,), jnp.float32),
    scratch_types=[
        pltpu.VMEM((NCHUNK, CHUNK), jnp.int32),
        pltpu.VMEM((BPW,), jnp.int32),
        pltpu.VMEM((NCHUNK, CHUNK), jnp.int32),
        pltpu.VMEM((BPW, EMB), jnp.float32),
        pltpu.VMEM((BPW, EMB), jnp.float32),
        pltpu.VMEM((BPW, LANES), jnp.float32),
        pltpu.VMEM((BPW,), jnp.float32),
        pltpu.SemaphoreType.DMA,
    ],
    mesh=_MESH,
    compiler_params=pltpu.CompilerParams(use_tc_tiling_on_sc=False),
)(_combine_body)


@jax.jit
def kernel(user_ids, item_ids, user_table, item_table, item_bias):
    urows = _user_gather(user_ids.astype(jnp.int32), user_table)
    return _combine(item_ids.astype(jnp.int32), item_table,
                    item_bias.reshape(MAX_ITEM_ROWS, LANES), urows)

# --- scband reference (transcript-rebuilt; emitter-appended) ---
"""Pipeline reference for scband-cfembedding-17239998726829 (READ-ONLY COPY).

The authoritative reference and input builder live on the scoring server;
editing this copy changes nothing except your own understanding.
"""

import jax, jax.numpy as jnp
import numpy as np

MAX_USER = 1000000
MAX_ITEM = 1000000
EMB = 64
BATCH = 16384

def setup_inputs(seed: int = 0) -> dict:
    key = jax.random.key(seed)
    k1, k2, k3, k4, k5 = jax.random.split(key, 5)
    user_ids = jax.random.randint(k1, (BATCH,), 0, MAX_USER, dtype=jnp.int64) if jax.config.jax_enable_x64 else jax.random.randint(k1, (BATCH,), 0, MAX_USER, dtype=jnp.int32)
    item_ids = jax.random.randint(k2, (BATCH,), 0, MAX_ITEM, dtype=jnp.int64) if jax.config.jax_enable_x64 else jax.random.randint(k2, (BATCH,), 0, MAX_ITEM, dtype=jnp.int32)
    user_table = jax.random.normal(k3, (MAX_USER, EMB), dtype=jnp.float32) * 0.05
    item_table = jax.random.normal(k4, (MAX_ITEM, EMB), dtype=jnp.float32) * 0.05
    item_bias = jax.random.normal(k5, (MAX_ITEM, 1), dtype=jnp.float32) * 0.05
    return {"user_ids": user_ids, "item_ids": item_ids, "user_table": user_table, "item_table": item_table, "item_bias": item_bias}

def reference(user_ids, item_ids, user_table, item_table, item_bias):
    user_embs = jnp.take(user_table, user_ids, axis=0)
    item_embs = jnp.take(item_table, item_ids, axis=0)
    ibias_embs = jnp.take(item_bias, item_ids, axis=0).squeeze()
    dot_e = user_embs * item_embs
    ys_pre = jnp.sum(dot_e, axis=1) + ibias_embs
    return ys_pre

if __name__ == "__main__":
    import jax
    _d = setup_inputs()
    print(jax.jit(kernel)(*tuple(_d.values())))

</pallas_src>

<mosaic_0001>
#map = affine_map<(d0, d1) -> (0)>
#map1 = affine_map<(d0, d1) -> (0, 0)>
module attributes {stable_mosaic.version = 14 : i64} {
  func.func @_user_body(%arg0: i32, %arg1: i32, %arg2: memref<16384xi32, #tpu.memory_space<hbm>>, %arg3: memref<1000000x64xf32, #tpu.memory_space<hbm>>, %arg4: memref<16384x64xf32, #tpu.memory_space<hbm>>, %arg5: memref<512xi32, #tpu.memory_space<vmem>>, %arg6: memref<512x64xf32, #tpu.memory_space<vmem>>, %arg7: memref<!tpu.dma_semaphore, #tpu.memory_space<semaphore_mem>>) attributes {dimension_semantics = [#tpu.dimension_semantics<core_parallel>, #tpu.dimension_semantics<subcore_parallel>], iteration_bounds = array<i64: 2, 16>, scalar_prefetch = 0 : i64, scratch_operands = 3 : i64, tpu.core_type = #tpu.core_type<sc_vector_subcore>, window_params = [{transform_indices = #map}, {transform_indices = #map1}, {transform_indices = #map1}]} {
    %mul3A = arith.constant 2 : i32
    %mul3A_0 = arith.muli %arg1, %mul3A : i32
    %add3A = arith.addi %mul3A_0, %arg0 : i32
    %mul3A_1 = arith.constant 512 : i32
    %mul3A_2 = arith.muli %add3A, %mul3A_1 : i32
    "tpu.region"() ({
      %run_scoped3A = tpu.sem_alloc : memref<!tpu.dma_semaphore, #tpu.memory_space<semaphore_mem>>
      %dma_start3A = tpu.memref_slice %arg2[%mul3A_2] : memref<16384xi32, #tpu.memory_space<hbm>> -> memref<512xi32, #tpu.memory_space<hbm>>
      %dma_start3A_13 = tpu.memref_slice %arg2[%mul3A_2] : memref<16384xi32, #tpu.memory_space<hbm>> -> memref<512xi32, #tpu.memory_space<hbm>>
      tpu.enqueue_dma source(%dma_start3A_13 : memref<512xi32, #tpu.memory_space<hbm>>) target(%arg5 : memref<512xi32, #tpu.memory_space<vmem>>) target_semaphore(%run_scoped3A : memref<!tpu.dma_semaphore, #tpu.memory_space<semaphore_mem>>)
      %dma_wait3A_14 = tpu.memref_slice %arg2[%mul3A_2] : memref<16384xi32, #tpu.memory_space<hbm>> -> memref<512xi32, #tpu.memory_space<hbm>>
      %dma_wait3A_15 = tpu.memref_slice %arg2[%mul3A_2] : memref<16384xi32, #tpu.memory_space<hbm>> -> memref<512xi32, #tpu.memory_space<hbm>>
      tpu.wait_dma2 semaphore(%run_scoped3A : memref<!tpu.dma_semaphore, #tpu.memory_space<semaphore_mem>>) src(%dma_wait3A_15 : memref<512xi32, #tpu.memory_space<hbm>>) dst(%arg5 : memref<512xi32, #tpu.memory_space<vmem>>)
      tpu.yield
    }) : () -> ()
    %scan3A = arith.constant 0 : i32
    %scan3A_3 = arith.constant 0 : i32
    %scan3A_4 = arith.constant 32 : i32
    %scan3A_5 = arith.addi %scan3A_3, %scan3A_4 : i32
    %scan3A_6 = arith.constant 1 : i32
    scf.for %scan3A_13 = %scan3A_3 to %scan3A_5 step %scan3A_6  : i32 {
      %mul3A_14 = arith.constant 16 : i32
      %mul3A_15 = arith.muli %scan3A_13, %mul3A_14 : i32
      %get3A = arith.index_cast %mul3A_15 : i32 to index
      %get3A_16 = tpu.vector_load %arg5[%get3A] {strides = array<i32>} : memref<512xi32, #tpu.memory_space<vmem>>, vector<16xi32>,
      %get3A_17 = vector.shape_cast %get3A_16 : vector<16xi32> to vector<16xi32>
      %mul3A_18 = arith.constant 16 : i32
      %mul3A_19 = arith.muli %scan3A_13, %mul3A_18 : i32
      %add3A_20 = arith.constant 0 : i32
      %add3A_21 = arith.addi %mul3A_19, %add3A_20 : i32
      %slice3A = vector.extract_strided_slice %get3A_17 {offsets = [0], sizes = [1], strides = [1]} : vector<16xi32> to vector<1xi32>
      %squeeze3A = vector.extract %slice3A[0] : i32 from vector<1xi32>
      %dma_start3A = arith.constant 0 : i32
      %dma_start3A_22 = tpu.memref_slice %arg6[%add3A_21, %dma_start3A] : memref<512x64xf32, #tpu.memory_space<vmem>> -> memref<1x64xf32, #tpu.memory_space<vmem>>
      %dma_start3A_23 = tpu.memref_squeeze %dma_start3A_22 : memref<1x64xf32, #tpu.memory_space<vmem>> -> memref<64xf32, #tpu.memory_space<vmem>>
      %dma_start3A_24 = arith.constant 0 : i32
      %dma_start3A_25 = tpu.memref_slice %arg3[%squeeze3A, %dma_start3A_24] : memref<1000000x64xf32, #tpu.memory_space<hbm>> -> memref<1x64xf32, #tpu.memory_space<hbm>>
      %dma_start3A_26 = tpu.memref_squeeze %dma_start3A_25 : memref<1x64xf32, #tpu.memory_space<hbm>> -> memref<64xf32, #tpu.memory_space<hbm>>
      %dma_start3A_27 = arith.constant 0 : i32
      %dma_start3A_28 = tpu.memref_slice %arg6[%add3A_21, %dma_start3A_27] : memref<512x64xf32, #tpu.memory_space<vmem>> -> memref<1x64xf32, #tpu.memory_space<vmem>>
      %dma_start3A_29 = tpu.memref_squeeze %dma_start3A_28 : memref<1x64xf32, #tpu.memory_space<vmem>> -> memref<64xf32, #tpu.memory_space<vmem>>
      %dma_start3A_30 = arith.constant 0 : i32
      %dma_start3A_31 = tpu.memref_slice %arg3[%squeeze3A, %dma_start3A_30] : memref<1000000x64xf32, #tpu.memory_space<hbm>> -> memref<1x64xf32, #tpu.memory_space<hbm>>
      %dma_start3A_32 = tpu.memref_squeeze %dma_start3A_31 : memref<1x64xf32, #tpu.memory_space<hbm>> -> memref<64xf32, #tpu.memory_space<hbm>>
      tpu.enqueue_dma source(%dma_start3A_32 : memref<64xf32, #tpu.memory_space<hbm>>) target(%dma_start3A_29 : memref<64xf32, #tpu.memory_space<vmem>>) target_semaphore(%arg7 : memref<!tpu.dma_semaphore, #tpu.memory_space<semaphore_mem>>)
      %mul3A_33 = arith.constant 16 : i32
      %mul3A_34 = arith.muli %scan3A_13, %mul3A_33 : i32
      %add3A_35 = arith.constant 1 : i32
      %add3A_36 = arith.addi %mul3A_34, %add3A_35 : i32
      %slice3A_37 = vector.extract_strided_slice %get3A_17 {offsets = [1], sizes = [1], strides = [1]} : vector<16xi32> to vector<1xi32>
      %squeeze3A_38 = vector.extract %slice3A_37[0] : i32 from vector<1xi32>
      %dma_start3A_39 = arith.constant 0 : i32
      %dma_start3A_40 = tpu.memref_slice %arg6[%add3A_36, %dma_start3A_39] : memref<512x64xf32, #tpu.memory_space<vmem>> -> memref<1x64xf32, #tpu.memory_space<vmem>>
      %dma_start3A_41 = tpu.memref_squeeze %dma_start3A_40 : memref<1x64xf32, #tpu.memory_space<vmem>> -> memref<64xf32, #tpu.memory_space<vmem>>
      %dma_start3A_42 = arith.constant 0 : i32
      %dma_start3A_43 = tpu.memref_slice %arg3[%squeeze3A_38, %dma_start3A_42] : memref<1000000x64xf32, #tpu.memory_space<hbm>> -> memref<1x64xf32, #tpu.memory_space<hbm>>
      %dma_start3A_44 = tpu.memref_squeeze %dma_start3A_43 : memref<1x64xf32, #tpu.memory_space<hbm>> -> memref<64xf32, #tpu.memory_space<hbm>>
      %dma_start3A_45 = arith.constant 0 : i32
      %dma_start3A_46 = tpu.memref_slice %arg6[%add3A_36, %dma_start3A_45] : memref<512x64xf32, #tpu.memory_space<vmem>> -> memref<1x64xf32, #tpu.memory_space<vmem>>
      %dma_start3A_47 = tpu.memref_squeeze %dma_start3A_46 : memref<1x64xf32, #tpu.memory_space<vmem>> -> memref<64xf32, #tpu.memory_space<vmem>>
      %dma_start3A_48 = arith.constant 0 : i32
      %dma_start3A_49 = tpu.memref_slice %arg3[%squeeze3A_38, %dma_start3A_48] : memref<1000000x64xf32, #tpu.memory_space<hbm>> -> memref<1x64xf32, #tpu.memory_space<hbm>>
      %dma_start3A_50 = tpu.memref_squeeze %dma_start3A_49 : memref<1x64xf32, #tpu.memory_space<hbm>> -> memref<64xf32, #tpu.memory_space<hbm>>
      tpu.enqueue_dma source(%dma_start3A_50 : memref<64xf32, #tpu.memory_space<hbm>>) target(%dma_start3A_47 : memref<64xf32, #tpu.memory_space<vmem>>) target_semaphore(%arg7 : memref<!tpu.dma_semaphore, #tpu.memory_space<semaphore_mem>>)
      %mul3A_51 = arith.constant 16 : i32
      %mul3A_52 = arith.muli %scan3A_13, %mul3A_51 : i32
      %add3A_53 = arith.constant 2 : i32
      %add3A_54 = arith.addi %mul3A_52, %add3A_53 : i32
      %slice3A_55 = vector.extract_strided_slice %get3A_17 {offsets = [2], sizes = [1], strides = [1]} : vector<16xi32> to vector<1xi32>
      %squeeze3A_56 = vector.extract %slice3A_55[0] : i32 from vector<1xi32>
      %dma_start3A_57 = arith.constant 0 : i32
      %dma_start3A_58 = tpu.memref_slice %arg6[%add3A_54, %dma_start3A_57] : memref<512x64xf32, #tpu.memory_space<vmem>> -> memref<1x64xf32, #tpu.memory_space<vmem>>
      %dma_start3A_59 = tpu.memref_squeeze %dma_start3A_58 : memref<1x64xf32, #tpu.memory_space<vmem>> -> memref<64xf32, #tpu.memory_space<vmem>>
      %dma_start3A_60 = arith.constant 0 : i32
      %dma_start3A_61 = tpu.memref_slice %arg3[%squeeze3A_56, %dma_start3A_60] : memref<1000000x64xf32, #tpu.memory_space<hbm>> -> memref<1x64xf32, #tpu.memory_space<hbm>>
      %dma_start3A_62 = tpu.memref_squeeze %dma_start3A_61 : memref<1x64xf32, #tpu.memory_space<hbm>> -> memref<64xf32, #tpu.memory_space<hbm>>
      %dma_start3A_63 = arith.constant 0 : i32
      %dma_start3A_64 = tpu.memref_slice %arg6[%add3A_54, %dma_start3A_63] : memref<512x64xf32, #tpu.memory_space<vmem>> -> memref<1x64xf32, #tpu.memory_space<vmem>>
      %dma_start3A_65 = tpu.memref_squeeze %dma_start3A_64 : memref<1x64xf32, #tpu.memory_space<vmem>> -> memref<64xf32, #tpu.memory_space<vmem>>
      %dma_start3A_66 = arith.constant 0 : i32
      %dma_start3A_67 = tpu.memref_slice %arg3[%squeeze3A_56, %dma_start3A_66] : memref<1000000x64xf32, #tpu.memory_space<hbm>> -> memref<1x64xf32, #tpu.memory_space<hbm>>
      %dma_start3A_68 = tpu.memref_squeeze %dma_start3A_67 : memref<1x64xf32, #tpu.memory_space<hbm>> -> memref<64xf32, #tpu.memory_space<hbm>>
      tpu.enqueue_dma source(%dma_start3A_68 : memref<64xf32, #tpu.memory_space<hbm>>) target(%dma_start3A_65 : memref<64xf32, #tpu.memory_space<vmem>>) target_semaphore(%arg7 : memref<!tpu.dma_semaphore, #tpu.memory_space<semaphore_mem>>)
      %mul3A_69 = arith.constant 16 : i32
      %mul3A_70 = arith.muli %scan3A_13, %mul3A_69 : i32
      %add3A_71 = arith.constant 3 : i32
      %add3A_72 = arith.addi %mul3A_70, %add3A_71 : i32
      %slice3A_73 = vector.extract_strided_slice %get3A_17 {offsets = [3], sizes = [1], strides = [1]} : vector<16xi32> to vector<1xi32>
      %squeeze3A_74 = vector.extract %slice3A_73[0] : i32 from vector<1xi32>
      %dma_start3A_75 = arith.constant 0 : i32
      %dma_start3A_76 = tpu.memref_slice %arg6[%add3A_72, %dma_start3A_75] : memref<512x64xf32, #tpu.memory_space<vmem>> -> memref<1x64xf32, #tpu.memory_space<vmem>>
      %dma_start3A_77 = tpu.memref_squeeze %dma_start3A_76 : memref<1x64xf32, #tpu.memory_space<vmem>> -> memref<64xf32, #tpu.memory_space<vmem>>
      %dma_start3A_78 = arith.constant 0 : i32
      %dma_start3A_79 = tpu.memref_slice %arg3[%squeeze3A_74, %dma_start3A_78] : memref<1000000x64xf32, #tpu.memory_space<hbm>> -> memref<1x64xf32, #tpu.memory_space<hbm>>
      %dma_start3A_80 = tpu.memref_squeeze %dma_start3A_79 : memref<1x64xf32, #tpu.memory_space<hbm>> -> memref<64xf32, #tpu.memory_space<hbm>>
      %dma_start3A_81 = arith.constant 0 : i32
      %dma_start3A_82 = tpu.memref_slice %arg6[%add3A_72, %dma_start3A_81] : memref<512x64xf32, #tpu.memory_space<vmem>> -> memref<1x64xf32, #tpu.memory_space<vmem>>
      %dma_start3A_83 = tpu.memref_squeeze %dma_start3A_82 : memref<1x64xf32, #tpu.memory_space<vmem>> -> memref<64xf32, #tpu.memory_space<vmem>>
      %dma_start3A_84 = arith.constant 0 : i32
      %dma_start3A_85 = tpu.memref_slice %arg3[%squeeze3A_74, %dma_start3A_84] : memref<1000000x64xf32, #tpu.memory_space<hbm>> -> memref<1x64xf32, #tpu.memory_space<hbm>>
      %dma_start3A_86 = tpu.memref_squeeze %dma_start3A_85 : memref<1x64xf32, #tpu.memory_space<hbm>> -> memref<64xf32, #tpu.memory_space<hbm>>
      tpu.enqueue_dma source(%dma_start3A_86 : memref<64xf32, #tpu.memory_space<hbm>>) target(%dma_start3A_83 : memref<64xf32, #tpu.memory_space<vmem>>) target_semaphore(%arg7 : memref<!tpu.dma_semaphore, #tpu.memory_space<semaphore_mem>>)
      %mul3A_87 = arith.constant 16 : i32
      %mul3A_88 = arith.muli %scan3A_13, %mul3A_87 : i32
      %add3A_89 = arith.constant 4 : i32
      %add3A_90 = arith.addi %mul3A_88, %add3A_89 : i32
      %slice3A_91 = vector.extract_strided_slice %get3A_17 {offsets = [4], sizes = [1], strides = [1]} : vector<16xi32> to vector<1xi32>
      %squeeze3A_92 = vector.extract %slice3A_91[0] : i32 from vector<1xi32>
      %dma_start3A_93 = arith.constant 0 : i32
      %dma_start3A_94 = tpu.memref_slice %arg6[%add3A_90, %dma_start3A_93] : memref<512x64xf32, #tpu.memory_space<vmem>> -> memref<1x64xf32, #tpu.memory_space<vmem>>
      %dma_start3A_95 = tpu.memref_squeeze %dma_start3A_94 : memref<1x64xf32, #tpu.memory_space<vmem>> -> memref<64xf32, #tpu.memory_space<vmem>>
      %dma_start3A_96 = arith.constant 0 : i32
      %dma_start3A_97 = tpu.memref_slice %arg3[%squeeze3A_92, %dma_start3A_96] : memref<1000000x64xf32, #tpu.memory_space<hbm>> -> memref<1x64xf32, #tpu.memory_space<hbm>>
      %dma_start3A_98 = tpu.memref_squeeze %dma_start3A_97 : memref<1x64xf32, #tpu.memory_space<hbm>> -> memref<64xf32, #tpu.memory_space<hbm>>
      %dma_start3A_99 = arith.constant 0 : i32
      %dma_start3A_100 = tpu.memref_slice %arg6[%add3A_90, %dma_start3A_99] : memref<512x64xf32, #tpu.memory_space<vmem>> -> memref<1x64xf32, #tpu.memory_space<vmem>>
      %dma_start3A_101 = tpu.memref_squeeze %dma_start3A_100 : memref<1x64xf32, #tpu.memory_space<vmem>> -> memref<64xf32, #tpu.memory_space<vmem>>
      %dma_start3A_102 = arith.constant 0 : i32
      %dma_start3A_103 = tpu.memref_slice %arg3[%squeeze3A_92, %dma_start3A_102] : memref<1000000x64xf32, #tpu.memory_space<hbm>> -> memref<1x64xf32, #tpu.memory_space<hbm>>
      %dma_start3A_104 = tpu.memref_squeeze %dma_start3A_103 : memref<1x64xf32, #tpu.memory_space<hbm>> -> memref<64xf32, #tpu.memory_space<hbm>>
      tpu.enqueue_dma source(%dma_start3A_104 : memref<64xf32, #tpu.memory_space<hbm>>) target(%dma_start3A_101 : memref<64xf32, #tpu.memory_space<vmem>>) target_semaphore(%arg7 : memref<!tpu.dma_semaphore, #tpu.memory_space<semaphore_mem>>)
      %mul3A_105 = arith.constant 16 : i32
      %mul3A_106 = arith.muli %scan3A_13, %mul3A_105 : i32
      %add3A_107 = arith.constant 5 : i32
      %add3A_108 = arith.addi %mul3A_106, %add3A_107 : i32
      %slice3A_109 = vector.extract_strided_slice %get3A_17 {offsets = [5], sizes = [1], strides = [1]} : vector<16xi32> to vector<1xi32>
      %squeeze3A_110 = vector.extract %slice3A_109[0] : i32 from vector<1xi32>
      %dma_start3A_111 = arith.constant 0 : i32
      %dma_start3A_112 = tpu.memref_slice %arg6[%add3A_108, %dma_start3A_111] : memref<512x64xf32, #tpu.memory_space<vmem>> -> memref<1x64xf32, #tpu.memory_space<vmem>>
      %dma_start3A_113 = tpu.memref_squeeze %dma_start3A_112 : memref<1x64xf32, #tpu.memory_space<vmem>> -> memref<64xf32, #tpu.memory_space<vmem>>
      %dma_start3A_114 = arith.constant 0 : i32
      %dma_start3A_115 = tpu.memref_slice %arg3[%squeeze3A_110, %dma_start3A_114] : memref<1000000x64xf32, #tpu.memory_space<hbm>> -> memref<1x64xf32, #tpu.memory_space<hbm>>
      %dma_start3A_116 = tpu.memref_squeeze %dma_start3A_115 : memref<1x64xf32, #tpu.memory_space<hbm>> -> memref<64xf32, #tpu.memory_space<hbm>>
      %dma_start3A_117 = arith.constant 0 : i32
      %dma_start3A_118 = tpu.memref_slice %arg6[%add3A_108, %dma_start3A_117] : memref<512x64xf32, #tpu.memory_space<vmem>> -> memref<1x64xf32, #tpu.memory_space<vmem>>
      %dma_start3A_119 = tpu.memref_squeeze %dma_start3A_118 : memref<1x64xf32, #tpu.memory_space<vmem>> -> memref<64xf32, #tpu.memory_space<vmem>>
      %dma_start3A_120 = arith.constant 0 : i32
      %dma_start3A_121 = tpu.memref_slice %arg3[%squeeze3A_110, %dma_start3A_120] : memref<1000000x64xf32, #tpu.memory_space<hbm>> -> memref<1x64xf32, #tpu.memory_space<hbm>>
      %dma_start3A_122 = tpu.memref_squeeze %dma_start3A_121 : memref<1x64xf32, #tpu.memory_space<hbm>> -> memref<64xf32, #tpu.memory_space<hbm>>
      tpu.enqueue_dma source(%dma_start3A_122 : memref<64xf32, #tpu.memory_space<hbm>>) target(%dma_start3A_119 : memref<64xf32, #tpu.memory_space<vmem>>) target_semaphore(%arg7 : memref<!tpu.dma_semaphore, #tpu.memory_space<semaphore_mem>>)
      %mul3A_123 = arith.constant 16 : i32
      %mul3A_124 = arith.muli %scan3A_13, %mul3A_123 : i32
      %add3A_125 = arith.constant 6 : i32
      %add3A_126 = arith.addi %mul3A_124, %add3A_125 : i32
      %slice3A_127 = vector.extract_strided_slice %get3A_17 {offsets = [6], sizes = [1], strides = [1]} : vector<16xi32> to vector<1xi32>
      %squeeze3A_128 = vector.extract %slice3A_127[0] : i32 from vector<1xi32>
      %dma_start3A_129 = arith.constant 0 : i32
      %dma_start3A_130 = tpu.memref_slice %arg6[%add3A_126, %dma_start3A_129] : memref<512x64xf32, #tpu.memory_space<vmem>> -> memref<1x64xf32, #tpu.memory_space<vmem>>
      %dma_start3A_131 = tpu.memref_squeeze %dma_start3A_130 : memref<1x64xf32, #tpu.memory_space<vmem>> -> memref<64xf32, #tpu.memory_space<vmem>>
      %dma_start3A_132 = arith.constant 0 : i32
      %dma_start3A_133 = tpu.memref_slice %arg3[%squeeze3A_128, %dma_start3A_132] : memref<1000000x64xf32, #tpu.memory_space<hbm>> -> memref<1x64xf32, #tpu.memory_space<hbm>>
      %dma_start3A_134 = tpu.memref_squeeze %dma_start3A_133 : memref<1x64xf32, #tpu.memory_space<hbm>> -> memref<64xf32, #tpu.memory_space<hbm>>
      %dma_start3A_135 = arith.constant 0 : i32
      %dma_start3A_136 = tpu.memref_slice %arg6[%add3A_126, %dma_start3A_135] : memref<512x64xf32, #tpu.memory_space<vmem>> -> memref<1x64xf32, #tpu.memory_space<vmem>>
      %dma_start3A_137 = tpu.memref_squeeze %dma_start3A_136 : memref<1x64xf32, #tpu.memory_space<vmem>> -> memref<64xf32, #tpu.memory_space<vmem>>
      %dma_start3A_138 = arith.constant 0 : i32
      %dma_start3A_139 = tpu.memref_slice %arg3[%squeeze3A_128, %dma_start3A_138] : memref<1000000x64xf32, #tpu.memory_space<hbm>> -> memref<1x64xf32, #tpu.memory_space<hbm>>
      %dma_start3A_140 = tpu.memref_squeeze %dma_start3A_139 : memref<1x64xf32, #tpu.memory_space<hbm>> -> memref<64xf32, #tpu.memory_space<hbm>>
      tpu.enqueue_dma source(%dma_start3A_140 : memref<64xf32, #tpu.memory_space<hbm>>) target(%dma_start3A_137 : memref<64xf32, #tpu.memory_space<vmem>>) target_semaphore(%arg7 : memref<!tpu.dma_semaphore, #tpu.memory_space<semaphore_mem>>)
      %mul3A_141 = arith.constant 16 : i32
      %mul3A_142 = arith.muli %scan3A_13, %mul3A_141 : i32
      %add3A_143 = arith.constant 7 : i32
      %add3A_144 = arith.addi %mul3A_142, %add3A_143 : i32
      %slice3A_145 = vector.extract_strided_slice %get3A_17 {offsets = [7], sizes = [1], strides = [1]} : vector<16xi32> to vector<1xi32>
      %squeeze3A_146 = vector.extract %slice3A_145[0] : i32 from vector<1xi32>
      %dma_start3A_147 = arith.constant 0 : i32
      %dma_start3A_148 = tpu.memref_slice %arg6[%add3A_144, %dma_start3A_147] : memref<512x64xf32, #tpu.memory_space<vmem>> -> memref<1x64xf32, #tpu.memory_space<vmem>>
      %dma_start3A_149 = tpu.memref_squeeze %dma_start3A_148 : memref<1x64xf32, #tpu.memory_space<vmem>> -> memref<64xf32, #tpu.memory_space<vmem>>
      %dma_start3A_150 = arith.constant 0 : i32
      %dma_start3A_151 = tpu.memref_slice %arg3[%squeeze3A_146, %dma_start3A_150] : memref<1000000x64xf32, #tpu.memory_space<hbm>> -> memref<1x64xf32, #tpu.memory_space<hbm>>
      %dma_start3A_152 = tpu.memref_squeeze %dma_start3A_151 : memref<1x64xf32, #tpu.memory_space<hbm>> -> memref<64xf32, #tpu.memory_space<hbm>>
      %dma_start3A_153 = arith.constant 0 : i32
      %dma_start3A_154 = tpu.memref_slice %arg6[%add3A_144, %dma_start3A_153] : memref<512x64xf32, #tpu.memory_space<vmem>> -> memref<1x64xf32, #tpu.memory_space<vmem>>
      %dma_start3A_155 = tpu.memref_squeeze %dma_start3A_154 : memref<1x64xf32, #tpu.memory_space<vmem>> -> memref<64xf32, #tpu.memory_space<vmem>>
      %dma_start3A_156 = arith.constant 0 : i32
      %dma_start3A_157 = tpu.memref_slice %arg3[%squeeze3A_146, %dma_start3A_156] : memref<1000000x64xf32, #tpu.memory_space<hbm>> -> memref<1x64xf32, #tpu.memory_space<hbm>>
      %dma_start3A_158 = tpu.memref_squeeze %dma_start3A_157 : memref<1x64xf32, #tpu.memory_space<hbm>> -> memref<64xf32, #tpu.memory_space<hbm>>
      tpu.enqueue_dma source(%dma_start3A_158 : memref<64xf32, #tpu.memory_space<hbm>>) target(%dma_start3A_155 : memref<64xf32, #tpu.memory_space<vmem>>) target_semaphore(%arg7 : memref<!tpu.dma_semaphore, #tpu.memory_space<semaphore_mem>>)
      %mul3A_159 = arith.constant 16 : i32
      %mul3A_160 = arith.muli %scan3A_13, %mul3A_159 : i32
      %add3A_161 = arith.constant 8 : i32
      %add3A_162 = arith.addi %mul3A_160, %add3A_161 : i32
      %slice3A_163 = vector.extract_strided_slice %get3A_17 {offsets = [8], sizes = [1], strides = [1]} : vector<16xi32> to vector<1xi32>
      %squeeze3A_164 = vector.extract %slice3A_163[0] : i32 from vector<1xi32>
      %dma_start3A_165 = arith.constant 0 : i32
      %dma_start3A_166 = tpu.memref_slice %arg6[%add3A_162, %dma_start3A_165] : memref<512x64xf32, #tpu.memory_space<vmem>> -> memref<1x64xf32, #tpu.memory_space<vmem>>
      %dma_start3A_167 = tpu.memref_squeeze %dma_start3A_166 : memref<1x64xf32, #tpu.memory_space<vmem>> -> memref<64xf32, #tpu.memory_space<vmem>>
      %dma_start3A_168 = arith.constant 0 : i32
      %dma_start3A_169 = tpu.memref_slice %arg3[%squeeze3A_164, %dma_start3A_168] : memref<1000000x64xf32, #tpu.memory_space<hbm>> -> memref<1x64xf32, #tpu.memory_space<hbm>>
      %dma_start3A_170 = tpu.memref_squeeze %dma_start3A_169 : memref<1x64xf32, #tpu.memory_space<hbm>> -> memref<64xf32, #tpu.memory_space<hbm>>
      %dma_start3A_171 = arith.constant 0 : i32
      %dma_start3A_172 = tpu.memref_slice %arg6[%add3A_162, %dma_start3A_171] : memref<512x64xf32, #tpu.memory_space<vmem>> -> memref<1x64xf32, #tpu.memory_space<vmem>>
      %dma_start3A_173 = tpu.memref_squeeze %dma_start3A_172 : memref<1x64xf32, #tpu.memory_space<vmem>> -> memref<64xf32, #tpu.memory_space<vmem>>
      %dma_start3A_174 = arith.constant 0 : i32
      %dma_start3A_175 = tpu.memref_slice %arg3[%squeeze3A_164, %dma_start3A_174] : memref<1000000x64xf32, #tpu.memory_space<hbm>> -> memref<1x64xf32, #tpu.memory_space<hbm>>
      %dma_start3A_176 = tpu.memref_squeeze %dma_start3A_175 : memref<1x64xf32, #tpu.memory_space<hbm>> -> memref<64xf32, #tpu.memory_space<hbm>>
      tpu.enqueue_dma source(%dma_start3A_176 : memref<64xf32, #tpu.memory_space<hbm>>) target(%dma_start3A_173 : memref<64xf32, #tpu.memory_space<vmem>>) target_semaphore(%arg7 : memref<!tpu.dma_semaphore, #tpu.memory_space<semaphore_mem>>)
      %mul3A_177 = arith.constant 16 : i32
      %mul3A_178 = arith.muli %scan3A_13, %mul3A_177 : i32
      %add3A_179 = arith.constant 9 : i32
      %add3A_180 = arith.addi %mul3A_178, %add3A_179 : i32
      %slice3A_181 = vector.extract_strided_slice %get3A_17 {offsets = [9], sizes = [1], strides = [1]} : vector<16xi32> to vector<1xi32>
      %squeeze3A_182 = vector.extract %slice3A_181[0] : i32 from vector<1xi32>
      %dma_start3A_183 = arith.constant 0 : i32
      %dma_start3A_184 = tpu.memref_slice %arg6[%add3A_180, %dma_start3A_183] : memref<512x64xf32, #tpu.memory_space<vmem>> -> memref<1x64xf32, #tpu.memory_space<vmem>>
      %dma_start3A_185 = tpu.memref_squeeze %dma_start3A_184 : memref<1x64xf32, #tpu.memory_space<vmem>> -> memref<64xf32, #tpu.memory_space<vmem>>
      %dma_start3A_186 = arith.constant 0 : i32
      %dma_start3A_187 = tpu.memref_slice %arg3[%squeeze3A_182, %dma_start3A_186] : memref<1000000x64xf32, #tpu.memory_space<hbm>> -> memref<1x64xf32, #tpu.memory_space<hbm>>
      %dma_start3A_188 = tpu.memref_squeeze %dma_start3A_187 : memref<1x64xf32, #tpu.memory_space<hbm>> -> memref<64xf32, #tpu.memory_space<hbm>>
      %dma_start3A_189 = arith.constant 0 : i32
      %dma_start3A_190 = tpu.memref_slice %arg6[%add3A_180, %dma_start3A_189] : memref<512x64xf32, #tpu.memory_space<vmem>> -> memref<1x64xf32, #tpu.memory_space<vmem>>
      %dma_start3A_191 = tpu.memref_squeeze %dma_start3A_190 : memref<1x64xf32, #tpu.memory_space<vmem>> -> memref<64xf32, #tpu.memory_space<vmem>>
      %dma_start3A_192 = arith.constant 0 : i32
      %dma_start3A_193 = tpu.memref_slice %arg3[%squeeze3A_182, %dma_start3A_192] : memref<1000000x64xf32, #tpu.memory_space<hbm>> -> memref<1x64xf32, #tpu.memory_space<hbm>>
      %dma_start3A_194 = tpu.memref_squeeze %dma_start3A_193 : memref<1x64xf32, #tpu.memory_space<hbm>> -> memref<64xf32, #tpu.memory_space<hbm>>
      tpu.enqueue_dma source(%dma_start3A_194 : memref<64xf32, #tpu.memory_space<hbm>>) target(%dma_start3A_191 : memref<64xf32, #tpu.memory_space<vmem>>) target_semaphore(%arg7 : memref<!tpu.dma_semaphore, #tpu.memory_space<semaphore_mem>>)
      %mul3A_195 = arith.constant 16 : i32
      %mul3A_196 = arith.muli %scan3A_13, %mul3A_195 : i32
      %add3A_197 = arith.constant 10 : i32
      %add3A_198 = arith.addi %mul3A_196, %add3A_197 : i32
      %slice3A_199 = vector.extract_strided_slice %get3A_17 {offsets = [10], sizes = [1], strides = [1]} : vector<16xi32> to vector<1xi32>
      %squeeze3A_200 = vector.extract %slice3A_199[0] : i32 from vector<1xi32>
      %dma_start3A_201 = arith.constant 0 : i32
      %dma_start3A_202 = tpu.memref_slice %arg6[%add3A_198, %dma_start3A_201] : memref<512x64xf32, #tpu.memory_space<vmem>> -> memref<1x64xf32, #tpu.memory_space<vmem>>
      %dma_start3A_203 = tpu.memref_squeeze %dma_start3A_202 : memref<1x64xf32, #tpu.memory_space<vmem>> -> memref<64xf32, #tpu.memory_space<vmem>>
      %dma_start3A_204 = arith.constant 0 : i32
      %dma_start3A_205 = tpu.memref_slice %arg3[%squeeze3A_200, %dma_start3A_204] : memref<1000000x64xf32, #tpu.memory_space<hbm>> -> memref<1x64xf32, #tpu.memory_space<hbm>>
      %dma_start3A_206 = tpu.memref_squeeze %dma_start3A_205 : memref<1x64xf32, #tpu.memory_space<hbm>> -> memref<64xf32, #tpu.memory_space<hbm>>
      %dma_start3A_207 = arith.constant 0 : i32
      %dma_start3A_208 = tpu.memref_slice %arg6[%add3A_198, %dma_start3A_207] : memref<512x64xf32, #tpu.memory_space<vmem>> -> memref<1x64xf32, #tpu.memory_space<vmem>>
      %dma_start3A_209 = tpu.memref_squeeze %dma_start3A_208 : memref<1x64xf32, #tpu.memory_space<vmem>> -> memref<64xf32, #tpu.memory_space<vmem>>
      %dma_start3A_210 = arith.constant 0 : i32
      %dma_start3A_211 = tpu.memref_slice %arg3[%squeeze3A_200, %dma_start3A_210] : memref<1000000x64xf32, #tpu.memory_space<hbm>> -> memref<1x64xf32, #tpu.memory_space<hbm>>
      %dma_start3A_212 = tpu.memref_squeeze %dma_start3A_211 : memref<1x64xf32, #tpu.memory_space<hbm>> -> memref<64xf32, #tpu.memory_space<hbm>>
      tpu.enqueue_dma source(%dma_start3A_212 : memref<64xf32, #tpu.memory_space<hbm>>) target(%dma_start3A_209 : memref<64xf32, #tpu.memory_space<vmem>>) target_semaphore(%arg7 : memref<!tpu.dma_semaphore, #tpu.memory_space<semaphore_mem>>)
      %mul3A_213 = arith.constant 16 : i32
      %mul3A_214 = arith.muli %scan3A_13, %mul3A_213 : i32
      %add3A_215 = arith.constant 11 : i32
      %add3A_216 = arith.addi %mul3A_214, %add3A_215 : i32
      %slice3A_217 = vector.extract_strided_slice %get3A_17 {offsets = [11], sizes = [1], strides = [1]} : vector<16xi32> to vector<1xi32>
      %squeeze3A_218 = vector.extract %slice3A_217[0] : i32 from vector<1xi32>
      %dma_start3A_219 = arith.constant 0 : i32
      %dma_start3A_220 = tpu.memref_slice %arg6[%add3A_216, %dma_start3A_219] : memref<512x64xf32, #tpu.memory_space<vmem>> -> memref<1x64xf32, #tpu.memory_space<vmem>>
      %dma_start3A_221 = tpu.memref_squeeze %dma_start3A_220 : memref<1x64xf32, #tpu.memory_space<vmem>> -> memref<64xf32, #tpu.memory_space<vmem>>
      %dma_start3A_222 = arith.constant 0 : i32
      %dma_start3A_223 = tpu.memref_slice %arg3[%squeeze3A_218, %dma_start3A_222] : memref<1000000x64xf32, #tpu.memory_space<hbm>> -> memref<1x64xf32, #tpu.memory_space<hbm>>
      %dma_start3A_224 = tpu.memref_squeeze %dma_start3A_223 : memref<1x64xf32, #tpu.memory_space<hbm>> -> memref<64xf32, #tpu.memory_space<hbm>>
      %dma_start3A_225 = arith.constant 0 : i32
      %dma_start3A_226 = tpu.memref_slice %arg6[%add3A_216, %dma_start3A_225] : memref<512x64xf32, #tpu.memory_space<vmem>> -> memref<1x64xf32, #tpu.memory_space<vmem>>
      %dma_start3A_227 = tpu.memref_squeeze %dma_start3A_226 : memref<1x64xf32, #tpu.memory_space<vmem>> -> memref<64xf32, #tpu.memory_space<vmem>>
      %dma_start3A_228 = arith.constant 0 : i32
      %dma_start3A_229 = tpu.memref_slice %arg3[%squeeze3A_218, %dma_start3A_228] : memref<1000000x64xf32, #tpu.memory_space<hbm>> -> memref<1x64xf32, #tpu.memory_space<hbm>>
      %dma_start3A_230 = tpu.memref_squeeze %dma_start3A_229 : memref<1x64xf32, #tpu.memory_space<hbm>> -> memref<64xf32, #tpu.memory_space<hbm>>
      tpu.enqueue_dma source(%dma_start3A_230 : memref<64xf32, #tpu.memory_space<hbm>>) target(%dma_start3A_227 : memref<64xf32, #tpu.memory_space<vmem>>) target_semaphore(%arg7 : memref<!tpu.dma_semaphore, #tpu.memory_space<semaphore_mem>>)
      %mul3A_231 = arith.constant 16 : i32
      %mul3A_232 = arith.muli %scan3A_13, %mul3A_231 : i32
      %add3A_233 = arith.constant 12 : i32
      %add3A_234 = arith.addi %mul3A_232, %add3A_233 : i32
      %slice3A_235 = vector.extract_strided_slice %get3A_17 {offsets = [12], sizes = [1], strides = [1]} : vector<16xi32> to vector<1xi32>
      %squeeze3A_236 = vector.extract %slice3A_235[0] : i32 from vector<1xi32>
      %dma_start3A_237 = arith.constant 0 : i32
      %dma_start3A_238 = tpu.memref_slice %arg6[%add3A_234, %dma_start3A_237] : memref<512x64xf32, #tpu.memory_space<vmem>> -> memref<1x64xf32, #tpu.memory_space<vmem>>
      %dma_start3A_239 = tpu.memref_squeeze %dma_start3A_238 : memref<1x64xf32, #tpu.memory_space<vmem>> -> memref<64xf32, #tpu.memory_space<vmem>>
      %dma_start3A_240 = arith.constant 0 : i32
      %dma_start3A_241 = tpu.memref_slice %arg3[%squeeze3A_236, %dma_start3A_240] : memref<1000000x64xf32, #tpu.memory_space<hbm>> -> memref<1x64xf32, #tpu.memory_space<hbm>>
      %dma_start3A_242 = tpu.memref_squeeze %dma_start3A_241 : memref<1x64xf32, #tpu.memory_space<hbm>> -> memref<64xf32, #tpu.memory_space<hbm>>
      %dma_start3A_243 = arith.constant 0 : i32
      %dma_start3A_244 = tpu.memref_slice %arg6[%add3A_234, %dma_start3A_243] : memref<512x64xf32, #tpu.memory_space<vmem>> -> memref<1x64xf32, #tpu.memory_space<vmem>>
      %dma_start3A_245 = tpu.memref_squeeze %dma_start3A_244 : memref<1x64xf32, #tpu.memory_space<vmem>> -> memref<64xf32, #tpu.memory_space<vmem>>
      %dma_start3A_246 = arith.constant 0 : i32
      %dma_start3A_247 = tpu.memref_slice %arg3[%squeeze3A_236, %dma_start3A_246] : memref<1000000x64xf32, #tpu.memory_space<hbm>> -> memref<1x64xf32, #tpu.memory_space<hbm>>
      %dma_start3A_248 = tpu.memref_squeeze %dma_start3A_247 : memref<1x64xf32, #tpu.memory_space<hbm>> -> memref<64xf32, #tpu.memory_space<hbm>>
      tpu.enqueue_dma source(%dma_start3A_248 : memref<64xf32, #tpu.memory_space<hbm>>) target(%dma_start3A_245 : memref<64xf32, #tpu.memory_space<vmem>>) target_semaphore(%arg7 : memref<!tpu.dma_semaphore, #tpu.memory_space<semaphore_mem>>)
      %mul3A_249 = arith.constant 16 : i32
      %mul3A_250 = arith.muli %scan3A_13, %mul3A_249 : i32
      %add3A_251 = arith.constant 13 : i32
      %add3A_252 = arith.addi %mul3A_250, %add3A_251 : i32
      %slice3A_253 = vector.extract_strided_slice %get3A_17 {offsets = [13], sizes = [1], strides = [1]} : vector<16xi32> to vector<1xi32>
      %squeeze3A_254 = vector.extract %slice3A_253[0] : i32 from vector<1xi32>
      %dma_start3A_255 = arith.constant 0 : i32
      %dma_start3A_256 = tpu.memref_slice %arg6[%add3A_252, %dma_start3A_255] : memref<512x64xf32, #tpu.memory_space<vmem>> -> memref<1x64xf32, #tpu.memory_space<vmem>>
      %dma_start3A_257 = tpu.memref_squeeze %dma_start3A_256 : memref<1x64xf32, #tpu.memory_space<vmem>> -> memref<64xf32, #tpu.memory_space<vmem>>
      %dma_start3A_258 = arith.constant 0 : i32
      %dma_start3A_259 = tpu.memref_slice %arg3[%squeeze3A_254, %dma_start3A_258] : memref<1000000x64xf32, #tpu.memory_space<hbm>> -> memref<1x64xf32, #tpu.memory_space<hbm>>
      %dma_start3A_260 = tpu.memref_squeeze %dma_start3A_259 : memref<1x64xf32, #tpu.memory_space<hbm>> -> memref<64xf32, #tpu.memory_space<hbm>>
      %dma_start3A_261 = arith.constant 0 : i32
      %dma_start3A_262 = tpu.memref_slice %arg6[%add3A_252, %dma_start3A_261] : memref<512x64xf32, #tpu.memory_space<vmem>> -> memref<1x64xf32, #tpu.memory_space<vmem>>
      %dma_start3A_263 = tpu.memref_squeeze %dma_start3A_262 : memref<1x64xf32, #tpu.memory_space<vmem>> -> memref<64xf32, #tpu.memory_space<vmem>>
      %dma_start3A_264 = arith.constant 0 : i32
      %dma_start3A_265 = tpu.memref_slice %arg3[%squeeze3A_254, %dma_start3A_264] : memref<1000000x64xf32, #tpu.memory_space<hbm>> -> memref<1x64xf32, #tpu.memory_space<hbm>>
      %dma_start3A_266 = tpu.memref_squeeze %dma_start3A_265 : memref<1x64xf32, #tpu.memory_space<hbm>> -> memref<64xf32, #tpu.memory_space<hbm>>
      tpu.enqueue_dma source(%dma_start3A_266 : memref<64xf32, #tpu.memory_space<hbm>>) target(%dma_start3A_263 : memref<64xf32, #tpu.memory_space<vmem>>) target_semaphore(%arg7 : memref<!tpu.dma_semaphore, #tpu.memory_space<semaphore_mem>>)
      %mul3A_267 = arith.constant 16 : i32
      %mul3A_268 = arith.muli %scan3A_13, %mul3A_267 : i32
      %add3A_269 = arith.constant 14 : i32
      %add3A_270 = arith.addi %mul3A_268, %add3A_269 : i32
      %slice3A_271 = vector.extract_strided_slice %get3A_17 {offsets = [14], sizes = [1], strides = [1]} : vector<16xi32> to vector<1xi32>
      %squeeze3A_272 = vector.extract %slice3A_271[0] : i32 from vector<1xi32>
      %dma_start3A_273 = arith.constant 0 : i32
      %dma_start3A_274 = tpu.memref_slice %arg6[%add3A_270, %dma_start3A_273] : memref<512x64xf32, #tpu.memory_space<vmem>> -> memref<1x64xf32, #tpu.memory_space<vmem>>
      %dma_start3A_275 = tpu.memref_squeeze %dma_start3A_274 : memref<1x64xf32, #tpu.memory_space<vmem>> -> memref<64xf32, #tpu.memory_space<vmem>>
      %dma_start3A_276 = arith.constant 0 : i32
      %dma_start3A_277 = tpu.memref_slice %arg3[%squeeze3A_272, %dma_start3A_276] : memref<1000000x64xf32, #tpu.memory_space<hbm>> -> memref<1x64xf32, #tpu.memory_space<hbm>>
      %dma_start3A_278 = tpu.memref_squeeze %dma_start3A_277 : memref<1x64xf32, #tpu.memory_space<hbm>> -> memref<64xf32, #tpu.memory_space<hbm>>
      %dma_start3A_279 = arith.constant 0 : i32
      %dma_start3A_280 = tpu.memref_slice %arg6[%add3A_270, %dma_start3A_279] : memref<512x64xf32, #tpu.memory_space<vmem>> -> memref<1x64xf32, #tpu.memory_space<vmem>>
      %dma_start3A_281 = tpu.memref_squeeze %dma_start3A_280 : memref<1x64xf32, #tpu.memory_space<vmem>> -> memref<64xf32, #tpu.memory_space<vmem>>
      %dma_start3A_282 = arith.constant 0 : i32
      %dma_start3A_283 = tpu.memref_slice %arg3[%squeeze3A_272, %dma_start3A_282] : memref<1000000x64xf32, #tpu.memory_space<hbm>> -> memref<1x64xf32, #tpu.memory_space<hbm>>
      %dma_start3A_284 = tpu.memref_squeeze %dma_start3A_283 : memref<1x64xf32, #tpu.memory_space<hbm>> -> memref<64xf32, #tpu.memory_space<hbm>>
      tpu.enqueue_dma source(%dma_start3A_284 : memref<64xf32, #tpu.memory_space<hbm>>) target(%dma_start3A_281 : memref<64xf32, #tpu.memory_space<vmem>>) target_semaphore(%arg7 : memref<!tpu.dma_semaphore, #tpu.memory_space<semaphore_mem>>)
      %mul3A_285 = arith.constant 16 : i32
      %mul3A_286 = arith.muli %scan3A_13, %mul3A_285 : i32
      %add3A_287 = arith.constant 15 : i32
      %add3A_288 = arith.addi %mul3A_286, %add3A_287 : i32
      %slice3A_289 = vector.extract_strided_slice %get3A_17 {offsets = [15], sizes = [1], strides = [1]} : vector<16xi32> to vector<1xi32>
      %squeeze3A_290 = vector.extract %slice3A_289[0] : i32 from vector<1xi32>
      %dma_start3A_291 = arith.constant 0 : i32
      %dma_start3A_292 = tpu.memref_slice %arg6[%add3A_288, %dma_start3A_291] : memref<512x64xf32, #tpu.memory_space<vmem>> -> memref<1x64xf32, #tpu.memory_space<vmem>>
      %dma_start3A_293 = tpu.memref_squeeze %dma_start3A_292 : memref<1x64xf32, #tpu.memory_space<vmem>> -> memref<64xf32, #tpu.memory_space<vmem>>
      %dma_start3A_294 = arith.constant 0 : i32
      %dma_start3A_295 = tpu.memref_slice %arg3[%squeeze3A_290, %dma_start3A_294] : memref<1000000x64xf32, #tpu.memory_space<hbm>> -> memref<1x64xf32, #tpu.memory_space<hbm>>
      %dma_start3A_296 = tpu.memref_squeeze %dma_start3A_295 : memref<1x64xf32, #tpu.memory_space<hbm>> -> memref<64xf32, #tpu.memory_space<hbm>>
      %dma_start3A_297 = arith.constant 0 : i32
      %dma_start3A_298 = tpu.memref_slice %arg6[%add3A_288, %dma_start3A_297] : memref<512x64xf32, #tpu.memory_space<vmem>> -> memref<1x64xf32, #tpu.memory_space<vmem>>
      %dma_start3A_299 = tpu.memref_squeeze %dma_start3A_298 : memref<1x64xf32, #tpu.memory_space<vmem>> -> memref<64xf32, #tpu.memory_space<vmem>>
      %dma_start3A_300 = arith.constant 0 : i32
      %dma_start3A_301 = tpu.memref_slice %arg3[%squeeze3A_290, %dma_start3A_300] : memref<1000000x64xf32, #tpu.memory_space<hbm>> -> memref<1x64xf32, #tpu.memory_space<hbm>>
      %dma_start3A_302 = tpu.memref_squeeze %dma_start3A_301 : memref<1x64xf32, #tpu.memory_space<hbm>> -> memref<64xf32, #tpu.memory_space<hbm>>
      tpu.enqueue_dma source(%dma_start3A_302 : memref<64xf32, #tpu.memory_space<hbm>>) target(%dma_start3A_299 : memref<64xf32, #tpu.memory_space<vmem>>) target_semaphore(%arg7 : memref<!tpu.dma_semaphore, #tpu.memory_space<semaphore_mem>>)
    }
    %scan3A_7 = arith.constant 32 : i32
    %dma_wait3A = arith.constant 0 : i32
    %dma_wait3A_8 = arith.constant 0 : i32
    %dma_wait3A_9 = tpu.memref_slice %arg3[%dma_wait3A, %dma_wait3A_8] : memref<1000000x64xf32, #tpu.memory_space<hbm>> -> memref<512x64xf32, #tpu.memory_space<hbm>>
    %dma_wait3A_10 = arith.constant 0 : i32
    %dma_wait3A_11 = arith.constant 0 : i32
    %dma_wait3A_12 = tpu.memref_slice %arg3[%dma_wait3A_10, %dma_wait3A_11] : memref<1000000x64xf32, #tpu.memory_space<hbm>> -> memref<512x64xf32, #tpu.memory_space<hbm>>
    tpu.wait_dma2 semaphore(%arg7 : memref<!tpu.dma_semaphore, #tpu.memory_space<semaphore_mem>>) src(%dma_wait3A_12 : memref<512x64xf32, #tpu.memory_space<hbm>>) dst(%arg6 : memref<512x64xf32, #tpu.memory_space<vmem>>)
    "tpu.region"() ({
      %run_scoped3A = tpu.sem_alloc : memref<!tpu.dma_semaphore, #tpu.memory_space<semaphore_mem>>
      %dma_start3A = arith.constant 0 : i32
      %dma_start3A_13 = tpu.memref_slice %arg4[%mul3A_2, %dma_start3A] : memref<16384x64xf32, #tpu.memory_space<hbm>> -> memref<512x64xf32, #tpu.memory_space<hbm>>
      %dma_start3A_14 = arith.constant 0 : i32
      %dma_start3A_15 = tpu.memref_slice %arg4[%mul3A_2, %dma_start3A_14] : memref<16384x64xf32, #tpu.memory_space<hbm>> -> memref<512x64xf32, #tpu.memory_space<hbm>>
      tpu.enqueue_dma source(%arg6 : memref<512x64xf32, #tpu.memory_space<vmem>>) target(%dma_start3A_15 : memref<512x64xf32, #tpu.memory_space<hbm>>) target_semaphore(%run_scoped3A : memref<!tpu.dma_semaphore, #tpu.memory_space<semaphore_mem>>)
      %dma_wait3A_16 = arith.constant 0 : i32
      %dma_wait3A_17 = tpu.memref_slice %arg4[%mul3A_2, %dma_wait3A_16] : memref<16384x64xf32, #tpu.memory_space<hbm>> -> memref<512x64xf32, #tpu.memory_space<hbm>>
      %dma_wait3A_18 = arith.constant 0 : i32
      %dma_wait3A_19 = tpu.memref_slice %arg4[%mul3A_2, %dma_wait3A_18] : memref<16384x64xf32, #tpu.memory_space<hbm>> -> memref<512x64xf32, #tpu.memory_space<hbm>>
      tpu.wait_dma2 semaphore(%run_scoped3A : memref<!tpu.dma_semaphore, #tpu.memory_space<semaphore_mem>>) src(%arg6 : memref<512x64xf32, #tpu.memory_space<vmem>>) dst(%dma_wait3A_19 : memref<512x64xf32, #tpu.memory_space<hbm>>)
      tpu.yield
    }) : () -> ()
    return
  }
}

#map = affine_map<(d0, d1) -> (0)>
#map1 = affine_map<(d0, d1) -> (0, 0)>
module attributes {stable_mosaic.version = 14 : i64} {
  func.func @_combine_body(%arg0: i32, %arg1: i32, %arg2: memref<16384xi32, #tpu.memory_space<hbm>>, %arg3: memref<1000000x64xf32, #tpu.memory_space<hbm>>, %arg4: memref<62500x16xf32, #tpu.memory_space<hbm>>, %arg5: memref<16384x64xf32, #tpu.memory_space<hbm>>, %arg6: memref<16384xf32, #tpu.memory_space<hbm>>, %arg7: memref<4x128xi32, #tpu.memory_space<vmem>>, %arg8: memref<512xi32, #tpu.memory_space<vmem>>, %arg9: memref<4x128xi32, #tpu.memory_space<vmem>>, %arg10: memref<512x64xf32, #tpu.memory_space<vmem>>, %arg11: memref<512x64xf32, #tpu.memory_space<vmem>>, %arg12: memref<512x16xf32, #tpu.memory_space<vmem>>, %arg13: memref<512xf32, #tpu.memory_space<vmem>>, %arg14: memref<!tpu.dma_semaphore, #tpu.memory_space<semaphore_mem>>) attributes {dimension_semantics = [#tpu.dimension_semantics<core_parallel>, #tpu.dimension_semantics<subcore_parallel>], iteration_bounds = array<i64: 2, 16>, scalar_prefetch = 0 : i64, scratch_operands = 8 : i64, tpu.core_type = #tpu.core_type<sc_vector_subcore>, window_params = [{transform_indices = #map}, {transform_indices = #map1}, {transform_indices = #map1}, {transform_indices = #map1}, {transform_indices = #map}]} {
    %mul3A = arith.constant 2 : i32
    %mul3A_0 = arith.muli %arg1, %mul3A : i32
    %add3A = arith.addi %mul3A_0, %arg0 : i32
    %mul3A_1 = arith.constant 512 : i32
    %mul3A_2 = arith.muli %add3A, %mul3A_1 : i32
    %add3A_3 = arith.constant 0 : i32
    %add3A_4 = arith.addi %mul3A_2, %add3A_3 : i32
    %run_scoped3A = arith.constant 0 : i32
    "tpu.region"() ({
      %run_scoped3A_622 = tpu.sem_alloc : memref<!tpu.dma_semaphore, #tpu.memory_space<semaphore_mem>>
      %dma_start3A_623 = arith.constant 0 : i32
      %dma_start3A_624 = tpu.memref_slice %arg7[%run_scoped3A, %dma_start3A_623] : memref<4x128xi32, #tpu.memory_space<vmem>> -> memref<1x128xi32, #tpu.memory_space<vmem>>
      %dma_start3A_625 = tpu.memref_squeeze %dma_start3A_624 : memref<1x128xi32, #tpu.memory_space<vmem>> -> memref<128xi32, #tpu.memory_space<vmem>>
      %dma_start3A_626 = tpu.memref_slice %arg2[%add3A_4] : memref<16384xi32, #tpu.memory_space<hbm>> -> memref<128xi32, #tpu.memory_space<hbm>>
      %dma_start3A_627 = arith.constant 0 : i32
      %dma_start3A_628 = tpu.memref_slice %arg7[%run_scoped3A, %dma_start3A_627] : memref<4x128xi32, #tpu.memory_space<vmem>> -> memref<1x128xi32, #tpu.memory_space<vmem>>
      %dma_start3A_629 = tpu.memref_squeeze %dma_start3A_628 : memref<1x128xi32, #tpu.memory_space<vmem>> -> memref<128xi32, #tpu.memory_space<vmem>>
      %dma_start3A_630 = tpu.memref_slice %arg2[%add3A_4] : memref<16384xi32, #tpu.memory_space<hbm>> -> memref<128xi32, #tpu.memory_space<hbm>>
      tpu.enqueue_dma source(%dma_start3A_630 : memref<128xi32, #tpu.memory_space<hbm>>) target(%dma_start3A_629 : memref<128xi32, #tpu.memory_space<vmem>>) target_semaphore(%run_scoped3A_622 : memref<!tpu.dma_semaphore, #tpu.memory_space<semaphore_mem>>)
      %dma_wait3A_631 = arith.constant 0 : i32
      %dma_wait3A_632 = tpu.memref_slice %arg7[%run_scoped3A, %dma_wait3A_631] : memref<4x128xi32, #tpu.memory_space<vmem>> -> memref<1x128xi32, #tpu.memory_space<vmem>>
      %dma_wait3A_633 = tpu.memref_squeeze %dma_wait3A_632 : memref<1x128xi32, #tpu.memory_space<vmem>> -> memref<128xi32, #tpu.memory_space<vmem>>
      %dma_wait3A_634 = tpu.memref_slice %arg2[%add3A_4] : memref<16384xi32, #tpu.memory_space<hbm>> -> memref<128xi32, #tpu.memory_space<hbm>>
      %dma_wait3A_635 = arith.constant 0 : i32
      %dma_wait3A_636 = tpu.memref_slice %arg7[%run_scoped3A, %dma_wait3A_635] : memref<4x128xi32, #tpu.memory_space<vmem>> -> memref<1x128xi32, #tpu.memory_space<vmem>>
      %dma_wait3A_637 = tpu.memref_squeeze %dma_wait3A_636 : memref<1x128xi32, #tpu.memory_space<vmem>> -> memref<128xi32, #tpu.memory_space<vmem>>
      %dma_wait3A_638 = tpu.memref_slice %arg2[%add3A_4] : memref<16384xi32, #tpu.memory_space<hbm>> -> memref<128xi32, #tpu.memory_space<hbm>>
      tpu.wait_dma2 semaphore(%run_scoped3A_622 : memref<!tpu.dma_semaphore, #tpu.memory_space<semaphore_mem>>) src(%dma_wait3A_638 : memref<128xi32, #tpu.memory_space<hbm>>) dst(%dma_wait3A_637 : memref<128xi32, #tpu.memory_space<vmem>>)
      tpu.yield
    }) : () -> ()
    %add3A_5 = arith.constant 128 : i32
    %add3A_6 = arith.addi %mul3A_2, %add3A_5 : i32
    %run_scoped3A_7 = arith.constant 1 : i32
    "tpu.region"() ({
      %run_scoped3A_622 = tpu.sem_alloc : memref<!tpu.dma_semaphore, #tpu.memory_space<semaphore_mem>>
      %dma_start3A_623 = arith.constant 0 : i32
      %dma_start3A_624 = tpu.memref_slice %arg7[%run_scoped3A_7, %dma_start3A_623] : memref<4x128xi32, #tpu.memory_space<vmem>> -> memref<1x128xi32, #tpu.memory_space<vmem>>
      %dma_start3A_625 = tpu.memref_squeeze %dma_start3A_624 : memref<1x128xi32, #tpu.memory_space<vmem>> -> memref<128xi32, #tpu.memory_space<vmem>>
      %dma_start3A_626 = tpu.memref_slice %arg2[%add3A_6] : memref<16384xi32, #tpu.memory_space<hbm>> -> memref<128xi32, #tpu.memory_space<hbm>>
      %dma_start3A_627 = arith.constant 0 : i32
      %dma_start3A_628 = tpu.memref_slice %arg7[%run_scoped3A_7, %dma_start3A_627] : memref<4x128xi32, #tpu.memory_space<vmem>> -> memref<1x128xi32, #tpu.memory_space<vmem>>
      %dma_start3A_629 = tpu.memref_squeeze %dma_start3A_628 : memref<1x128xi32, #tpu.memory_space<vmem>> -> memref<128xi32, #tpu.memory_space<vmem>>
      %dma_start3A_630 = tpu.memref_slice %arg2[%add3A_6] : memref<16384xi32, #tpu.memory_space<hbm>> -> memref<128xi32, #tpu.memory_space<hbm>>
      tpu.enqueue_dma source(%dma_start3A_630 : memref<128xi32, #tpu.memory_space<hbm>>) target(%dma_start3A_629 : memref<128xi32, #tpu.memory_space<vmem>>) target_semaphore(%run_scoped3A_622 : memref<!tpu.dma_semaphore, #tpu.memory_space<semaphore_mem>>)
      %dma_wait3A_631 = arith.constant 0 : i32
      %dma_wait3A_632 = tpu.memref_slice %arg7[%run_scoped3A_7, %dma_wait3A_631] : memref<4x128xi32, #tpu.memory_space<vmem>> -> memref<1x128xi32, #tpu.memory_space<vmem>>
      %dma_wait3A_633 = tpu.memref_squeeze %dma_wait3A_632 : memref<1x128xi32, #tpu.memory_space<vmem>> -> memref<128xi32, #tpu.memory_space<vmem>>
      %dma_wait3A_634 = tpu.memref_slice %arg2[%add3A_6] : memref<16384xi32, #tpu.memory_space<hbm>> -> memref<128xi32, #tpu.memory_space<hbm>>
      %dma_wait3A_635 = arith.constant 0 : i32
      %dma_wait3A_636 = tpu.memref_slice %arg7[%run_scoped3A_7, %dma_wait3A_635] : memref<4x128xi32, #tpu.memory_space<vmem>> -> memref<1x128xi32, #tpu.memory_space<vmem>>
      %dma_wait3A_637 = tpu.memref_squeeze %dma_wait3A_636 : memref<1x128xi32, #tpu.memory_space<vmem>> -> memref<128xi32, #tpu.memory_space<vmem>>
      %dma_wait3A_638 = tpu.memref_slice %arg2[%add3A_6] : memref<16384xi32, #tpu.memory_space<hbm>> -> memref<128xi32, #tpu.memory_space<hbm>>
      tpu.wait_dma2 semaphore(%run_scoped3A_622 : memref<!tpu.dma_semaphore, #tpu.memory_space<semaphore_mem>>) src(%dma_wait3A_638 : memref<128xi32, #tpu.memory_space<hbm>>) dst(%dma_wait3A_637 : memref<128xi32, #tpu.memory_space<vmem>>)
      tpu.yield
    }) : () -> ()
    %add3A_8 = arith.constant 256 : i32
    %add3A_9 = arith.addi %mul3A_2, %add3A_8 : i32
    %run_scoped3A_10 = arith.constant 2 : i32
    "tpu.region"() ({
      %run_scoped3A_622 = tpu.sem_alloc : memref<!tpu.dma_semaphore, #tpu.memory_space<semaphore_mem>>
      %dma_start3A_623 = arith.constant 0 : i32
      %dma_start3A_624 = tpu.memref_slice %arg7[%run_scoped3A_10, %dma_start3A_623] : memref<4x128xi32, #tpu.memory_space<vmem>> -> memref<1x128xi32, #tpu.memory_space<vmem>>
      %dma_start3A_625 = tpu.memref_squeeze %dma_start3A_624 : memref<1x128xi32, #tpu.memory_space<vmem>> -> memref<128xi32, #tpu.memory_space<vmem>>
      %dma_start3A_626 = tpu.memref_slice %arg2[%add3A_9] : memref<16384xi32, #tpu.memory_space<hbm>> -> memref<128xi32, #tpu.memory_space<hbm>>
      %dma_start3A_627 = arith.constant 0 : i32
      %dma_start3A_628 = tpu.memref_slice %arg7[%run_scoped3A_10, %dma_start3A_627] : memref<4x128xi32, #tpu.memory_space<vmem>> -> memref<1x128xi32, #tpu.memory_space<vmem>>
      %dma_start3A_629 = tpu.memref_squeeze %dma_start3A_628 : memref<1x128xi32, #tpu.memory_space<vmem>> -> memref<128xi32, #tpu.memory_space<vmem>>
      %dma_start3A_630 = tpu.memref_slice %arg2[%add3A_9] : memref<16384xi32, #tpu.memory_space<hbm>> -> memref<128xi32, #tpu.memory_space<hbm>>
      tpu.enqueue_dma source(%dma_start3A_630 : memref<128xi32, #tpu.memory_space<hbm>>) target(%dma_start3A_629 : memref<128xi32, #tpu.memory_space<vmem>>) target_semaphore(%run_scoped3A_622 : memref<!tpu.dma_semaphore, #tpu.memory_space<semaphore_mem>>)
      %dma_wait3A_631 = arith.constant 0 : i32
      %dma_wait3A_632 = tpu.memref_slice %arg7[%run_scoped3A_10, %dma_wait3A_631] : memref<4x128xi32, #tpu.memory_space<vmem>> -> memref<1x128xi32, #tpu.memory_space<vmem>>
      %dma_wait3A_633 = tpu.memref_squeeze %dma_wait3A_632 : memref<1x128xi32, #tpu.memory_space<vmem>> -> memref<128xi32, #tpu.memory_space<vmem>>
      %dma_wait3A_634 = tpu.memref_slice %arg2[%add3A_9] : memref<16384xi32, #tpu.memory_space<hbm>> -> memref<128xi32, #tpu.memory_space<hbm>>
      %dma_wait3A_635 = arith.constant 0 : i32
      %dma_wait3A_636 = tpu.memref_slice %arg7[%run_scoped3A_10, %dma_wait3A_635] : memref<4x128xi32, #tpu.memory_space<vmem>> -> memref<1x128xi32, #tpu.memory_space<vmem>>
      %dma_wait3A_637 = tpu.memref_squeeze %dma_wait3A_636 : memref<1x128xi32, #tpu.memory_space<vmem>> -> memref<128xi32, #tpu.memory_space<vmem>>
      %dma_wait3A_638 = tpu.memref_slice %arg2[%add3A_9] : memref<16384xi32, #tpu.memory_space<hbm>> -> memref<128xi32, #tpu.memory_space<hbm>>
      tpu.wait_dma2 semaphore(%run_scoped3A_622 : memref<!tpu.dma_semaphore, #tpu.memory_space<semaphore_mem>>) src(%dma_wait3A_638 : memref<128xi32, #tpu.memory_space<hbm>>) dst(%dma_wait3A_637 : memref<128xi32, #tpu.memory_space<vmem>>)
      tpu.yield
    }) : () -> ()
    %add3A_11 = arith.constant 384 : i32
    %add3A_12 = arith.addi %mul3A_2, %add3A_11 : i32
    %run_scoped3A_13 = arith.constant 3 : i32
    "tpu.region"() ({
      %run_scoped3A_622 = tpu.sem_alloc : memref<!tpu.dma_semaphore, #tpu.memory_space<semaphore_mem>>
      %dma_start3A_623 = arith.constant 0 : i32
      %dma_start3A_624 = tpu.memref_slice %arg7[%run_scoped3A_13, %dma_start3A_623] : memref<4x128xi32, #tpu.memory_space<vmem>> -> memref<1x128xi32, #tpu.memory_space<vmem>>
      %dma_start3A_625 = tpu.memref_squeeze %dma_start3A_624 : memref<1x128xi32, #tpu.memory_space<vmem>> -> memref<128xi32, #tpu.memory_space<vmem>>
      %dma_start3A_626 = tpu.memref_slice %arg2[%add3A_12] : memref<16384xi32, #tpu.memory_space<hbm>> -> memref<128xi32, #tpu.memory_space<hbm>>
      %dma_start3A_627 = arith.constant 0 : i32
      %dma_start3A_628 = tpu.memref_slice %arg7[%run_scoped3A_13, %dma_start3A_627] : memref<4x128xi32, #tpu.memory_space<vmem>> -> memref<1x128xi32, #tpu.memory_space<vmem>>
      %dma_start3A_629 = tpu.memref_squeeze %dma_start3A_628 : memref<1x128xi32, #tpu.memory_space<vmem>> -> memref<128xi32, #tpu.memory_space<vmem>>
      %dma_start3A_630 = tpu.memref_slice %arg2[%add3A_12] : memref<16384xi32, #tpu.memory_space<hbm>> -> memref<128xi32, #tpu.memory_space<hbm>>
      tpu.enqueue_dma source(%dma_start3A_630 : memref<128xi32, #tpu.memory_space<hbm>>) target(%dma_start3A_629 : memref<128xi32, #tpu.memory_space<vmem>>) target_semaphore(%run_scoped3A_622 : memref<!tpu.dma_semaphore, #tpu.memory_space<semaphore_mem>>)
      %dma_wait3A_631 = arith.constant 0 : i32
      %dma_wait3A_632 = tpu.memref_slice %arg7[%run_scoped3A_13, %dma_wait3A_631] : memref<4x128xi32, #tpu.memory_space<vmem>> -> memref<1x128xi32, #tpu.memory_space<vmem>>
      %dma_wait3A_633 = tpu.memref_squeeze %dma_wait3A_632 : memref<1x128xi32, #tpu.memory_space<vmem>> -> memref<128xi32, #tpu.memory_space<vmem>>
      %dma_wait3A_634 = tpu.memref_slice %arg2[%add3A_12] : memref<16384xi32, #tpu.memory_space<hbm>> -> memref<128xi32, #tpu.memory_space<hbm>>
      %dma_wait3A_635 = arith.constant 0 : i32
      %dma_wait3A_636 = tpu.memref_slice %arg7[%run_scoped3A_13, %dma_wait3A_635] : memref<4x128xi32, #tpu.memory_space<vmem>> -> memref<1x128xi32, #tpu.memory_space<vmem>>
      %dma_wait3A_637 = tpu.memref_squeeze %dma_wait3A_636 : memref<1x128xi32, #tpu.memory_space<vmem>> -> memref<128xi32, #tpu.memory_space<vmem>>
      %dma_wait3A_638 = tpu.memref_slice %arg2[%add3A_12] : memref<16384xi32, #tpu.memory_space<hbm>> -> memref<128xi32, #tpu.memory_space<hbm>>
      tpu.wait_dma2 semaphore(%run_scoped3A_622 : memref<!tpu.dma_semaphore, #tpu.memory_space<semaphore_mem>>) src(%dma_wait3A_638 : memref<128xi32, #tpu.memory_space<hbm>>) dst(%dma_wait3A_637 : memref<128xi32, #tpu.memory_space<vmem>>)
      tpu.yield
    }) : () -> ()
    "tpu.region"() ({
      %run_scoped3A_622 = tpu.sem_alloc : memref<!tpu.dma_semaphore, #tpu.memory_space<semaphore_mem>>
      %dma_start3A_623 = tpu.memref_slice %arg2[%mul3A_2] : memref<16384xi32, #tpu.memory_space<hbm>> -> memref<512xi32, #tpu.memory_space<hbm>>
      %dma_start3A_624 = tpu.memref_slice %arg2[%mul3A_2] : memref<16384xi32, #tpu.memory_space<hbm>> -> memref<512xi32, #tpu.memory_space<hbm>>
      tpu.enqueue_dma source(%dma_start3A_624 : memref<512xi32, #tpu.memory_space<hbm>>) target(%arg8 : memref<512xi32, #tpu.memory_space<vmem>>) target_semaphore(%run_scoped3A_622 : memref<!tpu.dma_semaphore, #tpu.memory_space<semaphore_mem>>)
      %dma_wait3A_625 = tpu.memref_slice %arg2[%mul3A_2] : memref<16384xi32, #tpu.memory_space<hbm>> -> memref<512xi32, #tpu.memory_space<hbm>>
      %dma_wait3A_626 = tpu.memref_slice %arg2[%mul3A_2] : memref<16384xi32, #tpu.memory_space<hbm>> -> memref<512xi32, #tpu.memory_space<hbm>>
      tpu.wait_dma2 semaphore(%run_scoped3A_622 : memref<!tpu.dma_semaphore, #tpu.memory_space<semaphore_mem>>) src(%dma_wait3A_626 : memref<512xi32, #tpu.memory_space<hbm>>) dst(%arg8 : memref<512xi32, #tpu.memory_space<vmem>>)
      tpu.yield
    }) : () -> ()
    "tpu.region"() ({
      %run_scoped3A_622 = tpu.sem_alloc : memref<!tpu.dma_semaphore, #tpu.memory_space<semaphore_mem>>
      %dma_start3A_623 = arith.constant 0 : i32
      %dma_start3A_624 = tpu.memref_slice %arg5[%mul3A_2, %dma_start3A_623] : memref<16384x64xf32, #tpu.memory_space<hbm>> -> memref<512x64xf32, #tpu.memory_space<hbm>>
      %dma_start3A_625 = arith.constant 0 : i32
      %dma_start3A_626 = tpu.memref_slice %arg5[%mul3A_2, %dma_start3A_625] : memref<16384x64xf32, #tpu.memory_space<hbm>> -> memref<512x64xf32, #tpu.memory_space<hbm>>
      tpu.enqueue_dma source(%dma_start3A_626 : memref<512x64xf32, #tpu.memory_space<hbm>>) target(%arg10 : memref<512x64xf32, #tpu.memory_space<vmem>>) target_semaphore(%run_scoped3A_622 : memref<!tpu.dma_semaphore, #tpu.memory_space<semaphore_mem>>)
      %dma_wait3A_627 = arith.constant 0 : i32
      %dma_wait3A_628 = tpu.memref_slice %arg5[%mul3A_2, %dma_wait3A_627] : memref<16384x64xf32, #tpu.memory_space<hbm>> -> memref<512x64xf32, #tpu.memory_space<hbm>>
      %dma_wait3A_629 = arith.constant 0 : i32
      %dma_wait3A_630 = tpu.memref_slice %arg5[%mul3A_2, %dma_wait3A_629] : memref<16384x64xf32, #tpu.memory_space<hbm>> -> memref<512x64xf32, #tpu.memory_space<hbm>>
      tpu.wait_dma2 semaphore(%run_scoped3A_622 : memref<!tpu.dma_semaphore, #tpu.memory_space<semaphore_mem>>) src(%dma_wait3A_630 : memref<512x64xf32, #tpu.memory_space<hbm>>) dst(%arg10 : memref<512x64xf32, #tpu.memory_space<vmem>>)
      tpu.yield
    }) : () -> ()
    %get3A = arith.constant 0 : i32
    %get3A_14 = arith.index_cast %get3A : i32 to index
    %get3A_15 = arith.constant 0 : index
    %get3A_16 = tpu.vector_load %arg7[%get3A_14, %get3A_15] {strides = array<i32>} : memref<4x128xi32, #tpu.memory_space<vmem>>, vector<1x16xi32>,
    %get3A_17 = vector.shape_cast %get3A_16 : vector<1x16xi32> to vector<16xi32>
    %shift_right_arithmetic3A = arith.constant 4 : i32
    %shift_right_arithmetic3A_18 = vector.broadcast %shift_right_arithmetic3A : i32 to vector<16xi32>
    %shift_right_arithmetic3A_19 = arith.shrsi %get3A_17, %shift_right_arithmetic3A_18 : vector<16xi32>
    %swap3A = arith.constant 0 : i32
    %swap3A_20 = arith.index_cast %swap3A : i32 to index
    %swap3A_21 = arith.constant 0 : index
    %swap3A_22 = tpu.vector_load %arg9[%swap3A_20, %swap3A_21] {strides = array<i32>} : memref<4x128xi32, #tpu.memory_space<vmem>>, vector<1x16xi32>,
    %swap3A_23 = vector.shape_cast %swap3A_22 : vector<1x16xi32> to vector<16xi32>
    %swap3A_24 = vector.shape_cast %shift_right_arithmetic3A_19 : vector<16xi32> to vector<1x16xi32>
    tpu.vector_store %arg9[%swap3A_20, %swap3A_21], %swap3A_24 {strides = array<i32>} : memref<4x128xi32, #tpu.memory_space<vmem>>, vector<1x16xi32>,
    %get3A_25 = arith.constant 0 : i32
    %get3A_26 = arith.index_cast %get3A_25 : i32 to index
    %get3A_27 = arith.constant 16 : index
    %get3A_28 = tpu.vector_load %arg7[%get3A_26, %get3A_27] {strides = array<i32>} : memref<4x128xi32, #tpu.memory_space<vmem>>, vector<1x16xi32>,
    %get3A_29 = vector.shape_cast %get3A_28 : vector<1x16xi32> to vector<16xi32>
    %shift_right_arithmetic3A_30 = arith.constant 4 : i32
    %shift_right_arithmetic3A_31 = vector.broadcast %shift_right_arithmetic3A_30 : i32 to vector<16xi32>
    %shift_right_arithmetic3A_32 = arith.shrsi %get3A_29, %shift_right_arithmetic3A_31 : vector<16xi32>
    %swap3A_33 = arith.constant 0 : i32
    %swap3A_34 = arith.index_cast %swap3A_33 : i32 to index
    %swap3A_35 = arith.constant 16 : index
    %swap3A_36 = tpu.vector_load %arg9[%swap3A_34, %swap3A_35] {strides = array<i32>} : memref<4x128xi32, #tpu.memory_space<vmem>>, vector<1x16xi32>,
    %swap3A_37 = vector.shape_cast %swap3A_36 : vector<1x16xi32> to vector<16xi32>
    %swap3A_38 = vector.shape_cast %shift_right_arithmetic3A_32 : vector<16xi32> to vector<1x16xi32>
    tpu.vector_store %arg9[%swap3A_34, %swap3A_35], %swap3A_38 {strides = array<i32>} : memref<4x128xi32, #tpu.memory_space<vmem>>, vector<1x16xi32>,
    %get3A_39 = arith.constant 0 : i32
    %get3A_40 = arith.index_cast %get3A_39 : i32 to index
    %get3A_41 = arith.constant 32 : index
    %get3A_42 = tpu.vector_load %arg7[%get3A_40, %get3A_41] {strides = array<i32>} : memref<4x128xi32, #tpu.memory_space<vmem>>, vector<1x16xi32>,
    %get3A_43 = vector.shape_cast %get3A_42 : vector<1x16xi32> to vector<16xi32>
    %shift_right_arithmetic3A_44 = arith.constant 4 : i32
    %shift_right_arithmetic3A_45 = vector.broadcast %shift_right_arithmetic3A_44 : i32 to vector<16xi32>
    %shift_right_arithmetic3A_46 = arith.shrsi %get3A_43, %shift_right_arithmetic3A_45 : vector<16xi32>
    %swap3A_47 = arith.constant 0 : i32
    %swap3A_48 = arith.index_cast %swap3A_47 : i32 to index
    %swap3A_49 = arith.constant 32 : index
    %swap3A_50 = tpu.vector_load %arg9[%swap3A_48, %swap3A_49] {strides = array<i32>} : memref<4x128xi32, #tpu.memory_space<vmem>>, vector<1x16xi32>,
    %swap3A_51 = vector.shape_cast %swap3A_50 : vector<1x16xi32> to vector<16xi32>
    %swap3A_52 = vector.shape_cast %shift_right_arithmetic3A_46 : vector<16xi32> to vector<1x16xi32>
    tpu.vector_store %arg9[%swap3A_48, %swap3A_49], %swap3A_52 {strides = array<i32>} : memref<4x128xi32, #tpu.memory_space<vmem>>, vector<1x16xi32>,
    %get3A_53 = arith.constant 0 : i32
    %get3A_54 = arith.index_cast %get3A_53 : i32 to index
    %get3A_55 = arith.constant 48 : index
    %get3A_56 = tpu.vector_load %arg7[%get3A_54, %get3A_55] {strides = array<i32>} : memref<4x128xi32, #tpu.memory_space<vmem>>, vector<1x16xi32>,
    %get3A_57 = vector.shape_cast %get3A_56 : vector<1x16xi32> to vector<16xi32>
    %shift_right_arithmetic3A_58 = arith.constant 4 : i32
    %shift_right_arithmetic3A_59 = vector.broadcast %shift_right_arithmetic3A_58 : i32 to vector<16xi32>
    %shift_right_arithmetic3A_60 = arith.shrsi %get3A_57, %shift_right_arithmetic3A_59 : vector<16xi32>
    %swap3A_61 = arith.constant 0 : i32
    %swap3A_62 = arith.index_cast %swap3A_61 : i32 to index
    %swap3A_63 = arith.constant 48 : index
    %swap3A_64 = tpu.vector_load %arg9[%swap3A_62, %swap3A_63] {strides = array<i32>} : memref<4x128xi32, #tpu.memory_space<vmem>>, vector<1x16xi32>,
    %swap3A_65 = vector.shape_cast %swap3A_64 : vector<1x16xi32> to vector<16xi32>
    %swap3A_66 = vector.shape_cast %shift_right_arithmetic3A_60 : vector<16xi32> to vector<1x16xi32>
    tpu.vector_store %arg9[%swap3A_62, %swap3A_63], %swap3A_66 {strides = array<i32>} : memref<4x128xi32, #tpu.memory_space<vmem>>, vector<1x16xi32>,
    %get3A_67 = arith.constant 0 : i32
    %get3A_68 = arith.index_cast %get3A_67 : i32 to index
    %get3A_69 = arith.constant 64 : index
    %get3A_70 = tpu.vector_load %arg7[%get3A_68, %get3A_69] {strides = array<i32>} : memref<4x128xi32, #tpu.memory_space<vmem>>, vector<1x16xi32>,
    %get3A_71 = vector.shape_cast %get3A_70 : vector<1x16xi32> to vector<16xi32>
    %shift_right_arithmetic3A_72 = arith.constant 4 : i32
    %shift_right_arithmetic3A_73 = vector.broadcast %shift_right_arithmetic3A_72 : i32 to vector<16xi32>
    %shift_right_arithmetic3A_74 = arith.shrsi %get3A_71, %shift_right_arithmetic3A_73 : vector<16xi32>
    %swap3A_75 = arith.constant 0 : i32
    %swap3A_76 = arith.index_cast %swap3A_75 : i32 to index
    %swap3A_77 = arith.constant 64 : index
    %swap3A_78 = tpu.vector_load %arg9[%swap3A_76, %swap3A_77] {strides = array<i32>} : memref<4x128xi32, #tpu.memory_space<vmem>>, vector<1x16xi32>,
    %swap3A_79 = vector.shape_cast %swap3A_78 : vector<1x16xi32> to vector<16xi32>
    %swap3A_80 = vector.shape_cast %shift_right_arithmetic3A_74 : vector<16xi32> to vector<1x16xi32>
    tpu.vector_store %arg9[%swap3A_76, %swap3A_77], %swap3A_80 {strides = array<i32>} : memref<4x128xi32, #tpu.memory_space<vmem>>, vector<1x16xi32>,
    %get3A_81 = arith.constant 0 : i32
    %get3A_82 = arith.index_cast %get3A_81 : i32 to index
    %get3A_83 = arith.constant 80 : index
    %get3A_84 = tpu.vector_load %arg7[%get3A_82, %get3A_83] {strides = array<i32>} : memref<4x128xi32, #tpu.memory_space<vmem>>, vector<1x16xi32>,
    %get3A_85 = vector.shape_cast %get3A_84 : vector<1x16xi32> to vector<16xi32>
    %shift_right_arithmetic3A_86 = arith.constant 4 : i32
    %shift_right_arithmetic3A_87 = vector.broadcast %shift_right_arithmetic3A_86 : i32 to vector<16xi32>
    %shift_right_arithmetic3A_88 = arith.shrsi %get3A_85, %shift_right_arithmetic3A_87 : vector<16xi32>
    %swap3A_89 = arith.constant 0 : i32
    %swap3A_90 = arith.index_cast %swap3A_89 : i32 to index
    %swap3A_91 = arith.constant 80 : index
    %swap3A_92 = tpu.vector_load %arg9[%swap3A_90, %swap3A_91] {strides = array<i32>} : memref<4x128xi32, #tpu.memory_space<vmem>>, vector<1x16xi32>,
    %swap3A_93 = vector.shape_cast %swap3A_92 : vector<1x16xi32> to vector<16xi32>
    %swap3A_94 = vector.shape_cast %shift_right_arithmetic3A_88 : vector<16xi32> to vector<1x16xi32>
    tpu.vector_store %arg9[%swap3A_90, %swap3A_91], %swap3A_94 {strides = array<i32>} : memref<4x128xi32, #tpu.memory_space<vmem>>, vector<1x16xi32>,
    %get3A_95 = arith.constant 0 : i32
    %get3A_96 = arith.index_cast %get3A_95 : i32 to index
    %get3A_97 = arith.constant 96 : index
    %get3A_98 = tpu.vector_load %arg7[%get3A_96, %get3A_97] {strides = array<i32>} : memref<4x128xi32, #tpu.memory_space<vmem>>, vector<1x16xi32>,
    %get3A_99 = vector.shape_cast %get3A_98 : vector<1x16xi32> to vector<16xi32>
    %shift_right_arithmetic3A_100 = arith.constant 4 : i32
    %shift_right_arithmetic3A_101 = vector.broadcast %shift_right_arithmetic3A_100 : i32 to vector<16xi32>
    %shift_right_arithmetic3A_102 = arith.shrsi %get3A_99, %shift_right_arithmetic3A_101 : vector<16xi32>
    %swap3A_103 = arith.constant 0 : i32
    %swap3A_104 = arith.index_cast %swap3A_103 : i32 to index
    %swap3A_105 = arith.constant 96 : index
    %swap3A_106 = tpu.vector_load %arg9[%swap3A_104, %swap3A_105] {strides = array<i32>} : memref<4x128xi32, #tpu.memory_space<vmem>>, vector<1x16xi32>,
    %swap3A_107 = vector.shape_cast %swap3A_106 : vector<1x16xi32> to vector<16xi32>
    %swap3A_108 = vector.shape_cast %shift_right_arithmetic3A_102 : vector<16xi32> to vector<1x16xi32>
    tpu.vector_store %arg9[%swap3A_104, %swap3A_105], %swap3A_108 {strides = array<i32>} : memref<4x128xi32, #tpu.memory_space<vmem>>, vector<1x16xi32>,
    %get3A_109 = arith.constant 0 : i32
    %get3A_110 = arith.index_cast %get3A_109 : i32 to index
    %get3A_111 = arith.constant 112 : index
    %get3A_112 = tpu.vector_load %arg7[%get3A_110, %get3A_111] {strides = array<i32>} : memref<4x128xi32, #tpu.memory_space<vmem>>, vector<1x16xi32>,
    %get3A_113 = vector.shape_cast %get3A_112 : vector<1x16xi32> to vector<16xi32>
    %shift_right_arithmetic3A_114 = arith.constant 4 : i32
    %shift_right_arithmetic3A_115 = vector.broadcast %shift_right_arithmetic3A_114 : i32 to vector<16xi32>
    %shift_right_arithmetic3A_116 = arith.shrsi %get3A_113, %shift_right_arithmetic3A_115 : vector<16xi32>
    %swap3A_117 = arith.constant 0 : i32
    %swap3A_118 = arith.index_cast %swap3A_117 : i32 to index
    %swap3A_119 = arith.constant 112 : index
    %swap3A_120 = tpu.vector_load %arg9[%swap3A_118, %swap3A_119] {strides = array<i32>} : memref<4x128xi32, #tpu.memory_space<vmem>>, vector<1x16xi32>,
    %swap3A_121 = vector.shape_cast %swap3A_120 : vector<1x16xi32> to vector<16xi32>
    %swap3A_122 = vector.shape_cast %shift_right_arithmetic3A_116 : vector<16xi32> to vector<1x16xi32>
    tpu.vector_store %arg9[%swap3A_118, %swap3A_119], %swap3A_122 {strides = array<i32>} : memref<4x128xi32, #tpu.memory_space<vmem>>, vector<1x16xi32>,
    %get3A_123 = arith.constant 1 : i32
    %get3A_124 = arith.index_cast %get3A_123 : i32 to index
    %get3A_125 = arith.constant 0 : index
    %get3A_126 = tpu.vector_load %arg7[%get3A_124, %get3A_125] {strides = array<i32>} : memref<4x128xi32, #tpu.memory_space<vmem>>, vector<1x16xi32>,
    %get3A_127 = vector.shape_cast %get3A_126 : vector<1x16xi32> to vector<16xi32>
    %shift_right_arithmetic3A_128 = arith.constant 4 : i32
    %shift_right_arithmetic3A_129 = vector.broadcast %shift_right_arithmetic3A_128 : i32 to vector<16xi32>
    %shift_right_arithmetic3A_130 = arith.shrsi %get3A_127, %shift_right_arithmetic3A_129 : vector<16xi32>
    %swap3A_131 = arith.constant 1 : i32
    %swap3A_132 = arith.index_cast %swap3A_131 : i32 to index
    %swap3A_133 = arith.constant 0 : index
    %swap3A_134 = tpu.vector_load %arg9[%swap3A_132, %swap3A_133] {strides = array<i32>} : memref<4x128xi32, #tpu.memory_space<vmem>>, vector<1x16xi32>,
    %swap3A_135 = vector.shape_cast %swap3A_134 : vector<1x16xi32> to vector<16xi32>
    %swap3A_136 = vector.shape_cast %shift_right_arithmetic3A_130 : vector<16xi32> to vector<1x16xi32>
    tpu.vector_store %arg9[%swap3A_132, %swap3A_133], %swap3A_136 {strides = array<i32>} : memref<4x128xi32, #tpu.memory_space<vmem>>, vector<1x16xi32>,
    %get3A_137 = arith.constant 1 : i32
    %get3A_138 = arith.index_cast %get3A_137 : i32 to index
    %get3A_139 = arith.constant 16 : index
    %get3A_140 = tpu.vector_load %arg7[%get3A_138, %get3A_139] {strides = array<i32>} : memref<4x128xi32, #tpu.memory_space<vmem>>, vector<1x16xi32>,
    %get3A_141 = vector.shape_cast %get3A_140 : vector<1x16xi32> to vector<16xi32>
    %shift_right_arithmetic3A_142 = arith.constant 4 : i32
    %shift_right_arithmetic3A_143 = vector.broadcast %shift_right_arithmetic3A_142 : i32 to vector<16xi32>
    %shift_right_arithmetic3A_144 = arith.shrsi %get3A_141, %shift_right_arithmetic3A_143 : vector<16xi32>
    %swap3A_145 = arith.constant 1 : i32
    %swap3A_146 = arith.index_cast %swap3A_145 : i32 to index
    %swap3A_147 = arith.constant 16 : index
    %swap3A_148 = tpu.vector_load %arg9[%swap3A_146, %swap3A_147] {strides = array<i32>} : memref<4x128xi32, #tpu.memory_space<vmem>>, vector<1x16xi32>,
    %swap3A_149 = vector.shape_cast %swap3A_148 : vector<1x16xi32> to vector<16xi32>
    %swap3A_150 = vector.shape_cast %shift_right_arithmetic3A_144 : vector<16xi32> to vector<1x16xi32>
    tpu.vector_store %arg9[%swap3A_146, %swap3A_147], %swap3A_150 {strides = array<i32>} : memref<4x128xi32, #tpu.memory_space<vmem>>, vector<1x16xi32>,
    %get3A_151 = arith.constant 1 : i32
    %get3A_152 = arith.index_cast %get3A_151 : i32 to index
    %get3A_153 = arith.constant 32 : index
    %get3A_154 = tpu.vector_load %arg7[%get3A_152, %get3A_153] {strides = array<i32>} : memref<4x128xi32, #tpu.memory_space<vmem>>, vector<1x16xi32>,
    %get3A_155 = vector.shape_cast %get3A_154 : vector<1x16xi32> to vector<16xi32>
    %shift_right_arithmetic3A_156 = arith.constant 4 : i32
    %shift_right_arithmetic3A_157 = vector.broadcast %shift_right_arithmetic3A_156 : i32 to vector<16xi32>
    %shift_right_arithmetic3A_158 = arith.shrsi %get3A_155, %shift_right_arithmetic3A_157 : vector<16xi32>
    %swap3A_159 = arith.constant 1 : i32
    %swap3A_160 = arith.index_cast %swap3A_159 : i32 to index
    %swap3A_161 = arith.constant 32 : index
    %swap3A_162 = tpu.vector_load %arg9[%swap3A_160, %swap3A_161] {strides = array<i32>} : memref<4x128xi32, #tpu.memory_space<vmem>>, vector<1x16xi32>,
    %swap3A_163 = vector.shape_cast %swap3A_162 : vector<1x16xi32> to vector<16xi32>
    %swap3A_164 = vector.shape_cast %shift_right_arithmetic3A_158 : vector<16xi32> to vector<1x16xi32>
    tpu.vector_store %arg9[%swap3A_160, %swap3A_161], %swap3A_164 {strides = array<i32>} : memref<4x128xi32, #tpu.memory_space<vmem>>, vector<1x16xi32>,
    %get3A_165 = arith.constant 1 : i32
    %get3A_166 = arith.index_cast %get3A_165 : i32 to index
    %get3A_167 = arith.constant 48 : index
    %get3A_168 = tpu.vector_load %arg7[%get3A_166, %get3A_167] {strides = array<i32>} : memref<4x128xi32, #tpu.memory_space<vmem>>, vector<1x16xi32>,
    %get3A_169 = vector.shape_cast %get3A_168 : vector<1x16xi32> to vector<16xi32>
    %shift_right_arithmetic3A_170 = arith.constant 4 : i32
    %shift_right_arithmetic3A_171 = vector.broadcast %shift_right_arithmetic3A_170 : i32 to vector<16xi32>
    %shift_right_arithmetic3A_172 = arith.shrsi %get3A_169, %shift_right_arithmetic3A_171 : vector<16xi32>
    %swap3A_173 = arith.constant 1 : i32
    %swap3A_174 = arith.index_cast %swap3A_173 : i32 to index
    %swap3A_175 = arith.constant 48 : index
    %swap3A_176 = tpu.vector_load %arg9[%swap3A_174, %swap3A_175] {strides = array<i32>} : memref<4x128xi32, #tpu.memory_space<vmem>>, vector<1x16xi32>,
    %swap3A_177 = vector.shape_cast %swap3A_176 : vector<1x16xi32> to vector<16xi32>
    %swap3A_178 = vector.shape_cast %shift_right_arithmetic3A_172 : vector<16xi32> to vector<1x16xi32>
    tpu.vector_store %arg9[%swap3A_174, %swap3A_175], %swap3A_178 {strides = array<i32>} : memref<4x128xi32, #tpu.memory_space<vmem>>, vector<1x16xi32>,
    %get3A_179 = arith.constant 1 : i32
    %get3A_180 = arith.index_cast %get3A_179 : i32 to index
    %get3A_181 = arith.constant 64 : index
    %get3A_182 = tpu.vector_load %arg7[%get3A_180, %get3A_181] {strides = array<i32>} : memref<4x128xi32, #tpu.memory_space<vmem>>, vector<1x16xi32>,
    %get3A_183 = vector.shape_cast %get3A_182 : vector<1x16xi32> to vector<16xi32>
    %shift_right_arithmetic3A_184 = arith.constant 4 : i32
    %shift_right_arithmetic3A_185 = vector.broadcast %shift_right_arithmetic3A_184 : i32 to vector<16xi32>
    %shift_right_arithmetic3A_186 = arith.shrsi %get3A_183, %shift_right_arithmetic3A_185 : vector<16xi32>
    %swap3A_187 = arith.constant 1 : i32
    %swap3A_188 = arith.index_cast %swap3A_187 : i32 to index
    %swap3A_189 = arith.constant 64 : index
    %swap3A_190 = tpu.vector_load %arg9[%swap3A_188, %swap3A_189] {strides = array<i32>} : memref<4x128xi32, #tpu.memory_space<vmem>>, vector<1x16xi32>,
    %swap3A_191 = vector.shape_cast %swap3A_190 : vector<1x16xi32> to vector<16xi32>
    %swap3A_192 = vector.shape_cast %shift_right_arithmetic3A_186 : vector<16xi32> to vector<1x16xi32>
    tpu.vector_store %arg9[%swap3A_188, %swap3A_189], %swap3A_192 {strides = array<i32>} : memref<4x128xi32, #tpu.memory_space<vmem>>, vector<1x16xi32>,
    %get3A_193 = arith.constant 1 : i32
    %get3A_194 = arith.index_cast %get3A_193 : i32 to index
    %get3A_195 = arith.constant 80 : index
    %get3A_196 = tpu.vector_load %arg7[%get3A_194, %get3A_195] {strides = array<i32>} : memref<4x128xi32, #tpu.memory_space<vmem>>, vector<1x16xi32>,
    %get3A_197 = vector.shape_cast %get3A_196 : vector<1x16xi32> to vector<16xi32>
    %shift_right_arithmetic3A_198 = arith.constant 4 : i32
    %shift_right_arithmetic3A_199 = vector.broadcast %shift_right_arithmetic3A_198 : i32 to vector<16xi32>
    %shift_right_arithmetic3A_200 = arith.shrsi %get3A_197, %shift_right_arithmetic3A_199 : vector<16xi32>
    %swap3A_201 = arith.constant 1 : i32
    %swap3A_202 = arith.index_cast %swap3A_201 : i32 to index
    %swap3A_203 = arith.constant 80 : index
    %swap3A_204 = tpu.vector_load %arg9[%swap3A_202, %swap3A_203] {strides = array<i32>} : memref<4x128xi32, #tpu.memory_space<vmem>>, vector<1x16xi32>,
    %swap3A_205 = vector.shape_cast %swap3A_204 : vector<1x16xi32> to vector<16xi32>
    %swap3A_206 = vector.shape_cast %shift_right_arithmetic3A_200 : vector<16xi32> to vector<1x16xi32>
    tpu.vector_store %arg9[%swap3A_202, %swap3A_203], %swap3A_206 {strides = array<i32>} : memref<4x128xi32, #tpu.memory_space<vmem>>, vector<1x16xi32>,
    %get3A_207 = arith.constant 1 : i32
    %get3A_208 = arith.index_cast %get3A_207 : i32 to index
    %get3A_209 = arith.constant 96 : index
    %get3A_210 = tpu.vector_load %arg7[%get3A_208, %get3A_209] {strides = array<i32>} : memref<4x128xi32, #tpu.memory_space<vmem>>, vector<1x16xi32>,
    %get3A_211 = vector.shape_cast %get3A_210 : vector<1x16xi32> to vector<16xi32>
    %shift_right_arithmetic3A_212 = arith.constant 4 : i32
    %shift_right_arithmetic3A_213 = vector.broadcast %shift_right_arithmetic3A_212 : i32 to vector<16xi32>
    %shift_right_arithmetic3A_214 = arith.shrsi %get3A_211, %shift_right_arithmetic3A_213 : vector<16xi32>
    %swap3A_215 = arith.constant 1 : i32
    %swap3A_216 = arith.index_cast %swap3A_215 : i32 to index
    %swap3A_217 = arith.constant 96 : index
    %swap3A_218 = tpu.vector_load %arg9[%swap3A_216, %swap3A_217] {strides = array<i32>} : memref<4x128xi32, #tpu.memory_space<vmem>>, vector<1x16xi32>,
    %swap3A_219 = vector.shape_cast %swap3A_218 : vector<1x16xi32> to vector<16xi32>
    %swap3A_220 = vector.shape_cast %shift_right_arithmetic3A_214 : vector<16xi32> to vector<1x16xi32>
    tpu.vector_store %arg9[%swap3A_216, %swap3A_217], %swap3A_220 {strides = array<i32>} : memref<4x128xi32, #tpu.memory_space<vmem>>, vector<1x16xi32>,
    %get3A_221 = arith.constant 1 : i32
    %get3A_222 = arith.index_cast %get3A_221 : i32 to index
    %get3A_223 = arith.constant 112 : index
    %get3A_224 = tpu.vector_load %arg7[%get3A_222, %get3A_223] {strides = array<i32>} : memref<4x128xi32, #tpu.memory_space<vmem>>, vector<1x16xi32>,
    %get3A_225 = vector.shape_cast %get3A_224 : vector<1x16xi32> to vector<16xi32>
    %shift_right_arithmetic3A_226 = arith.constant 4 : i32
    %shift_right_arithmetic3A_227 = vector.broadcast %shift_right_arithmetic3A_226 : i32 to vector<16xi32>
    %shift_right_arithmetic3A_228 = arith.shrsi %get3A_225, %shift_right_arithmetic3A_227 : vector<16xi32>
    %swap3A_229 = arith.constant 1 : i32
    %swap3A_230 = arith.index_cast %swap3A_229 : i32 to index
    %swap3A_231 = arith.constant 112 : index
    %swap3A_232 = tpu.vector_load %arg9[%swap3A_230, %swap3A_231] {strides = array<i32>} : memref<4x128xi32, #tpu.memory_space<vmem>>, vector<1x16xi32>,
    %swap3A_233 = vector.shape_cast %swap3A_232 : vector<1x16xi32> to vector<16xi32>
    %swap3A_234 = vector.shape_cast %shift_right_arithmetic3A_228 : vector<16xi32> to vector<1x16xi32>
    tpu.vector_store %arg9[%swap3A_230, %swap3A_231], %swap3A_234 {strides = array<i32>} : memref<4x128xi32, #tpu.memory_space<vmem>>, vector<1x16xi32>,
    %get3A_235 = arith.constant 2 : i32
    %get3A_236 = arith.index_cast %get3A_235 : i32 to index
    %get3A_237 = arith.constant 0 : index
    %get3A_238 = tpu.vector_load %arg7[%get3A_236, %get3A_237] {strides = array<i32>} : memref<4x128xi32, #tpu.memory_space<vmem>>, vector<1x16xi32>,
    %get3A_239 = vector.shape_cast %get3A_238 : vector<1x16xi32> to vector<16xi32>
    %shift_right_arithmetic3A_240 = arith.constant 4 : i32
    %shift_right_arithmetic3A_241 = vector.broadcast %shift_right_arithmetic3A_240 : i32 to vector<16xi32>
    %shift_right_arithmetic3A_242 = arith.shrsi %get3A_239, %shift_right_arithmetic3A_241 : vector<16xi32>
    %swap3A_243 = arith.constant 2 : i32
    %swap3A_244 = arith.index_cast %swap3A_243 : i32 to index
    %swap3A_245 = arith.constant 0 : index
    %swap3A_246 = tpu.vector_load %arg9[%swap3A_244, %swap3A_245] {strides = array<i32>} : memref<4x128xi32, #tpu.memory_space<vmem>>, vector<1x16xi32>,
    %swap3A_247 = vector.shape_cast %swap3A_246 : vector<1x16xi32> to vector<16xi32>
    %swap3A_248 = vector.shape_cast %shift_right_arithmetic3A_242 : vector<16xi32> to vector<1x16xi32>
    tpu.vector_store %arg9[%swap3A_244, %swap3A_245], %swap3A_248 {strides = array<i32>} : memref<4x128xi32, #tpu.memory_space<vmem>>, vector<1x16xi32>,
    %get3A_249 = arith.constant 2 : i32
    %get3A_250 = arith.index_cast %get3A_249 : i32 to index
    %get3A_251 = arith.constant 16 : index
    %get3A_252 = tpu.vector_load %arg7[%get3A_250, %get3A_251] {strides = array<i32>} : memref<4x128xi32, #tpu.memory_space<vmem>>, vector<1x16xi32>,
    %get3A_253 = vector.shape_cast %get3A_252 : vector<1x16xi32> to vector<16xi32>
    %shift_right_arithmetic3A_254 = arith.constant 4 : i32
    %shift_right_arithmetic3A_255 = vector.broadcast %shift_right_arithmetic3A_254 : i32 to vector<16xi32>
    %shift_right_arithmetic3A_256 = arith.shrsi %get3A_253, %shift_right_arithmetic3A_255 : vector<16xi32>
    %swap3A_257 = arith.constant 2 : i32
    %swap3A_258 = arith.index_cast %swap3A_257 : i32 to index
    %swap3A_259 = arith.constant 16 : index
    %swap3A_260 = tpu.vector_load %arg9[%swap3A_258, %swap3A_259] {strides = array<i32>} : memref<4x128xi32, #tpu.memory_space<vmem>>, vector<1x16xi32>,
    %swap3A_261 = vector.shape_cast %swap3A_260 : vector<1x16xi32> to vector<16xi32>
    %swap3A_262 = vector.shape_cast %shift_right_arithmetic3A_256 : vector<16xi32> to vector<1x16xi32>
    tpu.vector_store %arg9[%swap3A_258, %swap3A_259], %swap3A_262 {strides = array<i32>} : memref<4x128xi32, #tpu.memory_space<vmem>>, vector<1x16xi32>,
    %get3A_263 = arith.constant 2 : i32
    %get3A_264 = arith.index_cast %get3A_263 : i32 to index
    %get3A_265 = arith.constant 32 : index
    %get3A_266 = tpu.vector_load %arg7[%get3A_264, %get3A_265] {strides = array<i32>} : memref<4x128xi32, #tpu.memory_space<vmem>>, vector<1x16xi32>,
    %get3A_267 = vector.shape_cast %get3A_266 : vector<1x16xi32> to vector<16xi32>
    %shift_right_arithmetic3A_268 = arith.constant 4 : i32
    %shift_right_arithmetic3A_269 = vector.broadcast %shift_right_arithmetic3A_268 : i32 to vector<16xi32>
    %shift_right_arithmetic3A_270 = arith.shrsi %get3A_267, %shift_right_arithmetic3A_269 : vector<16xi32>
    %swap3A_271 = arith.constant 2 : i32
    %swap3A_272 = arith.index_cast %swap3A_271 : i32 to index
    %swap3A_273 = arith.constant 32 : index
    %swap3A_274 = tpu.vector_load %arg9[%swap3A_272, %swap3A_273] {strides = array<i32>} : memref<4x128xi32, #tpu.memory_space<vmem>>, vector<1x16xi32>,
    %swap3A_275 = vector.shape_cast %swap3A_274 : vector<1x16xi32> to vector<16xi32>
    %swap3A_276 = vector.shape_cast %shift_right_arithmetic3A_270 : vector<16xi32> to vector<1x16xi32>
    tpu.vector_store %arg9[%swap3A_272, %swap3A_273], %swap3A_276 {strides = array<i32>} : memref<4x128xi32, #tpu.memory_space<vmem>>, vector<1x16xi32>,
    %get3A_277 = arith.constant 2 : i32
    %get3A_278 = arith.index_cast %get3A_277 : i32 to index
    %get3A_279 = arith.constant 48 : index
    %get3A_280 = tpu.vector_load %arg7[%get3A_278, %get3A_279] {strides = array<i32>} : memref<4x128xi32, #tpu.memory_space<vmem>>, vector<1x16xi32>,
    %get3A_281 = vector.shape_cast %get3A_280 : vector<1x16xi32> to vector<16xi32>
    %shift_right_arithmetic3A_282 = arith.constant 4 : i32
    %shift_right_arithmetic3A_283 = vector.broadcast %shift_right_arithmetic3A_282 : i32 to vector<16xi32>
    %shift_right_arithmetic3A_284 = arith.shrsi %get3A_281, %shift_right_arithmetic3A_283 : vector<16xi32>
    %swap3A_285 = arith.constant 2 : i32
    %swap3A_286 = arith.index_cast %swap3A_285 : i32 to index
    %swap3A_287 = arith.constant 48 : index
    %swap3A_288 = tpu.vector_load %arg9[%swap3A_286, %swap3A_287] {strides = array<i32>} : memref<4x128xi32, #tpu.memory_space<vmem>>, vector<1x16xi32>,
    %swap3A_289 = vector.shape_cast %swap3A_288 : vector<1x16xi32> to vector<16xi32>
    %swap3A_290 = vector.shape_cast %shift_right_arithmetic3A_284 : vector<16xi32> to vector<1x16xi32>
    tpu.vector_store %arg9[%swap3A_286, %swap3A_287], %swap3A_290 {strides = array<i32>} : memref<4x128xi32, #tpu.memory_space<vmem>>, vector<1x16xi32>,
    %get3A_291 = arith.constant 2 : i32
    %get3A_292 = arith.index_cast %get3A_291 : i32 to index
    %get3A_293 = arith.constant 64 : index
    %get3A_294 = tpu.vector_load %arg7[%get3A_292, %get3A_293] {strides = array<i32>} : memref<4x128xi32, #tpu.memory_space<vmem>>, vector<1x16xi32>,
    %get3A_295 = vector.shape_cast %get3A_294 : vector<1x16xi32> to vector<16xi32>
    %shift_right_arithmetic3A_296 = arith.constant 4 : i32
    %shift_right_arithmetic3A_297 = vector.broadcast %shift_right_arithmetic3A_296 : i32 to vector<16xi32>
    %shift_right_arithmetic3A_298 = arith.shrsi %get3A_295, %shift_right_arithmetic3A_297 : vector<16xi32>
    %swap3A_299 = arith.constant 2 : i32
    %swap3A_300 = arith.index_cast %swap3A_299 : i32 to index
    %swap3A_301 = arith.constant 64 : index
    %swap3A_302 = tpu.vector_load %arg9[%swap3A_300, %swap3A_301] {strides = array<i32>} : memref<4x128xi32, #tpu.memory_space<vmem>>, vector<1x16xi32>,
    %swap3A_303 = vector.shape_cast %swap3A_302 : vector<1x16xi32> to vector<16xi32>
    %swap3A_304 = vector.shape_cast %shift_right_arithmetic3A_298 : vector<16xi32> to vector<1x16xi32>
    tpu.vector_store %arg9[%swap3A_300, %swap3A_301], %swap3A_304 {strides = array<i32>} : memref<4x128xi32, #tpu.memory_space<vmem>>, vector<1x16xi32>,
    %get3A_305 = arith.constant 2 : i32
    %get3A_306 = arith.index_cast %get3A_305 : i32 to index
    %get3A_307 = arith.constant 80 : index
    %get3A_308 = tpu.vector_load %arg7[%get3A_306, %get3A_307] {strides = array<i32>} : memref<4x128xi32, #tpu.memory_space<vmem>>, vector<1x16xi32>,
    %get3A_309 = vector.shape_cast %get3A_308 : vector<1x16xi32> to vector<16xi32>
    %shift_right_arithmetic3A_310 = arith.constant 4 : i32
    %shift_right_arithmetic3A_311 = vector.broadcast %shift_right_arithmetic3A_310 : i32 to vector<16xi32>
    %shift_right_arithmetic3A_312 = arith.shrsi %get3A_309, %shift_right_arithmetic3A_311 : vector<16xi32>
    %swap3A_313 = arith.constant 2 : i32
    %swap3A_314 = arith.index_cast %swap3A_313 : i32 to index
    %swap3A_315 = arith.constant 80 : index
    %swap3A_316 = tpu.vector_load %arg9[%swap3A_314, %swap3A_315] {strides = array<i32>} : memref<4x128xi32, #tpu.memory_space<vmem>>, vector<1x16xi32>,
    %swap3A_317 = vector.shape_cast %swap3A_316 : vector<1x16xi32> to vector<16xi32>
    %swap3A_318 = vector.shape_cast %shift_right_arithmetic3A_312 : vector<16xi32> to vector<1x16xi32>
    tpu.vector_store %arg9[%swap3A_314, %swap3A_315], %swap3A_318 {strides = array<i32>} : memref<4x128xi32, #tpu.memory_space<vmem>>, vector<1x16xi32>,
    %get3A_319 = arith.constant 2 : i32
    %get3A_320 = arith.index_cast %get3A_319 : i32 to index
    %get3A_321 = arith.constant 96 : index
    %get3A_322 = tpu.vector_load %arg7[%get3A_320, %get3A_321] {strides = array<i32>} : memref<4x128xi32, #tpu.memory_space<vmem>>, vector<1x16xi32>,
    %get3A_323 = vector.shape_cast %get3A_322 : vector<1x16xi32> to vector<16xi32>
    %shift_right_arithmetic3A_324 = arith.constant 4 : i32
    %shift_right_arithmetic3A_325 = vector.broadcast %shift_right_arithmetic3A_324 : i32 to vector<16xi32>
    %shift_right_arithmetic3A_326 = arith.shrsi %get3A_323, %shift_right_arithmetic3A_325 : vector<16xi32>
    %swap3A_327 = arith.constant 2 : i32
    %swap3A_328 = arith.index_cast %swap3A_327 : i32 to index
    %swap3A_329 = arith.constant 96 : index
    %swap3A_330 = tpu.vector_load %arg9[%swap3A_328, %swap3A_329] {strides = array<i32>} : memref<4x128xi32, #tpu.memory_space<vmem>>, vector<1x16xi32>,
    %swap3A_331 = vector.shape_cast %swap3A_330 : vector<1x16xi32> to vector<16xi32>
    %swap3A_332 = vector.shape_cast %shift_right_arithmetic3A_326 : vector<16xi32> to vector<1x16xi32>
    tpu.vector_store %arg9[%swap3A_328, %swap3A_329], %swap3A_332 {strides = array<i32>} : memref<4x128xi32, #tpu.memory_space<vmem>>, vector<1x16xi32>,
    %get3A_333 = arith.constant 2 : i32
    %get3A_334 = arith.index_cast %get3A_333 : i32 to index
    %get3A_335 = arith.constant 112 : index
    %get3A_336 = tpu.vector_load %arg7[%get3A_334, %get3A_335] {strides = array<i32>} : memref<4x128xi32, #tpu.memory_space<vmem>>, vector<1x16xi32>,
    %get3A_337 = vector.shape_cast %get3A_336 : vector<1x16xi32> to vector<16xi32>
    %shift_right_arithmetic3A_338 = arith.constant 4 : i32
    %shift_right_arithmetic3A_339 = vector.broadcast %shift_right_arithmetic3A_338 : i32 to vector<16xi32>
    %shift_right_arithmetic3A_340 = arith.shrsi %get3A_337, %shift_right_arithmetic3A_339 : vector<16xi32>
    %swap3A_341 = arith.constant 2 : i32
    %swap3A_342 = arith.index_cast %swap3A_341 : i32 to index
    %swap3A_343 = arith.constant 112 : index
    %swap3A_344 = tpu.vector_load %arg9[%swap3A_342, %swap3A_343] {strides = array<i32>} : memref<4x128xi32, #tpu.memory_space<vmem>>, vector<1x16xi32>,
    %swap3A_345 = vector.shape_cast %swap3A_344 : vector<1x16xi32> to vector<16xi32>
    %swap3A_346 = vector.shape_cast %shift_right_arithmetic3A_340 : vector<16xi32> to vector<1x16xi32>
    tpu.vector_store %arg9[%swap3A_342, %swap3A_343], %swap3A_346 {strides = array<i32>} : memref<4x128xi32, #tpu.memory_space<vmem>>, vector<1x16xi32>,
    %get3A_347 = arith.constant 3 : i32
    %get3A_348 = arith.index_cast %get3A_347 : i32 to index
    %get3A_349 = arith.constant 0 : index
    %get3A_350 = tpu.vector_load %arg7[%get3A_348, %get3A_349] {strides = array<i32>} : memref<4x128xi32, #tpu.memory_space<vmem>>, vector<1x16xi32>,
    %get3A_351 = vector.shape_cast %get3A_350 : vector<1x16xi32> to vector<16xi32>
    %shift_right_arithmetic3A_352 = arith.constant 4 : i32
    %shift_right_arithmetic3A_353 = vector.broadcast %shift_right_arithmetic3A_352 : i32 to vector<16xi32>
    %shift_right_arithmetic3A_354 = arith.shrsi %get3A_351, %shift_right_arithmetic3A_353 : vector<16xi32>
    %swap3A_355 = arith.constant 3 : i32
    %swap3A_356 = arith.index_cast %swap3A_355 : i32 to index
    %swap3A_357 = arith.constant 0 : index
    %swap3A_358 = tpu.vector_load %arg9[%swap3A_356, %swap3A_357] {strides = array<i32>} : memref<4x128xi32, #tpu.memory_space<vmem>>, vector<1x16xi32>,
    %swap3A_359 = vector.shape_cast %swap3A_358 : vector<1x16xi32> to vector<16xi32>
    %swap3A_360 = vector.shape_cast %shift_right_arithmetic3A_354 : vector<16xi32> to vector<1x16xi32>
    tpu.vector_store %arg9[%swap3A_356, %swap3A_357], %swap3A_360 {strides = array<i32>} : memref<4x128xi32, #tpu.memory_space<vmem>>, vector<1x16xi32>,
    %get3A_361 = arith.constant 3 : i32
    %get3A_362 = arith.index_cast %get3A_361 : i32 to index
    %get3A_363 = arith.constant 16 : index
    %get3A_364 = tpu.vector_load %arg7[%get3A_362, %get3A_363] {strides = array<i32>} : memref<4x128xi32, #tpu.memory_space<vmem>>, vector<1x16xi32>,
    %get3A_365 = vector.shape_cast %get3A_364 : vector<1x16xi32> to vector<16xi32>
    %shift_right_arithmetic3A_366 = arith.constant 4 : i32
    %shift_right_arithmetic3A_367 = vector.broadcast %shift_right_arithmetic3A_366 : i32 to vector<16xi32>
    %shift_right_arithmetic3A_368 = arith.shrsi %get3A_365, %shift_right_arithmetic3A_367 : vector<16xi32>
    %swap3A_369 = arith.constant 3 : i32
    %swap3A_370 = arith.index_cast %swap3A_369 : i32 to index
    %swap3A_371 = arith.constant 16 : index
    %swap3A_372 = tpu.vector_load %arg9[%swap3A_370, %swap3A_371] {strides = array<i32>} : memref<4x128xi32, #tpu.memory_space<vmem>>, vector<1x16xi32>,
    %swap3A_373 = vector.shape_cast %swap3A_372 : vector<1x16xi32> to vector<16xi32>
    %swap3A_374 = vector.shape_cast %shift_right_arithmetic3A_368 : vector<16xi32> to vector<1x16xi32>
    tpu.vector_store %arg9[%swap3A_370, %swap3A_371], %swap3A_374 {strides = array<i32>} : memref<4x128xi32, #tpu.memory_space<vmem>>, vector<1x16xi32>,
    %get3A_375 = arith.constant 3 : i32
    %get3A_376 = arith.index_cast %get3A_375 : i32 to index
    %get3A_377 = arith.constant 32 : index
    %get3A_378 = tpu.vector_load %arg7[%get3A_376, %get3A_377] {strides = array<i32>} : memref<4x128xi32, #tpu.memory_space<vmem>>, vector<1x16xi32>,
    %get3A_379 = vector.shape_cast %get3A_378 : vector<1x16xi32> to vector<16xi32>
    %shift_right_arithmetic3A_380 = arith.constant 4 : i32
    %shift_right_arithmetic3A_381 = vector.broadcast %shift_right_arithmetic3A_380 : i32 to vector<16xi32>
    %shift_right_arithmetic3A_382 = arith.shrsi %get3A_379, %shift_right_arithmetic3A_381 : vector<16xi32>
    %swap3A_383 = arith.constant 3 : i32
    %swap3A_384 = arith.index_cast %swap3A_383 : i32 to index
    %swap3A_385 = arith.constant 32 : index
    %swap3A_386 = tpu.vector_load %arg9[%swap3A_384, %swap3A_385] {strides = array<i32>} : memref<4x128xi32, #tpu.memory_space<vmem>>, vector<1x16xi32>,
    %swap3A_387 = vector.shape_cast %swap3A_386 : vector<1x16xi32> to vector<16xi32>
    %swap3A_388 = vector.shape_cast %shift_right_arithmetic3A_382 : vector<16xi32> to vector<1x16xi32>
    tpu.vector_store %arg9[%swap3A_384, %swap3A_385], %swap3A_388 {strides = array<i32>} : memref<4x128xi32, #tpu.memory_space<vmem>>, vector<1x16xi32>,
    %get3A_389 = arith.constant 3 : i32
    %get3A_390 = arith.index_cast %get3A_389 : i32 to index
    %get3A_391 = arith.constant 48 : index
    %get3A_392 = tpu.vector_load %arg7[%get3A_390, %get3A_391] {strides = array<i32>} : memref<4x128xi32, #tpu.memory_space<vmem>>, vector<1x16xi32>,
    %get3A_393 = vector.shape_cast %get3A_392 : vector<1x16xi32> to vector<16xi32>
    %shift_right_arithmetic3A_394 = arith.constant 4 : i32
    %shift_right_arithmetic3A_395 = vector.broadcast %shift_right_arithmetic3A_394 : i32 to vector<16xi32>
    %shift_right_arithmetic3A_396 = arith.shrsi %get3A_393, %shift_right_arithmetic3A_395 : vector<16xi32>
    %swap3A_397 = arith.constant 3 : i32
    %swap3A_398 = arith.index_cast %swap3A_397 : i32 to index
    %swap3A_399 = arith.constant 48 : index
    %swap3A_400 = tpu.vector_load %arg9[%swap3A_398, %swap3A_399] {strides = array<i32>} : memref<4x128xi32, #tpu.memory_space<vmem>>, vector<1x16xi32>,
    %swap3A_401 = vector.shape_cast %swap3A_400 : vector<1x16xi32> to vector<16xi32>
    %swap3A_402 = vector.shape_cast %shift_right_arithmetic3A_396 : vector<16xi32> to vector<1x16xi32>
    tpu.vector_store %arg9[%swap3A_398, %swap3A_399], %swap3A_402 {strides = array<i32>} : memref<4x128xi32, #tpu.memory_space<vmem>>, vector<1x16xi32>,
    %get3A_403 = arith.constant 3 : i32
    %get3A_404 = arith.index_cast %get3A_403 : i32 to index
    %get3A_405 = arith.constant 64 : index
    %get3A_406 = tpu.vector_load %arg7[%get3A_404, %get3A_405] {strides = array<i32>} : memref<4x128xi32, #tpu.memory_space<vmem>>, vector<1x16xi32>,
    %get3A_407 = vector.shape_cast %get3A_406 : vector<1x16xi32> to vector<16xi32>
    %shift_right_arithmetic3A_408 = arith.constant 4 : i32
    %shift_right_arithmetic3A_409 = vector.broadcast %shift_right_arithmetic3A_408 : i32 to vector<16xi32>
    %shift_right_arithmetic3A_410 = arith.shrsi %get3A_407, %shift_right_arithmetic3A_409 : vector<16xi32>
    %swap3A_411 = arith.constant 3 : i32
    %swap3A_412 = arith.index_cast %swap3A_411 : i32 to index
    %swap3A_413 = arith.constant 64 : index
    %swap3A_414 = tpu.vector_load %arg9[%swap3A_412, %swap3A_413] {strides = array<i32>} : memref<4x128xi32, #tpu.memory_space<vmem>>, vector<1x16xi32>,
    %swap3A_415 = vector.shape_cast %swap3A_414 : vector<1x16xi32> to vector<16xi32>
    %swap3A_416 = vector.shape_cast %shift_right_arithmetic3A_410 : vector<16xi32> to vector<1x16xi32>
    tpu.vector_store %arg9[%swap3A_412, %swap3A_413], %swap3A_416 {strides = array<i32>} : memref<4x128xi32, #tpu.memory_space<vmem>>, vector<1x16xi32>,
    %get3A_417 = arith.constant 3 : i32
    %get3A_418 = arith.index_cast %get3A_417 : i32 to index
    %get3A_419 = arith.constant 80 : index
    %get3A_420 = tpu.vector_load %arg7[%get3A_418, %get3A_419] {strides = array<i32>} : memref<4x128xi32, #tpu.memory_space<vmem>>, vector<1x16xi32>,
    %get3A_421 = vector.shape_cast %get3A_420 : vector<1x16xi32> to vector<16xi32>
    %shift_right_arithmetic3A_422 = arith.constant 4 : i32
    %shift_right_arithmetic3A_423 = vector.broadcast %shift_right_arithmetic3A_422 : i32 to vector<16xi32>
    %shift_right_arithmetic3A_424 = arith.shrsi %get3A_421, %shift_right_arithmetic3A_423 : vector<16xi32>
    %swap3A_425 = arith.constant 3 : i32
    %swap3A_426 = arith.index_cast %swap3A_425 : i32 to index
    %swap3A_427 = arith.constant 80 : index
    %swap3A_428 = tpu.vector_load %arg9[%swap3A_426, %swap3A_427] {strides = array<i32>} : memref<4x128xi32, #tpu.memory_space<vmem>>, vector<1x16xi32>,
    %swap3A_429 = vector.shape_cast %swap3A_428 : vector<1x16xi32> to vector<16xi32>
    %swap3A_430 = vector.shape_cast %shift_right_arithmetic3A_424 : vector<16xi32> to vector<1x16xi32>
    tpu.vector_store %arg9[%swap3A_426, %swap3A_427], %swap3A_430 {strides = array<i32>} : memref<4x128xi32, #tpu.memory_space<vmem>>, vector<1x16xi32>,
    %get3A_431 = arith.constant 3 : i32
    %get3A_432 = arith.index_cast %get3A_431 : i32 to index
    %get3A_433 = arith.constant 96 : index
    %get3A_434 = tpu.vector_load %arg7[%get3A_432, %get3A_433] {strides = array<i32>} : memref<4x128xi32, #tpu.memory_space<vmem>>, vector<1x16xi32>,
    %get3A_435 = vector.shape_cast %get3A_434 : vector<1x16xi32> to vector<16xi32>
    %shift_right_arithmetic3A_436 = arith.constant 4 : i32
    %shift_right_arithmetic3A_437 = vector.broadcast %shift_right_arithmetic3A_436 : i32 to vector<16xi32>
    %shift_right_arithmetic3A_438 = arith.shrsi %get3A_435, %shift_right_arithmetic3A_437 : vector<16xi32>
    %swap3A_439 = arith.constant 3 : i32
    %swap3A_440 = arith.index_cast %swap3A_439 : i32 to index
    %swap3A_441 = arith.constant 96 : index
    %swap3A_442 = tpu.vector_load %arg9[%swap3A_440, %swap3A_441] {strides = array<i32>} : memref<4x128xi32, #tpu.memory_space<vmem>>, vector<1x16xi32>,
    %swap3A_443 = vector.shape_cast %swap3A_442 : vector<1x16xi32> to vector<16xi32>
    %swap3A_444 = vector.shape_cast %shift_right_arithmetic3A_438 : vector<16xi32> to vector<1x16xi32>
    tpu.vector_store %arg9[%swap3A_440, %swap3A_441], %swap3A_444 {strides = array<i32>} : memref<4x128xi32, #tpu.memory_space<vmem>>, vector<1x16xi32>,
    %get3A_445 = arith.constant 3 : i32
    %get3A_446 = arith.index_cast %get3A_445 : i32 to index
    %get3A_447 = arith.constant 112 : index
    %get3A_448 = tpu.vector_load %arg7[%get3A_446, %get3A_447] {strides = array<i32>} : memref<4x128xi32, #tpu.memory_space<vmem>>, vector<1x16xi32>,
    %get3A_449 = vector.shape_cast %get3A_448 : vector<1x16xi32> to vector<16xi32>
    %shift_right_arithmetic3A_450 = arith.constant 4 : i32
    %shift_right_arithmetic3A_451 = vector.broadcast %shift_right_arithmetic3A_450 : i32 to vector<16xi32>
    %shift_right_arithmetic3A_452 = arith.shrsi %get3A_449, %shift_right_arithmetic3A_451 : vector<16xi32>
    %swap3A_453 = arith.constant 3 : i32
    %swap3A_454 = arith.index_cast %swap3A_453 : i32 to index
    %swap3A_455 = arith.constant 112 : index
    %swap3A_456 = tpu.vector_load %arg9[%swap3A_454, %swap3A_455] {strides = array<i32>} : memref<4x128xi32, #tpu.memory_space<vmem>>, vector<1x16xi32>,
    %swap3A_457 = vector.shape_cast %swap3A_456 : vector<1x16xi32> to vector<16xi32>
    %swap3A_458 = vector.shape_cast %shift_right_arithmetic3A_452 : vector<16xi32> to vector<1x16xi32>
    tpu.vector_store %arg9[%swap3A_454, %swap3A_455], %swap3A_458 {strides = array<i32>} : memref<4x128xi32, #tpu.memory_space<vmem>>, vector<1x16xi32>,
    %dma_start3A = arith.constant 0 : i32
    %dma_start3A_459 = arith.constant 0 : i32
    %dma_start3A_460 = arith.constant 0 : i32
    %dma_start3A_461 = tpu.memref_slice %arg11[%dma_start3A_459, %dma_start3A_460] : memref<512x64xf32, #tpu.memory_space<vmem>> -> memref<128x64xf32, #tpu.memory_space<vmem>>
    %dma_start3A_462 = arith.constant 0 : i32
    %dma_start3A_463 = tpu.memref_slice %arg7[%dma_start3A, %dma_start3A_462] : memref<4x128xi32, #tpu.memory_space<vmem>> -> memref<1x128xi32, #tpu.memory_space<vmem>>
    %dma_start3A_464 = tpu.memref_squeeze %dma_start3A_463 : memref<1x128xi32, #tpu.memory_space<vmem>> -> memref<128xi32, #tpu.memory_space<vmem>>
    %dma_start3A_465 = arith.constant 0 : i32
    %dma_start3A_466 = arith.constant 0 : i32
    %dma_start3A_467 = tpu.memref_slice %arg3[%dma_start3A_465, %dma_start3A_466] : memref<1000000x64xf32, #tpu.memory_space<hbm>> -> memref<1000000x64xf32, #tpu.memory_space<hbm>>
    tpu.enqueue_indirect_dma source(%dma_start3A_467 : memref<1000000x64xf32, #tpu.memory_space<hbm>>) target(%dma_start3A_461 : memref<128x64xf32, #tpu.memory_space<vmem>>) offsets(%dma_start3A_464 : memref<128xi32, #tpu.memory_space<vmem>>) semaphore(%arg14 : memref<!tpu.dma_semaphore, #tpu.memory_space<semaphore_mem>>)
    %dma_start3A_468 = arith.constant 0 : i32
    %dma_start3A_469 = arith.constant 0 : i32
    %dma_start3A_470 = arith.constant 0 : i32
    %dma_start3A_471 = tpu.memref_slice %arg12[%dma_start3A_469, %dma_start3A_470] : memref<512x16xf32, #tpu.memory_space<vmem>> -> memref<128x16xf32, #tpu.memory_space<vmem>>
    %dma_start3A_472 = arith.constant 0 : i32
    %dma_start3A_473 = tpu.memref_slice %arg9[%dma_start3A_468, %dma_start3A_472] : memref<4x128xi32, #tpu.memory_space<vmem>> -> memref<1x128xi32, #tpu.memory_space<vmem>>
    %dma_start3A_474 = tpu.memref_squeeze %dma_start3A_473 : memref<1x128xi32, #tpu.memory_space<vmem>> -> memref<128xi32, #tpu.memory_space<vmem>>
    %dma_start3A_475 = arith.constant 0 : i32
    %dma_start3A_476 = arith.constant 0 : i32
    %dma_start3A_477 = tpu.memref_slice %arg4[%dma_start3A_475, %dma_start3A_476] : memref<62500x16xf32, #tpu.memory_space<hbm>> -> memref<62500x16xf32, #tpu.memory_space<hbm>>
    tpu.enqueue_indirect_dma source(%dma_start3A_477 : memref<62500x16xf32, #tpu.memory_space<hbm>>) target(%dma_start3A_471 : memref<128x16xf32, #tpu.memory_space<vmem>>) offsets(%dma_start3A_474 : memref<128xi32, #tpu.memory_space<vmem>>) semaphore(%arg14 : memref<!tpu.dma_semaphore, #tpu.memory_space<semaphore_mem>>)
    %dma_start3A_478 = arith.constant 1 : i32
    %dma_start3A_479 = arith.constant 128 : i32
    %dma_start3A_480 = arith.constant 0 : i32
    %dma_start3A_481 = tpu.memref_slice %arg11[%dma_start3A_479, %dma_start3A_480] : memref<512x64xf32, #tpu.memory_space<vmem>> -> memref<128x64xf32, #tpu.memory_space<vmem>>
    %dma_start3A_482 = arith.constant 0 : i32
    %dma_start3A_483 = tpu.memref_slice %arg7[%dma_start3A_478, %dma_start3A_482] : memref<4x128xi32, #tpu.memory_space<vmem>> -> memref<1x128xi32, #tpu.memory_space<vmem>>
    %dma_start3A_484 = tpu.memref_squeeze %dma_start3A_483 : memref<1x128xi32, #tpu.memory_space<vmem>> -> memref<128xi32, #tpu.memory_space<vmem>>
    %dma_start3A_485 = arith.constant 0 : i32
    %dma_start3A_486 = arith.constant 0 : i32
    %dma_start3A_487 = tpu.memref_slice %arg3[%dma_start3A_485, %dma_start3A_486] : memref<1000000x64xf32, #tpu.memory_space<hbm>> -> memref<1000000x64xf32, #tpu.memory_space<hbm>>
    tpu.enqueue_indirect_dma source(%dma_start3A_487 : memref<1000000x64xf32, #tpu.memory_space<hbm>>) target(%dma_start3A_481 : memref<128x64xf32, #tpu.memory_space<vmem>>) offsets(%dma_start3A_484 : memref<128xi32, #tpu.memory_space<vmem>>) semaphore(%arg14 : memref<!tpu.dma_semaphore, #tpu.memory_space<semaphore_mem>>)
    %dma_start3A_488 = arith.constant 1 : i32
    %dma_start3A_489 = arith.constant 128 : i32
    %dma_start3A_490 = arith.constant 0 : i32
    %dma_start3A_491 = tpu.memref_slice %arg12[%dma_start3A_489, %dma_start3A_490] : memref<512x16xf32, #tpu.memory_space<vmem>> -> memref<128x16xf32, #tpu.memory_space<vmem>>
    %dma_start3A_492 = arith.constant 0 : i32
    %dma_start3A_493 = tpu.memref_slice %arg9[%dma_start3A_488, %dma_start3A_492] : memref<4x128xi32, #tpu.memory_space<vmem>> -> memref<1x128xi32, #tpu.memory_space<vmem>>
    %dma_start3A_494 = tpu.memref_squeeze %dma_start3A_493 : memref<1x128xi32, #tpu.memory_space<vmem>> -> memref<128xi32, #tpu.memory_space<vmem>>
    %dma_start3A_495 = arith.constant 0 : i32
    %dma_start3A_496 = arith.constant 0 : i32
    %dma_start3A_497 = tpu.memref_slice %arg4[%dma_start3A_495, %dma_start3A_496] : memref<62500x16xf32, #tpu.memory_space<hbm>> -> memref<62500x16xf32, #tpu.memory_space<hbm>>
    tpu.enqueue_indirect_dma source(%dma_start3A_497 : memref<62500x16xf32, #tpu.memory_space<hbm>>) target(%dma_start3A_491 : memref<128x16xf32, #tpu.memory_space<vmem>>) offsets(%dma_start3A_494 : memref<128xi32, #tpu.memory_space<vmem>>) semaphore(%arg14 : memref<!tpu.dma_semaphore, #tpu.memory_space<semaphore_mem>>)
    %dma_start3A_498 = arith.constant 2 : i32
    %dma_start3A_499 = arith.constant 256 : i32
    %dma_start3A_500 = arith.constant 0 : i32
    %dma_start3A_501 = tpu.memref_slice %arg11[%dma_start3A_499, %dma_start3A_500] : memref<512x64xf32, #tpu.memory_space<vmem>> -> memref<128x64xf32, #tpu.memory_space<vmem>>
    %dma_start3A_502 = arith.constant 0 : i32
    %dma_start3A_503 = tpu.memref_slice %arg7[%dma_start3A_498, %dma_start3A_502] : memref<4x128xi32, #tpu.memory_space<vmem>> -> memref<1x128xi32, #tpu.memory_space<vmem>>
    %dma_start3A_504 = tpu.memref_squeeze %dma_start3A_503 : memref<1x128xi32, #tpu.memory_space<vmem>> -> memref<128xi32, #tpu.memory_space<vmem>>
    %dma_start3A_505 = arith.constant 0 : i32
    %dma_start3A_506 = arith.constant 0 : i32
    %dma_start3A_507 = tpu.memref_slice %arg3[%dma_start3A_505, %dma_start3A_506] : memref<1000000x64xf32, #tpu.memory_space<hbm>> -> memref<1000000x64xf32, #tpu.memory_space<hbm>>
    tpu.enqueue_indirect_dma source(%dma_start3A_507 : memref<1000000x64xf32, #tpu.memory_space<hbm>>) target(%dma_start3A_501 : memref<128x64xf32, #tpu.memory_space<vmem>>) offsets(%dma_start3A_504 : memref<128xi32, #tpu.memory_space<vmem>>) semaphore(%arg14 : memref<!tpu.dma_semaphore, #tpu.memory_space<semaphore_mem>>)
    %dma_start3A_508 = arith.constant 2 : i32
    %dma_start3A_509 = arith.constant 256 : i32
    %dma_start3A_510 = arith.constant 0 : i32
    %dma_start3A_511 = tpu.memref_slice %arg12[%dma_start3A_509, %dma_start3A_510] : memref<512x16xf32, #tpu.memory_space<vmem>> -> memref<128x16xf32, #tpu.memory_space<vmem>>
    %dma_start3A_512 = arith.constant 0 : i32
    %dma_start3A_513 = tpu.memref_slice %arg9[%dma_start3A_508, %dma_start3A_512] : memref<4x128xi32, #tpu.memory_space<vmem>> -> memref<1x128xi32, #tpu.memory_space<vmem>>
    %dma_start3A_514 = tpu.memref_squeeze %dma_start3A_513 : memref<1x128xi32, #tpu.memory_space<vmem>> -> memref<128xi32, #tpu.memory_space<vmem>>
    %dma_start3A_515 = arith.constant 0 : i32
    %dma_start3A_516 = arith.constant 0 : i32
    %dma_start3A_517 = tpu.memref_slice %arg4[%dma_start3A_515, %dma_start3A_516] : memref<62500x16xf32, #tpu.memory_space<hbm>> -> memref<62500x16xf32, #tpu.memory_space<hbm>>
    tpu.enqueue_indirect_dma source(%dma_start3A_517 : memref<62500x16xf32, #tpu.memory_space<hbm>>) target(%dma_start3A_511 : memref<128x16xf32, #tpu.memory_space<vmem>>) offsets(%dma_start3A_514 : memref<128xi32, #tpu.memory_space<vmem>>) semaphore(%arg14 : memref<!tpu.dma_semaphore, #tpu.memory_space<semaphore_mem>>)
    %dma_start3A_518 = arith.constant 3 : i32
    %dma_start3A_519 = arith.constant 384 : i32
    %dma_start3A_520 = arith.constant 0 : i32
    %dma_start3A_521 = tpu.memref_slice %arg11[%dma_start3A_519, %dma_start3A_520] : memref<512x64xf32, #tpu.memory_space<vmem>> -> memref<128x64xf32, #tpu.memory_space<vmem>>
    %dma_start3A_522 = arith.constant 0 : i32
    %dma_start3A_523 = tpu.memref_slice %arg7[%dma_start3A_518, %dma_start3A_522] : memref<4x128xi32, #tpu.memory_space<vmem>> -> memref<1x128xi32, #tpu.memory_space<vmem>>
    %dma_start3A_524 = tpu.memref_squeeze %dma_start3A_523 : memref<1x128xi32, #tpu.memory_space<vmem>> -> memref<128xi32, #tpu.memory_space<vmem>>
    %dma_start3A_525 = arith.constant 0 : i32
    %dma_start3A_526 = arith.constant 0 : i32
    %dma_start3A_527 = tpu.memref_slice %arg3[%dma_start3A_525, %dma_start3A_526] : memref<1000000x64xf32, #tpu.memory_space<hbm>> -> memref<1000000x64xf32, #tpu.memory_space<hbm>>
    tpu.enqueue_indirect_dma source(%dma_start3A_527 : memref<1000000x64xf32, #tpu.memory_space<hbm>>) target(%dma_start3A_521 : memref<128x64xf32, #tpu.memory_space<vmem>>) offsets(%dma_start3A_524 : memref<128xi32, #tpu.memory_space<vmem>>) semaphore(%arg14 : memref<!tpu.dma_semaphore, #tpu.memory_space<semaphore_mem>>)
    %dma_start3A_528 = arith.constant 3 : i32
    %dma_start3A_529 = arith.constant 384 : i32
    %dma_start3A_530 = arith.constant 0 : i32
    %dma_start3A_531 = tpu.memref_slice %arg12[%dma_start3A_529, %dma_start3A_530] : memref<512x16xf32, #tpu.memory_space<vmem>> -> memref<128x16xf32, #tpu.memory_space<vmem>>
    %dma_start3A_532 = arith.constant 0 : i32
    %dma_start3A_533 = tpu.memref_slice %arg9[%dma_start3A_528, %dma_start3A_532] : memref<4x128xi32, #tpu.memory_space<vmem>> -> memref<1x128xi32, #tpu.memory_space<vmem>>
    %dma_start3A_534 = tpu.memref_squeeze %dma_start3A_533 : memref<1x128xi32, #tpu.memory_space<vmem>> -> memref<128xi32, #tpu.memory_space<vmem>>
    %dma_start3A_535 = arith.constant 0 : i32
    %dma_start3A_536 = arith.constant 0 : i32
    %dma_start3A_537 = tpu.memref_slice %arg4[%dma_start3A_535, %dma_start3A_536] : memref<62500x16xf32, #tpu.memory_space<hbm>> -> memref<62500x16xf32, #tpu.memory_space<hbm>>
    tpu.enqueue_indirect_dma source(%dma_start3A_537 : memref<62500x16xf32, #tpu.memory_space<hbm>>) target(%dma_start3A_531 : memref<128x16xf32, #tpu.memory_space<vmem>>) offsets(%dma_start3A_534 : memref<128xi32, #tpu.memory_space<vmem>>) semaphore(%arg14 : memref<!tpu.dma_semaphore, #tpu.memory_space<semaphore_mem>>)
    %dma_wait3A = arith.constant 0 : i32
    %dma_wait3A_538 = arith.constant 0 : i32
    %dma_wait3A_539 = arith.constant 0 : i32
    %dma_wait3A_540 = tpu.memref_slice %arg11[%dma_wait3A_538, %dma_wait3A_539] : memref<512x64xf32, #tpu.memory_space<vmem>> -> memref<128x64xf32, #tpu.memory_space<vmem>>
    %dma_wait3A_541 = arith.constant 0 : i32
    %dma_wait3A_542 = tpu.memref_slice %arg7[%dma_wait3A, %dma_wait3A_541] : memref<4x128xi32, #tpu.memory_space<vmem>> -> memref<1x128xi32, #tpu.memory_space<vmem>>
    %dma_wait3A_543 = tpu.memref_squeeze %dma_wait3A_542 : memref<1x128xi32, #tpu.memory_space<vmem>> -> memref<128xi32, #tpu.memory_space<vmem>>
    %dma_wait3A_544 = arith.constant 0 : i32
    %dma_wait3A_545 = arith.constant 0 : i32
    %dma_wait3A_546 = tpu.memref_slice %arg3[%dma_wait3A_544, %dma_wait3A_545] : memref<1000000x64xf32, #tpu.memory_space<hbm>> -> memref<1000000x64xf32, #tpu.memory_space<hbm>>
    tpu.wait_indirect_dma semaphore(%arg14 : memref<!tpu.dma_semaphore, #tpu.memory_space<semaphore_mem>>) src(%dma_wait3A_546 : memref<1000000x64xf32, #tpu.memory_space<hbm>>) dst(%dma_wait3A_540 : memref<128x64xf32, #tpu.memory_space<vmem>>)
    %dma_wait3A_547 = arith.constant 0 : i32
    %dma_wait3A_548 = arith.constant 0 : i32
    %dma_wait3A_549 = arith.constant 0 : i32
    %dma_wait3A_550 = tpu.memref_slice %arg12[%dma_wait3A_548, %dma_wait3A_549] : memref<512x16xf32, #tpu.memory_space<vmem>> -> memref<128x16xf32, #tpu.memory_space<vmem>>
    %dma_wait3A_551 = arith.constant 0 : i32
    %dma_wait3A_552 = tpu.memref_slice %arg9[%dma_wait3A_547, %dma_wait3A_551] : memref<4x128xi32, #tpu.memory_space<vmem>> -> memref<1x128xi32, #tpu.memory_space<vmem>>
    %dma_wait3A_553 = tpu.memref_squeeze %dma_wait3A_552 : memref<1x128xi32, #tpu.memory_space<vmem>> -> memref<128xi32, #tpu.memory_space<vmem>>
    %dma_wait3A_554 = arith.constant 0 : i32
    %dma_wait3A_555 = arith.constant 0 : i32
    %dma_wait3A_556 = tpu.memref_slice %arg4[%dma_wait3A_554, %dma_wait3A_555] : memref<62500x16xf32, #tpu.memory_space<hbm>> -> memref<62500x16xf32, #tpu.memory_space<hbm>>
    tpu.wait_indirect_dma semaphore(%arg14 : memref<!tpu.dma_semaphore, #tpu.memory_space<semaphore_mem>>) src(%dma_wait3A_556 : memref<62500x16xf32, #tpu.memory_space<hbm>>) dst(%dma_wait3A_550 : memref<128x16xf32, #tpu.memory_space<vmem>>)
    %dma_wait3A_557 = arith.constant 1 : i32
    %dma_wait3A_558 = arith.constant 128 : i32
    %dma_wait3A_559 = arith.constant 0 : i32
    %dma_wait3A_560 = tpu.memref_slice %arg11[%dma_wait3A_558, %dma_wait3A_559] : memref<512x64xf32, #tpu.memory_space<vmem>> -> memref<128x64xf32, #tpu.memory_space<vmem>>
    %dma_wait3A_561 = arith.constant 0 : i32
    %dma_wait3A_562 = tpu.memref_slice %arg7[%dma_wait3A_557, %dma_wait3A_561] : memref<4x128xi32, #tpu.memory_space<vmem>> -> memref<1x128xi32, #tpu.memory_space<vmem>>
    %dma_wait3A_563 = tpu.memref_squeeze %dma_wait3A_562 : memref<1x128xi32, #tpu.memory_space<vmem>> -> memref<128xi32, #tpu.memory_space<vmem>>
    %dma_wait3A_564 = arith.constant 0 : i32
    %dma_wait3A_565 = arith.constant 0 : i32
    %dma_wait3A_566 = tpu.memref_slice %arg3[%dma_wait3A_564, %dma_wait3A_565] : memref<1000000x64xf32, #tpu.memory_space<hbm>> -> memref<1000000x64xf32, #tpu.memory_space<hbm>>
    tpu.wait_indirect_dma semaphore(%arg14 : memref<!tpu.dma_semaphore, #tpu.memory_space<semaphore_mem>>) src(%dma_wait3A_566 : memref<1000000x64xf32, #tpu.memory_space<hbm>>) dst(%dma_wait3A_560 : memref<128x64xf32, #tpu.memory_space<vmem>>)
    %dma_wait3A_567 = arith.constant 1 : i32
    %dma_wait3A_568 = arith.constant 128 : i32
    %dma_wait3A_569 = arith.constant 0 : i32
    %dma_wait3A_570 = tpu.memref_slice %arg12[%dma_wait3A_568, %dma_wait3A_569] : memref<512x16xf32, #tpu.memory_space<vmem>> -> memref<128x16xf32, #tpu.memory_space<vmem>>
    %dma_wait3A_571 = arith.constant 0 : i32
    %dma_wait3A_572 = tpu.memref_slice %arg9[%dma_wait3A_567, %dma_wait3A_571] : memref<4x128xi32, #tpu.memory_space<vmem>> -> memref<1x128xi32, #tpu.memory_space<vmem>>
    %dma_wait3A_573 = tpu.memref_squeeze %dma_wait3A_572 : memref<1x128xi32, #tpu.memory_space<vmem>> -> memref<128xi32, #tpu.memory_space<vmem>>
    %dma_wait3A_574 = arith.constant 0 : i32
    %dma_wait3A_575 = arith.constant 0 : i32
    %dma_wait3A_576 = tpu.memref_slice %arg4[%dma_wait3A_574, %dma_wait3A_575] : memref<62500x16xf32, #tpu.memory_space<hbm>> -> memref<62500x16xf32, #tpu.memory_space<hbm>>
    tpu.wait_indirect_dma semaphore(%arg14 : memref<!tpu.dma_semaphore, #tpu.memory_space<semaphore_mem>>) src(%dma_wait3A_576 : memref<62500x16xf32, #tpu.memory_space<hbm>>) dst(%dma_wait3A_570 : memref<128x16xf32, #tpu.memory_space<vmem>>)
    %dma_wait3A_577 = arith.constant 2 : i32
    %dma_wait3A_578 = arith.constant 256 : i32
    %dma_wait3A_579 = arith.constant 0 : i32
    %dma_wait3A_580 = tpu.memref_slice %arg11[%dma_wait3A_578, %dma_wait3A_579] : memref<512x64xf32, #tpu.memory_space<vmem>> -> memref<128x64xf32, #tpu.memory_space<vmem>>
    %dma_wait3A_581 = arith.constant 0 : i32
    %dma_wait3A_582 = tpu.memref_slice %arg7[%dma_wait3A_577, %dma_wait3A_581] : memref<4x128xi32, #tpu.memory_space<vmem>> -> memref<1x128xi32, #tpu.memory_space<vmem>>
    %dma_wait3A_583 = tpu.memref_squeeze %dma_wait3A_582 : memref<1x128xi32, #tpu.memory_space<vmem>> -> memref<128xi32, #tpu.memory_space<vmem>>
    %dma_wait3A_584 = arith.constant 0 : i32
    %dma_wait3A_585 = arith.constant 0 : i32
    %dma_wait3A_586 = tpu.memref_slice %arg3[%dma_wait3A_584, %dma_wait3A_585] : memref<1000000x64xf32, #tpu.memory_space<hbm>> -> memref<1000000x64xf32, #tpu.memory_space<hbm>>
    tpu.wait_indirect_dma semaphore(%arg14 : memref<!tpu.dma_semaphore, #tpu.memory_space<semaphore_mem>>) src(%dma_wait3A_586 : memref<1000000x64xf32, #tpu.memory_space<hbm>>) dst(%dma_wait3A_580 : memref<128x64xf32, #tpu.memory_space<vmem>>)
    %dma_wait3A_587 = arith.constant 2 : i32
    %dma_wait3A_588 = arith.constant 256 : i32
    %dma_wait3A_589 = arith.constant 0 : i32
    %dma_wait3A_590 = tpu.memref_slice %arg12[%dma_wait3A_588, %dma_wait3A_589] : memref<512x16xf32, #tpu.memory_space<vmem>> -> memref<128x16xf32, #tpu.memory_space<vmem>>
    %dma_wait3A_591 = arith.constant 0 : i32
    %dma_wait3A_592 = tpu.memref_slice %arg9[%dma_wait3A_587, %dma_wait3A_591] : memref<4x128xi32, #tpu.memory_space<vmem>> -> memref<1x128xi32, #tpu.memory_space<vmem>>
    %dma_wait3A_593 = tpu.memref_squeeze %dma_wait3A_592 : memref<1x128xi32, #tpu.memory_space<vmem>> -> memref<128xi32, #tpu.memory_space<vmem>>
    %dma_wait3A_594 = arith.constant 0 : i32
    %dma_wait3A_595 = arith.constant 0 : i32
    %dma_wait3A_596 = tpu.memref_slice %arg4[%dma_wait3A_594, %dma_wait3A_595] : memref<62500x16xf32, #tpu.memory_space<hbm>> -> memref<62500x16xf32, #tpu.memory_space<hbm>>
    tpu.wait_indirect_dma semaphore(%arg14 : memref<!tpu.dma_semaphore, #tpu.memory_space<semaphore_mem>>) src(%dma_wait3A_596 : memref<62500x16xf32, #tpu.memory_space<hbm>>) dst(%dma_wait3A_590 : memref<128x16xf32, #tpu.memory_space<vmem>>)
    %dma_wait3A_597 = arith.constant 3 : i32
    %dma_wait3A_598 = arith.constant 384 : i32
    %dma_wait3A_599 = arith.constant 0 : i32
    %dma_wait3A_600 = tpu.memref_slice %arg11[%dma_wait3A_598, %dma_wait3A_599] : memref<512x64xf32, #tpu.memory_space<vmem>> -> memref<128x64xf32, #tpu.memory_space<vmem>>
    %dma_wait3A_601 = arith.constant 0 : i32
    %dma_wait3A_602 = tpu.memref_slice %arg7[%dma_wait3A_597, %dma_wait3A_601] : memref<4x128xi32, #tpu.memory_space<vmem>> -> memref<1x128xi32, #tpu.memory_space<vmem>>
    %dma_wait3A_603 = tpu.memref_squeeze %dma_wait3A_602 : memref<1x128xi32, #tpu.memory_space<vmem>> -> memref<128xi32, #tpu.memory_space<vmem>>
    %dma_wait3A_604 = arith.constant 0 : i32
    %dma_wait3A_605 = arith.constant 0 : i32
    %dma_wait3A_606 = tpu.memref_slice %arg3[%dma_wait3A_604, %dma_wait3A_605] : memref<1000000x64xf32, #tpu.memory_space<hbm>> -> memref<1000000x64xf32, #tpu.memory_space<hbm>>
    tpu.wait_indirect_dma semaphore(%arg14 : memref<!tpu.dma_semaphore, #tpu.memory_space<semaphore_mem>>) src(%dma_wait3A_606 : memref<1000000x64xf32, #tpu.memory_space<hbm>>) dst(%dma_wait3A_600 : memref<128x64xf32, #tpu.memory_space<vmem>>)
    %dma_wait3A_607 = arith.constant 3 : i32
    %dma_wait3A_608 = arith.constant 384 : i32
    %dma_wait3A_609 = arith.constant 0 : i32
    %dma_wait3A_610 = tpu.memref_slice %arg12[%dma_wait3A_608, %dma_wait3A_609] : memref<512x16xf32, #tpu.memory_space<vmem>> -> memref<128x16xf32, #tpu.memory_space<vmem>>
    %dma_wait3A_611 = arith.constant 0 : i32
    %dma_wait3A_612 = tpu.memref_slice %arg9[%dma_wait3A_607, %dma_wait3A_611] : memref<4x128xi32, #tpu.memory_space<vmem>> -> memref<1x128xi32, #tpu.memory_space<vmem>>
    %dma_wait3A_613 = tpu.memref_squeeze %dma_wait3A_612 : memref<1x128xi32, #tpu.memory_space<vmem>> -> memref<128xi32, #tpu.memory_space<vmem>>
    %dma_wait3A_614 = arith.constant 0 : i32
    %dma_wait3A_615 = arith.constant 0 : i32
    %dma_wait3A_616 = tpu.memref_slice %arg4[%dma_wait3A_614, %dma_wait3A_615] : memref<62500x16xf32, #tpu.memory_space<hbm>> -> memref<62500x16xf32, #tpu.memory_space<hbm>>
    tpu.wait_indirect_dma semaphore(%arg14 : memref<!tpu.dma_semaphore, #tpu.memory_space<semaphore_mem>>) src(%dma_wait3A_616 : memref<62500x16xf32, #tpu.memory_space<hbm>>) dst(%dma_wait3A_610 : memref<128x16xf32, #tpu.memory_space<vmem>>)
    %iota3A = tpu.iota {dimensions = array<i32: 0>} : vector<16xi32>
    %scan3A = arith.constant 0 : i32
    %scan3A_617 = arith.constant 0 : i32
    %scan3A_618 = arith.constant 32 : i32
    %scan3A_619 = arith.addi %scan3A_617, %scan3A_618 : i32
    %scan3A_620 = arith.constant 1 : i32
    scf.for %scan3A_622 = %scan3A_617 to %scan3A_619 step %scan3A_620  : i32 {
      %mul3A_623 = arith.constant 16 : i32
      %mul3A_624 = arith.muli %scan3A_622, %mul3A_623 : i32
      %broadcast_in_dim3A = arith.constant 0.000000e+00 : f32
      %broadcast_in_dim3A_625 = vector.broadcast %broadcast_in_dim3A : f32 to vector<16xf32>
      %get3A_626 = arith.index_cast %mul3A_624 : i32 to index
      %get3A_627 = tpu.vector_load %arg8[%get3A_626] {strides = array<i32>} : memref<512xi32, #tpu.memory_space<vmem>>, vector<16xi32>,
      %get3A_628 = vector.shape_cast %get3A_627 : vector<16xi32> to vector<16xi32>
      %and3A = arith.constant 15 : i32
      %and3A_629 = vector.broadcast %and3A : i32 to vector<16xi32>
      %and3A_630 = arith.andi %get3A_628, %and3A_629 : vector<16xi32>
      %mul3A_631 = arith.constant 16 : i32
      %mul3A_632 = arith.muli %scan3A_622, %mul3A_631 : i32
      %add3A_633 = arith.constant 0 : i32
      %add3A_634 = arith.addi %mul3A_632, %add3A_633 : i32
      %get3A_635 = arith.index_cast %add3A_634 : i32 to index
      %get3A_636 = arith.constant 0 : index
      %get3A_637 = tpu.vector_load %arg10[%get3A_635, %get3A_636] {strides = array<i32>} : memref<512x64xf32, #tpu.memory_space<vmem>>, vector<1x16xf32>,
      %get3A_638 = vector.shape_cast %get3A_637 : vector<1x16xf32> to vector<16xf32>
      %get3A_639 = arith.index_cast %add3A_634 : i32 to index
      %get3A_640 = arith.constant 0 : index
      %get3A_641 = tpu.vector_load %arg11[%get3A_639, %get3A_640] {strides = array<i32>} : memref<512x64xf32, #tpu.memory_space<vmem>>, vector<1x16xf32>,
      %get3A_642 = vector.shape_cast %get3A_641 : vector<1x16xf32> to vector<16xf32>
      %mul3A_643 = arith.mulf %get3A_638, %get3A_642 : vector<16xf32>
      %get3A_644 = arith.index_cast %add3A_634 : i32 to index
      %get3A_645 = arith.constant 16 : index
      %get3A_646 = tpu.vector_load %arg10[%get3A_644, %get3A_645] {strides = array<i32>} : memref<512x64xf32, #tpu.memory_space<vmem>>, vector<1x16xf32>,
      %get3A_647 = vector.shape_cast %get3A_646 : vector<1x16xf32> to vector<16xf32>
      %get3A_648 = arith.index_cast %add3A_634 : i32 to index
      %get3A_649 = arith.constant 16 : index
      %get3A_650 = tpu.vector_load %arg11[%get3A_648, %get3A_649] {strides = array<i32>} : memref<512x64xf32, #tpu.memory_space<vmem>>, vector<1x16xf32>,
      %get3A_651 = vector.shape_cast %get3A_650 : vector<1x16xf32> to vector<16xf32>
      %mul3A_652 = arith.mulf %get3A_647, %get3A_651 : vector<16xf32>
      %add3A_653 = arith.addf %mul3A_643, %mul3A_652 : vector<16xf32>
      %get3A_654 = arith.index_cast %add3A_634 : i32 to index
      %get3A_655 = arith.constant 32 : index
      %get3A_656 = tpu.vector_load %arg10[%get3A_654, %get3A_655] {strides = array<i32>} : memref<512x64xf32, #tpu.memory_space<vmem>>, vector<1x16xf32>,
      %get3A_657 = vector.shape_cast %get3A_656 : vector<1x16xf32> to vector<16xf32>
      %get3A_658 = arith.index_cast %add3A_634 : i32 to index
      %get3A_659 = arith.constant 32 : index
      %get3A_660 = tpu.vector_load %arg11[%get3A_658, %get3A_659] {strides = array<i32>} : memref<512x64xf32, #tpu.memory_space<vmem>>, vector<1x16xf32>,
      %get3A_661 = vector.shape_cast %get3A_660 : vector<1x16xf32> to vector<16xf32>
      %mul3A_662 = arith.mulf %get3A_657, %get3A_661 : vector<16xf32>
      %add3A_663 = arith.addf %add3A_653, %mul3A_662 : vector<16xf32>
      %get3A_664 = arith.index_cast %add3A_634 : i32 to index
      %get3A_665 = arith.constant 48 : index
      %get3A_666 = tpu.vector_load %arg10[%get3A_664, %get3A_665] {strides = array<i32>} : memref<512x64xf32, #tpu.memory_space<vmem>>, vector<1x16xf32>,
      %get3A_667 = vector.shape_cast %get3A_666 : vector<1x16xf32> to vector<16xf32>
      %get3A_668 = arith.index_cast %add3A_634 : i32 to index
      %get3A_669 = arith.constant 48 : index
      %get3A_670 = tpu.vector_load %arg11[%get3A_668, %get3A_669] {strides = array<i32>} : memref<512x64xf32, #tpu.memory_space<vmem>>, vector<1x16xf32>,
      %get3A_671 = vector.shape_cast %get3A_670 : vector<1x16xf32> to vector<16xf32>
      %mul3A_672 = arith.mulf %get3A_667, %get3A_671 : vector<16xf32>
      %add3A_673 = arith.addf %add3A_663, %mul3A_672 : vector<16xf32>
      %slice3A = vector.extract_strided_slice %and3A_630 {offsets = [0], sizes = [1], strides = [1]} : vector<16xi32> to vector<1xi32>
      %squeeze3A = vector.extract %slice3A[0] : i32 from vector<1xi32>
      %eq3A = vector.broadcast %squeeze3A : i32 to vector<16xi32>
      %eq3A_674 = arith.cmpi eq, %iota3A, %eq3A : vector<16xi32>
      %get3A_675 = arith.index_cast %add3A_634 : i32 to index
      %get3A_676 = arith.constant 0 : index
      %get3A_677 = tpu.vector_load %arg12[%get3A_675, %get3A_676] {strides = array<i32>} : memref<512x16xf32, #tpu.memory_space<vmem>>, vector<1x16xf32>,
      %get3A_678 = vector.shape_cast %get3A_677 : vector<1x16xf32> to vector<16xf32>
      %jit3A = arith.constant 0.000000e+00 : f32
      %broadcast_in_dim3A_679 = vector.broadcast %jit3A : f32 to vector<16xf32>
      %select_n3A = arith.select %eq3A_674, %get3A_678, %broadcast_in_dim3A_679 : vector<16xi1>, vector<16xf32>
      %add3A_680 = arith.addf %add3A_673, %select_n3A : vector<16xf32>
      %xor3A = arith.constant 1 : i32
      %xor3A_681 = vector.broadcast %xor3A : i32 to vector<16xi32>
      %xor3A_682 = arith.xori %iota3A, %xor3A_681 : vector<16xi32>
      %broadcast_in_dim3A_683 = vector.shape_cast %xor3A_682 : vector<16xi32> to vector<16x1xi32>
      %gather3A = vector.shape_cast %broadcast_in_dim3A_683 : vector<16x1xi32> to vector<16xi32>
      %gather3A_684 = tpu.dynamic_gather %add3A_680[%gather3A] in [0] : vector<16xf32>, vector<16xi32> -> vector<16xf32>
      %add3A_685 = arith.addf %add3A_680, %gather3A_684 : vector<16xf32>
      %xor3A_686 = arith.constant 2 : i32
      %xor3A_687 = vector.broadcast %xor3A_686 : i32 to vector<16xi32>
      %xor3A_688 = arith.xori %iota3A, %xor3A_687 : vector<16xi32>
      %broadcast_in_dim3A_689 = vector.shape_cast %xor3A_688 : vector<16xi32> to vector<16x1xi32>
      %gather3A_690 = vector.shape_cast %broadcast_in_dim3A_689 : vector<16x1xi32> to vector<16xi32>
      %gather3A_691 = tpu.dynamic_gather %add3A_685[%gather3A_690] in [0] : vector<16xf32>, vector<16xi32> -> vector<16xf32>
      %add3A_692 = arith.addf %add3A_685, %gather3A_691 : vector<16xf32>
      %xor3A_693 = arith.constant 4 : i32
      %xor3A_694 = vector.broadcast %xor3A_693 : i32 to vector<16xi32>
      %xor3A_695 = arith.xori %iota3A, %xor3A_694 : vector<16xi32>
      %broadcast_in_dim3A_696 = vector.shape_cast %xor3A_695 : vector<16xi32> to vector<16x1xi32>
      %gather3A_697 = vector.shape_cast %broadcast_in_dim3A_696 : vector<16x1xi32> to vector<16xi32>
      %gather3A_698 = tpu.dynamic_gather %add3A_692[%gather3A_697] in [0] : vector<16xf32>, vector<16xi32> -> vector<16xf32>
      %add3A_699 = arith.addf %add3A_692, %gather3A_698 : vector<16xf32>
      %xor3A_700 = arith.constant 8 : i32
      %xor3A_701 = vector.broadcast %xor3A_700 : i32 to vector<16xi32>
      %xor3A_702 = arith.xori %iota3A, %xor3A_701 : vector<16xi32>
      %broadcast_in_dim3A_703 = vector.shape_cast %xor3A_702 : vector<16xi32> to vector<16x1xi32>
      %gather3A_704 = vector.shape_cast %broadcast_in_dim3A_703 : vector<16x1xi32> to vector<16xi32>
      %gather3A_705 = tpu.dynamic_gather %add3A_699[%gather3A_704] in [0] : vector<16xf32>, vector<16xi32> -> vector<16xf32>
      %add3A_706 = arith.addf %add3A_699, %gather3A_705 : vector<16xf32>
      %eq3A_707 = arith.constant 0 : i32
      %eq3A_708 = vector.broadcast %eq3A_707 : i32 to vector<16xi32>
      %eq3A_709 = arith.cmpi eq, %iota3A, %eq3A_708 : vector<16xi32>
      %select_n3A_710 = arith.select %eq3A_709, %add3A_706, %broadcast_in_dim3A_625 : vector<16xi1>, vector<16xf32>
      %mul3A_711 = arith.constant 16 : i32
      %mul3A_712 = arith.muli %scan3A_622, %mul3A_711 : i32
      %add3A_713 = arith.constant 1 : i32
      %add3A_714 = arith.addi %mul3A_712, %add3A_713 : i32
      %get3A_715 = arith.index_cast %add3A_714 : i32 to index
      %get3A_716 = arith.constant 0 : index
      %get3A_717 = tpu.vector_load %arg10[%get3A_715, %get3A_716] {strides = array<i32>} : memref<512x64xf32, #tpu.memory_space<vmem>>, vector<1x16xf32>,
      %get3A_718 = vector.shape_cast %get3A_717 : vector<1x16xf32> to vector<16xf32>
      %get3A_719 = arith.index_cast %add3A_714 : i32 to index
      %get3A_720 = arith.constant 0 : index
      %get3A_721 = tpu.vector_load %arg11[%get3A_719, %get3A_720] {strides = array<i32>} : memref<512x64xf32, #tpu.memory_space<vmem>>, vector<1x16xf32>,
      %get3A_722 = vector.shape_cast %get3A_721 : vector<1x16xf32> to vector<16xf32>
      %mul3A_723 = arith.mulf %get3A_718, %get3A_722 : vector<16xf32>
      %get3A_724 = arith.index_cast %add3A_714 : i32 to index
      %get3A_725 = arith.constant 16 : index
      %get3A_726 = tpu.vector_load %arg10[%get3A_724, %get3A_725] {strides = array<i32>} : memref<512x64xf32, #tpu.memory_space<vmem>>, vector<1x16xf32>,
      %get3A_727 = vector.shape_cast %get3A_726 : vector<1x16xf32> to vector<16xf32>
      %get3A_728 = arith.index_cast %add3A_714 : i32 to index
      %get3A_729 = arith.constant 16 : index
      %get3A_730 = tpu.vector_load %arg11[%get3A_728, %get3A_729] {strides = array<i32>} : memref<512x64xf32, #tpu.memory_space<vmem>>, vector<1x16xf32>,
      %get3A_731 = vector.shape_cast %get3A_730 : vector<1x16xf32> to vector<16xf32>
      %mul3A_732 = arith.mulf %get3A_727, %get3A_731 : vector<16xf32>
      %add3A_733 = arith.addf %mul3A_723, %mul3A_732 : vector<16xf32>
      %get3A_734 = arith.index_cast %add3A_714 : i32 to index
      %get3A_735 = arith.constant 32 : index
      %get3A_736 = tpu.vector_load %arg10[%get3A_734, %get3A_735] {strides = array<i32>} : memref<512x64xf32, #tpu.memory_space<vmem>>, vector<1x16xf32>,
      %get3A_737 = vector.shape_cast %get3A_736 : vector<1x16xf32> to vector<16xf32>
      %get3A_738 = arith.index_cast %add3A_714 : i32 to index
      %get3A_739 = arith.constant 32 : index
      %get3A_740 = tpu.vector_load %arg11[%get3A_738, %get3A_739] {strides = array<i32>} : memref<512x64xf32, #tpu.memory_space<vmem>>, vector<1x16xf32>,
      %get3A_741 = vector.shape_cast %get3A_740 : vector<1x16xf32> to vector<16xf32>
      %mul3A_742 = arith.mulf %get3A_737, %get3A_741 : vector<16xf32>
      %add3A_743 = arith.addf %add3A_733, %mul3A_742 : vector<16xf32>
      %get3A_744 = arith.index_cast %add3A_714 : i32 to index
      %get3A_745 = arith.constant 48 : index
      %get3A_746 = tpu.vector_load %arg10[%get3A_744, %get3A_745] {strides = array<i32>} : memref<512x64xf32, #tpu.memory_space<vmem>>, vector<1x16xf32>,
      %get3A_747 = vector.shape_cast %get3A_746 : vector<1x16xf32> to vector<16xf32>
      %get3A_748 = arith.index_cast %add3A_714 : i32 to index
      %get3A_749 = arith.constant 48 : index
      %get3A_750 = tpu.vector_load %arg11[%get3A_748, %get3A_749] {strides = array<i32>} : memref<512x64xf32, #tpu.memory_space<vmem>>, vector<1x16xf32>,
      %get3A_751 = vector.shape_cast %get3A_750 : vector<1x16xf32> to vector<16xf32>
      %mul3A_752 = arith.mulf %get3A_747, %get3A_751 : vector<16xf32>
      %add3A_753 = arith.addf %add3A_743, %mul3A_752 : vector<16xf32>
      %slice3A_754 = vector.extract_strided_slice %and3A_630 {offsets = [1], sizes = [1], strides = [1]} : vector<16xi32> to vector<1xi32>
      %squeeze3A_755 = vector.extract %slice3A_754[0] : i32 from vector<1xi32>
      %eq3A_756 = vector.broadcast %squeeze3A_755 : i32 to vector<16xi32>
      %eq3A_757 = arith.cmpi eq, %iota3A, %eq3A_756 : vector<16xi32>
      %get3A_758 = arith.index_cast %add3A_714 : i32 to index
      %get3A_759 = arith.constant 0 : index
      %get3A_760 = tpu.vector_load %arg12[%get3A_758, %get3A_759] {strides = array<i32>} : memref<512x16xf32, #tpu.memory_space<vmem>>, vector<1x16xf32>,
      %get3A_761 = vector.shape_cast %get3A_760 : vector<1x16xf32> to vector<16xf32>
      %jit3A_762 = arith.constant 0.000000e+00 : f32
      %broadcast_in_dim3A_763 = vector.broadcast %jit3A_762 : f32 to vector<16xf32>
      %select_n3A_764 = arith.select %eq3A_757, %get3A_761, %broadcast_in_dim3A_763 : vector<16xi1>, vector<16xf32>
      %add3A_765 = arith.addf %add3A_753, %select_n3A_764 : vector<16xf32>
      %xor3A_766 = arith.constant 1 : i32
      %xor3A_767 = vector.broadcast %xor3A_766 : i32 to vector<16xi32>
      %xor3A_768 = arith.xori %iota3A, %xor3A_767 : vector<16xi32>
      %broadcast_in_dim3A_769 = vector.shape_cast %xor3A_768 : vector<16xi32> to vector<16x1xi32>
      %gather3A_770 = vector.shape_cast %broadcast_in_dim3A_769 : vector<16x1xi32> to vector<16xi32>
      %gather3A_771 = tpu.dynamic_gather %add3A_765[%gather3A_770] in [0] : vector<16xf32>, vector<16xi32> -> vector<16xf32>
      %add3A_772 = arith.addf %add3A_765, %gather3A_771 : vector<16xf32>
      %xor3A_773 = arith.constant 2 : i32
      %xor3A_774 = vector.broadcast %xor3A_773 : i32 to vector<16xi32>
      %xor3A_775 = arith.xori %iota3A, %xor3A_774 : vector<16xi32>
      %broadcast_in_dim3A_776 = vector.shape_cast %xor3A_775 : vector<16xi32> to vector<16x1xi32>
      %gather3A_777 = vector.shape_cast %broadcast_in_dim3A_776 : vector<16x1xi32> to vector<16xi32>
      %gather3A_778 = tpu.dynamic_gather %add3A_772[%gather3A_777] in [0] : vector<16xf32>, vector<16xi32> -> vector<16xf32>
      %add3A_779 = arith.addf %add3A_772, %gather3A_778 : vector<16xf32>
      %xor3A_780 = arith.constant 4 : i32
      %xor3A_781 = vector.broadcast %xor3A_780 : i32 to vector<16xi32>
      %xor3A_782 = arith.xori %iota3A, %xor3A_781 : vector<16xi32>
      %broadcast_in_dim3A_783 = vector.shape_cast %xor3A_782 : vector<16xi32> to vector<16x1xi32>
      %gather3A_784 = vector.shape_cast %broadcast_in_dim3A_783 : vector<16x1xi32> to vector<16xi32>
      %gather3A_785 = tpu.dynamic_gather %add3A_779[%gather3A_784] in [0] : vector<16xf32>, vector<16xi32> -> vector<16xf32>
      %add3A_786 = arith.addf %add3A_779, %gather3A_785 : vector<16xf32>
      %xor3A_787 = arith.constant 8 : i32
      %xor3A_788 = vector.broadcast %xor3A_787 : i32 to vector<16xi32>
      %xor3A_789 = arith.xori %iota3A, %xor3A_788 : vector<16xi32>
      %broadcast_in_dim3A_790 = vector.shape_cast %xor3A_789 : vector<16xi32> to vector<16x1xi32>
      %gather3A_791 = vector.shape_cast %broadcast_in_dim3A_790 : vector<16x1xi32> to vector<16xi32>
      %gather3A_792 = tpu.dynamic_gather %add3A_786[%gather3A_791] in [0] : vector<16xf32>, vector<16xi32> -> vector<16xf32>
      %add3A_793 = arith.addf %add3A_786, %gather3A_792 : vector<16xf32>
      %eq3A_794 = arith.constant 1 : i32
      %eq3A_795 = vector.broadcast %eq3A_794 : i32 to vector<16xi32>
      %eq3A_796 = arith.cmpi eq, %iota3A, %eq3A_795 : vector<16xi32>
      %select_n3A_797 = arith.select %eq3A_796, %add3A_793, %select_n3A_710 : vector<16xi1>, vector<16xf32>
      %mul3A_798 = arith.constant 16 : i32
      %mul3A_799 = arith.muli %scan3A_622, %mul3A_798 : i32
      %add3A_800 = arith.constant 2 : i32
      %add3A_801 = arith.addi %mul3A_799, %add3A_800 : i32
      %get3A_802 = arith.index_cast %add3A_801 : i32 to index
      %get3A_803 = arith.constant 0 : index
      %get3A_804 = tpu.vector_load %arg10[%get3A_802, %get3A_803] {strides = array<i32>} : memref<512x64xf32, #tpu.memory_space<vmem>>, vector<1x16xf32>,
      %get3A_805 = vector.shape_cast %get3A_804 : vector<1x16xf32> to vector<16xf32>
      %get3A_806 = arith.index_cast %add3A_801 : i32 to index
      %get3A_807 = arith.constant 0 : index
      %get3A_808 = tpu.vector_load %arg11[%get3A_806, %get3A_807] {strides = array<i32>} : memref<512x64xf32, #tpu.memory_space<vmem>>, vector<1x16xf32>,
      %get3A_809 = vector.shape_cast %get3A_808 : vector<1x16xf32> to vector<16xf32>
      %mul3A_810 = arith.mulf %get3A_805, %get3A_809 : vector<16xf32>
      %get3A_811 = arith.index_cast %add3A_801 : i32 to index
      %get3A_812 = arith.constant 16 : index
      %get3A_813 = tpu.vector_load %arg10[%get3A_811, %get3A_812] {strides = array<i32>} : memref<512x64xf32, #tpu.memory_space<vmem>>, vector<1x16xf32>,
      %get3A_814 = vector.shape_cast %get3A_813 : vector<1x16xf32> to vector<16xf32>
      %get3A_815 = arith.index_cast %add3A_801 : i32 to index
      %get3A_816 = arith.constant 16 : index
      %get3A_817 = tpu.vector_load %arg11[%get3A_815, %get3A_816] {strides = array<i32>} : memref<512x64xf32, #tpu.memory_space<vmem>>, vector<1x16xf32>,
      %get3A_818 = vector.shape_cast %get3A_817 : vector<1x16xf32> to vector<16xf32>
      %mul3A_819 = arith.mulf %get3A_814, %get3A_818 : vector<16xf32>
      %add3A_820 = arith.addf %mul3A_810, %mul3A_819 : vector<16xf32>
      %get3A_821 = arith.index_cast %add3A_801 : i32 to index
      %get3A_822 = arith.constant 32 : index
      %get3A_823 = tpu.vector_load %arg10[%get3A_821, %get3A_822] {strides = array<i32>} : memref<512x64xf32, #tpu.memory_space<vmem>>, vector<1x16xf32>,
      %get3A_824 = vector.shape_cast %get3A_823 : vector<1x16xf32> to vector<16xf32>
      %get3A_825 = arith.index_cast %add3A_801 : i32 to index
      %get3A_826 = arith.constant 32 : index
      %get3A_827 = tpu.vector_load %arg11[%get3A_825, %get3A_826] {strides = array<i32>} : memref<512x64xf32, #tpu.memory_space<vmem>>, vector<1x16xf32>,
      %get3A_828 = vector.shape_cast %get3A_827 : vector<1x16xf32> to vector<16xf32>
      %mul3A_829 = arith.mulf %get3A_824, %get3A_828 : vector<16xf32>
      %add3A_830 = arith.addf %add3A_820, %mul3A_829 : vector<16xf32>
      %get3A_831 = arith.index_cast %add3A_801 : i32 to index
      %get3A_832 = arith.constant 48 : index
      %get3A_833 = tpu.vector_load %arg10[%get3A_831, %get3A_832] {strides = array<i32>} : memref<512x64xf32, #tpu.memory_space<vmem>>, vector<1x16xf32>,
      %get3A_834 = vector.shape_cast %get3A_833 : vector<1x16xf32> to vector<16xf32>
      %get3A_835 = arith.index_cast %add3A_801 : i32 to index
      %get3A_836 = arith.constant 48 : index
      %get3A_837 = tpu.vector_load %arg11[%get3A_835, %get3A_836] {strides = array<i32>} : memref<512x64xf32, #tpu.memory_space<vmem>>, vector<1x16xf32>,
      %get3A_838 = vector.shape_cast %get3A_837 : vector<1x16xf32> to vector<16xf32>
      %mul3A_839 = arith.mulf %get3A_834, %get3A_838 : vector<16xf32>
      %add3A_840 = arith.addf %add3A_830, %mul3A_839 : vector<16xf32>
      %slice3A_841 = vector.extract_strided_slice %and3A_630 {offsets = [2], sizes = [1], strides = [1]} : vector<16xi32> to vector<1xi32>
      %squeeze3A_842 = vector.extract %slice3A_841[0] : i32 from vector<1xi32>
      %eq3A_843 = vector.broadcast %squeeze3A_842 : i32 to vector<16xi32>
      %eq3A_844 = arith.cmpi eq, %iota3A, %eq3A_843 : vector<16xi32>
      %get3A_845 = arith.index_cast %add3A_801 : i32 to index
      %get3A_846 = arith.constant 0 : index
      %get3A_847 = tpu.vector_load %arg12[%get3A_845, %get3A_846] {strides = array<i32>} : memref<512x16xf32, #tpu.memory_space<vmem>>, vector<1x16xf32>,
      %get3A_848 = vector.shape_cast %get3A_847 : vector<1x16xf32> to vector<16xf32>
      %jit3A_849 = arith.constant 0.000000e+00 : f32
      %broadcast_in_dim3A_850 = vector.broadcast %jit3A_849 : f32 to vector<16xf32>
      %select_n3A_851 = arith.select %eq3A_844, %get3A_848, %broadcast_in_dim3A_850 : vector<16xi1>, vector<16xf32>
      %add3A_852 = arith.addf %add3A_840, %select_n3A_851 : vector<16xf32>
      %xor3A_853 = arith.constant 1 : i32
      %xor3A_854 = vector.broadcast %xor3A_853 : i32 to vector<16xi32>
      %xor3A_855 = arith.xori %iota3A, %xor3A_854 : vector<16xi32>
      %broadcast_in_dim3A_856 = vector.shape_cast %xor3A_855 : vector<16xi32> to vector<16x1xi32>
      %gather3A_857 = vector.shape_cast %broadcast_in_dim3A_856 : vector<16x1xi32> to vector<16xi32>
      %gather3A_858 = tpu.dynamic_gather %add3A_852[%gather3A_857] in [0] : vector<16xf32>, vector<16xi32> -> vector<16xf32>
      %add3A_859 = arith.addf %add3A_852, %gather3A_858 : vector<16xf32>
      %xor3A_860 = arith.constant 2 : i32
      %xor3A_861 = vector.broadcast %xor3A_860 : i32 to vector<16xi32>
      %xor3A_862 = arith.xori %iota3A, %xor3A_861 : vector<16xi32>
      %broadcast_in_dim3A_863 = vector.shape_cast %xor3A_862 : vector<16xi32> to vector<16x1xi32>
      %gather3A_864 = vector.shape_cast %broadcast_in_dim3A_863 : vector<16x1xi32> to vector<16xi32>
      %gather3A_865 = tpu.dynamic_gather %add3A_859[%gather3A_864] in [0] : vector<16xf32>, vector<16xi32> -> vector<16xf32>
      %add3A_866 = arith.addf %add3A_859, %gather3A_865 : vector<16xf32>
      %xor3A_867 = arith.constant 4 : i32
      %xor3A_868 = vector.broadcast %xor3A_867 : i32 to vector<16xi32>
      %xor3A_869 = arith.xori %iota3A, %xor3A_868 : vector<16xi32>
      %broadcast_in_dim3A_870 = vector.shape_cast %xor3A_869 : vector<16xi32> to vector<16x1xi32>
      %gather3A_871 = vector.shape_cast %broadcast_in_dim3A_870 : vector<16x1xi32> to vector<16xi32>
      %gather3A_872 = tpu.dynamic_gather %add3A_866[%gather3A_871] in [0] : vector<16xf32>, vector<16xi32> -> vector<16xf32>
      %add3A_873 = arith.addf %add3A_866, %gather3A_872 : vector<16xf32>
      %xor3A_874 = arith.constant 8 : i32
      %xor3A_875 = vector.broadcast %xor3A_874 : i32 to vector<16xi32>
      %xor3A_876 = arith.xori %iota3A, %xor3A_875 : vector<16xi32>
      %broadcast_in_dim3A_877 = vector.shape_cast %xor3A_876 : vector<16xi32> to vector<16x1xi32>
      %gather3A_878 = vector.shape_cast %broadcast_in_dim3A_877 : vector<16x1xi32> to vector<16xi32>
      %gather3A_879 = tpu.dynamic_gather %add3A_873[%gather3A_878] in [0] : vector<16xf32>, vector<16xi32> -> vector<16xf32>
      %add3A_880 = arith.addf %add3A_873, %gather3A_879 : vector<16xf32>
      %eq3A_881 = arith.constant 2 : i32
      %eq3A_882 = vector.broadcast %eq3A_881 : i32 to vector<16xi32>
      %eq3A_883 = arith.cmpi eq, %iota3A, %eq3A_882 : vector<16xi32>
      %select_n3A_884 = arith.select %eq3A_883, %add3A_880, %select_n3A_797 : vector<16xi1>, vector<16xf32>
      %mul3A_885 = arith.constant 16 : i32
      %mul3A_886 = arith.muli %scan3A_622, %mul3A_885 : i32
      %add3A_887 = arith.constant 3 : i32
      %add3A_888 = arith.addi %mul3A_886, %add3A_887 : i32
      %get3A_889 = arith.index_cast %add3A_888 : i32 to index
      %get3A_890 = arith.constant 0 : index
      %get3A_891 = tpu.vector_load %arg10[%get3A_889, %get3A_890] {strides = array<i32>} : memref<512x64xf32, #tpu.memory_space<vmem>>, vector<1x16xf32>,
      %get3A_892 = vector.shape_cast %get3A_891 : vector<1x16xf32> to vector<16xf32>
      %get3A_893 = arith.index_cast %add3A_888 : i32 to index
      %get3A_894 = arith.constant 0 : index
      %get3A_895 = tpu.vector_load %arg11[%get3A_893, %get3A_894] {strides = array<i32>} : memref<512x64xf32, #tpu.memory_space<vmem>>, vector<1x16xf32>,
      %get3A_896 = vector.shape_cast %get3A_895 : vector<1x16xf32> to vector<16xf32>
      %mul3A_897 = arith.mulf %get3A_892, %get3A_896 : vector<16xf32>
      %get3A_898 = arith.index_cast %add3A_888 : i32 to index
      %get3A_899 = arith.constant 16 : index
      %get3A_900 = tpu.vector_load %arg10[%get3A_898, %get3A_899] {strides = array<i32>} : memref<512x64xf32, #tpu.memory_space<vmem>>, vector<1x16xf32>,
      %get3A_901 = vector.shape_cast %get3A_900 : vector<1x16xf32> to vector<16xf32>
      %get3A_902 = arith.index_cast %add3A_888 : i32 to index
      %get3A_903 = arith.constant 16 : index
      %get3A_904 = tpu.vector_load %arg11[%get3A_902, %get3A_903] {strides = array<i32>} : memref<512x64xf32, #tpu.memory_space<vmem>>, vector<1x16xf32>,
      %get3A_905 = vector.shape_cast %get3A_904 : vector<1x16xf32> to vector<16xf32>
      %mul3A_906 = arith.mulf %get3A_901, %get3A_905 : vector<16xf32>
      %add3A_907 = arith.addf %mul3A_897, %mul3A_906 : vector<16xf32>
      %get3A_908 = arith.index_cast %add3A_888 : i32 to index
      %get3A_909 = arith.constant 32 : index
      %get3A_910 = tpu.vector_load %arg10[%get3A_908, %get3A_909] {strides = array<i32>} : memref<512x64xf32, #tpu.memory_space<vmem>>, vector<1x16xf32>,
      %get3A_911 = vector.shape_cast %get3A_910 : vector<1x16xf32> to vector<16xf32>
      %get3A_912 = arith.index_cast %add3A_888 : i32 to index
      %get3A_913 = arith.constant 32 : index
      %get3A_914 = tpu.vector_load %arg11[%get3A_912, %get3A_913] {strides = array<i32>} : memref<512x64xf32, #tpu.memory_space<vmem>>, vector<1x16xf32>,
      %get3A_915 = vector.shape_cast %get3A_914 : vector<1x16xf32> to vector<16xf32>
      %mul3A_916 = arith.mulf %get3A_911, %get3A_915 : vector<16xf32>
      %add3A_917 = arith.addf %add3A_907, %mul3A_916 : vector<16xf32>
      %get3A_918 = arith.index_cast %add3A_888 : i32 to index
      %get3A_919 = arith.constant 48 : index
      %get3A_920 = tpu.vector_load %arg10[%get3A_918, %get3A_919] {strides = array<i32>} : memref<512x64xf32, #tpu.memory_space<vmem>>, vector<1x16xf32>,
      %get3A_921 = vector.shape_cast %get3A_920 : vector<1x16xf32> to vector<16xf32>
      %get3A_922 = arith.index_cast %add3A_888 : i32 to index
      %get3A_923 = arith.constant 48 : index
      %get3A_924 = tpu.vector_load %arg11[%get3A_922, %get3A_923] {strides = array<i32>} : memref<512x64xf32, #tpu.memory_space<vmem>>, vector<1x16xf32>,
      %get3A_925 = vector.shape_cast %get3A_924 : vector<1x16xf32> to vector<16xf32>
      %mul3A_926 = arith.mulf %get3A_921, %get3A_925 : vector<16xf32>
      %add3A_927 = arith.addf %add3A_917, %mul3A_926 : vector<16xf32>
      %slice3A_928 = vector.extract_strided_slice %and3A_630 {offsets = [3], sizes = [1], strides = [1]} : vector<16xi32> to vector<1xi32>
      %squeeze3A_929 = vector.extract %slice3A_928[0] : i32 from vector<1xi32>
      %eq3A_930 = vector.broadcast %squeeze3A_929 : i32 to vector<16xi32>
      %eq3A_931 = arith.cmpi eq, %iota3A, %eq3A_930 : vector<16xi32>
      %get3A_932 = arith.index_cast %add3A_888 : i32 to index
      %get3A_933 = arith.constant 0 : index
      %get3A_934 = tpu.vector_load %arg12[%get3A_932, %get3A_933] {strides = array<i32>} : memref<512x16xf32, #tpu.memory_space<vmem>>, vector<1x16xf32>,
      %get3A_935 = vector.shape_cast %get3A_934 : vector<1x16xf32> to vector<16xf32>
      %jit3A_936 = arith.constant 0.000000e+00 : f32
      %broadcast_in_dim3A_937 = vector.broadcast %jit3A_936 : f32 to vector<16xf32>
      %select_n3A_938 = arith.select %eq3A_931, %get3A_935, %broadcast_in_dim3A_937 : vector<16xi1>, vector<16xf32>
      %add3A_939 = arith.addf %add3A_927, %select_n3A_938 : vector<16xf32>
      %xor3A_940 = arith.constant 1 : i32
      %xor3A_941 = vector.broadcast %xor3A_940 : i32 to vector<16xi32>
      %xor3A_942 = arith.xori %iota3A, %xor3A_941 : vector<16xi32>
      %broadcast_in_dim3A_943 = vector.shape_cast %xor3A_942 : vector<16xi32> to vector<16x1xi32>
      %gather3A_944 = vector.shape_cast %broadcast_in_dim3A_943 : vector<16x1xi32> to vector<16xi32>
      %gather3A_945 = tpu.dynamic_gather %add3A_939[%gather3A_944] in [0] : vector<16xf32>, vector<16xi32> -> vector<16xf32>
      %add3A_946 = arith.addf %add3A_939, %gather3A_945 : vector<16xf32>
      %xor3A_947 = arith.constant 2 : i32
      %xor3A_948 = vector.broadcast %xor3A_947 : i32 to vector<16xi32>
      %xor3A_949 = arith.xori %iota3A, %xor3A_948 : vector<16xi32>
      %broadcast_in_dim3A_950 = vector.shape_cast %xor3A_949 : vector<16xi32> to vector<16x1xi32>
      %gather3A_951 = vector.shape_cast %broadcast_in_dim3A_950 : vector<16x1xi32> to vector<16xi32>
      %gather3A_952 = tpu.dynamic_gather %add3A_946[%gather3A_951] in [0] : vector<16xf32>, vector<16xi32> -> vector<16xf32>
      %add3A_953 = arith.addf %add3A_946, %gather3A_952 : vector<16xf32>
      %xor3A_954 = arith.constant 4 : i32
      %xor3A_955 = vector.broadcast %xor3A_954 : i32 to vector<16xi32>
      %xor3A_956 = arith.xori %iota3A, %xor3A_955 : vector<16xi32>
      %broadcast_in_dim3A_957 = vector.shape_cast %xor3A_956 : vector<16xi32> to vector<16x1xi32>
      %gather3A_958 = vector.shape_cast %broadcast_in_dim3A_957 : vector<16x1xi32> to vector<16xi32>
      %gather3A_959 = tpu.dynamic_gather %add3A_953[%gather3A_958] in [0] : vector<16xf32>, vector<16xi32> -> vector<16xf32>
      %add3A_960 = arith.addf %add3A_953, %gather3A_959 : vector<16xf32>
      %xor3A_961 = arith.constant 8 : i32
      %xor3A_962 = vector.broadcast %xor3A_961 : i32 to vector<16xi32>
      %xor3A_963 = arith.xori %iota3A, %xor3A_962 : vector<16xi32>
      %broadcast_in_dim3A_964 = vector.shape_cast %xor3A_963 : vector<16xi32> to vector<16x1xi32>
      %gather3A_965 = vector.shape_cast %broadcast_in_dim3A_964 : vector<16x1xi32> to vector<16xi32>
      %gather3A_966 = tpu.dynamic_gather %add3A_960[%gather3A_965] in [0] : vector<16xf32>, vector<16xi32> -> vector<16xf32>
      %add3A_967 = arith.addf %add3A_960, %gather3A_966 : vector<16xf32>
      %eq3A_968 = arith.constant 3 : i32
      %eq3A_969 = vector.broadcast %eq3A_968 : i32 to vector<16xi32>
      %eq3A_970 = arith.cmpi eq, %iota3A, %eq3A_969 : vector<16xi32>
      %select_n3A_971 = arith.select %eq3A_970, %add3A_967, %select_n3A_884 : vector<16xi1>, vector<16xf32>
      %mul3A_972 = arith.constant 16 : i32
      %mul3A_973 = arith.muli %scan3A_622, %mul3A_972 : i32
      %add3A_974 = arith.constant 4 : i32
      %add3A_975 = arith.addi %mul3A_973, %add3A_974 : i32
      %get3A_976 = arith.index_cast %add3A_975 : i32 to index
      %get3A_977 = arith.constant 0 : index
      %get3A_978 = tpu.vector_load %arg10[%get3A_976, %get3A_977] {strides = array<i32>} : memref<512x64xf32, #tpu.memory_space<vmem>>, vector<1x16xf32>,
      %get3A_979 = vector.shape_cast %get3A_978 : vector<1x16xf32> to vector<16xf32>
      %get3A_980 = arith.index_cast %add3A_975 : i32 to index
      %get3A_981 = arith.constant 0 : index
      %get3A_982 = tpu.vector_load %arg11[%get3A_980, %get3A_981] {strides = array<i32>} : memref<512x64xf32, #tpu.memory_space<vmem>>, vector<1x16xf32>,
      %get3A_983 = vector.shape_cast %get3A_982 : vector<1x16xf32> to vector<16xf32>
      %mul3A_984 = arith.mulf %get3A_979, %get3A_983 : vector<16xf32>
      %get3A_985 = arith.index_cast %add3A_975 : i32 to index
      %get3A_986 = arith.constant 16 : index
      %get3A_987 = tpu.vector_load %arg10[%get3A_985, %get3A_986] {strides = array<i32>} : memref<512x64xf32, #tpu.memory_space<vmem>>, vector<1x16xf32>,
      %get3A_988 = vector.shape_cast %get3A_987 : vector<1x16xf32> to vector<16xf32>
      %get3A_989 = arith.index_cast %add3A_975 : i32 to index
      %get3A_990 = arith.constant 16 : index
      %get3A_991 = tpu.vector_load %arg11[%get3A_989, %get3A_990] {strides = array<i32>} : memref<512x64xf32, #tpu.memory_space<vmem>>, vector<1x16xf32>,
      %get3A_992 = vector.shape_cast %get3A_991 : vector<1x16xf32> to vector<16xf32>
      %mul3A_993 = arith.mulf %get3A_988, %get3A_992 : vector<16xf32>
      %add3A_994 = arith.addf %mul3A_984, %mul3A_993 : vector<16xf32>
      %get3A_995 = arith.index_cast %add3A_975 : i32 to index
      %get3A_996 = arith.constant 32 : index
      %get3A_997 = tpu.vector_load %arg10[%get3A_995, %get3A_996] {strides = array<i32>} : memref<512x64xf32, #tpu.memory_space<vmem>>, vector<1x16xf32>,
      %get3A_998 = vector.shape_cast %get3A_997 : vector<1x16xf32> to vector<16xf32>
      %get3A_999 = arith.index_cast %add3A_975 : i32 to index
      %get3A_1000 = arith.constant 32 : index
      %get3A_1001 = tpu.vector_load %arg11[%get3A_999, %get3A_1000] {strides = array<i32>} : memref<512x64xf32, #tpu.memory_space<vmem>>, vector<1x16xf32>,
      %get3A_1002 = vector.shape_cast %get3A_1001 : vector<1x16xf32> to vector<16xf32>
      %mul3A_1003 = arith.mulf %get3A_998, %get3A_1002 : vector<16xf32>
      %add3A_1004 = arith.addf %add3A_994, %mul3A_1003 : vector<16xf32>
      %get3A_1005 = arith.index_cast %add3A_975 : i32 to index
      %get3A_1006 = arith.constant 48 : index
      %get3A_1007 = tpu.vector_load %arg10[%get3A_1005, %get3A_1006] {strides = array<i32>} : memref<512x64xf32, #tpu.memory_space<vmem>>, vector<1x16xf32>,
      %get3A_1008 = vector.shape_cast %get3A_1007 : vector<1x16xf32> to vector<16xf32>
      %get3A_1009 = arith.index_cast %add3A_975 : i32 to index
      %get3A_1010 = arith.constant 48 : index
      %get3A_1011 = tpu.vector_load %arg11[%get3A_1009, %get3A_1010] {strides = array<i32>} : memref<512x64xf32, #tpu.memory_space<vmem>>, vector<1x16xf32>,
      %get3A_1012 = vector.shape_cast %get3A_1011 : vector<1x16xf32> to vector<16xf32>
      %mul3A_1013 = arith.mulf %get3A_1008, %get3A_1012 : vector<16xf32>
      %add3A_1014 = arith.addf %add3A_1004, %mul3A_1013 : vector<16xf32>
      %slice3A_1015 = vector.extract_strided_slice %and3A_630 {offsets = [4], sizes = [1], strides = [1]} : vector<16xi32> to vector<1xi32>
      %squeeze3A_1016 = vector.extract %slice3A_1015[0] : i32 from vector<1xi32>
      %eq3A_1017 = vector.broadcast %squeeze3A_1016 : i32 to vector<16xi32>
      %eq3A_1018 = arith.cmpi eq, %iota3A, %eq3A_1017 : vector<16xi32>
      %get3A_1019 = arith.index_cast %add3A_975 : i32 to index
      %get3A_1020 = arith.constant 0 : index
      %get3A_1021 = tpu.vector_load %arg12[%get3A_1019, %get3A_1020] {strides = array<i32>} : memref<512x16xf32, #tpu.memory_space<vmem>>, vector<1x16xf32>,
      %get3A_1022 = vector.shape_cast %get3A_1021 : vector<1x16xf32> to vector<16xf32>
      %jit3A_1023 = arith.constant 0.000000e+00 : f32
      %broadcast_in_dim3A_1024 = vector.broadcast %jit3A_1023 : f32 to vector<16xf32>
      %select_n3A_1025 = arith.select %eq3A_1018, %get3A_1022, %broadcast_in_dim3A_1024 : vector<16xi1>, vector<16xf32>
      %add3A_1026 = arith.addf %add3A_1014, %select_n3A_1025 : vector<16xf32>
      %xor3A_1027 = arith.constant 1 : i32
      %xor3A_1028 = vector.broadcast %xor3A_1027 : i32 to vector<16xi32>
      %xor3A_1029 = arith.xori %iota3A, %xor3A_1028 : vector<16xi32>
      %broadcast_in_dim3A_1030 = vector.shape_cast %xor3A_1029 : vector<16xi32> to vector<16x1xi32>
      %gather3A_1031 = vector.shape_cast %broadcast_in_dim3A_1030 : vector<16x1xi32> to vector<16xi32>
      %gather3A_1032 = tpu.dynamic_gather %add3A_1026[%gather3A_1031] in [0] : vector<16xf32>, vector<16xi32> -> vector<16xf32>
      %add3A_1033 = arith.addf %add3A_1026, %gather3A_1032 : vector<16xf32>
      %xor3A_1034 = arith.constant 2 : i32
      %xor3A_1035 = vector.broadcast %xor3A_1034 : i32 to vector<16xi32>
      %xor3A_1036 = arith.xori %iota3A, %xor3A_1035 : vector<16xi32>
      %broadcast_in_dim3A_1037 = vector.shape_cast %xor3A_1036 : vector<16xi32> to vector<16x1xi32>
      %gather3A_1038 = vector.shape_cast %broadcast_in_dim3A_1037 : vector<16x1xi32> to vector<16xi32>
      %gather3A_1039 = tpu.dynamic_gather %add3A_1033[%gather3A_1038] in [0] : vector<16xf32>, vector<16xi32> -> vector<16xf32>
      %add3A_1040 = arith.addf %add3A_1033, %gather3A_1039 : vector<16xf32>
      %xor3A_1041 = arith.constant 4 : i32
      %xor3A_1042 = vector.broadcast %xor3A_1041 : i32 to vector<16xi32>
      %xor3A_1043 = arith.xori %iota3A, %xor3A_1042 : vector<16xi32>
      %broadcast_in_dim3A_1044 = vector.shape_cast %xor3A_1043 : vector<16xi32> to vector<16x1xi32>
      %gather3A_1045 = vector.shape_cast %broadcast_in_dim3A_1044 : vector<16x1xi32> to vector<16xi32>
      %gather3A_1046 = tpu.dynamic_gather %add3A_1040[%gather3A_1045] in [0] : vector<16xf32>, vector<16xi32> -> vector<16xf32>
      %add3A_1047 = arith.addf %add3A_1040, %gather3A_1046 : vector<16xf32>
      %xor3A_1048 = arith.constant 8 : i32
      %xor3A_1049 = vector.broadcast %xor3A_1048 : i32 to vector<16xi32>
      %xor3A_1050 = arith.xori %iota3A, %xor3A_1049 : vector<16xi32>
      %broadcast_in_dim3A_1051 = vector.shape_cast %xor3A_1050 : vector<16xi32> to vector<16x1xi32>
      %gather3A_1052 = vector.shape_cast %broadcast_in_dim3A_1051 : vector<16x1xi32> to vector<16xi32>
      %gather3A_1053 = tpu.dynamic_gather %add3A_1047[%gather3A_1052] in [0] : vector<16xf32>, vector<16xi32> -> vector<16xf32>
      %add3A_1054 = arith.addf %add3A_1047, %gather3A_1053 : vector<16xf32>
      %eq3A_1055 = arith.constant 4 : i32
      %eq3A_1056 = vector.broadcast %eq3A_1055 : i32 to vector<16xi32>
      %eq3A_1057 = arith.cmpi eq, %iota3A, %eq3A_1056 : vector<16xi32>
      %select_n3A_1058 = arith.select %eq3A_1057, %add3A_1054, %select_n3A_971 : vector<16xi1>, vector<16xf32>
      %mul3A_1059 = arith.constant 16 : i32
      %mul3A_1060 = arith.muli %scan3A_622, %mul3A_1059 : i32
      %add3A_1061 = arith.constant 5 : i32
      %add3A_1062 = arith.addi %mul3A_1060, %add3A_1061 : i32
      %get3A_1063 = arith.index_cast %add3A_1062 : i32 to index
      %get3A_1064 = arith.constant 0 : index
      %get3A_1065 = tpu.vector_load %arg10[%get3A_1063, %get3A_1064] {strides = array<i32>} : memref<512x64xf32, #tpu.memory_space<vmem>>, vector<1x16xf32>,
      %get3A_1066 = vector.shape_cast %get3A_1065 : vector<1x16xf32> to vector<16xf32>
      %get3A_1067 = arith.index_cast %add3A_1062 : i32 to index
      %get3A_1068 = arith.constant 0 : index
      %get3A_1069 = tpu.vector_load %arg11[%get3A_1067, %get3A_1068] {strides = array<i32>} : memref<512x64xf32, #tpu.memory_space<vmem>>, vector<1x16xf32>,
      %get3A_1070 = vector.shape_cast %get3A_1069 : vector<1x16xf32> to vector<16xf32>
      %mul3A_1071 = arith.mulf %get3A_1066, %get3A_1070 : vector<16xf32>
      %get3A_1072 = arith.index_cast %add3A_1062 : i32 to index
      %get3A_1073 = arith.constant 16 : index
      %get3A_1074 = tpu.vector_load %arg10[%get3A_1072, %get3A_1073] {strides = array<i32>} : memref<512x64xf32, #tpu.memory_space<vmem>>, vector<1x16xf32>,
      %get3A_1075 = vector.shape_cast %get3A_1074 : vector<1x16xf32> to vector<16xf32>
      %get3A_1076 = arith.index_cast %add3A_1062 : i32 to index
      %get3A_1077 = arith.constant 16 : index
      %get3A_1078 = tpu.vector_load %arg11[%get3A_1076, %get3A_1077] {strides = array<i32>} : memref<512x64xf32, #tpu.memory_space<vmem>>, vector<1x16xf32>,
      %get3A_1079 = vector.shape_cast %get3A_1078 : vector<1x16xf32> to vector<16xf32>
      %mul3A_1080 = arith.mulf %get3A_1075, %get3A_1079 : vector<16xf32>
      %add3A_1081 = arith.addf %mul3A_1071, %mul3A_1080 : vector<16xf32>
      %get3A_1082 = arith.index_cast %add3A_1062 : i32 to index
      %get3A_1083 = arith.constant 32 : index
      %get3A_1084 = tpu.vector_load %arg10[%get3A_1082, %get3A_1083] {strides = array<i32>} : memref<512x64xf32, #tpu.memory_space<vmem>>, vector<1x16xf32>,
      %get3A_1085 = vector.shape_cast %get3A_1084 : vector<1x16xf32> to vector<16xf32>
      %get3A_1086 = arith.index_cast %add3A_1062 : i32 to index
      %get3A_1087 = arith.constant 32 : index
      %get3A_1088 = tpu.vector_load %arg11[%get3A_1086, %get3A_1087] {strides = array<i32>} : memref<512x64xf32, #tpu.memory_space<vmem>>, vector<1x16xf32>,
      %get3A_1089 = vector.shape_cast %get3A_1088 : vector<1x16xf32> to vector<16xf32>
      %mul3A_1090 = arith.mulf %get3A_1085, %get3A_1089 : vector<16xf32>
      %add3A_1091 = arith.addf %add3A_1081, %mul3A_1090 : vector<16xf32>
      %get3A_1092 = arith.index_cast %add3A_1062 : i32 to index
      %get3A_1093 = arith.constant 48 : index
      %get3A_1094 = tpu.vector_load %arg10[%get3A_1092, %get3A_1093] {strides = array<i32>} : memref<512x64xf32, #tpu.memory_space<vmem>>, vector<1x16xf32>,
      %get3A_1095 = vector.shape_cast %get3A_1094 : vector<1x16xf32> to vector<16xf32>
      %get3A_1096 = arith.index_cast %add3A_1062 : i32 to index
      %get3A_1097 = arith.constant 48 : index
      %get3A_1098 = tpu.vector_load %arg11[%get3A_1096, %get3A_1097] {strides = array<i32>} : memref<512x64xf32, #tpu.memory_space<vmem>>, vector<1x16xf32>,
      %get3A_1099 = vector.shape_cast %get3A_1098 : vector<1x16xf32> to vector<16xf32>
      %mul3A_1100 = arith.mulf %get3A_1095, %get3A_1099 : vector<16xf32>
      %add3A_1101 = arith.addf %add3A_1091, %mul3A_1100 : vector<16xf32>
      %slice3A_1102 = vector.extract_strided_slice %and3A_630 {offsets = [5], sizes = [1], strides = [1]} : vector<16xi32> to vector<1xi32>
      %squeeze3A_1103 = vector.extract %slice3A_1102[0] : i32 from vector<1xi32>
      %eq3A_1104 = vector.broadcast %squeeze3A_1103 : i32 to vector<16xi32>
      %eq3A_1105 = arith.cmpi eq, %iota3A, %eq3A_1104 : vector<16xi32>
      %get3A_1106 = arith.index_cast %add3A_1062 : i32 to index
      %get3A_1107 = arith.constant 0 : index
      %get3A_1108 = tpu.vector_load %arg12[%get3A_1106, %get3A_1107] {strides = array<i32>} : memref<512x16xf32, #tpu.memory_space<vmem>>, vector<1x16xf32>,
      %get3A_1109 = vector.shape_cast %get3A_1108 : vector<1x16xf32> to vector<16xf32>
      %jit3A_1110 = arith.constant 0.000000e+00 : f32
      %broadcast_in_dim3A_1111 = vector.broadcast %jit3A_1110 : f32 to vector<16xf32>
      %select_n3A_1112 = arith.select %eq3A_1105, %get3A_1109, %broadcast_in_dim3A_1111 : vector<16xi1>, vector<16xf32>
      %add3A_1113 = arith.addf %add3A_1101, %select_n3A_1112 : vector<16xf32>
      %xor3A_1114 = arith.constant 1 : i32
      %xor3A_1115 = vector.broadcast %xor3A_1114 : i32 to vector<16xi32>
      %xor3A_1116 = arith.xori %iota3A, %xor3A_1115 : vector<16xi32>
      %broadcast_in_dim3A_1117 = vector.shape_cast %xor3A_1116 : vector<16xi32> to vector<16x1xi32>
      %gather3A_1118 = vector.shape_cast %broadcast_in_dim3A_1117 : vector<16x1xi32> to vector<16xi32>
      %gather3A_1119 = tpu.dynamic_gather %add3A_1113[%gather3A_1118] in [0] : vector<16xf32>, vector<16xi32> -> vector<16xf32>
      %add3A_1120 = arith.addf %add3A_1113, %gather3A_1119 : vector<16xf32>
      %xor3A_1121 = arith.constant 2 : i32
      %xor3A_1122 = vector.broadcast %xor3A_1121 : i32 to vector<16xi32>
      %xor3A_1123 = arith.xori %iota3A, %xor3A_1122 : vector<16xi32>
      %broadcast_in_dim3A_1124 = vector.shape_cast %xor3A_1123 : vector<16xi32> to vector<16x1xi32>
      %gather3A_1125 = vector.shape_cast %broadcast_in_dim3A_1124 : vector<16x1xi32> to vector<16xi32>
      %gather3A_1126 = tpu.dynamic_gather %add3A_1120[%gather3A_1125] in [0] : vector<16xf32>, vector<16xi32> -> vector<16xf32>
      %add3A_1127 = arith.addf %add3A_1120, %gather3A_1126 : vector<16xf32>
      %xor3A_1128 = arith.constant 4 : i32
      %xor3A_1129 = vector.broadcast %xor3A_1128 : i32 to vector<16xi32>
      %xor3A_1130 = arith.xori %iota3A, %xor3A_1129 : vector<16xi32>
      %broadcast_in_dim3A_1131 = vector.shape_cast %xor3A_1130 : vector<16xi32> to vector<16x1xi32>
      %gather3A_1132 = vector.shape_cast %broadcast_in_dim3A_1131 : vector<16x1xi32> to vector<16xi32>
      %gather3A_1133 = tpu.dynamic_gather %add3A_1127[%gather3A_1132] in [0] : vector<16xf32>, vector<16xi32> -> vector<16xf32>
      %add3A_1134 = arith.addf %add3A_1127, %gather3A_1133 : vector<16xf32>
      %xor3A_1135 = arith.constant 8 : i32
      %xor3A_1136 = vector.broadcast %xor3A_1135 : i32 to vector<16xi32>
      %xor3A_1137 = arith.xori %iota3A, %xor3A_1136 : vector<16xi32>
      %broadcast_in_dim3A_1138 = vector.shape_cast %xor3A_1137 : vector<16xi32> to vector<16x1xi32>
      %gather3A_1139 = vector.shape_cast %broadcast_in_dim3A_1138 : vector<16x1xi32> to vector<16xi32>
      %gather3A_1140 = tpu.dynamic_gather %add3A_1134[%gather3A_1139] in [0] : vector<16xf32>, vector<16xi32> -> vector<16xf32>
      %add3A_1141 = arith.addf %add3A_1134, %gather3A_1140 : vector<16xf32>
      %eq3A_1142 = arith.constant 5 : i32
      %eq3A_1143 = vector.broadcast %eq3A_1142 : i32 to vector<16xi32>
      %eq3A_1144 = arith.cmpi eq, %iota3A, %eq3A_1143 : vector<16xi32>
      %select_n3A_1145 = arith.select %eq3A_1144, %add3A_1141, %select_n3A_1058 : vector<16xi1>, vector<16xf32>
      %mul3A_1146 = arith.constant 16 : i32
      %mul3A_1147 = arith.muli %scan3A_622, %mul3A_1146 : i32
      %add3A_1148 = arith.constant 6 : i32
      %add3A_1149 = arith.addi %mul3A_1147, %add3A_1148 : i32
      %get3A_1150 = arith.index_cast %add3A_1149 : i32 to index
      %get3A_1151 = arith.constant 0 : index
      %get3A_1152 = tpu.vector_load %arg10[%get3A_1150, %get3A_1151] {strides = array<i32>} : memref<512x64xf32, #tpu.memory_space<vmem>>, vector<1x16xf32>,
      %get3A_1153 = vector.shape_cast %get3A_1152 : vector<1x16xf32> to vector<16xf32>
      %get3A_1154 = arith.index_cast %add3A_1149 : i32 to index
      %get3A_1155 = arith.constant 0 : index
      %get3A_1156 = tpu.vector_load %arg11[%get3A_1154, %get3A_1155] {strides = array<i32>} : memref<512x64xf32, #tpu.memory_space<vmem>>, vector<1x16xf32>,
      %get3A_1157 = vector.shape_cast %get3A_1156 : vector<1x16xf32> to vector<16xf32>
      %mul3A_1158 = arith.mulf %get3A_1153, %get3A_1157 : vector<16xf32>
      %get3A_1159 = arith.index_cast %add3A_1149 : i32 to index
      %get3A_1160 = arith.constant 16 : index
      %get3A_1161 = tpu.vector_load %arg10[%get3A_1159, %get3A_1160] {strides = array<i32>} : memref<512x64xf32, #tpu.memory_space<vmem>>, vector<1x16xf32>,
      %get3A_1162 = vector.shape_cast %get3A_1161 : vector<1x16xf32> to vector<16xf32>
      %get3A_1163 = arith.index_cast %add3A_1149 : i32 to index
      %get3A_1164 = arith.constant 16 : index
      %get3A_1165 = tpu.vector_load %arg11[%get3A_1163, %get3A_1164] {strides = array<i32>} : memref<512x64xf32, #tpu.memory_space<vmem>>, vector<1x16xf32>,
      %get3A_1166 = vector.shape_cast %get3A_1165 : vector<1x16xf32> to vector<16xf32>
      %mul3A_1167 = arith.mulf %get3A_1162, %get3A_1166 : vector<16xf32>
      %add3A_1168 = arith.addf %mul3A_1158, %mul3A_1167 : vector<16xf32>
      %get3A_1169 = arith.index_cast %add3A_1149 : i32 to index
      %get3A_1170 = arith.constant 32 : index
      %get3A_1171 = tpu.vector_load %arg10[%get3A_1169, %get3A_1170] {strides = array<i32>} : memref<512x64xf32, #tpu.memory_space<vmem>>, vector<1x16xf32>,
      %get3A_1172 = vector.shape_cast %get3A_1171 : vector<1x16xf32> to vector<16xf32>
      %get3A_1173 = arith.index_cast %add3A_1149 : i32 to index
      %get3A_1174 = arith.constant 32 : index
      %get3A_1175 = tpu.vector_load %arg11[%get3A_1173, %get3A_1174] {strides = array<i32>} : memref<512x64xf32, #tpu.memory_space<vmem>>, vector<1x16xf32>,
      %get3A_1176 = vector.shape_cast %get3A_1175 : vector<1x16xf32> to vector<16xf32>
      %mul3A_1177 = arith.mulf %get3A_1172, %get3A_1176 : vector<16xf32>
      %add3A_1178 = arith.addf %add3A_1168, %mul3A_1177 : vector<16xf32>
      %get3A_1179 = arith.index_cast %add3A_1149 : i32 to index
      %get3A_1180 = arith.constant 48 : index
      %get3A_1181 = tpu.vector_load %arg10[%get3A_1179, %get3A_1180] {strides = array<i32>} : memref<512x64xf32, #tpu.memory_space<vmem>>, vector<1x16xf32>,
      %get3A_1182 = vector.shape_cast %get3A_1181 : vector<1x16xf32> to vector<16xf32>
      %get3A_1183 = arith.index_cast %add3A_1149 : i32 to index
      %get3A_1184 = arith.constant 48 : index
      %get3A_1185 = tpu.vector_load %arg11[%get3A_1183, %get3A_1184] {strides = array<i32>} : memref<512x64xf32, #tpu.memory_space<vmem>>, vector<1x16xf32>,
      %get3A_1186 = vector.shape_cast %get3A_1185 : vector<1x16xf32> to vector<16xf32>
      %mul3A_1187 = arith.mulf %get3A_1182, %get3A_1186 : vector<16xf32>
      %add3A_1188 = arith.addf %add3A_1178, %mul3A_1187 : vector<16xf32>
      %slice3A_1189 = vector.extract_strided_slice %and3A_630 {offsets = [6], sizes = [1], strides = [1]} : vector<16xi32> to vector<1xi32>
      %squeeze3A_1190 = vector.extract %slice3A_1189[0] : i32 from vector<1xi32>
      %eq3A_1191 = vector.broadcast %squeeze3A_1190 : i32 to vector<16xi32>
      %eq3A_1192 = arith.cmpi eq, %iota3A, %eq3A_1191 : vector<16xi32>
      %get3A_1193 = arith.index_cast %add3A_1149 : i32 to index
      %get3A_1194 = arith.constant 0 : index
      %get3A_1195 = tpu.vector_load %arg12[%get3A_1193, %get3A_1194] {strides = array<i32>} : memref<512x16xf32, #tpu.memory_space<vmem>>, vector<1x16xf32>,
      %get3A_1196 = vector.shape_cast %get3A_1195 : vector<1x16xf32> to vector<16xf32>
      %jit3A_1197 = arith.constant 0.000000e+00 : f32
      %broadcast_in_dim3A_1198 = vector.broadcast %jit3A_1197 : f32 to vector<16xf32>
      %select_n3A_1199 = arith.select %eq3A_1192, %get3A_1196, %broadcast_in_dim3A_1198 : vector<16xi1>, vector<16xf32>
      %add3A_1200 = arith.addf %add3A_1188, %select_n3A_1199 : vector<16xf32>
      %xor3A_1201 = arith.constant 1 : i32
      %xor3A_1202 = vector.broadcast %xor3A_1201 : i32 to vector<16xi32>
      %xor3A_1203 = arith.xori %iota3A, %xor3A_1202 : vector<16xi32>
      %broadcast_in_dim3A_1204 = vector.shape_cast %xor3A_1203 : vector<16xi32> to vector<16x1xi32>
      %gather3A_1205 = vector.shape_cast %broadcast_in_dim3A_1204 : vector<16x1xi32> to vector<16xi32>
      %gather3A_1206 = tpu.dynamic_gather %add3A_1200[%gather3A_1205] in [0] : vector<16xf32>, vector<16xi32> -> vector<16xf32>
      %add3A_1207 = arith.addf %add3A_1200, %gather3A_1206 : vector<16xf32>
      %xor3A_1208 = arith.constant 2 : i32
      %xor3A_1209 = vector.broadcast %xor3A_1208 : i32 to vector<16xi32>
      %xor3A_1210 = arith.xori %iota3A, %xor3A_1209 : vector<16xi32>
      %broadcast_in_dim3A_1211 = vector.shape_cast %xor3A_1210 : vector<16xi32> to vector<16x1xi32>
      %gather3A_1212 = vector.shape_cast %broadcast_in_dim3A_1211 : vector<16x1xi32> to vector<16xi32>
      %gather3A_1213 = tpu.dynamic_gather %add3A_1207[%gather3A_1212] in [0] : vector<16xf32>, vector<16xi32> -> vector<16xf32>
      %add3A_1214 = arith.addf %add3A_1207, %gather3A_1213 : vector<16xf32>
      %xor3A_1215 = arith.constant 4 : i32
      %xor3A_1216 = vector.broadcast %xor3A_1215 : i32 to vector<16xi32>
      %xor3A_1217 = arith.xori %iota3A, %xor3A_1216 : vector<16xi32>
      %broadcast_in_dim3A_1218 = vector.shape_cast %xor3A_1217 : vector<16xi32> to vector<16x1xi32>
      %gather3A_1219 = vector.shape_cast %broadcast_in_dim3A_1218 : vector<16x1xi32> to vector<16xi32>
      %gather3A_1220 = tpu.dynamic_gather %add3A_1214[%gather3A_1219] in [0] : vector<16xf32>, vector<16xi32> -> vector<16xf32>
      %add3A_1221 = arith.addf %add3A_1214, %gather3A_1220 : vector<16xf32>
      %xor3A_1222 = arith.constant 8 : i32
      %xor3A_1223 = vector.broadcast %xor3A_1222 : i32 to vector<16xi32>
      %xor3A_1224 = arith.xori %iota3A, %xor3A_1223 : vector<16xi32>
      %broadcast_in_dim3A_1225 = vector.shape_cast %xor3A_1224 : vector<16xi32> to vector<16x1xi32>
      %gather3A_1226 = vector.shape_cast %broadcast_in_dim3A_1225 : vector<16x1xi32> to vector<16xi32>
      %gather3A_1227 = tpu.dynamic_gather %add3A_1221[%gather3A_1226] in [0] : vector<16xf32>, vector<16xi32> -> vector<16xf32>
      %add3A_1228 = arith.addf %add3A_1221, %gather3A_1227 : vector<16xf32>
      %eq3A_1229 = arith.constant 6 : i32
      %eq3A_1230 = vector.broadcast %eq3A_1229 : i32 to vector<16xi32>
      %eq3A_1231 = arith.cmpi eq, %iota3A, %eq3A_1230 : vector<16xi32>
      %select_n3A_1232 = arith.select %eq3A_1231, %add3A_1228, %select_n3A_1145 : vector<16xi1>, vector<16xf32>
      %mul3A_1233 = arith.constant 16 : i32
      %mul3A_1234 = arith.muli %scan3A_622, %mul3A_1233 : i32
      %add3A_1235 = arith.constant 7 : i32
      %add3A_1236 = arith.addi %mul3A_1234, %add3A_1235 : i32
      %get3A_1237 = arith.index_cast %add3A_1236 : i32 to index
      %get3A_1238 = arith.constant 0 : index
      %get3A_1239 = tpu.vector_load %arg10[%get3A_1237, %get3A_1238] {strides = array<i32>} : memref<512x64xf32, #tpu.memory_space<vmem>>, vector<1x16xf32>,
      %get3A_1240 = vector.shape_cast %get3A_1239 : vector<1x16xf32> to vector<16xf32>
      %get3A_1241 = arith.index_cast %add3A_1236 : i32 to index
      %get3A_1242 = arith.constant 0 : index
      %get3A_1243 = tpu.vector_load %arg11[%get3A_1241, %get3A_1242] {strides = array<i32>} : memref<512x64xf32, #tpu.memory_space<vmem>>, vector<1x16xf32>,
      %get3A_1244 = vector.shape_cast %get3A_1243 : vector<1x16xf32> to vector<16xf32>
      %mul3A_1245 = arith.mulf %get3A_1240, %get3A_1244 : vector<16xf32>
      %get3A_1246 = arith.index_cast %add3A_1236 : i32 to index
      %get3A_1247 = arith.constant 16 : index
      %get3A_1248 = tpu.vector_load %arg10[%get3A_1246, %get3A_1247] {strides = array<i32>} : memref<512x64xf32, #tpu.memory_space<vmem>>, vector<1x16xf32>,
      %get3A_1249 = vector.shape_cast %get3A_1248 : vector<1x16xf32> to vector<16xf32>
      %get3A_1250 = arith.index_cast %add3A_1236 : i32 to index
      %get3A_1251 = arith.constant 16 : index
      %get3A_1252 = tpu.vector_load %arg11[%get3A_1250, %get3A_1251] {strides = array<i32>} : memref<512x64xf32, #tpu.memory_space<vmem>>, vector<1x16xf32>,
      %get3A_1253 = vector.shape_cast %get3A_1252 : vector<1x16xf32> to vector<16xf32>
      %mul3A_1254 = arith.mulf %get3A_1249, %get3A_1253 : vector<16xf32>
      %add3A_1255 = arith.addf %mul3A_1245, %mul3A_1254 : vector<16xf32>
      %get3A_1256 = arith.index_cast %add3A_1236 : i32 to index
      %get3A_1257 = arith.constant 32 : index
      %get3A_1258 = tpu.vector_load %arg10[%get3A_1256, %get3A_1257] {strides = array<i32>} : memref<512x64xf32, #tpu.memory_space<vmem>>, vector<1x16xf32>,
      %get3A_1259 = vector.shape_cast %get3A_1258 : vector<1x16xf32> to vector<16xf32>
      %get3A_1260 = arith.index_cast %add3A_1236 : i32 to index
      %get3A_1261 = arith.constant 32 : index
      %get3A_1262 = tpu.vector_load %arg11[%get3A_1260, %get3A_1261] {strides = array<i32>} : memref<512x64xf32, #tpu.memory_space<vmem>>, vector<1x16xf32>,
      %get3A_1263 = vector.shape_cast %get3A_1262 : vector<1x16xf32> to vector<16xf32>
      %mul3A_1264 = arith.mulf %get3A_1259, %get3A_1263 : vector<16xf32>
      %add3A_1265 = arith.addf %add3A_1255, %mul3A_1264 : vector<16xf32>
      %get3A_1266 = arith.index_cast %add3A_1236 : i32 to index
      %get3A_1267 = arith.constant 48 : index
      %get3A_1268 = tpu.vector_load %arg10[%get3A_1266, %get3A_1267] {strides = array<i32>} : memref<512x64xf32, #tpu.memory_space<vmem>>, vector<1x16xf32>,
      %get3A_1269 = vector.shape_cast %get3A_1268 : vector<1x16xf32> to vector<16xf32>
      %get3A_1270 = arith.index_cast %add3A_1236 : i32 to index
      %get3A_1271 = arith.constant 48 : index
      %get3A_1272 = tpu.vector_load %arg11[%get3A_1270, %get3A_1271] {strides = array<i32>} : memref<512x64xf32, #tpu.memory_space<vmem>>, vector<1x16xf32>,
      %get3A_1273 = vector.shape_cast %get3A_1272 : vector<1x16xf32> to vector<16xf32>
      %mul3A_1274 = arith.mulf %get3A_1269, %get3A_1273 : vector<16xf32>
      %add3A_1275 = arith.addf %add3A_1265, %mul3A_1274 : vector<16xf32>
      %slice3A_1276 = vector.extract_strided_slice %and3A_630 {offsets = [7], sizes = [1], strides = [1]} : vector<16xi32> to vector<1xi32>
      %squeeze3A_1277 = vector.extract %slice3A_1276[0] : i32 from vector<1xi32>
      %eq3A_1278 = vector.broadcast %squeeze3A_1277 : i32 to vector<16xi32>
      %eq3A_1279 = arith.cmpi eq, %iota3A, %eq3A_1278 : vector<16xi32>
      %get3A_1280 = arith.index_cast %add3A_1236 : i32 to index
      %get3A_1281 = arith.constant 0 : index
      %get3A_1282 = tpu.vector_load %arg12[%get3A_1280, %get3A_1281] {strides = array<i32>} : memref<512x16xf32, #tpu.memory_space<vmem>>, vector<1x16xf32>,
      %get3A_1283 = vector.shape_cast %get3A_1282 : vector<1x16xf32> to vector<16xf32>
      %jit3A_1284 = arith.constant 0.000000e+00 : f32
      %broadcast_in_dim3A_1285 = vector.broadcast %jit3A_1284 : f32 to vector<16xf32>
      %select_n3A_1286 = arith.select %eq3A_1279, %get3A_1283, %broadcast_in_dim3A_1285 : vector<16xi1>, vector<16xf32>
      %add3A_1287 = arith.addf %add3A_1275, %select_n3A_1286 : vector<16xf32>
      %xor3A_1288 = arith.constant 1 : i32
      %xor3A_1289 = vector.broadcast %xor3A_1288 : i32 to vector<16xi32>
      %xor3A_1290 = arith.xori %iota3A, %xor3A_1289 : vector<16xi32>
      %broadcast_in_dim3A_1291 = vector.shape_cast %xor3A_1290 : vector<16xi32> to vector<16x1xi32>
      %gather3A_1292 = vector.shape_cast %broadcast_in_dim3A_1291 : vector<16x1xi32> to vector<16xi32>
      %gather3A_1293 = tpu.dynamic_gather %add3A_1287[%gather3A_1292] in [0] : vector<16xf32>, vector<16xi32> -> vector<16xf32>
      %add3A_1294 = arith.addf %add3A_1287, %gather3A_1293 : vector<16xf32>
      %xor3A_1295 = arith.constant 2 : i32
      %xor3A_1296 = vector.broadcast %xor3A_1295 : i32 to vector<16xi32>
      %xor3A_1297 = arith.xori %iota3A, %xor3A_1296 : vector<16xi32>
      %broadcast_in_dim3A_1298 = vector.shape_cast %xor3A_1297 : vector<16xi32> to vector<16x1xi32>
      %gather3A_1299 = vector.shape_cast %broadcast_in_dim3A_1298 : vector<16x1xi32> to vector<16xi32>
      %gather3A_1300 = tpu.dynamic_gather %add3A_1294[%gather3A_1299] in [0] : vector<16xf32>, vector<16xi32> -> vector<16xf32>
      %add3A_1301 = arith.addf %add3A_1294, %gather3A_1300 : vector<16xf32>
      %xor3A_1302 = arith.constant 4 : i32
      %xor3A_1303 = vector.broadcast %xor3A_1302 : i32 to vector<16xi32>
      %xor3A_1304 = arith.xori %iota3A, %xor3A_1303 : vector<16xi32>
      %broadcast_in_dim3A_1305 = vector.shape_cast %xor3A_1304 : vector<16xi32> to vector<16x1xi32>
      %gather3A_1306 = vector.shape_cast %broadcast_in_dim3A_1305 : vector<16x1xi32> to vector<16xi32>
      %gather3A_1307 = tpu.dynamic_gather %add3A_1301[%gather3A_1306] in [0] : vector<16xf32>, vector<16xi32> -> vector<16xf32>
      %add3A_1308 = arith.addf %add3A_1301, %gather3A_1307 : vector<16xf32>
      %xor3A_1309 = arith.constant 8 : i32
      %xor3A_1310 = vector.broadcast %xor3A_1309 : i32 to vector<16xi32>
      %xor3A_1311 = arith.xori %iota3A, %xor3A_1310 : vector<16xi32>
      %broadcast_in_dim3A_1312 = vector.shape_cast %xor3A_1311 : vector<16xi32> to vector<16x1xi32>
      %gather3A_1313 = vector.shape_cast %broadcast_in_dim3A_1312 : vector<16x1xi32> to vector<16xi32>
      %gather3A_1314 = tpu.dynamic_gather %add3A_1308[%gather3A_1313] in [0] : vector<16xf32>, vector<16xi32> -> vector<16xf32>
      %add3A_1315 = arith.addf %add3A_1308, %gather3A_1314 : vector<16xf32>
      %eq3A_1316 = arith.constant 7 : i32
      %eq3A_1317 = vector.broadcast %eq3A_1316 : i32 to vector<16xi32>
      %eq3A_1318 = arith.cmpi eq, %iota3A, %eq3A_1317 : vector<16xi32>
      %select_n3A_1319 = arith.select %eq3A_1318, %add3A_1315, %select_n3A_1232 : vector<16xi1>, vector<16xf32>
      %mul3A_1320 = arith.constant 16 : i32
      %mul3A_1321 = arith.muli %scan3A_622, %mul3A_1320 : i32
      %add3A_1322 = arith.constant 8 : i32
      %add3A_1323 = arith.addi %mul3A_1321, %add3A_1322 : i32
      %get3A_1324 = arith.index_cast %add3A_1323 : i32 to index
      %get3A_1325 = arith.constant 0 : index
      %get3A_1326 = tpu.vector_load %arg10[%get3A_1324, %get3A_1325] {strides = array<i32>} : memref<512x64xf32, #tpu.memory_space<vmem>>, vector<1x16xf32>,
      %get3A_1327 = vector.shape_cast %get3A_1326 : vector<1x16xf32> to vector<16xf32>
      %get3A_1328 = arith.index_cast %add3A_1323 : i32 to index
      %get3A_1329 = arith.constant 0 : index
      %get3A_1330 = tpu.vector_load %arg11[%get3A_1328, %get3A_1329] {strides = array<i32>} : memref<512x64xf32, #tpu.memory_space<vmem>>, vector<1x16xf32>,
      %get3A_1331 = vector.shape_cast %get3A_1330 : vector<1x16xf32> to vector<16xf32>
      %mul3A_1332 = arith.mulf %get3A_1327, %get3A_1331 : vector<16xf32>
      %get3A_1333 = arith.index_cast %add3A_1323 : i32 to index
      %get3A_1334 = arith.constant 16 : index
      %get3A_1335 = tpu.vector_load %arg10[%get3A_1333, %get3A_1334] {strides = array<i32>} : memref<512x64xf32, #tpu.memory_space<vmem>>, vector<1x16xf32>,
      %get3A_1336 = vector.shape_cast %get3A_1335 : vector<1x16xf32> to vector<16xf32>
      %get3A_1337 = arith.index_cast %add3A_1323 : i32 to index
      %get3A_1338 = arith.constant 16 : index
      %get3A_1339 = tpu.vector_load %arg11[%get3A_1337, %get3A_1338] {strides = array<i32>} : memref<512x64xf32, #tpu.memory_space<vmem>>, vector<1x16xf32>,
      %get3A_1340 = vector.shape_cast %get3A_1339 : vector<1x16xf32> to vector<16xf32>
      %mul3A_1341 = arith.mulf %get3A_1336, %get3A_1340 : vector<16xf32>
      %add3A_1342 = arith.addf %mul3A_1332, %mul3A_1341 : vector<16xf32>
      %get3A_1343 = arith.index_cast %add3A_1323 : i32 to index
      %get3A_1344 = arith.constant 32 : index
      %get3A_1345 = tpu.vector_load %arg10[%get3A_1343, %get3A_1344] {strides = array<i32>} : memref<512x64xf32, #tpu.memory_space<vmem>>, vector<1x16xf32>,
      %get3A_1346 = vector.shape_cast %get3A_1345 : vector<1x16xf32> to vector<16xf32>
      %get3A_1347 = arith.index_cast %add3A_1323 : i32 to index
      %get3A_1348 = arith.constant 32 : index
      %get3A_1349 = tpu.vector_load %arg11[%get3A_1347, %get3A_1348] {strides = array<i32>} : memref<512x64xf32, #tpu.memory_space<vmem>>, vector<1x16xf32>,
      %get3A_1350 = vector.shape_cast %get3A_1349 : vector<1x16xf32> to vector<16xf32>
      %mul3A_1351 = arith.mulf %get3A_1346, %get3A_1350 : vector<16xf32>
      %add3A_1352 = arith.addf %add3A_1342, %mul3A_1351 : vector<16xf32>
      %get3A_1353 = arith.index_cast %add3A_1323 : i32 to index
      %get3A_1354 = arith.constant 48 : index
      %get3A_1355 = tpu.vector_load %arg10[%get3A_1353, %get3A_1354] {strides = array<i32>} : memref<512x64xf32, #tpu.memory_space<vmem>>, vector<1x16xf32>,
      %get3A_1356 = vector.shape_cast %get3A_1355 : vector<1x16xf32> to vector<16xf32>
      %get3A_1357 = arith.index_cast %add3A_1323 : i32 to index
      %get3A_1358 = arith.constant 48 : index
      %get3A_1359 = tpu.vector_load %arg11[%get3A_1357, %get3A_1358] {strides = array<i32>} : memref<512x64xf32, #tpu.memory_space<vmem>>, vector<1x16xf32>,
      %get3A_1360 = vector.shape_cast %get3A_1359 : vector<1x16xf32> to vector<16xf32>
      %mul3A_1361 = arith.mulf %get3A_1356, %get3A_1360 : vector<16xf32>
      %add3A_1362 = arith.addf %add3A_1352, %mul3A_1361 : vector<16xf32>
      %slice3A_1363 = vector.extract_strided_slice %and3A_630 {offsets = [8], sizes = [1], strides = [1]} : vector<16xi32> to vector<1xi32>
      %squeeze3A_1364 = vector.extract %slice3A_1363[0] : i32 from vector<1xi32>
      %eq3A_1365 = vector.broadcast %squeeze3A_1364 : i32 to vector<16xi32>
      %eq3A_1366 = arith.cmpi eq, %iota3A, %eq3A_1365 : vector<16xi32>
      %get3A_1367 = arith.index_cast %add3A_1323 : i32 to index
      %get3A_1368 = arith.constant 0 : index
      %get3A_1369 = tpu.vector_load %arg12[%get3A_1367, %get3A_1368] {strides = array<i32>} : memref<512x16xf32, #tpu.memory_space<vmem>>, vector<1x16xf32>,
      %get3A_1370 = vector.shape_cast %get3A_1369 : vector<1x16xf32> to vector<16xf32>
      %jit3A_1371 = arith.constant 0.000000e+00 : f32
      %broadcast_in_dim3A_1372 = vector.broadcast %jit3A_1371 : f32 to vector<16xf32>
      %select_n3A_1373 = arith.select %eq3A_1366, %get3A_1370, %broadcast_in_dim3A_1372 : vector<16xi1>, vector<16xf32>
      %add3A_1374 = arith.addf %add3A_1362, %select_n3A_1373 : vector<16xf32>
      %xor3A_1375 = arith.constant 1 : i32
      %xor3A_1376 = vector.broadcast %xor3A_1375 : i32 to vector<16xi32>
      %xor3A_1377 = arith.xori %iota3A, %xor3A_1376 : vector<16xi32>
      %broadcast_in_dim3A_1378 = vector.shape_cast %xor3A_1377 : vector<16xi32> to vector<16x1xi32>
      %gather3A_1379 = vector.shape_cast %broadcast_in_dim3A_1378 : vector<16x1xi32> to vector<16xi32>
      %gather3A_1380 = tpu.dynamic_gather %add3A_1374[%gather3A_1379] in [0] : vector<16xf32>, vector<16xi32> -> vector<16xf32>
      %add3A_1381 = arith.addf %add3A_1374, %gather3A_1380 : vector<16xf32>
      %xor3A_1382 = arith.constant 2 : i32
      %xor3A_1383 = vector.broadcast %xor3A_1382 : i32 to vector<16xi32>
      %xor3A_1384 = arith.xori %iota3A, %xor3A_1383 : vector<16xi32>
      %broadcast_in_dim3A_1385 = vector.shape_cast %xor3A_1384 : vector<16xi32> to vector<16x1xi32>
      %gather3A_1386 = vector.shape_cast %broadcast_in_dim3A_1385 : vector<16x1xi32> to vector<16xi32>
      %gather3A_1387 = tpu.dynamic_gather %add3A_1381[%gather3A_1386] in [0] : vector<16xf32>, vector<16xi32> -> vector<16xf32>
      %add3A_1388 = arith.addf %add3A_1381, %gather3A_1387 : vector<16xf32>
      %xor3A_1389 = arith.constant 4 : i32
      %xor3A_1390 = vector.broadcast %xor3A_1389 : i32 to vector<16xi32>
      %xor3A_1391 = arith.xori %iota3A, %xor3A_1390 : vector<16xi32>
      %broadcast_in_dim3A_1392 = vector.shape_cast %xor3A_1391 : vector<16xi32> to vector<16x1xi32>
      %gather3A_1393 = vector.shape_cast %broadcast_in_dim3A_1392 : vector<16x1xi32> to vector<16xi32>
      %gather3A_1394 = tpu.dynamic_gather %add3A_1388[%gather3A_1393] in [0] : vector<16xf32>, vector<16xi32> -> vector<16xf32>
      %add3A_1395 = arith.addf %add3A_1388, %gather3A_1394 : vector<16xf32>
      %xor3A_1396 = arith.constant 8 : i32
      %xor3A_1397 = vector.broadcast %xor3A_1396 : i32 to vector<16xi32>
      %xor3A_1398 = arith.xori %iota3A, %xor3A_1397 : vector<16xi32>
      %broadcast_in_dim3A_1399 = vector.shape_cast %xor3A_1398 : vector<16xi32> to vector<16x1xi32>
      %gather3A_1400 = vector.shape_cast %broadcast_in_dim3A_1399 : vector<16x1xi32> to vector<16xi32>
      %gather3A_1401 = tpu.dynamic_gather %add3A_1395[%gather3A_1400] in [0] : vector<16xf32>, vector<16xi32> -> vector<16xf32>
      %add3A_1402 = arith.addf %add3A_1395, %gather3A_1401 : vector<16xf32>
      %eq3A_1403 = arith.constant 8 : i32
      %eq3A_1404 = vector.broadcast %eq3A_1403 : i32 to vector<16xi32>
      %eq3A_1405 = arith.cmpi eq, %iota3A, %eq3A_1404 : vector<16xi32>
      %select_n3A_1406 = arith.select %eq3A_1405, %add3A_1402, %select_n3A_1319 : vector<16xi1>, vector<16xf32>
      %mul3A_1407 = arith.constant 16 : i32
      %mul3A_1408 = arith.muli %scan3A_622, %mul3A_1407 : i32
      %add3A_1409 = arith.constant 9 : i32
      %add3A_1410 = arith.addi %mul3A_1408, %add3A_1409 : i32
      %get3A_1411 = arith.index_cast %add3A_1410 : i32 to index
      %get3A_1412 = arith.constant 0 : index
      %get3A_1413 = tpu.vector_load %arg10[%get3A_1411, %get3A_1412] {strides = array<i32>} : memref<512x64xf32, #tpu.memory_space<vmem>>, vector<1x16xf32>,
      %get3A_1414 = vector.shape_cast %get3A_1413 : vector<1x16xf32> to vector<16xf32>
      %get3A_1415 = arith.index_cast %add3A_1410 : i32 to index
      %get3A_1416 = arith.constant 0 : index
      %get3A_1417 = tpu.vector_load %arg11[%get3A_1415, %get3A_1416] {strides = array<i32>} : memref<512x64xf32, #tpu.memory_space<vmem>>, vector<1x16xf32>,
      %get3A_1418 = vector.shape_cast %get3A_1417 : vector<1x16xf32> to vector<16xf32>
      %mul3A_1419 = arith.mulf %get3A_1414, %get3A_1418 : vector<16xf32>
      %get3A_1420 = arith.index_cast %add3A_1410 : i32 to index
      %get3A_1421 = arith.constant 16 : index
      %get3A_1422 = tpu.vector_load %arg10[%get3A_1420, %get3A_1421] {strides = array<i32>} : memref<512x64xf32, #tpu.memory_space<vmem>>, vector<1x16xf32>,
      %get3A_1423 = vector.shape_cast %get3A_1422 : vector<1x16xf32> to vector<16xf32>
      %get3A_1424 = arith.index_cast %add3A_1410 : i32 to index
      %get3A_1425 = arith.constant 16 : index
      %get3A_1426 = tpu.vector_load %arg11[%get3A_1424, %get3A_1425] {strides = array<i32>} : memref<512x64xf32, #tpu.memory_space<vmem>>, vector<1x16xf32>,
      %get3A_1427 = vector.shape_cast %get3A_1426 : vector<1x16xf32> to vector<16xf32>
      %mul3A_1428 = arith.mulf %get3A_1423, %get3A_1427 : vector<16xf32>
      %add3A_1429 = arith.addf %mul3A_1419, %mul3A_1428 : vector<16xf32>
      %get3A_1430 = arith.index_cast %add3A_1410 : i32 to index
      %get3A_1431 = arith.constant 32 : index
      %get3A_1432 = tpu.vector_load %arg10[%get3A_1430, %get3A_1431] {strides = array<i32>} : memref<512x64xf32, #tpu.memory_space<vmem>>, vector<1x16xf32>,
      %get3A_1433 = vector.shape_cast %get3A_1432 : vector<1x16xf32> to vector<16xf32>
      %get3A_1434 = arith.index_cast %add3A_1410 : i32 to index
      %get3A_1435 = arith.constant 32 : index
      %get3A_1436 = tpu.vector_load %arg11[%get3A_1434, %get3A_1435] {strides = array<i32>} : memref<512x64xf32, #tpu.memory_space<vmem>>, vector<1x16xf32>,
      %get3A_1437 = vector.shape_cast %get3A_1436 : vector<1x16xf32> to vector<16xf32>
      %mul3A_1438 = arith.mulf %get3A_1433, %get3A_1437 : vector<16xf32>
      %add3A_1439 = arith.addf %add3A_1429, %mul3A_1438 : vector<16xf32>
      %get3A_1440 = arith.index_cast %add3A_1410 : i32 to index
      %get3A_1441 = arith.constant 48 : index
      %get3A_1442 = tpu.vector_load %arg10[%get3A_1440, %get3A_1441] {strides = array<i32>} : memref<512x64xf32, #tpu.memory_space<vmem>>, vector<1x16xf32>,
      %get3A_1443 = vector.shape_cast %get3A_1442 : vector<1x16xf32> to vector<16xf32>
      %get3A_1444 = arith.index_cast %add3A_1410 : i32 to index
      %get3A_1445 = arith.constant 48 : index
      %get3A_1446 = tpu.vector_load %arg11[%get3A_1444, %get3A_1445] {strides = array<i32>} : memref<512x64xf32, #tpu.memory_space<vmem>>, vector<1x16xf32>,
      %get3A_1447 = vector.shape_cast %get3A_1446 : vector<1x16xf32> to vector<16xf32>
      %mul3A_1448 = arith.mulf %get3A_1443, %get3A_1447 : vector<16xf32>
      %add3A_1449 = arith.addf %add3A_1439, %mul3A_1448 : vector<16xf32>
      %slice3A_1450 = vector.extract_strided_slice %and3A_630 {offsets = [9], sizes = [1], strides = [1]} : vector<16xi32> to vector<1xi32>
      %squeeze3A_1451 = vector.extract %slice3A_1450[0] : i32 from vector<1xi32>
      %eq3A_1452 = vector.broadcast %squeeze3A_1451 : i32 to vector<16xi32>
      %eq3A_1453 = arith.cmpi eq, %iota3A, %eq3A_1452 : vector<16xi32>
      %get3A_1454 = arith.index_cast %add3A_1410 : i32 to index
      %get3A_1455 = arith.constant 0 : index
      %get3A_1456 = tpu.vector_load %arg12[%get3A_1454, %get3A_1455] {strides = array<i32>} : memref<512x16xf32, #tpu.memory_space<vmem>>, vector<1x16xf32>,
      %get3A_1457 = vector.shape_cast %get3A_1456 : vector<1x16xf32> to vector<16xf32>
      %jit3A_1458 = arith.constant 0.000000e+00 : f32
      %broadcast_in_dim3A_1459 = vector.broadcast %jit3A_1458 : f32 to vector<16xf32>
      %select_n3A_1460 = arith.select %eq3A_1453, %get3A_1457, %broadcast_in_dim3A_1459 : vector<16xi1>, vector<16xf32>
      %add3A_1461 = arith.addf %add3A_1449, %select_n3A_1460 : vector<16xf32>
      %xor3A_1462 = arith.constant 1 : i32
      %xor3A_1463 = vector.broadcast %xor3A_1462 : i32 to vector<16xi32>
      %xor3A_1464 = arith.xori %iota3A, %xor3A_1463 : vector<16xi32>
      %broadcast_in_dim3A_1465 = vector.shape_cast %xor3A_1464 : vector<16xi32> to vector<16x1xi32>
      %gather3A_1466 = vector.shape_cast %broadcast_in_dim3A_1465 : vector<16x1xi32> to vector<16xi32>
      %gather3A_1467 = tpu.dynamic_gather %add3A_1461[%gather3A_1466] in [0] : vector<16xf32>, vector<16xi32> -> vector<16xf32>
      %add3A_1468 = arith.addf %add3A_1461, %gather3A_1467 : vector<16xf32>
      %xor3A_1469 = arith.constant 2 : i32
      %xor3A_1470 = vector.broadcast %xor3A_1469 : i32 to vector<16xi32>
      %xor3A_1471 = arith.xori %iota3A, %xor3A_1470 : vector<16xi32>
      %broadcast_in_dim3A_1472 = vector.shape_cast %xor3A_1471 : vector<16xi32> to vector<16x1xi32>
      %gather3A_1473 = vector.shape_cast %broadcast_in_dim3A_1472 : vector<16x1xi32> to vector<16xi32>
      %gather3A_1474 = tpu.dynamic_gather %add3A_1468[%gather3A_1473] in [0] : vector<16xf32>, vector<16xi32> -> vector<16xf32>
      %add3A_1475 = arith.addf %add3A_1468, %gather3A_1474 : vector<16xf32>
      %xor3A_1476 = arith.constant 4 : i32
      %xor3A_1477 = vector.broadcast %xor3A_1476 : i32 to vector<16xi32>
      %xor3A_1478 = arith.xori %iota3A, %xor3A_1477 : vector<16xi32>
      %broadcast_in_dim3A_1479 = vector.shape_cast %xor3A_1478 : vector<16xi32> to vector<16x1xi32>
      %gather3A_1480 = vector.shape_cast %broadcast_in_dim3A_1479 : vector<16x1xi32> to vector<16xi32>
      %gather3A_1481 = tpu.dynamic_gather %add3A_1475[%gather3A_1480] in [0] : vector<16xf32>, vector<16xi32> -> vector<16xf32>
      %add3A_1482 = arith.addf %add3A_1475, %gather3A_1481 : vector<16xf32>
      %xor3A_1483 = arith.constant 8 : i32
      %xor3A_1484 = vector.broadcast %xor3A_1483 : i32 to vector<16xi32>
      %xor3A_1485 = arith.xori %iota3A, %xor3A_1484 : vector<16xi32>
      %broadcast_in_dim3A_1486 = vector.shape_cast %xor3A_1485 : vector<16xi32> to vector<16x1xi32>
      %gather3A_1487 = vector.shape_cast %broadcast_in_dim3A_1486 : vector<16x1xi32> to vector<16xi32>
      %gather3A_1488 = tpu.dynamic_gather %add3A_1482[%gather3A_1487] in [0] : vector<16xf32>, vector<16xi32> -> vector<16xf32>
      %add3A_1489 = arith.addf %add3A_1482, %gather3A_1488 : vector<16xf32>
      %eq3A_1490 = arith.constant 9 : i32
      %eq3A_1491 = vector.broadcast %eq3A_1490 : i32 to vector<16xi32>
      %eq3A_1492 = arith.cmpi eq, %iota3A, %eq3A_1491 : vector<16xi32>
      %select_n3A_1493 = arith.select %eq3A_1492, %add3A_1489, %select_n3A_1406 : vector<16xi1>, vector<16xf32>
      %mul3A_1494 = arith.constant 16 : i32
      %mul3A_1495 = arith.muli %scan3A_622, %mul3A_1494 : i32
      %add3A_1496 = arith.constant 10 : i32
      %add3A_1497 = arith.addi %mul3A_1495, %add3A_1496 : i32
      %get3A_1498 = arith.index_cast %add3A_1497 : i32 to index
      %get3A_1499 = arith.constant 0 : index
      %get3A_1500 = tpu.vector_load %arg10[%get3A_1498, %get3A_1499] {strides = array<i32>} : memref<512x64xf32, #tpu.memory_space<vmem>>, vector<1x16xf32>,
      %get3A_1501 = vector.shape_cast %get3A_1500 : vector<1x16xf32> to vector<16xf32>
      %get3A_1502 = arith.index_cast %add3A_1497 : i32 to index
      %get3A_1503 = arith.constant 0 : index
      %get3A_1504 = tpu.vector_load %arg11[%get3A_1502, %get3A_1503] {strides = array<i32>} : memref<512x64xf32, #tpu.memory_space<vmem>>, vector<1x16xf32>,
      %get3A_1505 = vector.shape_cast %get3A_1504 : vector<1x16xf32> to vector<16xf32>
      %mul3A_1506 = arith.mulf %get3A_1501, %get3A_1505 : vector<16xf32>
      %get3A_1507 = arith.index_cast %add3A_1497 : i32 to index
      %get3A_1508 = arith.constant 16 : index
      %get3A_1509 = tpu.vector_load %arg10[%get3A_1507, %get3A_1508] {strides = array<i32>} : memref<512x64xf32, #tpu.memory_space<vmem>>, vector<1x16xf32>,
      %get3A_1510 = vector.shape_cast %get3A_1509 : vector<1x16xf32> to vector<16xf32>
      %get3A_1511 = arith.index_cast %add3A_1497 : i32 to index
      %get3A_1512 = arith.constant 16 : index
      %get3A_1513 = tpu.vector_load %arg11[%get3A_1511, %get3A_1512] {strides = array<i32>} : memref<512x64xf32, #tpu.memory_space<vmem>>, vector<1x16xf32>,
      %get3A_1514 = vector.shape_cast %get3A_1513 : vector<1x16xf32> to vector<16xf32>
      %mul3A_1515 = arith.mulf %get3A_1510, %get3A_1514 : vector<16xf32>
      %add3A_1516 = arith.addf %mul3A_1506, %mul3A_1515 : vector<16xf32>
      %get3A_1517 = arith.index_cast %add3A_1497 : i32 to index
      %get3A_1518 = arith.constant 32 : index
      %get3A_1519 = tpu.vector_load %arg10[%get3A_1517, %get3A_1518] {strides = array<i32>} : memref<512x64xf32, #tpu.memory_space<vmem>>, vector<1x16xf32>,
      %get3A_1520 = vector.shape_cast %get3A_1519 : vector<1x16xf32> to vector<16xf32>
      %get3A_1521 = arith.index_cast %add3A_1497 : i32 to index
      %get3A_1522 = arith.constant 32 : index
      %get3A_1523 = tpu.vector_load %arg11[%get3A_1521, %get3A_1522] {strides = array<i32>} : memref<512x64xf32, #tpu.memory_space<vmem>>, vector<1x16xf32>,
      %get3A_1524 = vector.shape_cast %get3A_1523 : vector<1x16xf32> to vector<16xf32>
      %mul3A_1525 = arith.mulf %get3A_1520, %get3A_1524 : vector<16xf32>
      %add3A_1526 = arith.addf %add3A_1516, %mul3A_1525 : vector<16xf32>
      %get3A_1527 = arith.index_cast %add3A_1497 : i32 to index
      %get3A_1528 = arith.constant 48 : index
      %get3A_1529 = tpu.vector_load %arg10[%get3A_1527, %get3A_1528] {strides = array<i32>} : memref<512x64xf32, #tpu.memory_space<vmem>>, vector<1x16xf32>,
      %get3A_1530 = vector.shape_cast %get3A_1529 : vector<1x16xf32> to vector<16xf32>
      %get3A_1531 = arith.index_cast %add3A_1497 : i32 to index
      %get3A_1532 = arith.constant 48 : index
      %get3A_1533 = tpu.vector_load %arg11[%get3A_1531, %get3A_1532] {strides = array<i32>} : memref<512x64xf32, #tpu.memory_space<vmem>>, vector<1x16xf32>,
      %get3A_1534 = vector.shape_cast %get3A_1533 : vector<1x16xf32> to vector<16xf32>
      %mul3A_1535 = arith.mulf %get3A_1530, %get3A_1534 : vector<16xf32>
      %add3A_1536 = arith.addf %add3A_1526, %mul3A_1535 : vector<16xf32>
      %slice3A_1537 = vector.extract_strided_slice %and3A_630 {offsets = [10], sizes = [1], strides = [1]} : vector<16xi32> to vector<1xi32>
      %squeeze3A_1538 = vector.extract %slice3A_1537[0] : i32 from vector<1xi32>
      %eq3A_1539 = vector.broadcast %squeeze3A_1538 : i32 to vector<16xi32>
      %eq3A_1540 = arith.cmpi eq, %iota3A, %eq3A_1539 : vector<16xi32>
      %get3A_1541 = arith.index_cast %add3A_1497 : i32 to index
      %get3A_1542 = arith.constant 0 : index
      %get3A_1543 = tpu.vector_load %arg12[%get3A_1541, %get3A_1542] {strides = array<i32>} : memref<512x16xf32, #tpu.memory_space<vmem>>, vector<1x16xf32>,
      %get3A_1544 = vector.shape_cast %get3A_1543 : vector<1x16xf32> to vector<16xf32>
      %jit3A_1545 = arith.constant 0.000000e+00 : f32
      %broadcast_in_dim3A_1546 = vector.broadcast %jit3A_1545 : f32 to vector<16xf32>
      %select_n3A_1547 = arith.select %eq3A_1540, %get3A_1544, %broadcast_in_dim3A_1546 : vector<16xi1>, vector<16xf32>
      %add3A_1548 = arith.addf %add3A_1536, %select_n3A_1547 : vector<16xf32>
      %xor3A_1549 = arith.constant 1 : i32
      %xor3A_1550 = vector.broadcast %xor3A_1549 : i32 to vector<16xi32>
      %xor3A_1551 = arith.xori %iota3A, %xor3A_1550 : vector<16xi32>
      %broadcast_in_dim3A_1552 = vector.shape_cast %xor3A_1551 : vector<16xi32> to vector<16x1xi32>
      %gather3A_1553 = vector.shape_cast %broadcast_in_dim3A_1552 : vector<16x1xi32> to vector<16xi32>
      %gather3A_1554 = tpu.dynamic_gather %add3A_1548[%gather3A_1553] in [0] : vector<16xf32>, vector<16xi32> -> vector<16xf32>
      %add3A_1555 = arith.addf %add3A_1548, %gather3A_1554 : vector<16xf32>
      %xor3A_1556 = arith.constant 2 : i32
      %xor3A_1557 = vector.broadcast %xor3A_1556 : i32 to vector<16xi32>
      %xor3A_1558 = arith.xori %iota3A, %xor3A_1557 : vector<16xi32>
      %broadcast_in_dim3A_1559 = vector.shape_cast %xor3A_1558 : vector<16xi32> to vector<16x1xi32>
      %gather3A_1560 = vector.shape_cast %broadcast_in_dim3A_1559 : vector<16x1xi32> to vector<16xi32>
      %gather3A_1561 = tpu.dynamic_gather %add3A_1555[%gather3A_1560] in [0] : vector<16xf32>, vector<16xi32> -> vector<16xf32>
      %add3A_1562 = arith.addf %add3A_1555, %gather3A_1561 : vector<16xf32>
      %xor3A_1563 = arith.constant 4 : i32
      %xor3A_1564 = vector.broadcast %xor3A_1563 : i32 to vector<16xi32>
      %xor3A_1565 = arith.xori %iota3A, %xor3A_1564 : vector<16xi32>
      %broadcast_in_dim3A_1566 = vector.shape_cast %xor3A_1565 : vector<16xi32> to vector<16x1xi32>
      %gather3A_1567 = vector.shape_cast %broadcast_in_dim3A_1566 : vector<16x1xi32> to vector<16xi32>
      %gather3A_1568 = tpu.dynamic_gather %add3A_1562[%gather3A_1567] in [0] : vector<16xf32>, vector<16xi32> -> vector<16xf32>
      %add3A_1569 = arith.addf %add3A_1562, %gather3A_1568 : vector<16xf32>
      %xor3A_1570 = arith.constant 8 : i32
      %xor3A_1571 = vector.broadcast %xor3A_1570 : i32 to vector<16xi32>
      %xor3A_1572 = arith.xori %iota3A, %xor3A_1571 : vector<16xi32>
      %broadcast_in_dim3A_1573 = vector.shape_cast %xor3A_1572 : vector<16xi32> to vector<16x1xi32>
      %gather3A_1574 = vector.shape_cast %broadcast_in_dim3A_1573 : vector<16x1xi32> to vector<16xi32>
      %gather3A_1575 = tpu.dynamic_gather %add3A_1569[%gather3A_1574] in [0] : vector<16xf32>, vector<16xi32> -> vector<16xf32>
      %add3A_1576 = arith.addf %add3A_1569, %gather3A_1575 : vector<16xf32>
      %eq3A_1577 = arith.constant 10 : i32
      %eq3A_1578 = vector.broadcast %eq3A_1577 : i32 to vector<16xi32>
      %eq3A_1579 = arith.cmpi eq, %iota3A, %eq3A_1578 : vector<16xi32>
      %select_n3A_1580 = arith.select %eq3A_1579, %add3A_1576, %select_n3A_1493 : vector<16xi1>, vector<16xf32>
      %mul3A_1581 = arith.constant 16 : i32
      %mul3A_1582 = arith.muli %scan3A_622, %mul3A_1581 : i32
      %add3A_1583 = arith.constant 11 : i32
      %add3A_1584 = arith.addi %mul3A_1582, %add3A_1583 : i32
      %get3A_1585 = arith.index_cast %add3A_1584 : i32 to index
      %get3A_1586 = arith.constant 0 : index
      %get3A_1587 = tpu.vector_load %arg10[%get3A_1585, %get3A_1586] {strides = array<i32>} : memref<512x64xf32, #tpu.memory_space<vmem>>, vector<1x16xf32>,
      %get3A_1588 = vector.shape_cast %get3A_1587 : vector<1x16xf32> to vector<16xf32>
      %get3A_1589 = arith.index_cast %add3A_1584 : i32 to index
      %get3A_1590 = arith.constant 0 : index
      %get3A_1591 = tpu.vector_load %arg11[%get3A_1589, %get3A_1590] {strides = array<i32>} : memref<512x64xf32, #tpu.memory_space<vmem>>, vector<1x16xf32>,
      %get3A_1592 = vector.shape_cast %get3A_1591 : vector<1x16xf32> to vector<16xf32>
      %mul3A_1593 = arith.mulf %get3A_1588, %get3A_1592 : vector<16xf32>
      %get3A_1594 = arith.index_cast %add3A_1584 : i32 to index
      %get3A_1595 = arith.constant 16 : index
      %get3A_1596 = tpu.vector_load %arg10[%get3A_1594, %get3A_1595] {strides = array<i32>} : memref<512x64xf32, #tpu.memory_space<vmem>>, vector<1x16xf32>,
      %get3A_1597 = vector.shape_cast %get3A_1596 : vector<1x16xf32> to vector<16xf32>
      %get3A_1598 = arith.index_cast %add3A_1584 : i32 to index
      %get3A_1599 = arith.constant 16 : index
      %get3A_1600 = tpu.vector_load %arg11[%get3A_1598, %get3A_1599] {strides = array<i32>} : memref<512x64xf32, #tpu.memory_space<vmem>>, vector<1x16xf32>,
      %get3A_1601 = vector.shape_cast %get3A_1600 : vector<1x16xf32> to vector<16xf32>
      %mul3A_1602 = arith.mulf %get3A_1597, %get3A_1601 : vector<16xf32>
      %add3A_1603 = arith.addf %mul3A_1593, %mul3A_1602 : vector<16xf32>
      %get3A_1604 = arith.index_cast %add3A_1584 : i32 to index
      %get3A_1605 = arith.constant 32 : index
      %get3A_1606 = tpu.vector_load %arg10[%get3A_1604, %get3A_1605] {strides = array<i32>} : memref<512x64xf32, #tpu.memory_space<vmem>>, vector<1x16xf32>,
      %get3A_1607 = vector.shape_cast %get3A_1606 : vector<1x16xf32> to vector<16xf32>
      %get3A_1608 = arith.index_cast %add3A_1584 : i32 to index
      %get3A_1609 = arith.constant 32 : index
      %get3A_1610 = tpu.vector_load %arg11[%get3A_1608, %get3A_1609] {strides = array<i32>} : memref<512x64xf32, #tpu.memory_space<vmem>>, vector<1x16xf32>,
      %get3A_1611 = vector.shape_cast %get3A_1610 : vector<1x16xf32> to vector<16xf32>
      %mul3A_1612 = arith.mulf %get3A_1607, %get3A_1611 : vector<16xf32>
      %add3A_1613 = arith.addf %add3A_1603, %mul3A_1612 : vector<16xf32>
      %get3A_1614 = arith.index_cast %add3A_1584 : i32 to index
      %get3A_1615 = arith.constant 48 : index
      %get3A_1616 = tpu.vector_load %arg10[%get3A_1614, %get3A_1615] {strides = array<i32>} : memref<512x64xf32, #tpu.memory_space<vmem>>, vector<1x16xf32>,
      %get3A_1617 = vector.shape_cast %get3A_1616 : vector<1x16xf32> to vector<16xf32>
      %get3A_1618 = arith.index_cast %add3A_1584 : i32 to index
      %get3A_1619 = arith.constant 48 : index
      %get3A_1620 = tpu.vector_load %arg11[%get3A_1618, %get3A_1619] {strides = array<i32>} : memref<512x64xf32, #tpu.memory_space<vmem>>, vector<1x16xf32>,
      %get3A_1621 = vector.shape_cast %get3A_1620 : vector<1x16xf32> to vector<16xf32>
      %mul3A_1622 = arith.mulf %get3A_1617, %get3A_1621 : vector<16xf32>
      %add3A_1623 = arith.addf %add3A_1613, %mul3A_1622 : vector<16xf32>
      %slice3A_1624 = vector.extract_strided_slice %and3A_630 {offsets = [11], sizes = [1], strides = [1]} : vector<16xi32> to vector<1xi32>
      %squeeze3A_1625 = vector.extract %slice3A_1624[0] : i32 from vector<1xi32>
      %eq3A_1626 = vector.broadcast %squeeze3A_1625 : i32 to vector<16xi32>
      %eq3A_1627 = arith.cmpi eq, %iota3A, %eq3A_1626 : vector<16xi32>
      %get3A_1628 = arith.index_cast %add3A_1584 : i32 to index
      %get3A_1629 = arith.constant 0 : index
      %get3A_1630 = tpu.vector_load %arg12[%get3A_1628, %get3A_1629] {strides = array<i32>} : memref<512x16xf32, #tpu.memory_space<vmem>>, vector<1x16xf32>,
      %get3A_1631 = vector.shape_cast %get3A_1630 : vector<1x16xf32> to vector<16xf32>
      %jit3A_1632 = arith.constant 0.000000e+00 : f32
      %broadcast_in_dim3A_1633 = vector.broadcast %jit3A_1632 : f32 to vector<16xf32>
      %select_n3A_1634 = arith.select %eq3A_1627, %get3A_1631, %broadcast_in_dim3A_1633 : vector<16xi1>, vector<16xf32>
      %add3A_1635 = arith.addf %add3A_1623, %select_n3A_1634 : vector<16xf32>
      %xor3A_1636 = arith.constant 1 : i32
      %xor3A_1637 = vector.broadcast %xor3A_1636 : i32 to vector<16xi32>
      %xor3A_1638 = arith.xori %iota3A, %xor3A_1637 : vector<16xi32>
      %broadcast_in_dim3A_1639 = vector.shape_cast %xor3A_1638 : vector<16xi32> to vector<16x1xi32>
      %gather3A_1640 = vector.shape_cast %broadcast_in_dim3A_1639 : vector<16x1xi32> to vector<16xi32>
      %gather3A_1641 = tpu.dynamic_gather %add3A_1635[%gather3A_1640] in [0] : vector<16xf32>, vector<16xi32> -> vector<16xf32>
      %add3A_1642 = arith.addf %add3A_1635, %gather3A_1641 : vector<16xf32>
      %xor3A_1643 = arith.constant 2 : i32
      %xor3A_1644 = vector.broadcast %xor3A_1643 : i32 to vector<16xi32>
      %xor3A_1645 = arith.xori %iota3A, %xor3A_1644 : vector<16xi32>
      %broadcast_in_dim3A_1646 = vector.shape_cast %xor3A_1645 : vector<16xi32> to vector<16x1xi32>
      %gather3A_1647 = vector.shape_cast %broadcast_in_dim3A_1646 : vector<16x1xi32> to vector<16xi32>
      %gather3A_1648 = tpu.dynamic_gather %add3A_1642[%gather3A_1647] in [0] : vector<16xf32>, vector<16xi32> -> vector<16xf32>
      %add3A_1649 = arith.addf %add3A_1642, %gather3A_1648 : vector<16xf32>
      %xor3A_1650 = arith.constant 4 : i32
      %xor3A_1651 = vector.broadcast %xor3A_1650 : i32 to vector<16xi32>
      %xor3A_1652 = arith.xori %iota3A, %xor3A_1651 : vector<16xi32>
      %broadcast_in_dim3A_1653 = vector.shape_cast %xor3A_1652 : vector<16xi32> to vector<16x1xi32>
      %gather3A_1654 = vector.shape_cast %broadcast_in_dim3A_1653 : vector<16x1xi32> to vector<16xi32>
      %gather3A_1655 = tpu.dynamic_gather %add3A_1649[%gather3A_1654] in [0] : vector<16xf32>, vector<16xi32> -> vector<16xf32>
      %add3A_1656 = arith.addf %add3A_1649, %gather3A_1655 : vector<16xf32>
      %xor3A_1657 = arith.constant 8 : i32
      %xor3A_1658 = vector.broadcast %xor3A_1657 : i32 to vector<16xi32>
      %xor3A_1659 = arith.xori %iota3A, %xor3A_1658 : vector<16xi32>
      %broadcast_in_dim3A_1660 = vector.shape_cast %xor3A_1659 : vector<16xi32> to vector<16x1xi32>
      %gather3A_1661 = vector.shape_cast %broadcast_in_dim3A_1660 : vector<16x1xi32> to vector<16xi32>
      %gather3A_1662 = tpu.dynamic_gather %add3A_1656[%gather3A_1661] in [0] : vector<16xf32>, vector<16xi32> -> vector<16xf32>
      %add3A_1663 = arith.addf %add3A_1656, %gather3A_1662 : vector<16xf32>
      %eq3A_1664 = arith.constant 11 : i32
      %eq3A_1665 = vector.broadcast %eq3A_1664 : i32 to vector<16xi32>
      %eq3A_1666 = arith.cmpi eq, %iota3A, %eq3A_1665 : vector<16xi32>
      %select_n3A_1667 = arith.select %eq3A_1666, %add3A_1663, %select_n3A_1580 : vector<16xi1>, vector<16xf32>
      %mul3A_1668 = arith.constant 16 : i32
      %mul3A_1669 = arith.muli %scan3A_622, %mul3A_1668 : i32
      %add3A_1670 = arith.constant 12 : i32
      %add3A_1671 = arith.addi %mul3A_1669, %add3A_1670 : i32
      %get3A_1672 = arith.index_cast %add3A_1671 : i32 to index
      %get3A_1673 = arith.constant 0 : index
      %get3A_1674 = tpu.vector_load %arg10[%get3A_1672, %get3A_1673] {strides = array<i32>} : memref<512x64xf32, #tpu.memory_space<vmem>>, vector<1x16xf32>,
      %get3A_1675 = vector.shape_cast %get3A_1674 : vector<1x16xf32> to vector<16xf32>
      %get3A_1676 = arith.index_cast %add3A_1671 : i32 to index
      %get3A_1677 = arith.constant 0 : index
      %get3A_1678 = tpu.vector_load %arg11[%get3A_1676, %get3A_1677] {strides = array<i32>} : memref<512x64xf32, #tpu.memory_space<vmem>>, vector<1x16xf32>,
      %get3A_1679 = vector.shape_cast %get3A_1678 : vector<1x16xf32> to vector<16xf32>
      %mul3A_1680 = arith.mulf %get3A_1675, %get3A_1679 : vector<16xf32>
      %get3A_1681 = arith.index_cast %add3A_1671 : i32 to index
      %get3A_1682 = arith.constant 16 : index
      %get3A_1683 = tpu.vector_load %arg10[%get3A_1681, %get3A_1682] {strides = array<i32>} : memref<512x64xf32, #tpu.memory_space<vmem>>, vector<1x16xf32>,
      %get3A_1684 = vector.shape_cast %get3A_1683 : vector<1x16xf32> to vector<16xf32>
      %get3A_1685 = arith.index_cast %add3A_1671 : i32 to index
      %get3A_1686 = arith.constant 16 : index
      %get3A_1687 = tpu.vector_load %arg11[%get3A_1685, %get3A_1686] {strides = array<i32>} : memref<512x64xf32, #tpu.memory_space<vmem>>, vector<1x16xf32>,
      %get3A_1688 = vector.shape_cast %get3A_1687 : vector<1x16xf32> to vector<16xf32>
      %mul3A_1689 = arith.mulf %get3A_1684, %get3A_1688 : vector<16xf32>
      %add3A_1690 = arith.addf %mul3A_1680, %mul3A_1689 : vector<16xf32>
      %get3A_1691 = arith.index_cast %add3A_1671 : i32 to index
      %get3A_1692 = arith.constant 32 : index
      %get3A_1693 = tpu.vector_load %arg10[%get3A_1691, %get3A_1692] {strides = array<i32>} : memref<512x64xf32, #tpu.memory_space<vmem>>, vector<1x16xf32>,
      %get3A_1694 = vector.shape_cast %get3A_1693 : vector<1x16xf32> to vector<16xf32>
      %get3A_1695 = arith.index_cast %add3A_1671 : i32 to index
      %get3A_1696 = arith.constant 32 : index
      %get3A_1697 = tpu.vector_load %arg11[%get3A_1695, %get3A_1696] {strides = array<i32>} : memref<512x64xf32, #tpu.memory_space<vmem>>, vector<1x16xf32>,
      %get3A_1698 = vector.shape_cast %get3A_1697 : vector<1x16xf32> to vector<16xf32>
      %mul3A_1699 = arith.mulf %get3A_1694, %get3A_1698 : vector<16xf32>
      %add3A_1700 = arith.addf %add3A_1690, %mul3A_1699 : vector<16xf32>
      %get3A_1701 = arith.index_cast %add3A_1671 : i32 to index
      %get3A_1702 = arith.constant 48 : index
      %get3A_1703 = tpu.vector_load %arg10[%get3A_1701, %get3A_1702] {strides = array<i32>} : memref<512x64xf32, #tpu.memory_space<vmem>>, vector<1x16xf32>,
      %get3A_1704 = vector.shape_cast %get3A_1703 : vector<1x16xf32> to vector<16xf32>
      %get3A_1705 = arith.index_cast %add3A_1671 : i32 to index
      %get3A_1706 = arith.constant 48 : index
      %get3A_1707 = tpu.vector_load %arg11[%get3A_1705, %get3A_1706] {strides = array<i32>} : memref<512x64xf32, #tpu.memory_space<vmem>>, vector<1x16xf32>,
      %get3A_1708 = vector.shape_cast %get3A_1707 : vector<1x16xf32> to vector<16xf32>
      %mul3A_1709 = arith.mulf %get3A_1704, %get3A_1708 : vector<16xf32>
      %add3A_1710 = arith.addf %add3A_1700, %mul3A_1709 : vector<16xf32>
      %slice3A_1711 = vector.extract_strided_slice %and3A_630 {offsets = [12], sizes = [1], strides = [1]} : vector<16xi32> to vector<1xi32>
      %squeeze3A_1712 = vector.extract %slice3A_1711[0] : i32 from vector<1xi32>
      %eq3A_1713 = vector.broadcast %squeeze3A_1712 : i32 to vector<16xi32>
      %eq3A_1714 = arith.cmpi eq, %iota3A, %eq3A_1713 : vector<16xi32>
      %get3A_1715 = arith.index_cast %add3A_1671 : i32 to index
      %get3A_1716 = arith.constant 0 : index
      %get3A_1717 = tpu.vector_load %arg12[%get3A_1715, %get3A_1716] {strides = array<i32>} : memref<512x16xf32, #tpu.memory_space<vmem>>, vector<1x16xf32>,
      %get3A_1718 = vector.shape_cast %get3A_1717 : vector<1x16xf32> to vector<16xf32>
      %jit3A_1719 = arith.constant 0.000000e+00 : f32
      %broadcast_in_dim3A_1720 = vector.broadcast %jit3A_1719 : f32 to vector<16xf32>
      %select_n3A_1721 = arith.select %eq3A_1714, %get3A_1718, %broadcast_in_dim3A_1720 : vector<16xi1>, vector<16xf32>
      %add3A_1722 = arith.addf %add3A_1710, %select_n3A_1721 : vector<16xf32>
      %xor3A_1723 = arith.constant 1 : i32
      %xor3A_1724 = vector.broadcast %xor3A_1723 : i32 to vector<16xi32>
      %xor3A_1725 = arith.xori %iota3A, %xor3A_1724 : vector<16xi32>
      %broadcast_in_dim3A_1726 = vector.shape_cast %xor3A_1725 : vector<16xi32> to vector<16x1xi32>
      %gather3A_1727 = vector.shape_cast %broadcast_in_dim3A_1726 : vector<16x1xi32> to vector<16xi32>
      %gather3A_1728 = tpu.dynamic_gather %add3A_1722[%gather3A_1727] in [0] : vector<16xf32>, vector<16xi32> -> vector<16xf32>
      %add3A_1729 = arith.addf %add3A_1722, %gather3A_1728 : vector<16xf32>
      %xor3A_1730 = arith.constant 2 : i32
      %xor3A_1731 = vector.broadcast %xor3A_1730 : i32 to vector<16xi32>
      %xor3A_1732 = arith.xori %iota3A, %xor3A_1731 : vector<16xi32>
      %broadcast_in_dim3A_1733 = vector.shape_cast %xor3A_1732 : vector<16xi32> to vector<16x1xi32>
      %gather3A_1734 = vector.shape_cast %broadcast_in_dim3A_1733 : vector<16x1xi32> to vector<16xi32>
      %gather3A_1735 = tpu.dynamic_gather %add3A_1729[%gather3A_1734] in [0] : vector<16xf32>, vector<16xi32> -> vector<16xf32>
      %add3A_1736 = arith.addf %add3A_1729, %gather3A_1735 : vector<16xf32>
      %xor3A_1737 = arith.constant 4 : i32
      %xor3A_1738 = vector.broadcast %xor3A_1737 : i32 to vector<16xi32>
      %xor3A_1739 = arith.xori %iota3A, %xor3A_1738 : vector<16xi32>
      %broadcast_in_dim3A_1740 = vector.shape_cast %xor3A_1739 : vector<16xi32> to vector<16x1xi32>
      %gather3A_1741 = vector.shape_cast %broadcast_in_dim3A_1740 : vector<16x1xi32> to vector<16xi32>
      %gather3A_1742 = tpu.dynamic_gather %add3A_1736[%gather3A_1741] in [0] : vector<16xf32>, vector<16xi32> -> vector<16xf32>
      %add3A_1743 = arith.addf %add3A_1736, %gather3A_1742 : vector<16xf32>
      %xor3A_1744 = arith.constant 8 : i32
      %xor3A_1745 = vector.broadcast %xor3A_1744 : i32 to vector<16xi32>
      %xor3A_1746 = arith.xori %iota3A, %xor3A_1745 : vector<16xi32>
      %broadcast_in_dim3A_1747 = vector.shape_cast %xor3A_1746 : vector<16xi32> to vector<16x1xi32>
      %gather3A_1748 = vector.shape_cast %broadcast_in_dim3A_1747 : vector<16x1xi32> to vector<16xi32>
      %gather3A_1749 = tpu.dynamic_gather %add3A_1743[%gather3A_1748] in [0] : vector<16xf32>, vector<16xi32> -> vector<16xf32>
      %add3A_1750 = arith.addf %add3A_1743, %gather3A_1749 : vector<16xf32>
      %eq3A_1751 = arith.constant 12 : i32
      %eq3A_1752 = vector.broadcast %eq3A_1751 : i32 to vector<16xi32>
      %eq3A_1753 = arith.cmpi eq, %iota3A, %eq3A_1752 : vector<16xi32>
      %select_n3A_1754 = arith.select %eq3A_1753, %add3A_1750, %select_n3A_1667 : vector<16xi1>, vector<16xf32>
      %mul3A_1755 = arith.constant 16 : i32
      %mul3A_1756 = arith.muli %scan3A_622, %mul3A_1755 : i32
      %add3A_1757 = arith.constant 13 : i32
      %add3A_1758 = arith.addi %mul3A_1756, %add3A_1757 : i32
      %get3A_1759 = arith.index_cast %add3A_1758 : i32 to index
      %get3A_1760 = arith.constant 0 : index
      %get3A_1761 = tpu.vector_load %arg10[%get3A_1759, %get3A_1760] {strides = array<i32>} : memref<512x64xf32, #tpu.memory_space<vmem>>, vector<1x16xf32>,
      %get3A_1762 = vector.shape_cast %get3A_1761 : vector<1x16xf32> to vector<16xf32>
      %get3A_1763 = arith.index_cast %add3A_1758 : i32 to index
      %get3A_1764 = arith.constant 0 : index
      %get3A_1765 = tpu.vector_load %arg11[%get3A_1763, %get3A_1764] {strides = array<i32>} : memref<512x64xf32, #tpu.memory_space<vmem>>, vector<1x16xf32>,
      %get3A_1766 = vector.shape_cast %get3A_1765 : vector<1x16xf32> to vector<16xf32>
      %mul3A_1767 = arith.mulf %get3A_1762, %get3A_1766 : vector<16xf32>
      %get3A_1768 = arith.index_cast %add3A_1758 : i32 to index
      %get3A_1769 = arith.constant 16 : index
      %get3A_1770 = tpu.vector_load %arg10[%get3A_1768, %get3A_1769] {strides = array<i32>} : memref<512x64xf32, #tpu.memory_space<vmem>>, vector<1x16xf32>,
      %get3A_1771 = vector.shape_cast %get3A_1770 : vector<1x16xf32> to vector<16xf32>
      %get3A_1772 = arith.index_cast %add3A_1758 : i32 to index
      %get3A_1773 = arith.constant 16 : index
      %get3A_1774 = tpu.vector_load %arg11[%get3A_1772, %get3A_1773] {strides = array<i32>} : memref<512x64xf32, #tpu.memory_space<vmem>>, vector<1x16xf32>,
      %get3A_1775 = vector.shape_cast %get3A_1774 : vector<1x16xf32> to vector<16xf32>
      %mul3A_1776 = arith.mulf %get3A_1771, %get3A_1775 : vector<16xf32>
      %add3A_1777 = arith.addf %mul3A_1767, %mul3A_1776 : vector<16xf32>
      %get3A_1778 = arith.index_cast %add3A_1758 : i32 to index
      %get3A_1779 = arith.constant 32 : index
      %get3A_1780 = tpu.vector_load %arg10[%get3A_1778, %get3A_1779] {strides = array<i32>} : memref<512x64xf32, #tpu.memory_space<vmem>>, vector<1x16xf32>,
      %get3A_1781 = vector.shape_cast %get3A_1780 : vector<1x16xf32> to vector<16xf32>
      %get3A_1782 = arith.index_cast %add3A_1758 : i32 to index
      %get3A_1783 = arith.constant 32 : index
      %get3A_1784 = tpu.vector_load %arg11[%get3A_1782, %get3A_1783] {strides = array<i32>} : memref<512x64xf32, #tpu.memory_space<vmem>>, vector<1x16xf32>,
      %get3A_1785 = vector.shape_cast %get3A_1784 : vector<1x16xf32> to vector<16xf32>
      %mul3A_1786 = arith.mulf %get3A_1781, %get3A_1785 : vector<16xf32>
      %add3A_1787 = arith.addf %add3A_1777, %mul3A_1786 : vector<16xf32>
      %get3A_1788 = arith.index_cast %add3A_1758 : i32 to index
      %get3A_1789 = arith.constant 48 : index
      %get3A_1790 = tpu.vector_load %arg10[%get3A_1788, %get3A_1789] {strides = array<i32>} : memref<512x64xf32, #tpu.memory_space<vmem>>, vector<1x16xf32>,
      %get3A_1791 = vector.shape_cast %get3A_1790 : vector<1x16xf32> to vector<16xf32>
      %get3A_1792 = arith.index_cast %add3A_1758 : i32 to index
      %get3A_1793 = arith.constant 48 : index
      %get3A_1794 = tpu.vector_load %arg11[%get3A_1792, %get3A_1793] {strides = array<i32>} : memref<512x64xf32, #tpu.memory_space<vmem>>, vector<1x16xf32>,
      %get3A_1795 = vector.shape_cast %get3A_1794 : vector<1x16xf32> to vector<16xf32>
      %mul3A_1796 = arith.mulf %get3A_1791, %get3A_1795 : vector<16xf32>
      %add3A_1797 = arith.addf %add3A_1787, %mul3A_1796 : vector<16xf32>
      %slice3A_1798 = vector.extract_strided_slice %and3A_630 {offsets = [13], sizes = [1], strides = [1]} : vector<16xi32> to vector<1xi32>
      %squeeze3A_1799 = vector.extract %slice3A_1798[0] : i32 from vector<1xi32>
      %eq3A_1800 = vector.broadcast %squeeze3A_1799 : i32 to vector<16xi32>
      %eq3A_1801 = arith.cmpi eq, %iota3A, %eq3A_1800 : vector<16xi32>
      %get3A_1802 = arith.index_cast %add3A_1758 : i32 to index
      %get3A_1803 = arith.constant 0 : index
      %get3A_1804 = tpu.vector_load %arg12[%get3A_1802, %get3A_1803] {strides = array<i32>} : memref<512x16xf32, #tpu.memory_space<vmem>>, vector<1x16xf32>,
      %get3A_1805 = vector.shape_cast %get3A_1804 : vector<1x16xf32> to vector<16xf32>
      %jit3A_1806 = arith.constant 0.000000e+00 : f32
      %broadcast_in_dim3A_1807 = vector.broadcast %jit3A_1806 : f32 to vector<16xf32>
      %select_n3A_1808 = arith.select %eq3A_1801, %get3A_1805, %broadcast_in_dim3A_1807 : vector<16xi1>, vector<16xf32>
      %add3A_1809 = arith.addf %add3A_1797, %select_n3A_1808 : vector<16xf32>
      %xor3A_1810 = arith.constant 1 : i32
      %xor3A_1811 = vector.broadcast %xor3A_1810 : i32 to vector<16xi32>
      %xor3A_1812 = arith.xori %iota3A, %xor3A_1811 : vector<16xi32>
      %broadcast_in_dim3A_1813 = vector.shape_cast %xor3A_1812 : vector<16xi32> to vector<16x1xi32>
      %gather3A_1814 = vector.shape_cast %broadcast_in_dim3A_1813 : vector<16x1xi32> to vector<16xi32>
      %gather3A_1815 = tpu.dynamic_gather %add3A_1809[%gather3A_1814] in [0] : vector<16xf32>, vector<16xi32> -> vector<16xf32>
      %add3A_1816 = arith.addf %add3A_1809, %gather3A_1815 : vector<16xf32>
      %xor3A_1817 = arith.constant 2 : i32
      %xor3A_1818 = vector.broadcast %xor3A_1817 : i32 to vector<16xi32>
      %xor3A_1819 = arith.xori %iota3A, %xor3A_1818 : vector<16xi32>
      %broadcast_in_dim3A_1820 = vector.shape_cast %xor3A_1819 : vector<16xi32> to vector<16x1xi32>
      %gather3A_1821 = vector.shape_cast %broadcast_in_dim3A_1820 : vector<16x1xi32> to vector<16xi32>
      %gather3A_1822 = tpu.dynamic_gather %add3A_1816[%gather3A_1821] in [0] : vector<16xf32>, vector<16xi32> -> vector<16xf32>
      %add3A_1823 = arith.addf %add3A_1816, %gather3A_1822 : vector<16xf32>
      %xor3A_1824 = arith.constant 4 : i32
      %xor3A_1825 = vector.broadcast %xor3A_1824 : i32 to vector<16xi32>
      %xor3A_1826 = arith.xori %iota3A, %xor3A_1825 : vector<16xi32>
      %broadcast_in_dim3A_1827 = vector.shape_cast %xor3A_1826 : vector<16xi32> to vector<16x1xi32>
      %gather3A_1828 = vector.shape_cast %broadcast_in_dim3A_1827 : vector<16x1xi32> to vector<16xi32>
      %gather3A_1829 = tpu.dynamic_gather %add3A_1823[%gather3A_1828] in [0] : vector<16xf32>, vector<16xi32> -> vector<16xf32>
      %add3A_1830 = arith.addf %add3A_1823, %gather3A_1829 : vector<16xf32>
      %xor3A_1831 = arith.constant 8 : i32
      %xor3A_1832 = vector.broadcast %xor3A_1831 : i32 to vector<16xi32>
      %xor3A_1833 = arith.xori %iota3A, %xor3A_1832 : vector<16xi32>
      %broadcast_in_dim3A_1834 = vector.shape_cast %xor3A_1833 : vector<16xi32> to vector<16x1xi32>
      %gather3A_1835 = vector.shape_cast %broadcast_in_dim3A_1834 : vector<16x1xi32> to vector<16xi32>
      %gather3A_1836 = tpu.dynamic_gather %add3A_1830[%gather3A_1835] in [0] : vector<16xf32>, vector<16xi32> -> vector<16xf32>
      %add3A_1837 = arith.addf %add3A_1830, %gather3A_1836 : vector<16xf32>
      %eq3A_1838 = arith.constant 13 : i32
      %eq3A_1839 = vector.broadcast %eq3A_1838 : i32 to vector<16xi32>
      %eq3A_1840 = arith.cmpi eq, %iota3A, %eq3A_1839 : vector<16xi32>
      %select_n3A_1841 = arith.select %eq3A_1840, %add3A_1837, %select_n3A_1754 : vector<16xi1>, vector<16xf32>
      %mul3A_1842 = arith.constant 16 : i32
      %mul3A_1843 = arith.muli %scan3A_622, %mul3A_1842 : i32
      %add3A_1844 = arith.constant 14 : i32
      %add3A_1845 = arith.addi %mul3A_1843, %add3A_1844 : i32
      %get3A_1846 = arith.index_cast %add3A_1845 : i32 to index
      %get3A_1847 = arith.constant 0 : index
      %get3A_1848 = tpu.vector_load %arg10[%get3A_1846, %get3A_1847] {strides = array<i32>} : memref<512x64xf32, #tpu.memory_space<vmem>>, vector<1x16xf32>,
      %get3A_1849 = vector.shape_cast %get3A_1848 : vector<1x16xf32> to vector<16xf32>
      %get3A_1850 = arith.index_cast %add3A_1845 : i32 to index
      %get3A_1851 = arith.constant 0 : index
      %get3A_1852 = tpu.vector_load %arg11[%get3A_1850, %get3A_1851] {strides = array<i32>} : memref<512x64xf32, #tpu.memory_space<vmem>>, vector<1x16xf32>,
      %get3A_1853 = vector.shape_cast %get3A_1852 : vector<1x16xf32> to vector<16xf32>
      %mul3A_1854 = arith.mulf %get3A_1849, %get3A_1853 : vector<16xf32>
      %get3A_1855 = arith.index_cast %add3A_1845 : i32 to index
      %get3A_1856 = arith.constant 16 : index
      %get3A_1857 = tpu.vector_load %arg10[%get3A_1855, %get3A_1856] {strides = array<i32>} : memref<512x64xf32, #tpu.memory_space<vmem>>, vector<1x16xf32>,
      %get3A_1858 = vector.shape_cast %get3A_1857 : vector<1x16xf32> to vector<16xf32>
      %get3A_1859 = arith.index_cast %add3A_1845 : i32 to index
      %get3A_1860 = arith.constant 16 : index
      %get3A_1861 = tpu.vector_load %arg11[%get3A_1859, %get3A_1860] {strides = array<i32>} : memref<512x64xf32, #tpu.memory_space<vmem>>, vector<1x16xf32>,
      %get3A_1862 = vector.shape_cast %get3A_1861 : vector<1x16xf32> to vector<16xf32>
      %mul3A_1863 = arith.mulf %get3A_1858, %get3A_1862 : vector<16xf32>
      %add3A_1864 = arith.addf %mul3A_1854, %mul3A_1863 : vector<16xf32>
      %get3A_1865 = arith.index_cast %add3A_1845 : i32 to index
      %get3A_1866 = arith.constant 32 : index
      %get3A_1867 = tpu.vector_load %arg10[%get3A_1865, %get3A_1866] {strides = array<i32>} : memref<512x64xf32, #tpu.memory_space<vmem>>, vector<1x16xf32>,
      %get3A_1868 = vector.shape_cast %get3A_1867 : vector<1x16xf32> to vector<16xf32>
      %get3A_1869 = arith.index_cast %add3A_1845 : i32 to index
      %get3A_1870 = arith.constant 32 : index
      %get3A_1871 = tpu.vector_load %arg11[%get3A_1869, %get3A_1870] {strides = array<i32>} : memref<512x64xf32, #tpu.memory_space<vmem>>, vector<1x16xf32>,
      %get3A_1872 = vector.shape_cast %get3A_1871 : vector<1x16xf32> to vector<16xf32>
      %mul3A_1873 = arith.mulf %get3A_1868, %get3A_1872 : vector<16xf32>
      %add3A_1874 = arith.addf %add3A_1864, %mul3A_1873 : vector<16xf32>
      %get3A_1875 = arith.index_cast %add3A_1845 : i32 to index
      %get3A_1876 = arith.constant 48 : index
      %get3A_1877 = tpu.vector_load %arg10[%get3A_1875, %get3A_1876] {strides = array<i32>} : memref<512x64xf32, #tpu.memory_space<vmem>>, vector<1x16xf32>,
      %get3A_1878 = vector.shape_cast %get3A_1877 : vector<1x16xf32> to vector<16xf32>
      %get3A_1879 = arith.index_cast %add3A_1845 : i32 to index
      %get3A_1880 = arith.constant 48 : index
      %get3A_1881 = tpu.vector_load %arg11[%get3A_1879, %get3A_1880] {strides = array<i32>} : memref<512x64xf32, #tpu.memory_space<vmem>>, vector<1x16xf32>,
      %get3A_1882 = vector.shape_cast %get3A_1881 : vector<1x16xf32> to vector<16xf32>
      %mul3A_1883 = arith.mulf %get3A_1878, %get3A_1882 : vector<16xf32>
      %add3A_1884 = arith.addf %add3A_1874, %mul3A_1883 : vector<16xf32>
      %slice3A_1885 = vector.extract_strided_slice %and3A_630 {offsets = [14], sizes = [1], strides = [1]} : vector<16xi32> to vector<1xi32>
      %squeeze3A_1886 = vector.extract %slice3A_1885[0] : i32 from vector<1xi32>
      %eq3A_1887 = vector.broadcast %squeeze3A_1886 : i32 to vector<16xi32>
      %eq3A_1888 = arith.cmpi eq, %iota3A, %eq3A_1887 : vector<16xi32>
      %get3A_1889 = arith.index_cast %add3A_1845 : i32 to index
      %get3A_1890 = arith.constant 0 : index
      %get3A_1891 = tpu.vector_load %arg12[%get3A_1889, %get3A_1890] {strides = array<i32>} : memref<512x16xf32, #tpu.memory_space<vmem>>, vector<1x16xf32>,
      %get3A_1892 = vector.shape_cast %get3A_1891 : vector<1x16xf32> to vector<16xf32>
      %jit3A_1893 = arith.constant 0.000000e+00 : f32
      %broadcast_in_dim3A_1894 = vector.broadcast %jit3A_1893 : f32 to vector<16xf32>
      %select_n3A_1895 = arith.select %eq3A_1888, %get3A_1892, %broadcast_in_dim3A_1894 : vector<16xi1>, vector<16xf32>
      %add3A_1896 = arith.addf %add3A_1884, %select_n3A_1895 : vector<16xf32>
      %xor3A_1897 = arith.constant 1 : i32
      %xor3A_1898 = vector.broadcast %xor3A_1897 : i32 to vector<16xi32>
      %xor3A_1899 = arith.xori %iota3A, %xor3A_1898 : vector<16xi32>
      %broadcast_in_dim3A_1900 = vector.shape_cast %xor3A_1899 : vector<16xi32> to vector<16x1xi32>
      %gather3A_1901 = vector.shape_cast %broadcast_in_dim3A_1900 : vector<16x1xi32> to vector<16xi32>
      %gather3A_1902 = tpu.dynamic_gather %add3A_1896[%gather3A_1901] in [0] : vector<16xf32>, vector<16xi32> -> vector<16xf32>
      %add3A_1903 = arith.addf %add3A_1896, %gather3A_1902 : vector<16xf32>
      %xor3A_1904 = arith.constant 2 : i32
      %xor3A_1905 = vector.broadcast %xor3A_1904 : i32 to vector<16xi32>
      %xor3A_1906 = arith.xori %iota3A, %xor3A_1905 : vector<16xi32>
      %broadcast_in_dim3A_1907 = vector.shape_cast %xor3A_1906 : vector<16xi32> to vector<16x1xi32>
      %gather3A_1908 = vector.shape_cast %broadcast_in_dim3A_1907 : vector<16x1xi32> to vector<16xi32>
      %gather3A_1909 = tpu.dynamic_gather %add3A_1903[%gather3A_1908] in [0] : vector<16xf32>, vector<16xi32> -> vector<16xf32>
      %add3A_1910 = arith.addf %add3A_1903, %gather3A_1909 : vector<16xf32>
      %xor3A_1911 = arith.constant 4 : i32
      %xor3A_1912 = vector.broadcast %xor3A_1911 : i32 to vector<16xi32>
      %xor3A_1913 = arith.xori %iota3A, %xor3A_1912 : vector<16xi32>
      %broadcast_in_dim3A_1914 = vector.shape_cast %xor3A_1913 : vector<16xi32> to vector<16x1xi32>
      %gather3A_1915 = vector.shape_cast %broadcast_in_dim3A_1914 : vector<16x1xi32> to vector<16xi32>
      %gather3A_1916 = tpu.dynamic_gather %add3A_1910[%gather3A_1915] in [0] : vector<16xf32>, vector<16xi32> -> vector<16xf32>
      %add3A_1917 = arith.addf %add3A_1910, %gather3A_1916 : vector<16xf32>
      %xor3A_1918 = arith.constant 8 : i32
      %xor3A_1919 = vector.broadcast %xor3A_1918 : i32 to vector<16xi32>
      %xor3A_1920 = arith.xori %iota3A, %xor3A_1919 : vector<16xi32>
      %broadcast_in_dim3A_1921 = vector.shape_cast %xor3A_1920 : vector<16xi32> to vector<16x1xi32>
      %gather3A_1922 = vector.shape_cast %broadcast_in_dim3A_1921 : vector<16x1xi32> to vector<16xi32>
      %gather3A_1923 = tpu.dynamic_gather %add3A_1917[%gather3A_1922] in [0] : vector<16xf32>, vector<16xi32> -> vector<16xf32>
      %add3A_1924 = arith.addf %add3A_1917, %gather3A_1923 : vector<16xf32>
      %eq3A_1925 = arith.constant 14 : i32
      %eq3A_1926 = vector.broadcast %eq3A_1925 : i32 to vector<16xi32>
      %eq3A_1927 = arith.cmpi eq, %iota3A, %eq3A_1926 : vector<16xi32>
      %select_n3A_1928 = arith.select %eq3A_1927, %add3A_1924, %select_n3A_1841 : vector<16xi1>, vector<16xf32>
      %mul3A_1929 = arith.constant 16 : i32
      %mul3A_1930 = arith.muli %scan3A_622, %mul3A_1929 : i32
      %add3A_1931 = arith.constant 15 : i32
      %add3A_1932 = arith.addi %mul3A_1930, %add3A_1931 : i32
      %get3A_1933 = arith.index_cast %add3A_1932 : i32 to index
      %get3A_1934 = arith.constant 0 : index
      %get3A_1935 = tpu.vector_load %arg10[%get3A_1933, %get3A_1934] {strides = array<i32>} : memref<512x64xf32, #tpu.memory_space<vmem>>, vector<1x16xf32>,
      %get3A_1936 = vector.shape_cast %get3A_1935 : vector<1x16xf32> to vector<16xf32>
      %get3A_1937 = arith.index_cast %add3A_1932 : i32 to index
      %get3A_1938 = arith.constant 0 : index
      %get3A_1939 = tpu.vector_load %arg11[%get3A_1937, %get3A_1938] {strides = array<i32>} : memref<512x64xf32, #tpu.memory_space<vmem>>, vector<1x16xf32>,
      %get3A_1940 = vector.shape_cast %get3A_1939 : vector<1x16xf32> to vector<16xf32>
      %mul3A_1941 = arith.mulf %get3A_1936, %get3A_1940 : vector<16xf32>
      %get3A_1942 = arith.index_cast %add3A_1932 : i32 to index
      %get3A_1943 = arith.constant 16 : index
      %get3A_1944 = tpu.vector_load %arg10[%get3A_1942, %get3A_1943] {strides = array<i32>} : memref<512x64xf32, #tpu.memory_space<vmem>>, vector<1x16xf32>,
      %get3A_1945 = vector.shape_cast %get3A_1944 : vector<1x16xf32> to vector<16xf32>
      %get3A_1946 = arith.index_cast %add3A_1932 : i32 to index
      %get3A_1947 = arith.constant 16 : index
      %get3A_1948 = tpu.vector_load %arg11[%get3A_1946, %get3A_1947] {strides = array<i32>} : memref<512x64xf32, #tpu.memory_space<vmem>>, vector<1x16xf32>,
      %get3A_1949 = vector.shape_cast %get3A_1948 : vector<1x16xf32> to vector<16xf32>
      %mul3A_1950 = arith.mulf %get3A_1945, %get3A_1949 : vector<16xf32>
      %add3A_1951 = arith.addf %mul3A_1941, %mul3A_1950 : vector<16xf32>
      %get3A_1952 = arith.index_cast %add3A_1932 : i32 to index
      %get3A_1953 = arith.constant 32 : index
      %get3A_1954 = tpu.vector_load %arg10[%get3A_1952, %get3A_1953] {strides = array<i32>} : memref<512x64xf32, #tpu.memory_space<vmem>>, vector<1x16xf32>,
      %get3A_1955 = vector.shape_cast %get3A_1954 : vector<1x16xf32> to vector<16xf32>
      %get3A_1956 = arith.index_cast %add3A_1932 : i32 to index
      %get3A_1957 = arith.constant 32 : index
      %get3A_1958 = tpu.vector_load %arg11[%get3A_1956, %get3A_1957] {strides = array<i32>} : memref<512x64xf32, #tpu.memory_space<vmem>>, vector<1x16xf32>,
      %get3A_1959 = vector.shape_cast %get3A_1958 : vector<1x16xf32> to vector<16xf32>
      %mul3A_1960 = arith.mulf %get3A_1955, %get3A_1959 : vector<16xf32>
      %add3A_1961 = arith.addf %add3A_1951, %mul3A_1960 : vector<16xf32>
      %get3A_1962 = arith.index_cast %add3A_1932 : i32 to index
      %get3A_1963 = arith.constant 48 : index
      %get3A_1964 = tpu.vector_load %arg10[%get3A_1962, %get3A_1963] {strides = array<i32>} : memref<512x64xf32, #tpu.memory_space<vmem>>, vector<1x16xf32>,
      %get3A_1965 = vector.shape_cast %get3A_1964 : vector<1x16xf32> to vector<16xf32>
      %get3A_1966 = arith.index_cast %add3A_1932 : i32 to index
      %get3A_1967 = arith.constant 48 : index
      %get3A_1968 = tpu.vector_load %arg11[%get3A_1966, %get3A_1967] {strides = array<i32>} : memref<512x64xf32, #tpu.memory_space<vmem>>, vector<1x16xf32>,
      %get3A_1969 = vector.shape_cast %get3A_1968 : vector<1x16xf32> to vector<16xf32>
      %mul3A_1970 = arith.mulf %get3A_1965, %get3A_1969 : vector<16xf32>
      %add3A_1971 = arith.addf %add3A_1961, %mul3A_1970 : vector<16xf32>
      %slice3A_1972 = vector.extract_strided_slice %and3A_630 {offsets = [15], sizes = [1], strides = [1]} : vector<16xi32> to vector<1xi32>
      %squeeze3A_1973 = vector.extract %slice3A_1972[0] : i32 from vector<1xi32>
      %eq3A_1974 = vector.broadcast %squeeze3A_1973 : i32 to vector<16xi32>
      %eq3A_1975 = arith.cmpi eq, %iota3A, %eq3A_1974 : vector<16xi32>
      %get3A_1976 = arith.index_cast %add3A_1932 : i32 to index
      %get3A_1977 = arith.constant 0 : index
      %get3A_1978 = tpu.vector_load %arg12[%get3A_1976, %get3A_1977] {strides = array<i32>} : memref<512x16xf32, #tpu.memory_space<vmem>>, vector<1x16xf32>,
      %get3A_1979 = vector.shape_cast %get3A_1978 : vector<1x16xf32> to vector<16xf32>
      %jit3A_1980 = arith.constant 0.000000e+00 : f32
      %broadcast_in_dim3A_1981 = vector.broadcast %jit3A_1980 : f32 to vector<16xf32>
      %select_n3A_1982 = arith.select %eq3A_1975, %get3A_1979, %broadcast_in_dim3A_1981 : vector<16xi1>, vector<16xf32>
      %add3A_1983 = arith.addf %add3A_1971, %select_n3A_1982 : vector<16xf32>
      %xor3A_1984 = arith.constant 1 : i32
      %xor3A_1985 = vector.broadcast %xor3A_1984 : i32 to vector<16xi32>
      %xor3A_1986 = arith.xori %iota3A, %xor3A_1985 : vector<16xi32>
      %broadcast_in_dim3A_1987 = vector.shape_cast %xor3A_1986 : vector<16xi32> to vector<16x1xi32>
      %gather3A_1988 = vector.shape_cast %broadcast_in_dim3A_1987 : vector<16x1xi32> to vector<16xi32>
      %gather3A_1989 = tpu.dynamic_gather %add3A_1983[%gather3A_1988] in [0] : vector<16xf32>, vector<16xi32> -> vector<16xf32>
      %add3A_1990 = arith.addf %add3A_1983, %gather3A_1989 : vector<16xf32>
      %xor3A_1991 = arith.constant 2 : i32
      %xor3A_1992 = vector.broadcast %xor3A_1991 : i32 to vector<16xi32>
      %xor3A_1993 = arith.xori %iota3A, %xor3A_1992 : vector<16xi32>
      %broadcast_in_dim3A_1994 = vector.shape_cast %xor3A_1993 : vector<16xi32> to vector<16x1xi32>
      %gather3A_1995 = vector.shape_cast %broadcast_in_dim3A_1994 : vector<16x1xi32> to vector<16xi32>
      %gather3A_1996 = tpu.dynamic_gather %add3A_1990[%gather3A_1995] in [0] : vector<16xf32>, vector<16xi32> -> vector<16xf32>
      %add3A_1997 = arith.addf %add3A_1990, %gather3A_1996 : vector<16xf32>
      %xor3A_1998 = arith.constant 4 : i32
      %xor3A_1999 = vector.broadcast %xor3A_1998 : i32 to vector<16xi32>
      %xor3A_2000 = arith.xori %iota3A, %xor3A_1999 : vector<16xi32>
      %broadcast_in_dim3A_2001 = vector.shape_cast %xor3A_2000 : vector<16xi32> to vector<16x1xi32>
      %gather3A_2002 = vector.shape_cast %broadcast_in_dim3A_2001 : vector<16x1xi32> to vector<16xi32>
      %gather3A_2003 = tpu.dynamic_gather %add3A_1997[%gather3A_2002] in [0] : vector<16xf32>, vector<16xi32> -> vector<16xf32>
      %add3A_2004 = arith.addf %add3A_1997, %gather3A_2003 : vector<16xf32>
      %xor3A_2005 = arith.constant 8 : i32
      %xor3A_2006 = vector.broadcast %xor3A_2005 : i32 to vector<16xi32>
      %xor3A_2007 = arith.xori %iota3A, %xor3A_2006 : vector<16xi32>
      %broadcast_in_dim3A_2008 = vector.shape_cast %xor3A_2007 : vector<16xi32> to vector<16x1xi32>
      %gather3A_2009 = vector.shape_cast %broadcast_in_dim3A_2008 : vector<16x1xi32> to vector<16xi32>
      %gather3A_2010 = tpu.dynamic_gather %add3A_2004[%gather3A_2009] in [0] : vector<16xf32>, vector<16xi32> -> vector<16xf32>
      %add3A_2011 = arith.addf %add3A_2004, %gather3A_2010 : vector<16xf32>
      %eq3A_2012 = arith.constant 15 : i32
      %eq3A_2013 = vector.broadcast %eq3A_2012 : i32 to vector<16xi32>
      %eq3A_2014 = arith.cmpi eq, %iota3A, %eq3A_2013 : vector<16xi32>
      %select_n3A_2015 = arith.select %eq3A_2014, %add3A_2011, %select_n3A_1928 : vector<16xi1>, vector<16xf32>
      %swap3A_2016 = arith.index_cast %mul3A_624 : i32 to index
      %swap3A_2017 = tpu.vector_load %arg13[%swap3A_2016] {strides = array<i32>} : memref<512xf32, #tpu.memory_space<vmem>>, vector<16xf32>,
      %swap3A_2018 = vector.shape_cast %swap3A_2017 : vector<16xf32> to vector<16xf32>
      %swap3A_2019 = vector.shape_cast %select_n3A_2015 : vector<16xf32> to vector<16xf32>
      tpu.vector_store %arg13[%swap3A_2016], %swap3A_2019 {strides = array<i32>} : memref<512xf32, #tpu.memory_space<vmem>>, vector<16xf32>,
    }
    %scan3A_621 = arith.constant 32 : i32
    "tpu.region"() ({
      %run_scoped3A_622 = tpu.sem_alloc : memref<!tpu.dma_semaphore, #tpu.memory_space<semaphore_mem>>
      %dma_start3A_623 = tpu.memref_slice %arg6[%mul3A_2] : memref<16384xf32, #tpu.memory_space<hbm>> -> memref<512xf32, #tpu.memory_space<hbm>>
      %dma_start3A_624 = tpu.memref_slice %arg6[%mul3A_2] : memref<16384xf32, #tpu.memory_space<hbm>> -> memref<512xf32, #tpu.memory_space<hbm>>
      tpu.enqueue_dma source(%arg13 : memref<512xf32, #tpu.memory_space<vmem>>) target(%dma_start3A_624 : memref<512xf32, #tpu.memory_space<hbm>>) target_semaphore(%run_scoped3A_622 : memref<!tpu.dma_semaphore, #tpu.memory_space<semaphore_mem>>)
      %dma_wait3A_625 = tpu.memref_slice %arg6[%mul3A_2] : memref<16384xf32, #tpu.memory_space<hbm>> -> memref<512xf32, #tpu.memory_space<hbm>>
      %dma_wait3A_626 = tpu.memref_slice %arg6[%mul3A_2] : memref<16384xf32, #tpu.memory_space<hbm>> -> memref<512xf32, #tpu.memory_space<hbm>>
      tpu.wait_dma2 semaphore(%run_scoped3A_622 : memref<!tpu.dma_semaphore, #tpu.memory_space<semaphore_mem>>) src(%arg13 : memref<512xf32, #tpu.memory_space<vmem>>) dst(%dma_wait3A_626 : memref<512xf32, #tpu.memory_space<hbm>>)
      tpu.yield
    }) : () -> ()
    return
  }
}

</mosaic_0001>

<sc_bundles>
// kernel: kernel.4.cloned.1.call-start
scs
__scs_entry_jumppad:
0x0: {  	(pc) =	sbr.rel $0x88, $3  }
0x1: {  	(tag) =	ssettag $0x0;
	lr =	simm.s32 $0x1  }
0x2: {  	[smem:$0x3F9C] =	sst lr;
	_ =	strace $0xD0000000  }
0x3: {  	_ = 	snop  }
0x4: {  	_ = 	snop  }
0x5: {  	_ = 	snop  }
0x6: {  	_ = 	snop  }
0x7: {  	_ = 	snop  }
__scs_overlays_trampoline_lowered:
0x8: {  	[smem:$0x3FAB] =	sst s0  }
0x9: {  	[smem:$0x3FAC] =	sst s1  }
0xa: {  	[smem:$0x3FAD] =	sst s2  }
0xb: {  	[smem:$0x3FAE] =	sst s3  }
0xc: {  	[smem:$0x3FAF] =	sst s4  }
0xd: {  	[smem:$0x3FB0] =	sst s5  }
0xe: {  	[smem:$0x3FB1] =	sst s6  }
0xf: {  	[smem:$0x3FB2] =	sst s7  }
0x10: {  	[smem:$0x3FB3] =	sst s8  }
0x11: {  	[smem:$0x3FB4] =	sst s9;
	s0 =	simm.s32 @!p0 $0x0  }
0x12: {  	s1 =	sld [smem:$0x3F9A];
	s0 =	simm.s32 @p0 $0x1  }
0x13: {  	[smem:$0x3FB5] =	sst s0;
	s0 =	simm.s32 @!p1 $0x0  }
0x14: {  	s2 =	sld [smem:$0x3F99];
	s0 =	simm.s32 @p1 $0x1  }
0x15: {  	[smem:$0x3FB6] =	sst s0;
	s0 =	simm.s32 @!p2 $0x0  }
0x16: {  	s3 =	sld [smem:$0x3FDB];
	s0 =	simm.s32 @p2 $0x1  }
0x17: {  	s4 =	simm.s32 $0x1BF5;
	[smem:$0x3FB8] =	sst s0  }
0x18: {  	s0 =	sld [smem:$0x3F9B];
	_ =	swait.ge [sflag:s4], $0x0  }
0x19: {  	s7 =	sld [smem:$0x3F9C]  }
0x1a: {  	s8 =	sadd.s32 $0xFFFFE003, lr  }
0x1b: {  	s9 =	sadd.s32 $0xFFFFFEF7, lr;
	s5 =	simm.s32 $0xFFFFFFFF;
	p2 =	slt.u32 s8, $0xFFFFF086  }
0x1c: {  	p1 =	slt.u32 s9, $0xF7A;
	s5 =	simm.s32 @!p2 $0x0  }
0x1d: {  	s5 =	simm.s32 @p1 $0x1;
	p0 =	seq.s32 s7, s2  }
0x1e: {  	s7 =	smul.u32 @!p0 $0xF7A, s2;
	p2 =	seq.s32 @!p0 s5, $0x0  }
0x1f: {  	s9 =	smul.u32 $0xF7A, s1;
	s8 =	simm.s32 @!p0 $0x1BF5;
	p2 =	por !p2, p0  }
0x20: {  	[sflag:s8] =	ssyncset.s32 @!p0 $0xFFFFF086;
	s6 =	sadd.s32 @!p0 s3, s7;
	s7 =	simm.s32 @!p0 $0x108  }
0x21: {  	s3 =	sadd.s32 s3, s9;
	s6 =	sadd.s32 @!p0 $0x88, s6;
	s7 =	simm.s32 @p2 $0x1082  }
0x22: {  	[simem:s7], [sflag:s8] =	dma.local @!p0 [hbm:s6], $0xF7A  }
0x23: {  	s9 =	sor.u32 $0xD0000000, s2;
	s6 =	simm.s32 $0x108;
	_ =	swait.ge @!p0 [sflag:s8], $0x0  }
0x24: {  	s3 =	sadd.s32 $0x88, s3;
	s6 =	simm.s32 @!p1 $0x1082;
	[sflag:s4] =	ssyncset.s32 $0xFFFFF086  }
0x25: {  	[simem:s6], [sflag:s4] =	dma.local [hbm:s3], $0xF7A  }
0x26: {  	[smem:$0x3F9C] =	sst s1;
	(tag) =	ssettag s2;
	_ =	strace s9  }
0x27: {  	s1 =	sld [smem:$0x3FAC]  }
0x28: {  	s2 =	sld [smem:$0x3FAD]  }
0x29: {  	s4 =	sld [smem:$0x3FAF]  }
0x2a: {  	p0 =	seq.s32 s5, $0x0;
	s5 =	sld [smem:$0x3FB0]  }
0x2b: {  	s6 =	sld [smem:$0x3FB1]  }
0x2c: {  	s7 =	sld [smem:$0x3FB2]  }
0x2d: {  	s3 =	simm.s32 $0x108;
	s8 =	sld [smem:$0x3FB3]  }
0x2e: {  	s3 =	simm.s32 @!p0 $0x1082;
	s9 =	sld [smem:$0x3FB4]  }
0x2f: {  	lr =	sadd.s32 s0, s3;
	s0 =	sld [smem:$0x3FAB]  }
0x30: {  	s3 =	sld [smem:$0x3FAE]  }
0x31: {  	[smem:$0x3FB7] =	sst s10  }
0x32: {  	s10 =	sld [smem:$0x3FB5];
	_ =	sdelay $0x3  }
0x33: {  	p0 =	seq.s32 s10, $0x1;
	s10 =	sld [smem:$0x3FB7];
	_ =	sdelay $0x3  }
0x34: {  	[smem:$0x3FB7] =	sst s10  }
0x35: {  	s10 =	sld [smem:$0x3FB6];
	_ =	sdelay $0x3  }
0x36: {  	p1 =	seq.s32 s10, $0x1;
	s10 =	sld [smem:$0x3FB7];
	_ =	sdelay $0x3  }
0x37: {  	[smem:$0x3FB7] =	sst s10  }
0x38: {  	s10 =	sld [smem:$0x3FB8]  }
0x39: {  	_ = 	snop;
	(pc) =	sbr.ind lr, $3  }
0x3a: {  	_ = 	snop  }
0x3b: {  	_ = 	snop  }
0x3c: {  	p2 =	seq.s32 s10, $0x1;
	s10 =	sld [smem:$0x3FB7]  }
0x3d: {  	_ =	shalt  }
0x3e: {  	_ =	shalt  }
0x3f: {  	_ =	shalt  }
0x40: {  	_ =	shalt  }
0x41: {  	_ =	shalt  }
0x42: {  	_ =	shalt  }
0x43: {  	_ =	shalt  }
0x44: {  	_ =	shalt  }
0x45: {  	_ =	shalt  }
0x46: {  	_ =	shalt  }
0x47: {  	_ =	shalt  }
0x48: {  	_ =	shalt  }
0x49: {  	_ =	shalt  }
0x4a: {  	_ =	shalt  }
0x4b: {  	_ =	shalt  }
0x4c: {  	_ =	shalt  }
0x4d: {  	_ =	shalt  }
0x4e: {  	_ =	shalt  }
0x4f: {  	_ =	shalt  }
0x50: {  	_ =	shalt  }
0x51: {  	_ =	shalt  }
0x52: {  	_ =	shalt  }
0x53: {  	_ =	shalt  }
0x54: {  	_ =	shalt  }
0x55: {  	_ =	shalt  }
0x56: {  	_ =	shalt  }
0x57: {  	_ =	shalt  }
0x58: {  	_ =	shalt  }
0x59: {  	_ =	shalt  }
0x5a: {  	_ =	shalt  }
0x5b: {  	_ =	shalt  }
0x5c: {  	_ =	shalt  }
0x5d: {  	_ =	shalt  }
0x5e: {  	_ =	shalt  }
0x5f: {  	_ =	shalt  }
0x60: {  	_ =	shalt  }
0x61: {  	_ =	shalt  }
0x62: {  	_ =	shalt  }
0x63: {  	_ =	shalt  }
0x64: {  	_ =	shalt  }
0x65: {  	_ =	shalt  }
0x66: {  	_ =	shalt  }
0x67: {  	_ =	shalt  }
0x68: {  	_ =	shalt  }
0x69: {  	_ =	shalt  }
0x6a: {  	_ =	shalt  }
0x6b: {  	_ =	shalt  }
0x6c: {  	_ =	shalt  }
0x6d: {  	_ =	shalt  }
0x6e: {  	_ =	shalt  }
0x6f: {  	_ =	shalt  }
0x70: {  	_ =	shalt  }
0x71: {  	_ =	shalt  }
0x72: {  	_ =	shalt  }
0x73: {  	_ =	shalt  }
0x74: {  	_ =	shalt  }
0x75: {  	_ =	shalt  }
0x76: {  	_ =	shalt  }
0x77: {  	_ =	shalt  }
0x78: {  	_ =	shalt  }
0x79: {  	_ =	shalt  }
0x7a: {  	_ =	shalt  }
0x7b: {  	_ =	shalt  }
0x7c: {  	_ =	shalt  }
0x7d: {  	_ =	shalt  }
0x7e: {  	_ =	shalt  }
0x7f: {  	_ =	shalt  }
0x80: {  	_ =	shalt  }
0x81: {  	_ =	shalt  }
0x82: {  	_ =	shalt  }
0x83: {  	_ =	shalt  }
0x84: {  	_ =	shalt  }
0x85: {  	_ =	shalt  }
0x86: {  	_ =	shalt  }
0x87: {  	_ =	shalt  }
.Lfunc_end0:
.L_simem_size_0:
called_computation_lowered:
.L_overlay_start_0:
0x88: {  	s2 =	sld [smem:$0x3FD9]  }
0x89: {  	s3 =	sld [smem:$0x3FFE];
	_ =	sdelay $0x1  }
0x8a: {  	s1 =	srdreg.scid  }
0x8b: {  	s0 =	sand.u32 $0x1, s1  }
0x8c: {  	s17 =	sshll.u32 s0, $0xA;
	s2 =	sadd.s32 s3, s2  }
0x8d: {  	s2 =	sadd.s32 s2, s17  }
0x8e: {  	[smem:$0x3FC3] =	sst s2  }
0x8f: {  	_ = 	snop  }
0x90: {  	s2 =	sld [smem:$0x3FC9];
	(tm) =	ssettm $0x1  }
0x91: {  	s18 =	sld [smem:$0x3FFB];
	_ =	sdelay $0x3  }
0x92: {  	_ =	strace s18  }
0x93: {  	s3 =	sld [smem:$0x3FFC];
	_ =	sdelay $0x3  }
0x94: {  	_ =	strace s3  }
0x95: {  	s3 =	sld [smem:$0x3FFD];
	_ =	sdelay $0x3  }
0x96: {  	_ =	strace s3  }
0x97: {  	_ =	strace $0x8FFFFFFF  }
0x98: {  	s19 =	sld [smem:$0x3FDB];
	_ =	sdelay $0x1  }
0x99: {  	s4 =	simm.s32 $_scs_section_size  }
0x9a: {  	s5 =	simm.s32 $_size__tile_overlayer_lowered;
	s6 =	simm.s32 $_tile_overlayer_lowered  }
0x9b: {  	s22 =	simm.s32 $0x1BFF;
	s21 =	sshll.u32 s6, $0x1;
	s3 =	sadd.s32 s4, s19  }
0x9c: {  	s7 =	simm.s32 $0x0;
	s20 =	sshll.u32 s5, $0x1;
	s5 =	sadd.s32 s21, s3  }
0x9d: {  	[timem:s7], [sflag:s22] =	dma.local [hbm:s5], s20  }
0x9e: {  	_ =	swait.ge [sflag:s22], s20  }
0x9f: {  	s4 =	ssub.s32 $0x0, s20;
	[sflag:s22] =	ssyncset.done $0x0  }
0xa0: {  	[sflag:s22] =	ssyncadd.s32 s4;
	_ =	sdelay $0x1  }
0xa1: {  	s23 =	simm.s32 $0x1B8B  }
0xa2: {  	_ =	swait.ge [sflag:s23], $0x1  }
0xa3: {  	[sflag:s23] =	ssyncset.done $0x0  }
0xa4: {  	s25 =	simm.s32 $0x1B8E;
	s24 =	sld [smem:$0x3FFE];
	[sflag:s23] =	ssyncadd.s32 $0xFFFFFFFF  }
0xa5: {  	s26 =	simm.s32 $execute0_lowered;
	[smem:$0x3FD2] =	sst s25  }
0xa6: {  	s5 =	sshll.u32 s26, $0x1;
	_ =	strace $0x80000046;
	[dreg:$0x1] =	wrdreg $0xFFFFFFFF  }
0xa7: {  	s28 =	simm.s32 $_size_execute0_lowered;
	s3 =	sadd.s32 s3, s5;
	[dreg:$0x0] =	wrdreg $0x0  }
0xa8: {  	s5 =	sshll.u32 s28, $0x1;
	[dreg:$0x2] =	wrdreg s3  }
0xa9: {  	[dreg:$0x3] =	wrdreg s5  }
0xaa: {  	[dreg:$0x4] =	wrdreg $0xC0  }
0xab: {  	_ =	task [dreg:s7], $0x5FFFF  }
0xac: {  	[dreg:$0x1] =	wrdreg $0xFFFFFFFF  }
0xad: {  	[dreg:$0x0] =	wrdreg $0x60  }
0xae: {  	[dreg:$0x2] =	wrdreg s2  }
0xaf: {  	[dreg:$0x3] =	wrdreg s24  }
0xb0: {  	[dreg:$0x4] =	wrdreg $0x9  }
0xb1: {  	_ =	task.clear_ibuf [dreg:s7], $0x5FFFF;
	_ =	strace $0x90000046  }
0xb2: {  	s29 =	simm.s32 $0x9;
	_ =	strace $0x80000048  }
0xb3: {  	_ =	swait.ge [sflag:s29], $0x1  }
0xb4: {  	[sflag:s29] =	ssyncadd.s32 $0xFFFFFFFF  }
0xb5: {  	_ =	strace $0x90000048  }
0xb6: {  	_ =	sfence  }
0xb7: {  	s30 =	sld [smem:$0x0];
	_ =	sdelay $0x2  }
0xb8: {  	s31 =	sshll.u32 s1, $0xD;
	s1 =	sshrl.u32 s1, $0x2  }
0xb9: {  	s3 =	sand.u32 $0x4000, s31;
	s1 =	sadd.s32 s1, s30  }
0xba: {  	s0 =	sor.u32 s3, s0;
	s1 =	sshll.u32 s1, $0x11  }
0xbb: {  	s0 =	sor.u32 s1, s0  }
0xbc: {  	s0 =	sadd.s32 $0x8F2B, s0  }
0xbd: {  	[sflag:s0] =	ssyncadd.remote.s32 $0x1  }
0xbe: {  	_ =	sfence.sel $0xFFFF  }
0xbf: {  	[dreg:$0x0] =	wrdreg $0xFFFFFFFF;
	(pc) =	sbr.abs _section_cstart, $3  }
0xc0: {  	[dreg:$0x1] =	wrdreg $0xFFFFFFFF  }
0xc1: {  	_ =	task.clear_ibuf [dreg:s7], $0x2FFFF;
	_ =	strace $0x9FFFFFFF  }
0xc2: {  	(tm) =	ssettm $0x7FFFFFFF  }
0xc3: {  	_ =	shalt  }
tec
execute0_lowered:
.L_overlay_start_1:
0x0: {  	(tag) =	ssettag $0x1  }
0x1: {  	s4 =	rddreg [dreg:$0x0]  }
0x2: {  	s5 =	rddreg [dreg:$0x1]  }
0x3: {  	s0 =	rddreg [dreg:$0x2];
	s2 =	simm.s32 $0x0;
	s3 =	srdreg.scid  }
0x4: {  	s1 =	stileid.u32;
	s10 =	simm.s32 $0x0;
	s6 =	sand.u32 $0x1, s3  }
0x5: {  	[smem:$0x7FF] =	sst s2;
	s7 =	sshll.u32 s1, $0xA;
	s8 =	sshll.u32 s6, $0x9  }
0x6: {  	s3 =	sadd.s32 $0x600, s5;
	s6 =	ssub.s32 $0x2, s6;
	s7 =	sor.u32 s8, s7  }
0x7: {  	_ =	strace $0x80000047;
	s9 =	sshrl.u32 s6, $0x1;
	s8 =	sshll.u32 s7, $0x4  }
0x8: {  	s7 =	sshrl.u32 s7, $0x3;
	s6 =	ssub.s32 s6, s9;
	s9 =	simm.s32 $0x200  }
0x9: {  	s5 =	sadd.s32 s8, s5;
	s4 =	sadd.s32 s4, s7;
	s6 =	smax.u32 s6, $0x1  }
0xa: {  	s7 =	simm.s32 $0x2;
	s8 =	simm.s32 $0x1;
	s5 =	sadd.s32 $0xF42A00, s5  }
.LBB2_1:
0xb: {  	[tilespmem:s2], [sflag:$0x2] =	stream.linear.gather [hbm4b:s4+s2], $0x200, $0x38;
	[tilespmem:$0x10200] =	vst v63  }
0xc: {  	_ =	swait.ge [sflag:s7], $0x200  }
0xd: {  	[sflag:s7] =	ssyncset.done $0x0  }
0xe: {  	[sflag:s7] =	ssyncadd.s32 $0xFFFFFE00  }
0xf: {  	v0 =	vld [tilespmem:s2+$0x0];
	_ =	sdelay $0x4  }
0x10: {  	v0 =	vshll.u32 v0, $0x4  }
0x11: {  	(v2sf) =	vpush v0, $0x0  }
0x12: {  	(v2sf) =	vpush v0, $0x1  }
0x13: {  	(v2sf) =	vpush v0, $0x2;
	_ =	sdelay $0x1  }
0x14: {  	(v2sf) =	vpush v0, $0x4;
	_ =	sdelay $0x1  }
0x15: {  	(v2sf) =	vpush v0, $0x3  }
0x16: {  	(v2sf) =	vpush v0, $0x5  }
0x17: {  	s12 =	simm.s32 $0x2000;
	s11 =	simm.s32 $0x0;
	s13 =	simm.s32 $0x0;
	(v2sf) =	vpush v0, $0x6  }
.LBB2_2:
0x18: {  	p0 =	sne.s32 s12, $0x3E000  }
0x19: {  	s23 =	sadd.s32 $0x280, s11;
	s17 =	sadd.s32 $0x780, s11;
	s14 =	smov.u32 s12  }
0x1a: {  	s12 =	sadd.s32 $0x2000, s12;
	s20 =	sadd.s32 $0x580, s11;
	s15 =	sadd.s32 $0x800, s11;
	(v2sf) =	vpush v0, $0x7  }
0x1b: {  	s22 =	sadd.s32 $0x480, s11;
	s19 =	sadd.s32 $0x600, s11;
	s16 =	sadd.s32 $0x880, s11  }
0x1c: {  	s24 =	sadd.s32 $0x200, s11;
	s25 =	sadd.s32 $0x400, s11;
	(v2sf) =	vpush v0, $0x8  }
0x1d: {  	s26 =	sadd.s32 $0x500, s11;
	s13 =	sadd.s32 $0x10, s13  }
0x1e: {  	s28 =	sadd.s32 $0x300, s11;
	s18 =	sadd.s32 $0x700, s11;
	s21 =	spop (v2sf);
	(v2sf) =	vpush v0, $0x9  }
0x1f: {  	s29 =	sand.u32 $0x1FFFFFF0, s21;
	s21 =	sadd.s32 $0x680, s11;
	s30 =	spop (v2sf)  }
0x20: {  	s29 =	sadd.s32 s3, s29;
	s30 =	sand.u32 $0x1FFFFFF0, s30;
	s31 =	spop (v2sf);
	(v2sf) =	vpush v0, $0xA  }
0x21: {  	[tilespmem:s24], [sflag:$0x1] =	stream.linear.gather [hbm4b:s29+s2], $0x80, $0x38;
	[tilespmem:$0x10200] =	vst v63  }
0x22: {  	s24 =	sadd.s32 s3, s30;
	s29 =	sadd.s32 $0x380, s11;
	s30 =	spop (v2sf);
	(v2sf) =	vpush v0, $0xB  }
0x23: {  	[tilespmem:s23], [sflag:$0x1] =	stream.linear.gather [hbm4b:s24+s2], $0x80, $0x38;
	[tilespmem:$0x10200] =	vst v63  }
0x24: {  	s23 =	sand.u32 $0x1FFFFFF0, s31;
	s24 =	sand.u32 $0x1FFFFFF0, s30;
	s30 =	spop (v2sf);
	(v2sf) =	vpush v0, $0xC  }
0x25: {  	s23 =	sadd.s32 s3, s23;
	s30 =	sand.u32 $0x1FFFFFF0, s30;
	s31 =	spop (v2sf)  }
0x26: {  	[tilespmem:s28], [sflag:$0x1] =	stream.linear.gather [hbm4b:s23+s2], $0x80, $0x38;
	(v2sf) =	vpush v0, $0xD;
	[tilespmem:$0x10200] =	vst v63  }
0x27: {  	s23 =	sadd.s32 s3, s30;
	s28 =	sand.u32 $0x1FFFFFF0, s31;
	s30 =	spop (v2sf)  }
0x28: {  	[tilespmem:s29], [sflag:$0x1] =	stream.linear.gather [hbm4b:s23+s2], $0x80, $0x38;
	(v2sf) =	vpush v0, $0xE;
	[tilespmem:$0x10200] =	vst v63  }
0x29: {  	s23 =	sadd.s32 s3, s24;
	s24 =	sand.u32 $0x1FFFFFF0, s30;
	s29 =	spop (v2sf)  }
0x2a: {  	[tilespmem:s25], [sflag:$0x1] =	stream.linear.gather [hbm4b:s23+s2], $0x80, $0x38;
	(v2sf) =	vpush v0, $0xF;
	[tilespmem:$0x10200] =	vst v63  }
0x2b: {  	s23 =	sadd.s32 s3, s28;
	s25 =	sand.u32 $0x1FFFFFF0, s29;
	s28 =	spop (v2sf)  }
0x2c: {  	[tilespmem:s22], [sflag:$0x1] =	stream.linear.gather [hbm4b:s23+s2], $0x80, $0x38;
	[tilespmem:$0x10200] =	vst v63  }
0x2d: {  	s22 =	sadd.s32 s3, s24;
	s23 =	sand.u32 $0x1FFFFFF0, s28;
	s24 =	spop (v2sf)  }
0x2e: {  	[tilespmem:s26], [sflag:$0x1] =	stream.linear.gather [hbm4b:s22+s2], $0x80, $0x38;
	[tilespmem:$0x10200] =	vst v63  }
0x2f: {  	s22 =	sadd.s32 s3, s25;
	s24 =	sand.u32 $0x1FFFFFF0, s24;
	s25 =	spop (v2sf)  }
0x30: {  	[tilespmem:s20], [sflag:$0x1] =	stream.linear.gather [hbm4b:s22+s2], $0x80, $0x38;
	[tilespmem:$0x10200] =	vst v63  }
0x31: {  	s20 =	sadd.s32 s3, s23;
	s22 =	sand.u32 $0x1FFFFFF0, s25;
	s23 =	spop (v2sf)  }
0x32: {  	[tilespmem:s19], [sflag:$0x1] =	stream.linear.gather [hbm4b:s20+s2], $0x80, $0x38;
	[tilespmem:$0x10200] =	vst v63  }
0x33: {  	s19 =	sadd.s32 s3, s24;
	s20 =	sand.u32 $0x1FFFFFF0, s23;
	s23 =	spop (v2sf)  }
0x34: {  	[tilespmem:s21], [sflag:$0x1] =	stream.linear.gather [hbm4b:s19+s2], $0x80, $0x38;
	[tilespmem:$0x10200] =	vst v63  }
0x35: {  	s19 =	sadd.s32 s3, s22;
	s21 =	sand.u32 $0x1FFFFFF0, s23;
	s22 =	spop (v2sf)  }
0x36: {  	[tilespmem:s18], [sflag:$0x1] =	stream.linear.gather [hbm4b:s19+s2], $0x80, $0x38;
	[tilespmem:$0x10200] =	vst v63  }
0x37: {  	s18 =	sadd.s32 s3, s20;
	s19 =	sand.u32 $0x1FFFFFF0, s22;
	s20 =	spop (v2sf)  }
0x38: {  	[tilespmem:s17], [sflag:$0x1] =	stream.linear.gather [hbm4b:s18+s2], $0x80, $0x38;
	[tilespmem:$0x10200] =	vst v63  }
0x39: {  	s17 =	sadd.s32 s3, s21;
	s18 =	sand.u32 $0x1FFFFFF0, s20;
	s20 =	spop (v2sf)  }
0x3a: {  	[tilespmem:s15], [sflag:$0x1] =	stream.linear.gather [hbm4b:s17+s2], $0x80, $0x38;
	[tilespmem:$0x10200] =	vst v63  }
0x3b: {  	s15 =	sadd.s32 s3, s19;
	s17 =	sand.u32 $0x1FFFFFF0, s20  }
0x3c: {  	[tilespmem:s16], [sflag:$0x1] =	stream.linear.gather [hbm4b:s15+s2], $0x80, $0x38;
	[tilespmem:$0x10200] =	vst v63  }
0x3d: {  	s15 =	sadd.s32 $0x900, s11;
	s16 =	sadd.s32 s3, s18  }
0x3e: {  	[tilespmem:s15], [sflag:$0x1] =	stream.linear.gather [hbm4b:s16+s2], $0x80, $0x38;
	[tilespmem:$0x10200] =	vst v63  }
0x3f: {  	s11 =	sadd.s32 $0x980, s11;
	s15 =	sadd.s32 s3, s17  }
0x40: {  	[tilespmem:s11], [sflag:$0x1] =	stream.linear.gather [hbm4b:s15+s2], $0x80, $0x38;
	[tilespmem:$0x10200] =	vst v63  }
0x41: {  	v0 =	vld [tilespmem:s13+$0x0];
	_ =	sdelay $0x4  }
0x42: {  	v0 =	vshll.u32 v0, $0x4  }
0x43: {  	(v2sf) =	vpush v0, $0x0  }
0x44: {  	(v2sf) =	vpush v0, $0x1  }
0x45: {  	(v2sf) =	vpush v0, $0x2;
	_ =	sdelay $0x1  }
0x46: {  	(v2sf) =	vpush v0, $0x4  }
.Ltmp0:
0x47: {  	(pc) =	sbr.rel @p0 .LBB2_2-.Ltmp0, $3  }
0x48: {  	(v2sf) =	vpush v0, $0x3  }
0x49: {  	(v2sf) =	vpush v0, $0x5;
	_ =	sdelay $0x1  }
0x4a: {  	s11 =	sshra.s32 s14, $0x2;
	(v2sf) =	vpush v0, $0x6  }
0x4b: {  	_ =	sdelay $0x1  }
0x4c: {  	s15 =	sadd.s32 $0x280, s11;
	s14 =	sadd.s32 $0x780, s11  }
0x4d: {  	s16 =	sadd.s32 $0x580, s11;
	s12 =	sadd.s32 $0x800, s11;
	(v2sf) =	vpush v0, $0x7;
	s17 =	sadd.s32 $0x480, s11  }
0x4e: {  	s18 =	sadd.s32 $0x600, s11;
	s13 =	sadd.s32 $0x880, s11;
	s19 =	sadd.s32 $0x200, s11  }
0x4f: {  	s20 =	sadd.s32 $0x400, s11;
	s21 =	sadd.s32 $0x500, s11;
	(v2sf) =	vpush v0, $0x8;
	s22 =	spop (v2sf)  }
0x50: {  	s23 =	sadd.s32 $0x300, s11;
	s22 =	sand.u32 $0x1FFFFFF0, s22;
	s24 =	spop (v2sf)  }
0x51: {  	(v2sf) =	vpush v0, $0x9;
	s22 =	sadd.s32 s3, s22;
	s24 =	sand.u32 $0x1FFFFFF0, s24;
	s25 =	spop (v2sf)  }
0x52: {  	[tilespmem:s19], [sflag:$0x1] =	stream.linear.gather [hbm4b:s22+s2], $0x80, $0x38;
	[tilespmem:$0x10200] =	vst v63  }
0x53: {  	s26 =	sadd.s32 $0x380, s11;
	(v2sf) =	vpush v0, $0xA;
	s30 =	sadd.s32 s3, s24;
	s31 =	spop (v2sf)  }
0x54: {  	[tilespmem:s15], [sflag:$0x1] =	stream.linear.gather [hbm4b:s30+s2], $0x80, $0x38;
	[tilespmem:$0x10200] =	vst v63  }
0x55: {  	s19 =	sadd.s32 $0x700, s11;
	s28 =	sand.u32 $0x1FFFFFF0, s25;
	(v2sf) =	vpush v0, $0xB;
	s29 =	spop (v2sf)  }
0x56: {  	s22 =	sadd.s32 s3, s28;
	s15 =	sadd.s32 $0x680, s11;
	s25 =	sand.u32 $0x1FFFFFF0, s29  }
0x57: {  	(v2sf) =	vpush v0, $0xC;
	[tilespmem:s23], [sflag:$0x1] =	stream.linear.gather [hbm4b:s22+s2], $0x80, $0x38;
	[tilespmem:$0x10200] =	vst v63  }
0x58: {  	s30 =	sand.u32 $0x1FFFFFF0, s31;
	s31 =	spop (v2sf);
	s28 =	sadd.s32 s3, s25  }
0x59: {  	(v2sf) =	vpush v0, $0xD;
	[tilespmem:s26], [sflag:$0x1] =	stream.linear.gather [hbm4b:s28+s2], $0x80, $0x38;
	[tilespmem:$0x10200] =	vst v63  }
0x5a: {  	s22 =	sadd.s32 s3, s30;
	s23 =	sand.u32 $0x1FFFFFF0, s31;
	s29 =	spop (v2sf)  }
0x5b: {  	(v2sf) =	vpush v0, $0xE;
	[tilespmem:s20], [sflag:$0x1] =	stream.linear.gather [hbm4b:s22+s2], $0x80, $0x38;
	[tilespmem:$0x10200] =	vst v63  }
0x5c: {  	s23 =	sadd.s32 s3, s23;
	s30 =	sand.u32 $0x1FFFFFF0, s29;
	s31 =	spop (v2sf)  }
0x5d: {  	(v2sf) =	vpush v0, $0xF;
	[tilespmem:s17], [sflag:$0x1] =	stream.linear.gather [hbm4b:s23+s2], $0x80, $0x38;
	[tilespmem:$0x10200] =	vst v63  }
0x5e: {  	s24 =	sand.u32 $0x1FFFFFF0, s31;
	s25 =	spop (v2sf);
	s20 =	sadd.s32 s3, s30  }
0x5f: {  	[tilespmem:s21], [sflag:$0x1] =	stream.linear.gather [hbm4b:s20+s2], $0x80, $0x38;
	[tilespmem:$0x10200] =	vst v63  }
0x60: {  	s26 =	sand.u32 $0x1FFFFFF0, s25;
	s17 =	sadd.s32 s3, s24;
	s28 =	spop (v2sf)  }
0x61: {  	[tilespmem:s16], [sflag:$0x1] =	stream.linear.gather [hbm4b:s17+s2], $0x80, $0x38;
	[tilespmem:$0x10200] =	vst v63  }
0x62: {  	s20 =	sadd.s32 s3, s26;
	s29 =	sand.u32 $0x1FFFFFF0, s28;
	s30 =	spop (v2sf)  }
0x63: {  	[tilespmem:s18], [sflag:$0x1] =	stream.linear.gather [hbm4b:s20+s2], $0x80, $0x38;
	[tilespmem:$0x10200] =	vst v63  }
0x64: {  	s17 =	sand.u32 $0x1FFFFFF0, s30;
	s16 =	sadd.s32 s3, s29;
	s31 =	spop (v2sf)  }
0x65: {  	[tilespmem:s15], [sflag:$0x1] =	stream.linear.gather [hbm4b:s16+s2], $0x80, $0x38;
	[tilespmem:$0x10200] =	vst v63  }
0x66: {  	s17 =	sadd.s32 s3, s17;
	s20 =	sand.u32 $0x1FFFFFF0, s31;
	s21 =	spop (v2sf)  }
0x67: {  	[tilespmem:s19], [sflag:$0x1] =	stream.linear.gather [hbm4b:s17+s2], $0x80, $0x38;
	[tilespmem:$0x10200] =	vst v63  }
0x68: {  	s15 =	sadd.s32 s3, s20;
	s16 =	sand.u32 $0x1FFFFFF0, s21;
	s22 =	spop (v2sf)  }
0x69: {  	[tilespmem:s14], [sflag:$0x1] =	stream.linear.gather [hbm4b:s15+s2], $0x80, $0x38;
	[tilespmem:$0x10200] =	vst v63  }
0x6a: {  	s23 =	sand.u32 $0x1FFFFFF0, s22;
	s16 =	sadd.s32 s3, s16;
	s24 =	spop (v2sf)  }
0x6b: {  	[tilespmem:s12], [sflag:$0x1] =	stream.linear.gather [hbm4b:s16+s2], $0x80, $0x38;
	[tilespmem:$0x10200] =	vst v63  }
0x6c: {  	s25 =	sand.u32 $0x1FFFFFF0, s24;
	s26 =	spop (v2sf);
	s14 =	sadd.s32 s3, s23  }
0x6d: {  	[tilespmem:s13], [sflag:$0x1] =	stream.linear.gather [hbm4b:s14+s2], $0x80, $0x38;
	[tilespmem:$0x10200] =	vst v63  }
0x6e: {  	s29 =	sadd.s32 $0x900, s11;
	s28 =	sand.u32 $0x1FFFFFF0, s26;
	s12 =	sadd.s32 s3, s25  }
0x6f: {  	[tilespmem:s29], [sflag:$0x1] =	stream.linear.gather [hbm4b:s12+s2], $0x80, $0x38;
	[tilespmem:$0x10200] =	vst v63  }
0x70: {  	s30 =	sadd.s32 $0x980, s11;
	s31 =	sadd.s32 s3, s28  }
0x71: {  	[tilespmem:s30], [sflag:$0x1] =	stream.linear.gather [hbm4b:s31+s2], $0x80, $0x38;
	[tilespmem:$0x10200] =	vst v63  }
0x72: {  	s10 =	sadd.s32 $0x1, s10;
	_ =	swait.ge [sflag:s8], $0x10000  }
0x73: {  	p0 =	sne.s32 s10, s6;
	[sflag:s8] =	ssyncset.done $0x0  }
.Ltmp1:
0x74: {  	[sflag:s8] =	ssyncadd.s32 $0xFFFF0000;
	(pc) =	sbr.rel @p0 .LBB2_1-.Ltmp1, $4  }
0x75: {  	[hbm4b:s5+s2] =	stream.linear.scatter [tilespmem:s9], [sflag:$0x2], $0x10000, $0x38;
	[tilespmem:$0x10200] =	vst v63  }
0x76: {  	_ =	swait.ge [sflag:s7], $0x10000  }
0x77: {  	[sflag:s7] =	ssyncset.done $0x0  }
0x78: {  	[sflag:s7] =	ssyncadd.s32 $0xFFFF0000  }
0x79: {  	_ =	sfence.sel $0x180000  }
0x7a: {  	[bflag:$0x0] =	sbarrier.arrive $0xFFFF  }
0x7b: {  	p0 =	sne.s32 s1, $0x0;
	_ =	strace $0x90000047  }
0x7c: {  	s0 =	sadd.s32 @!p0 $0x100000, s0;
	[bflag:$0x2] =	sbarrier.arrive $0xFFFF  }
0x7d: {  	[sflag:s0] =	ssyncadd.tile.s32 @!p0 $0x1;
	_ =	shalt  }
.Lfunc_end2:
_tile_overlayer_lowered:
.L_overlay_start_2:
0x7e: {  	(tag) =	ssettag $0x2  }
0x7f: {  	s0 =	rddreg [dreg:$0x0];
	s2 =	stileid.u32  }
0x80: {  	s1 =	rddreg [dreg:$0x1];
	p0 =	sne.s32 s2, $0x0  }
0x81: {  	s3 =	rddreg [dreg:$0x2];
	[bflag:$0x3] =	sbarrier.arrive $0xFFFF;
	s2 =	simm.s32 @!p0 $0x1C02  }
0x82: {  	[timem:s3], [sflag:s2] =	dma.local @!p0 [hbm:s0], s1  }
0x83: {  	s0 =	simm.s32 @!p0 $0x2  }
0x84: {  	_ =	swait.ge @!p0 [sflag:s0], s1  }
0x85: {  	s1 =	ssub.s32 @!p0 $0x0, s1;
	[sflag:s0] =	ssyncset.done @!p0 $0x0  }
0x86: {  	[sflag:s0] =	ssyncadd.s32 @!p0 s1  }
0x87: {  	[bflag:$0x3] =	sbarrier.arrive $0xFFFF  }
0x88: {  	_ =	shalt  }

// kernel: kernel.7.cloned.1.call-start
scs
__scs_entry_jumppad:
0x0: {  	(pc) =	sbr.rel $0x88, $3  }
0x1: {  	(tag) =	ssettag $0x0;
	lr =	simm.s32 $0x1  }
0x2: {  	[smem:$0x3F9C] =	sst lr;
	_ =	strace $0xD0000000  }
0x3: {  	_ = 	snop  }
0x4: {  	_ = 	snop  }
0x5: {  	_ = 	snop  }
0x6: {  	_ = 	snop  }
0x7: {  	_ = 	snop  }
__scs_overlays_trampoline_lowered:
0x8: {  	[smem:$0x3FAB] =	sst s0  }
0x9: {  	[smem:$0x3FAC] =	sst s1  }
0xa: {  	[smem:$0x3FAD] =	sst s2  }
0xb: {  	[smem:$0x3FAE] =	sst s3  }
0xc: {  	[smem:$0x3FAF] =	sst s4  }
0xd: {  	[smem:$0x3FB0] =	sst s5  }
0xe: {  	[smem:$0x3FB1] =	sst s6  }
0xf: {  	[smem:$0x3FB2] =	sst s7  }
0x10: {  	[smem:$0x3FB3] =	sst s8  }
0x11: {  	[smem:$0x3FB4] =	sst s9;
	s0 =	simm.s32 @!p0 $0x0  }
0x12: {  	s1 =	sld [smem:$0x3F9A];
	s0 =	simm.s32 @p0 $0x1  }
0x13: {  	[smem:$0x3FB5] =	sst s0;
	s0 =	simm.s32 @!p1 $0x0  }
0x14: {  	s2 =	sld [smem:$0x3F99];
	s0 =	simm.s32 @p1 $0x1  }
0x15: {  	[smem:$0x3FB6] =	sst s0;
	s0 =	simm.s32 @!p2 $0x0  }
0x16: {  	s3 =	sld [smem:$0x3FDB];
	s0 =	simm.s32 @p2 $0x1  }
0x17: {  	s4 =	simm.s32 $0x1BF5;
	[smem:$0x3FB8] =	sst s0  }
0x18: {  	s0 =	sld [smem:$0x3F9B];
	_ =	swait.ge [sflag:s4], $0x0  }
0x19: {  	s7 =	sld [smem:$0x3F9C]  }
0x1a: {  	s8 =	sadd.s32 $0xFFFFE003, lr  }
0x1b: {  	s9 =	sadd.s32 $0xFFFFFEF7, lr;
	s5 =	simm.s32 $0xFFFFFFFF;
	p2 =	slt.u32 s8, $0xFFFFF086  }
0x1c: {  	p1 =	slt.u32 s9, $0xF7A;
	s5 =	simm.s32 @!p2 $0x0  }
0x1d: {  	s5 =	simm.s32 @p1 $0x1;
	p0 =	seq.s32 s7, s2  }
0x1e: {  	s7 =	smul.u32 @!p0 $0xF7A, s2;
	p2 =	seq.s32 @!p0 s5, $0x0  }
0x1f: {  	s9 =	smul.u32 $0xF7A, s1;
	s8 =	simm.s32 @!p0 $0x1BF5;
	p2 =	por !p2, p0  }
0x20: {  	[sflag:s8] =	ssyncset.s32 @!p0 $0xFFFFF086;
	s6 =	sadd.s32 @!p0 s3, s7;
	s7 =	simm.s32 @!p0 $0x108  }
0x21: {  	s3 =	sadd.s32 s3, s9;
	s6 =	sadd.s32 @!p0 $0x88, s6;
	s7 =	simm.s32 @p2 $0x1082  }
0x22: {  	[simem:s7], [sflag:s8] =	dma.local @!p0 [hbm:s6], $0xF7A  }
0x23: {  	s9 =	sor.u32 $0xD0000000, s2;
	s6 =	simm.s32 $0x108;
	_ =	swait.ge @!p0 [sflag:s8], $0x0  }
0x24: {  	s3 =	sadd.s32 $0x88, s3;
	s6 =	simm.s32 @!p1 $0x1082;
	[sflag:s4] =	ssyncset.s32 $0xFFFFF086  }
0x25: {  	[simem:s6], [sflag:s4] =	dma.local [hbm:s3], $0xF7A  }
0x26: {  	[smem:$0x3F9C] =	sst s1;
	(tag) =	ssettag s2;
	_ =	strace s9  }
0x27: {  	s1 =	sld [smem:$0x3FAC]  }
0x28: {  	s2 =	sld [smem:$0x3FAD]  }
0x29: {  	s4 =	sld [smem:$0x3FAF]  }
0x2a: {  	p0 =	seq.s32 s5, $0x0;
	s5 =	sld [smem:$0x3FB0]  }
0x2b: {  	s6 =	sld [smem:$0x3FB1]  }
0x2c: {  	s7 =	sld [smem:$0x3FB2]  }
0x2d: {  	s3 =	simm.s32 $0x108;
	s8 =	sld [smem:$0x3FB3]  }
0x2e: {  	s3 =	simm.s32 @!p0 $0x1082;
	s9 =	sld [smem:$0x3FB4]  }
0x2f: {  	lr =	sadd.s32 s0, s3;
	s0 =	sld [smem:$0x3FAB]  }
0x30: {  	s3 =	sld [smem:$0x3FAE]  }
0x31: {  	[smem:$0x3FB7] =	sst s10  }
0x32: {  	s10 =	sld [smem:$0x3FB5];
	_ =	sdelay $0x3  }
0x33: {  	p0 =	seq.s32 s10, $0x1;
	s10 =	sld [smem:$0x3FB7];
	_ =	sdelay $0x3  }
0x34: {  	[smem:$0x3FB7] =	sst s10  }
0x35: {  	s10 =	sld [smem:$0x3FB6];
	_ =	sdelay $0x3  }
0x36: {  	p1 =	seq.s32 s10, $0x1;
	s10 =	sld [smem:$0x3FB7];
	_ =	sdelay $0x3  }
0x37: {  	[smem:$0x3FB7] =	sst s10  }
0x38: {  	s10 =	sld [smem:$0x3FB8]  }
0x39: {  	_ = 	snop;
	(pc) =	sbr.ind lr, $3  }
0x3a: {  	_ = 	snop  }
0x3b: {  	_ = 	snop  }
0x3c: {  	p2 =	seq.s32 s10, $0x1;
	s10 =	sld [smem:$0x3FB7]  }
0x3d: {  	_ =	shalt  }
0x3e: {  	_ =	shalt  }
0x3f: {  	_ =	shalt  }
0x40: {  	_ =	shalt  }
0x41: {  	_ =	shalt  }
0x42: {  	_ =	shalt  }
0x43: {  	_ =	shalt  }
0x44: {  	_ =	shalt  }
0x45: {  	_ =	shalt  }
0x46: {  	_ =	shalt  }
0x47: {  	_ =	shalt  }
0x48: {  	_ =	shalt  }
0x49: {  	_ =	shalt  }
0x4a: {  	_ =	shalt  }
0x4b: {  	_ =	shalt  }
0x4c: {  	_ =	shalt  }
0x4d: {  	_ =	shalt  }
0x4e: {  	_ =	shalt  }
0x4f: {  	_ =	shalt  }
0x50: {  	_ =	shalt  }
0x51: {  	_ =	shalt  }
0x52: {  	_ =	shalt  }
0x53: {  	_ =	shalt  }
0x54: {  	_ =	shalt  }
0x55: {  	_ =	shalt  }
0x56: {  	_ =	shalt  }
0x57: {  	_ =	shalt  }
0x58: {  	_ =	shalt  }
0x59: {  	_ =	shalt  }
0x5a: {  	_ =	shalt  }
0x5b: {  	_ =	shalt  }
0x5c: {  	_ =	shalt  }
0x5d: {  	_ =	shalt  }
0x5e: {  	_ =	shalt  }
0x5f: {  	_ =	shalt  }
0x60: {  	_ =	shalt  }
0x61: {  	_ =	shalt  }
0x62: {  	_ =	shalt  }
0x63: {  	_ =	shalt  }
0x64: {  	_ =	shalt  }
0x65: {  	_ =	shalt  }
0x66: {  	_ =	shalt  }
0x67: {  	_ =	shalt  }
0x68: {  	_ =	shalt  }
0x69: {  	_ =	shalt  }
0x6a: {  	_ =	shalt  }
0x6b: {  	_ =	shalt  }
0x6c: {  	_ =	shalt  }
0x6d: {  	_ =	shalt  }
0x6e: {  	_ =	shalt  }
0x6f: {  	_ =	shalt  }
0x70: {  	_ =	shalt  }
0x71: {  	_ =	shalt  }
0x72: {  	_ =	shalt  }
0x73: {  	_ =	shalt  }
0x74: {  	_ =	shalt  }
0x75: {  	_ =	shalt  }
0x76: {  	_ =	shalt  }
0x77: {  	_ =	shalt  }
0x78: {  	_ =	shalt  }
0x79: {  	_ =	shalt  }
0x7a: {  	_ =	shalt  }
0x7b: {  	_ =	shalt  }
0x7c: {  	_ =	shalt  }
0x7d: {  	_ =	shalt  }
0x7e: {  	_ =	shalt  }
0x7f: {  	_ =	shalt  }
0x80: {  	_ =	shalt  }
0x81: {  	_ =	shalt  }
0x82: {  	_ =	shalt  }
0x83: {  	_ =	shalt  }
0x84: {  	_ =	shalt  }
0x85: {  	_ =	shalt  }
0x86: {  	_ =	shalt  }
0x87: {  	_ =	shalt  }
.Lfunc_end0:
.L_simem_size_0:
called_computation.1_lowered:
.L_overlay_start_0:
0x88: {  	s2 =	sld [smem:$0x3FD9]  }
0x89: {  	s3 =	sld [smem:$0x3FFE];
	_ =	sdelay $0x1  }
0x8a: {  	s1 =	srdreg.scid  }
0x8b: {  	s0 =	sand.u32 $0x1, s1  }
0x8c: {  	s17 =	sshll.u32 s0, $0xA;
	s2 =	sadd.s32 s3, s2  }
0x8d: {  	s2 =	sadd.s32 s2, s17  }
0x8e: {  	[smem:$0x3FC3] =	sst s2  }
0x8f: {  	_ = 	snop  }
0x90: {  	s2 =	sld [smem:$0x3FC8]  }
0x91: {  	s18 =	sld [smem:$0x3FD0];
	(tm) =	ssettm $0x1  }
0x92: {  	s4 =	sld [smem:$0x3FFB];
	_ =	sdelay $0x3  }
0x93: {  	_ =	strace s4  }
0x94: {  	s4 =	sld [smem:$0x3FFC];
	_ =	sdelay $0x3  }
0x95: {  	_ =	strace s4  }
0x96: {  	s4 =	sld [smem:$0x3FFD];
	_ =	sdelay $0x3  }
0x97: {  	_ =	strace s4  }
0x98: {  	_ =	strace $0x8FFFFFFF  }
0x99: {  	s19 =	sld [smem:$0x3FDB];
	_ =	sdelay $0x1  }
0x9a: {  	s5 =	simm.s32 $_scs_section_size  }
0x9b: {  	s6 =	simm.s32 $_size__tile_overlayer_lowered;
	s7 =	simm.s32 $_tile_overlayer_lowered  }
0x9c: {  	s22 =	simm.s32 $0x1BFF;
	s21 =	sshll.u32 s7, $0x1;
	s4 =	sadd.s32 s5, s19  }
0x9d: {  	s8 =	simm.s32 $0x0;
	s20 =	sshll.u32 s6, $0x1;
	s6 =	sadd.s32 s21, s4  }
0x9e: {  	[timem:s8], [sflag:s22] =	dma.local [hbm:s6], s20  }
0x9f: {  	_ =	swait.ge [sflag:s22], s20  }
0xa0: {  	s5 =	ssub.s32 $0x0, s20;
	[sflag:s22] =	ssyncset.done $0x0  }
0xa1: {  	[sflag:s22] =	ssyncadd.s32 s5;
	_ =	sdelay $0x1  }
0xa2: {  	s23 =	simm.s32 $0x1B8B  }
0xa3: {  	_ =	swait.ge [sflag:s23], $0x1  }
0xa4: {  	[sflag:s23] =	ssyncset.done $0x0  }
0xa5: {  	s25 =	simm.s32 $0x1B8E;
	s24 =	sld [smem:$0x3FFE];
	[sflag:s23] =	ssyncadd.s32 $0xFFFFFFFF  }
0xa6: {  	s26 =	simm.s32 $execute0_lowered;
	[smem:$0x3FD2] =	sst s25  }
0xa7: {  	s6 =	sshll.u32 s26, $0x1;
	_ =	strace $0x80000049;
	[dreg:$0x1] =	wrdreg $0xFFFFFFFF  }
0xa8: {  	s28 =	simm.s32 $_size_execute0_lowered;
	s4 =	sadd.s32 s4, s6;
	[dreg:$0x0] =	wrdreg $0x0  }
0xa9: {  	s6 =	sshll.u32 s28, $0x1;
	[dreg:$0x2] =	wrdreg s4  }
0xaa: {  	[dreg:$0x3] =	wrdreg s6  }
0xab: {  	[dreg:$0x4] =	wrdreg $0xC0  }
0xac: {  	_ =	task [dreg:s8], $0x5FFFF  }
0xad: {  	[dreg:$0x1] =	wrdreg $0xFFFFFFFF  }
0xae: {  	[dreg:$0x0] =	wrdreg $0x60  }
0xaf: {  	[dreg:$0x2] =	wrdreg s2  }
0xb0: {  	[dreg:$0x3] =	wrdreg s24  }
0xb1: {  	[dreg:$0x4] =	wrdreg s18  }
0xb2: {  	[dreg:$0x5] =	wrdreg $0x9  }
0xb3: {  	_ =	task.clear_ibuf [dreg:s8], $0x6FFFF;
	_ =	strace $0x90000049  }
0xb4: {  	s29 =	simm.s32 $0x9;
	_ =	strace $0x8000004B  }
0xb5: {  	_ =	swait.ge [sflag:s29], $0x1  }
0xb6: {  	[sflag:s29] =	ssyncadd.s32 $0xFFFFFFFF  }
0xb7: {  	_ =	strace $0x9000004B  }
0xb8: {  	_ =	sfence  }
0xb9: {  	s30 =	sld [smem:$0x0];
	_ =	sdelay $0x2  }
0xba: {  	s31 =	sshll.u32 s1, $0xD;
	s1 =	sshrl.u32 s1, $0x2  }
0xbb: {  	s3 =	sand.u32 $0x4000, s31;
	s1 =	sadd.s32 s1, s30  }
0xbc: {  	s0 =	sor.u32 s3, s0;
	s1 =	sshll.u32 s1, $0x11  }
0xbd: {  	s0 =	sor.u32 s1, s0  }
0xbe: {  	s0 =	sadd.s32 $0x8F2B, s0  }
0xbf: {  	[sflag:s0] =	ssyncadd.remote.s32 $0x1  }
0xc0: {  	_ =	sfence.sel $0xFFFF  }
0xc1: {  	[dreg:$0x0] =	wrdreg $0xFFFFFFFF;
	(pc) =	sbr.abs _section_cstart, $3  }
0xc2: {  	[dreg:$0x1] =	wrdreg $0xFFFFFFFF  }
0xc3: {  	_ =	task.clear_ibuf [dreg:s8], $0x2FFFF;
	_ =	strace $0x9FFFFFFF  }
0xc4: {  	(tm) =	ssettm $0x7FFFFFFF  }
0xc5: {  	_ =	shalt  }
tec
execute0_lowered:
.L_overlay_start_1:
0x0: {  	(tag) =	ssettag $0x1  }
0x1: {  	v0 =	vimm.s32 $0xEFCDAB89;
	v1 =	vimm.s32 $0x67452301  }
0x2: {  	v2 =	vimm.s32 $0xDCFE98BA;
	v3 =	vimm.s32 $0x54761032;
	v4 =	vimm.s32 $0xBA98FEDC  }
0x3: {  	v5 =	vimm.s32 $0x32107654;
	v6 =	vimm.s32 $0xFEDCBA98;
	v7 =	vimm.s32 $0x76543210  }
0x4: {  	v63 =	vlaneseq.u32;
	v0 =	vunpack.c.l.s4.s8 v0;
	v1 =	vunpack.c.l.s4.s8 v1  }
0x5: {  	v2 =	vunpack.c.l.s4.s8 v2;
	v3 =	vunpack.c.l.s4.s8 v3;
	v4 =	vunpack.c.l.s4.s8 v4  }
0x6: {  	v5 =	vunpack.c.l.s4.s8 v5;
	v0 =	vunpack.c.0.s8.s32 v0;
	v1 =	vunpack.c.0.s8.s32 v1  }
0x7: {  	vm10 =	vmmov $0x1;
	v2 =	vunpack.c.0.s8.s32 v2;
	v3 =	vunpack.c.0.s8.s32 v3  }
0x8: {  	s0 =	rddreg [dreg:$0x0];
	v4 =	vunpack.c.0.s8.s32 v4;
	v5 =	vunpack.c.0.s8.s32 v5;
	v0 =	vcombine.low v1, v0  }
0x9: {  	s2 =	rddreg [dreg:$0x1];
	s1 =	simm.s32 $0x0;
	vm11 =	vmmov $0x3;
	vm0 =	vmmov $0x3f;
	v2 =	vcombine.low v3, v2  }
0xa: {  	vm1 =	vmmov $0x7f;
	[smem:$0x7FF] =	sst s1;
	v3 =	vcombine.low v5, v4;
	v0 =	vand.u32 $0xF, v0  }
0xb: {  	s10 =	rddreg [dreg:$0x2];
	vm2 =	vmmov $0xff;
	vm3 =	vmmov $0x1ff;
	_ =	strace $0x8000004A;
	v51 =	vand.u32 $0xF, v2;
	[tilespmem:$0x1FF30] =	vst v0  }
0xc: {  	s4 =	srdreg.scid;
	s6 =	stileid.u32;
	s13 =	simm.s32 $0x80;
	vm8 =	vmmov $0x3fff;
	v53 =	vimm.s32 $0x0;
	v52 =	vand.u32 $0xF, v3;
	[tilespmem:$0x1FF40] =	vst v51  }
0xd: {  	s14 =	simm.s32 $0x100;
	s15 =	simm.s32 $0x180;
	s22 =	simm.s32 $0x480;
	vm4 =	vmmov $0x3ff;
	v54 =	vimm.s32 $0x0;
	[tilespmem:$0x1FF50] =	vst v52;
	v0 =	vsel vm8, $0xFFFFFFFF, v53  }
0xe: {  	s23 =	simm.s32 $0x10E00;
	s24 =	simm.s32 $0xC600;
	s25 =	simm.s32 $0x500;
	vm5 =	vmmov $0x7ff;
	v55 =	vimm.s32 $0x0;
	[tilespmem:$0x1FF60] =	vst v0;
	v0 =	vsel vm1, $0xFFFFFFFF, v54  }
0xf: {  	s26 =	simm.s32 $0x11600;
	vm6 =	vmmov $0xfff;
	s28 =	simm.s32 $0xE600;
	s29 =	simm.s32 $0x580;
	v56 =	vimm.s32 $0x0;
	[tilespmem:$0x1FF70] =	vst v0;
	v0 =	vsel vm2, $0xFFFFFFFF, v55  }
0x10: {  	s30 =	simm.s32 $0x11E00;
	vm7 =	vmmov $0x1fff;
	s31 =	simm.s32 $0x1;
	v57 =	vimm.s32 $0x0;
	s5 =	sand.u32 $0x1, s4;
	[tilespmem:$0x1FF80] =	vst v0;
	v0 =	vsel vm4, $0xFFFFFFFF, v56  }
0x11: {  	vm9 =	vmmov $0x7fff;
	v58 =	vimm.s32 $0x0;
	s3 =	sadd.s32 $0x1EC4E00, s2;
	s6 =	sshll.u32 s6, $0xA;
	s7 =	sshll.u32 s5, $0x9;
	[tilespmem:$0x1FF90] =	vst v0;
	v0 =	vsel vm6, $0xFFFFFFFF, v57  }
0x12: {  	v59 =	vimm.s32 $0x0;
	s4 =	sadd.s32 $0xF82A00, s2;
	v6 =	vunpack.c.l.s4.s8 v6;
	s5 =	ssub.s32 $0x2, s5;
	s6 =	sor.u32 s7, s6;
	[tilespmem:$0x1FFA0] =	vst v0;
	v0 =	vsel vm9, $0xFFFFFFFF, v58  }
0x13: {  	v60 =	vimm.s32 $0x0;
	v7 =	vunpack.c.l.s4.s8 v7;
	s8 =	sshrl.u32 s5, $0x1;
	s7 =	sshll.u32 s6, $0x3;
	s11 =	sshrl.u32 s6, $0x3;
	[tilespmem:$0x1FFB0] =	vst v0;
	v0 =	vsel vm0, $0xFFFFFFFF, v59  }
0x14: {  	v61 =	vimm.s32 $0x0;
	v49 =	vunpack.c.0.s8.s32 v6;
	s12 =	ssub.s32 s5, s8;
	s2 =	sadd.s32 s7, s2;
	s5 =	sadd.s32 s0, s11;
	[tilespmem:$0x1FFC0] =	vst v0;
	v0 =	vsel vm5, $0xFFFFFFFF, v60  }
0x15: {  	v62 =	vimm.s32 $0x0;
	s10 =	sadd.s32 s10, s11;
	s11 =	smax.u32 s12, $0x1;
	v4 =	vunpack.c.0.s8.s32 v7;
	s12 =	simm.s32 $0x2;
	[tilespmem:$0x1FFD0] =	vst v0;
	v0 =	vsel vm7, $0xFFFFFFFF, v61  }
0x16: {  	vm12 =	vmmov $0x7;
	v50 =	vand.u32 $0xF, v49;
	s0 =	simm.s32 $0x12600;
	s6 =	sadd.s32 $0x10, s5;
	s7 =	sadd.s32 $0x20, s5;
	[tilespmem:$0x1FFE0] =	vst v0;
	v0 =	vsel vm3, $0xFFFFFFFF, v62  }
0x17: {  	vm13 =	vmmov $0xf;
	vm14 =	vmmov $0x1f;
	s8 =	sadd.s32 $0x30, s5;
	s9 =	sadd.s32 $0xFA1400, s2;
	s2 =	simm.s32 $0x0;
	v4 =	vcombine.low v50, v4;
	[tilespmem:$0x1FFF0] =	vst v0  }
.LBB2_1:
0x18: {  	[tilespmem:s1], [sflag:$0x2] =	stream.linear.gather [hbm4b:s5+s1], $0x80, $0x38;
	[tilespmem:$0x12800] =	vst v63  }
0x19: {  	_ =	swait.ge [sflag:s12], $0x80  }
0x1a: {  	[sflag:s12] =	ssyncset.done $0x0  }
0x1b: {  	[sflag:s12] =	ssyncadd.s32 $0xFFFFFF80  }
0x1c: {  	[tilespmem:s13], [sflag:$0x2] =	stream.linear.gather [hbm4b:s6+s1], $0x80, $0x38;
	[tilespmem:$0x12800] =	vst v63  }
0x1d: {  	_ =	swait.ge [sflag:s12], $0x80  }
0x1e: {  	[sflag:s12] =	ssyncset.done $0x0  }
0x1f: {  	[sflag:s12] =	ssyncadd.s32 $0xFFFFFF80  }
0x20: {  	[tilespmem:s14], [sflag:$0x2] =	stream.linear.gather [hbm4b:s7+s1], $0x80, $0x38;
	[tilespmem:$0x12800] =	vst v63  }
0x21: {  	_ =	swait.ge [sflag:s12], $0x80  }
0x22: {  	[sflag:s12] =	ssyncset.done $0x0  }
0x23: {  	[sflag:s12] =	ssyncadd.s32 $0xFFFFFF80  }
0x24: {  	[tilespmem:s15], [sflag:$0x2] =	stream.linear.gather [hbm4b:s8+s1], $0x80, $0x38;
	[tilespmem:$0x12800] =	vst v63  }
0x25: {  	_ =	swait.ge [sflag:s12], $0x80  }
0x26: {  	[sflag:s12] =	ssyncset.done $0x0  }
0x27: {  	s16 =	simm.s32 $0x200;
	[sflag:s12] =	ssyncadd.s32 $0xFFFFFF80  }
0x28: {  	[tilespmem:s16], [sflag:$0x2] =	stream.linear.gather [hbm4b:s5+s1], $0x200, $0x38;
	[tilespmem:$0x12800] =	vst v63  }
0x29: {  	_ =	swait.ge [sflag:s12], $0x200  }
0x2a: {  	[sflag:s12] =	ssyncset.done $0x0  }
0x2b: {  	s18 =	simm.s32 $0x600;
	[sflag:s12] =	ssyncadd.s32 $0xFFFFFE00  }
0x2c: {  	[tilespmem:s18], [sflag:$0x2] =	stream.linear.gather [hbm4b:s9+s1], $0x8000, $0x38;
	[tilespmem:$0x12800] =	vst v63  }
0x2d: {  	_ =	swait.ge [sflag:s12], $0x8000  }
0x2e: {  	[sflag:s12] =	ssyncset.done $0x0  }
0x2f: {  	[sflag:s12] =	ssyncadd.s32 $0xFFFF8000  }
0x30: {  	v0 =	vld [tilespmem:$0x0]  }
0x31: {  	v1 =	vld [tilespmem:$0x10]  }
0x32: {  	v5 =	vld [tilespmem:$0x20]  }
0x33: {  	v6 =	vld [tilespmem:$0x30]  }
0x34: {  	v7 =	vld [tilespmem:$0x40]  }
0x35: {  	v8 =	vld [tilespmem:$0x50];
	v0 =	vshra.s32 v0, $0x4  }
0x36: {  	[tilespmem:$0x400] =	vst v0;
	v0 =	vshra.s32 v1, $0x4;
	v1 =	vld [tilespmem:$0x60]  }
0x37: {  	[tilespmem:$0x410] =	vst v0;
	v0 =	vshra.s32 v5, $0x4;
	v5 =	vld [tilespmem:$0x70]  }
0x38: {  	[tilespmem:$0x420] =	vst v0;
	v0 =	vshra.s32 v6, $0x4;
	v6 =	vld [tilespmem:$0x80]  }
0x39: {  	[tilespmem:$0x430] =	vst v0;
	v0 =	vshra.s32 v7, $0x4;
	v7 =	vld [tilespmem:$0x90]  }
0x3a: {  	[tilespmem:$0x440] =	vst v0;
	v0 =	vshra.s32 v8, $0x4;
	v8 =	vld [tilespmem:$0xA0]  }
0x3b: {  	[tilespmem:$0x450] =	vst v0;
	v0 =	vshra.s32 v1, $0x4;
	v1 =	vld [tilespmem:$0xB0]  }
0x3c: {  	[tilespmem:$0x460] =	vst v0;
	v0 =	vshra.s32 v5, $0x4;
	v5 =	vld [tilespmem:$0xC0]  }
0x3d: {  	[tilespmem:$0x470] =	vst v0;
	v0 =	vshra.s32 v6, $0x4;
	v6 =	vld [tilespmem:$0xD0]  }
0x3e: {  	[tilespmem:$0x480] =	vst v0;
	v0 =	vshra.s32 v7, $0x4;
	v7 =	vld [tilespmem:$0xE0]  }
0x3f: {  	[tilespmem:$0x490] =	vst v0;
	v0 =	vshra.s32 v8, $0x4;
	v8 =	vld [tilespmem:$0xF0]  }
0x40: {  	[tilespmem:$0x4A0] =	vst v0;
	v0 =	vshra.s32 v1, $0x4;
	v1 =	vld [tilespmem:$0x100]  }
0x41: {  	[tilespmem:$0x4B0] =	vst v0;
	v0 =	vshra.s32 v5, $0x4;
	v5 =	vld [tilespmem:$0x110]  }
0x42: {  	[tilespmem:$0x4C0] =	vst v0;
	v0 =	vshra.s32 v6, $0x4;
	v6 =	vld [tilespmem:$0x120]  }
0x43: {  	[tilespmem:$0x4D0] =	vst v0;
	v0 =	vshra.s32 v7, $0x4;
	v7 =	vld [tilespmem:$0x130]  }
0x44: {  	[tilespmem:$0x4E0] =	vst v0;
	v0 =	vshra.s32 v8, $0x4;
	v8 =	vld [tilespmem:$0x140]  }
0x45: {  	[tilespmem:$0x4F0] =	vst v0;
	v0 =	vshra.s32 v1, $0x4;
	v1 =	vld [tilespmem:$0x150]  }
0x46: {  	[tilespmem:$0x500] =	vst v0;
	v0 =	vshra.s32 v5, $0x4;
	v5 =	vld [tilespmem:$0x160]  }
0x47: {  	[tilespmem:$0x510] =	vst v0;
	v0 =	vshra.s32 v6, $0x4;
	v6 =	vld [tilespmem:$0x170]  }
0x48: {  	[tilespmem:$0x520] =	vst v0;
	v0 =	vshra.s32 v7, $0x4;
	v7 =	vld [tilespmem:$0x180]  }
0x49: {  	[tilespmem:$0x530] =	vst v0;
	v0 =	vshra.s32 v8, $0x4;
	v8 =	vld [tilespmem:$0x190]  }
0x4a: {  	[tilespmem:$0x540] =	vst v0;
	v0 =	vshra.s32 v1, $0x4;
	v1 =	vld [tilespmem:$0x1A0]  }
0x4b: {  	[tilespmem:$0x550] =	vst v0;
	v0 =	vshra.s32 v5, $0x4;
	v5 =	vld [tilespmem:$0x1B0]  }
0x4c: {  	[tilespmem:$0x560] =	vst v0;
	v0 =	vshra.s32 v6, $0x4;
	v6 =	vld [tilespmem:$0x1C0]  }
0x4d: {  	[tilespmem:$0x570] =	vst v0;
	v0 =	vshra.s32 v7, $0x4;
	v7 =	vld [tilespmem:$0x1D0]  }
0x4e: {  	[tilespmem:$0x580] =	vst v0;
	v0 =	vshra.s32 v8, $0x4;
	v8 =	vld [tilespmem:$0x1E0]  }
0x4f: {  	[tilespmem:$0x590] =	vst v0;
	v0 =	vshra.s32 v1, $0x4;
	v1 =	vld [tilespmem:$0x1F0]  }
0x50: {  	[tilespmem:$0x5A0] =	vst v0;
	v0 =	vshra.s32 v5, $0x4  }
0x51: {  	[tilespmem:$0x5B0] =	vst v0;
	v0 =	vshra.s32 v6, $0x4  }
0x52: {  	[tilespmem:$0x5C0] =	vst v0;
	v0 =	vshra.s32 v7, $0x4  }
0x53: {  	[tilespmem:$0x5D0] =	vst v0;
	v0 =	vshra.s32 v8, $0x4  }
0x54: {  	[tilespmem:$0x5E0] =	vst v0;
	v0 =	vshra.s32 v1, $0x4  }
0x55: {  	s19 =	simm.s32 $0x8600;
	[tilespmem:$0x5F0] =	vst v0  }
0x56: {  	[tilespmem:s19], [sflag:$0x1] =	stream.indirect.gather [hbm4b:s3+s13], $0x40, s1, s13, $0xb8;
	[tilespmem:$0x12800] =	vst v63  }
0x57: {  	s20 =	simm.s32 $0x400;
	s17 =	simm.s32 $0x10600  }
0x58: {  	[tilespmem:s17], [sflag:$0x1] =	stream.indirect.gather [hbm4b:s4+s13], $0x10, s20, s13, $0xb8;
	[tilespmem:$0x12800] =	vst v63  }
0x59: {  	s21 =	simm.s32 $0xA600  }
0x5a: {  	[tilespmem:s21], [sflag:$0x1] =	stream.indirect.gather [hbm4b:s3+s13], $0x40, s13, s13, $0xb8;
	[tilespmem:$0x12800] =	vst v63  }
0x5b: {  	_ = 	snop  }
0x5c: {  	[tilespmem:s23], [sflag:$0x1] =	stream.indirect.gather [hbm4b:s4+s13], $0x10, s22, s13, $0xb8;
	[tilespmem:$0x12800] =	vst v63  }
0x5d: {  	_ = 	snop  }
0x5e: {  	[tilespmem:s24], [sflag:$0x1] =	stream.indirect.gather [hbm4b:s3+s13], $0x40, s14, s13, $0xb8;
	[tilespmem:$0x12800] =	vst v63  }
0x5f: {  	_ = 	snop  }
0x60: {  	[tilespmem:s26], [sflag:$0x1] =	stream.indirect.gather [hbm4b:s4+s13], $0x10, s25, s13, $0xb8;
	[tilespmem:$0x12800] =	vst v63  }
0x61: {  	_ = 	snop  }
0x62: {  	[tilespmem:s28], [sflag:$0x1] =	stream.indirect.gather [hbm4b:s3+s13], $0x40, s15, s13, $0xb8;
	[tilespmem:$0x12800] =	vst v63  }
0x63: {  	_ = 	snop  }
0x64: {  	[tilespmem:s30], [sflag:$0x1] =	stream.indirect.gather [hbm4b:s4+s13], $0x10, s29, s13, $0xb8;
	[tilespmem:$0x12800] =	vst v63  }
0x65: {  	_ =	swait.ge [sflag:s31], $0x2000  }
0x66: {  	[sflag:s31] =	ssyncset.done $0x0  }
0x67: {  	[sflag:s31] =	ssyncadd.s32 $0xFFFFE000  }
0x68: {  	_ =	swait.ge [sflag:s31], $0x800  }
0x69: {  	[sflag:s31] =	ssyncset.done $0x0  }
0x6a: {  	[sflag:s31] =	ssyncadd.s32 $0xFFFFF800  }
0x6b: {  	_ =	swait.ge [sflag:s31], $0x2000  }
0x6c: {  	[sflag:s31] =	ssyncset.done $0x0  }
0x6d: {  	[sflag:s31] =	ssyncadd.s32 $0xFFFFE000  }
0x6e: {  	_ =	swait.ge [sflag:s31], $0x800  }
0x6f: {  	[sflag:s31] =	ssyncset.done $0x0  }
0x70: {  	[sflag:s31] =	ssyncadd.s32 $0xFFFFF800  }
0x71: {  	_ =	swait.ge [sflag:s31], $0x2000  }
0x72: {  	[sflag:s31] =	ssyncset.done $0x0  }
0x73: {  	[sflag:s31] =	ssyncadd.s32 $0xFFFFE000  }
0x74: {  	_ =	swait.ge [sflag:s31], $0x800  }
0x75: {  	[sflag:s31] =	ssyncset.done $0x0  }
0x76: {  	[sflag:s31] =	ssyncadd.s32 $0xFFFFF800  }
0x77: {  	_ =	swait.ge [sflag:s31], $0x2000  }
0x78: {  	[sflag:s31] =	ssyncset.done $0x0  }
0x79: {  	[sflag:s31] =	ssyncadd.s32 $0xFFFFE000  }
0x7a: {  	_ =	swait.ge [sflag:s31], $0x800  }
0x7b: {  	[sflag:s31] =	ssyncset.done $0x0  }
0x7c: {  	s17 =	simm.s32 $0x10680;
	[sflag:s31] =	ssyncadd.s32 $0xFFFFF800  }
0x7d: {  	v0 =	vld [tilespmem:s17+$0x30];
	_ =	sdelay $0x4  }
0x7e: {  	[tilespmem:$0x1FDE0] =	vst v0;
	v0 =	vld [tilespmem:s17+$0x20];
	_ =	sdelay $0x4  }
0x7f: {  	[tilespmem:$0x1FE60] =	vst v0;
	v0 =	vld [tilespmem:s17+$0x10];
	_ =	sdelay $0x3  }
0x80: {  	s19 =	simm.s32 $0x800;
	v3 =	vld [tilespmem:$0x1FF40]  }
0x81: {  	s16 =	simm.s32 $0x0;
	[tilespmem:$0x1FE90] =	vst v0;
	v0 =	vld [tilespmem:s19+$0xB0]  }
0x82: {  	v14 =	vld [tilespmem:s16+$0x200]  }
0x83: {  	v31 =	vld [tilespmem:s17+$0x70]  }
0x84: {  	v30 =	vld [tilespmem:s17+$0x60]  }
0x85: {  	s18 =	simm.s32 $0x8800;
	v24 =	vld [tilespmem:s19+$0x1F0]  }
0x86: {  	[tilespmem:$0x1FDF0] =	vst v0;
	v0 =	vld [tilespmem:s18+$0xB0]  }
0x87: {  	v23 =	vld [tilespmem:s18+$0x1F0]  }
0x88: {  	v35 =	vld [tilespmem:s17+$0x50]  }
0x89: {  	v34 =	vld [tilespmem:s19+$0x1B0]  }
0x8a: {  	v36 =	vld [tilespmem:s18+$0x1B0]  }
0x8b: {  	[tilespmem:$0x1FE00] =	vst v0;
	v0 =	vld [tilespmem:s17+$0x0]  }
0x8c: {  	v38 =	vld [tilespmem:s19+$0x1E0]  }
0x8d: {  	v44 =	vld [tilespmem:s18+$0x1E0]  }
0x8e: {  	v32 =	vld [tilespmem:s17+$0x40]  }
0x8f: {  	v45 =	vld [tilespmem:s19+$0x170]  }
0x90: {  	[tilespmem:$0x1FEA0] =	vst v0;
	v0 =	vld [tilespmem:s19+$0xA0]  }
0x91: {  	v52 =	vld [tilespmem:s18+$0x170]  }
0x92: {  	v47 =	vld [tilespmem:s19+$0x1A0]  }
0x93: {  	v53 =	vld [tilespmem:s18+$0x1A0]  }
0x94: {  	v43 =	vld [tilespmem:s19+$0x1C0]  }
0x95: {  	[tilespmem:$0x1FE10] =	vst v0;
	v0 =	vld [tilespmem:s18+$0xA0]  }
0x96: {  	v54 =	vld [tilespmem:s18+$0x1C0]  }
0x97: {  	v56 =	vld [tilespmem:s19+$0x1D0]  }
0x98: {  	v57 =	vld [tilespmem:s18+$0x1D0]  }
0x99: {  	v58 =	vld [tilespmem:s19+$0x130]  }
0x9a: {  	[tilespmem:$0x1FE20] =	vst v0;
	v0 =	vld [tilespmem:s17+$0xFFFFFFF0]  }
0x9b: {  	v55 =	vld [tilespmem:s18+$0x130]  }
0x9c: {  	v59 =	vld [tilespmem:s19+$0x160]  }
0x9d: {  	v60 =	vld [tilespmem:s18+$0x160]  }
0x9e: {  	v61 =	vld [tilespmem:s19+$0x180]  }
0x9f: {  	[tilespmem:$0x1FED0] =	vst v0;
	v0 =	vld [tilespmem:s19+$0x30]  }
0xa0: {  	v62 =	vld [tilespmem:s18+$0x180]  }
0xa1: {  	v7 =	vld [tilespmem:s19+$0x190]  }
0xa2: {  	v6 =	vld [tilespmem:s18+$0x190]  }
0xa3: {  	v29 =	vld [tilespmem:s19+$0xF0]  }
0xa4: {  	[tilespmem:$0x1FE70] =	vst v0;
	v0 =	vld [tilespmem:s18+$0x30]  }
0xa5: {  	v42 =	vld [tilespmem:s18+$0xF0]  }
0xa6: {  	v18 =	vld [tilespmem:s19+$0x120]  }
0xa7: {  	v17 =	vld [tilespmem:s18+$0x120]  }
0xa8: {  	v15 =	vld [tilespmem:s19+$0x140]  }
0xa9: {  	[tilespmem:$0x1FE80] =	vst v0;
	v0 =	vld [tilespmem:s19+$0x60]  }
0xaa: {  	v13 =	vld [tilespmem:s18+$0x140]  }
0xab: {  	v16 =	vld [tilespmem:s19+$0x150]  }
0xac: {  	v12 =	vld [tilespmem:s18+$0x150]  }
0xad: {  	v26 =	vld [tilespmem:s19+$0xE0]  }
0xae: {  	[tilespmem:$0x1FE30] =	vst v0;
	v0 =	vld [tilespmem:s17+$0xFFFFFFE0]  }
0xaf: {  	v25 =	vld [tilespmem:s18+$0xE0]  }
0xb0: {  	v11 =	vld [tilespmem:s19+$0x100]  }
0xb1: {  	v9 =	vld [tilespmem:s18+$0x100]  }
0xb2: {  	v10 =	vld [tilespmem:s19+$0x110]  }
0xb3: {  	[tilespmem:$0x1FF00] =	vst v0;
	v0 =	vld [tilespmem:s19+$0xFFFFFFF0]  }
0xb4: {  	v8 =	vld [tilespmem:s18+$0x110]  }
0xb5: {  	v28 =	vld [tilespmem:s19+$0x70]  }
0xb6: {  	v27 =	vld [tilespmem:s18+$0x70]  }
0xb7: {  	v22 =	vld [tilespmem:s19+$0xC0]  }
0xb8: {  	[tilespmem:$0x1FEB0] =	vst v0;
	v0 =	vld [tilespmem:s18+$0xFFFFFFF0]  }
0xb9: {  	v20 =	vld [tilespmem:s18+$0xC0]  }
0xba: {  	v21 =	vld [tilespmem:s19+$0xD0]  }
0xbb: {  	v19 =	vld [tilespmem:s18+$0xD0]  }
0xbc: {  	v33 =	vld [tilespmem:s18+$0x60]  }
0xbd: {  	[tilespmem:$0x1FEC0] =	vst v0;
	v0 =	vld [tilespmem:s19+$0x20]  }
0xbe: {  	v49 =	vld [tilespmem:s19+$0x80]  }
0xbf: {  	v51 =	vld [tilespmem:s18+$0x80]  }
0xc0: {  	v1 =	vld [tilespmem:s17+$0xFFFFFFD0]  }
0xc1: {  	v2 =	vld [tilespmem:s19+$0xFFFFFFB0];
	v6 =	vmul.f32 v6, v7  }
0xc2: {  	v38 =	vmul.f32 v44, v38;
	v34 =	vmul.f32 v36, v34;
	[tilespmem:$0x1FE40] =	vst v0;
	v0 =	vld [tilespmem:s18+$0x20]  }
0xc3: {  	v48 =	vld [tilespmem:s19+$0x90];
	v24 =	vmul.f32 v23, v24;
	v13 =	vmul.f32 v13, v15  }
0xc4: {  	v50 =	vld [tilespmem:s18+$0x90];
	v14 =	vand.u32 $0xF, v14;
	v12 =	vmul.f32 v12, v16;
	v15 =	vmul.f32 v60, v59  }
0xc5: {  	v39 =	vld [tilespmem:s19+$0x40];
	[tilespmem:$0x1FF10] =	vst v1;
	v9 =	vmul.f32 v9, v11;
	v1 =	vbroadcast v14, $0xF  }
0xc6: {  	[tilespmem:$0x1FEE0] =	vst v2;
	v2 =	vld [tilespmem:s18+$0xFFFFFFB0];
	v8 =	vmul.f32 v8, v10;
	v5 =	vbroadcast v14, $0xA  }
0xc7: {  	v40 =	vld [tilespmem:s18+$0x40];
	v27 =	vmul.f32 v27, v28;
	vm2 =	veq.s32 v1, v63;
	[tilespmem:$0x1FE50] =	vst v0;
	v0 =	vbroadcast v14, $0xD  }
0xc8: {  	v41 =	vld [tilespmem:s19+$0x50];
	vm4 =	veq.s32 v5, v63;
	v1 =	vbroadcast v14, $0xC;
	v5 =	vbroadcast v14, $0x7  }
0xc9: {  	v46 =	vld [tilespmem:s18+$0x50];
	v37 =	vbroadcast v14, $0xE;
	vm8 =	veq.s32 v0, v63;
	v0 =	vbroadcast v14, $0xB  }
0xca: {  	v7 =	vld [tilespmem:s18+$0x0];
	vm9 =	veq.s32 v1, v63;
	v1 =	vmul.f32 v57, v56;
	vm0 =	veq.s32 v5, v63  }
0xcb: {  	[tilespmem:$0x1FEF0] =	vst v2;
	v5 =	vmul.f32 v62, v61;
	v2 =	vld [tilespmem:s17+$0xFFFFFFC0];
	vm6 =	veq.s32 v0, v63;
	v0 =	vmul.f32 v54, v43  }
0xcc: {  	v44 =	vld [tilespmem:s19+$0xFFFFFFA0];
	v11 =	vbroadcast v14, $0x9;
	v10 =	vadd.f32 v12, v13;
	v12 =	vbroadcast v14, $0x6  }
0xcd: {  	v16 =	vld [tilespmem:s19+$0xFFFFFFD0];
	v0 =	vadd.f32 v1, v0;
	v1 =	vadd.f32 v6, v5;
	v5 =	vmul.f32 v53, v47  }
0xce: {  	v36 =	vld [tilespmem:s19+$0xFFFFFF60];
	v8 =	vadd.f32 v8, v9;
	v9 =	vmul.f32 v17, v18;
	v13 =	vmul.f32 v52, v45  }
0xcf: {  	v23 =	vld [tilespmem:s18+$0xFFFFFEF0];
	v18 =	vbroadcast v14, $0x5;
	vm1 =	veq.s32 v37, v63;
	v5 =	vadd.f32 v5, v1  }
0xd0: {  	v10 =	vadd.f32 v15, v10;
	v8 =	vadd.f32 v9, v8;
	v9 =	vbroadcast v14, $0x4;
	[tilespmem:$0x1FF20] =	vst v2;
	v2 =	vld [tilespmem:$0x1FF30]  }
0xd1: {  	v59 =	vld [tilespmem:$0x1FF50];
	vm7 =	veq.s32 v11, v63;
	vm3 =	veq.s32 v12, v63;
	v5 =	vadd.f32 v34, v5  }
0xd2: {  	v28 =	vld [tilespmem:s18+$0xFFFFFE30];
	v17 =	vnsel vm1, $0x0, v30;
	vm1 =	veq.s32 v9, v63;
	v9 =	vadd.f32 v13, v10  }
0xd3: {  	v60 =	vld [tilespmem:s19+$0xFFFFFEC0];
	v11 =	vnsel vm2, $0x0, v31;
	v0 =	vadd.f32 v38, v0;
	v5 =	vadd.f32 v17, v5  }
0xd4: {  	v45 =	vld [tilespmem:s19+$0xFFFFFF20];
	v15 =	vmul.f32 v55, v58;
	vm2 =	veq.s32 v18, v63;
	v10 =	vnsel vm8, $0x0, v35  }
0xd5: {  	v37 =	vld [tilespmem:s19+$0xFFFFFFE0];
	v9 =	vadd.f32 v10, v9;
	v0 =	vadd.f32 v24, v0;
	v10 =	vperm.xlane v5, v2  }
0xd6: {  	v12 =	vld [tilespmem:s19+$0xFFFFFFC0];
	v8 =	vadd.f32 v15, v8;
	v13 =	vmul.f32 v20, v22;
	v15 =	vmul.f32 v19, v21  }
0xd7: {  	v31 =	vld [tilespmem:s17+$0xFFFFFFB0];
	v18 =	vperm.xlane v9, v2;
	v0 =	vadd.f32 v11, v0;
	v5 =	vadd.f32 v5, v10  }
0xd8: {  	v55 =	vld [tilespmem:s18+$0xFFFFFF50];
	v13 =	vadd.f32 v15, v13;
	v15 =	vmul.f32 v25, v26  }
0xd9: {  	v58 =	vmovc v4;
	v4 =	vld [tilespmem:s19+$0xFFFFFF00];
	v9 =	vadd.f32 v9, v18;
	v30 =	vperm.xlane v0, v2;
	v18 =	vperm.xlane v5, v3  }
0xda: {  	v57 =	vld [tilespmem:s19+$0x0];
	v10 =	vadd.f32 v15, v13;
	v15 =	vmul.f32 v42, v29  }
0xdb: {  	v0 =	vadd.f32 v0, v30;
	v5 =	vadd.f32 v5, v18;
	v18 =	vld [tilespmem:$0x1FDE0]  }
0xdc: {  	v62 =	vld [tilespmem:s19+$0x10];
	v17 =	vnsel vm9, $0x0, v32;
	v10 =	vadd.f32 v15, v10;
	v15 =	vperm.xlane v9, v3  }
0xdd: {  	v61 =	vld [tilespmem:s19+$0xFFFFFF70];
	v8 =	vadd.f32 v17, v8;
	v19 =	vperm.xlane v0, v3  }
0xde: {  	v56 =	vld [tilespmem:s19+$0xFFFFFEF0];
	v9 =	vadd.f32 v9, v15;
	v15 =	vperm.xlane v5, v59  }
0xdf: {  	v20 =	vld [tilespmem:s18+$0xFFFFFF80];
	v13 =	vperm.xlane v8, v2;
	v0 =	vadd.f32 v0, v19;
	v19 =	vbroadcast v14, $0x3  }
0xe0: {  	v21 =	vld [tilespmem:s19+$0xFFFFFF90];
	v52 =	vadd.f32 v5, v15;
	v15 =	vperm.xlane v9, v59;
	v18 =	vnsel vm6, $0x0, v18  }
0xe1: {  	v26 =	vld [tilespmem:s18+$0xFFFFFF10];
	v22 =	vperm.xlane v0, v59;
	v5 =	vmul.f32 v51, v49;
	v10 =	vadd.f32 v18, v10  }
0xe2: {  	vm6 =	veq.s32 v19, v63;
	v19 =	vmul.f32 v50, v48;
	v53 =	vadd.f32 v9, v15;
	v9 =	vld [tilespmem:$0x1FDF0]  }
0xe3: {  	v42 =	vadd.f32 v0, v22;
	v15 =	vld [tilespmem:$0x1FE10];
	v0 =	vperm.xlane v10, v2  }
0xe4: {  	v8 =	vadd.f32 v8, v13;
	v5 =	vadd.f32 v19, v5;
	v19 =	vld [tilespmem:$0x1FE20]  }
0xe5: {  	v0 =	vadd.f32 v10, v0;
	v10 =	vld [tilespmem:$0x1FE00]  }
0xe6: {  	v35 =	vld [tilespmem:s19+$0xFFFFFE20];
	v25 =	vperm.xlane v8, v3  }
0xe7: {  	v6 =	vld [tilespmem:s18+$0x10]  }
0xe8: {  	v43 =	vld [tilespmem:s18+$0xFFFFFFE0];
	v54 =	vbroadcast v14, $0x8;
	v8 =	vadd.f32 v8, v25  }
0xe9: {  	v47 =	vld [tilespmem:s18+$0xFFFFFFA0];
	v15 =	vmul.f32 v19, v15  }
0xea: {  	vm5 =	veq.s32 v54, v63;
	v54 =	vld [tilespmem:s18+$0xFFFFFF20];
	v9 =	vmul.f32 v10, v9;
	v10 =	vperm.xlane v8, v59  }
0xeb: {  	v1 =	vld [tilespmem:s18+$0xFFFFFF70];
	v19 =	vperm.xlane v0, v3  }
0xec: {  	v38 =	vld [tilespmem:s18+$0xFFFFFF60];
	v6 =	vmul.f32 v6, v62;
	v5 =	vadd.f32 v15, v5;
	v29 =	vadd.f32 v8, v10  }
0xed: {  	v24 =	vld [tilespmem:s18+$0xFFFFFFD0];
	v8 =	vmul.f32 v40, v39;
	v39 =	vadd.f32 v0, v19;
	v0 =	vmul.f32 v7, v57  }
0xee: {  	v5 =	vadd.f32 v9, v5;
	v9 =	vld [tilespmem:$0x1FE50]  }
0xef: {  	v0 =	vadd.f32 v6, v0;
	v6 =	vld [tilespmem:$0x1FE40]  }
0xf0: {  	v34 =	vld [tilespmem:s18+$0xFFFFFF30]  }
0xf1: {  	v62 =	vld [tilespmem:s19+$0xFFFFFF10]  }
0xf2: {  	v11 =	vld [tilespmem:s18+$0xFFFFFFC0]  }
0xf3: {  	v32 =	vld [tilespmem:s19+$0xFFFFFED0]  }
0xf4: {  	v6 =	vmul.f32 v9, v6;
	v9 =	vld [tilespmem:$0x1FE60]  }
0xf5: {  	v17 =	vld [tilespmem:s19+$0xFFFFFF80]  }
0xf6: {  	v36 =	vmul.f32 v38, v36;
	v38 =	vld [tilespmem:s19+$0xFFFFFE50];
	v22 =	vmul.f32 v46, v41  }
0xf7: {  	v13 =	vld [tilespmem:s18+$0xFFFFFF90]  }
0xf8: {  	v25 =	vld [tilespmem:$0x1FE30];
	v7 =	vadd.f32 v22, v8;
	v8 =	vmul.f32 v11, v12  }
0xf9: {  	v11 =	vmul.f32 v24, v16;
	v0 =	vadd.f32 v6, v0;
	v6 =	vld [tilespmem:$0x1FE70];
	v9 =	vnsel vm4, $0x0, v9  }
0xfa: {  	v5 =	vadd.f32 v9, v5;
	v9 =	vld [tilespmem:$0x1FE80]  }
0xfb: {  	v30 =	vld [tilespmem:s19+$0xFFFFFF30];
	v8 =	vadd.f32 v11, v8;
	v11 =	vmul.f32 v43, v37  }
0xfc: {  	v15 =	vld [tilespmem:$0x1FEB0]  }
0xfd: {  	v25 =	vmul.f32 v33, v25;
	v8 =	vadd.f32 v11, v8;
	v11 =	vld [tilespmem:$0x1FE90]  }
0xfe: {  	v13 =	vmul.f32 v13, v21;
	v16 =	vld [tilespmem:$0x1FEC0]  }
0xff: {  	v21 =	vld [tilespmem:$0x1FEF0];
	v7 =	vadd.f32 v25, v7;
	v6 =	vmul.f32 v9, v6;
	v9 =	vbroadcast v14, $0x2  }
0x100: {  	v17 =	vmul.f32 v20, v17;
	v12 =	vld [tilespmem:$0x1FEA0]  }
0x101: {  	v7 =	vadd.f32 v27, v7;
	vm15 =	veq.s32 v9, v63;
	v9 =	vld [tilespmem:$0x1FED0]  }
0x102: {  	v51 =	vld [tilespmem:s19+$0xFFFFFF40];
	v13 =	vadd.f32 v13, v17;
	v17 =	vmul.f32 v47, v44;
	v11 =	vnsel vm7, $0x0, v11  }
0x103: {  	v50 =	vld [tilespmem:s18+$0xFFFFFF40];
	v46 =	vmul.f32 v16, v15;
	v7 =	vadd.f32 v11, v7;
	v11 =	vperm.xlane v5, v2  }
0x104: {  	v13 =	vadd.f32 v17, v13;
	v17 =	vld [tilespmem:$0x1FEE0];
	v6 =	vadd.f32 v6, v0  }
0x105: {  	v41 =	vld [tilespmem:s18+$0xFFFFFE20];
	v12 =	vnsel vm5, $0x0, v12;
	v8 =	vadd.f32 v46, v8;
	v11 =	vadd.f32 v5, v11  }
0x106: {  	v47 =	vld [tilespmem:s19+$0xFFFFFE00];
	v6 =	vadd.f32 v12, v6;
	v12 =	vperm.xlane v7, v2;
	v9 =	vnsel vm0, $0x0, v9  }
0x107: {  	v18 =	vld [tilespmem:s19+$0xFFFFFF50];
	v8 =	vadd.f32 v9, v8  }
0x108: {  	v33 =	vld [tilespmem:s19+$0xFFFFFE90];
	v51 =	vmul.f32 v50, v51;
	v7 =	vadd.f32 v7, v12;
	v12 =	vperm.xlane v11, v3  }
0x109: {  	v50 =	vld [tilespmem:s19+$0xFFFFFE40];
	v17 =	vmul.f32 v21, v17;
	v21 =	vperm.xlane v8, v2  }
0x10a: {  	v10 =	vld [tilespmem:s19+$0xFFFFFEB0];
	v11 =	vadd.f32 v11, v12  }
0x10b: {  	v12 =	vadd.f32 v17, v13;
	v13 =	vadd.f32 v8, v21;
	v21 =	vld [tilespmem:$0x1FF00]  }
0x10c: {  	v40 =	vld [tilespmem:s19+$0xFFFFFEE0]  }
0x10d: {  	v19 =	vld [tilespmem:s18+$0xFFFFFF00]  }
0x10e: {  	v22 =	vld [tilespmem:s18+$0xFFFFFEE0];
	v9 =	vperm.xlane v6, v2  }
0x10f: {  	v43 =	vld [tilespmem:s18+$0xFFFFFE00]  }
0x110: {  	v27 =	vld [tilespmem:s19+$0xFFFFFE30];
	v6 =	vadd.f32 v6, v9;
	v9 =	vperm.xlane v7, v3;
	v48 =	vnsel vm3, $0x0, v21  }
0x111: {  	v15 =	vld [tilespmem:s19+$0xFFFFFE70];
	v17 =	vperm.xlane v39, v59;
	v57 =	vadd.f32 v48, v12;
	v12 =	vperm.xlane v13, v3  }
0x112: {  	v16 =	vld [tilespmem:s19+$0xFFFFFEA0];
	v7 =	vadd.f32 v7, v9  }
0x113: {  	v9 =	vadd.f32 v39, v17;
	v39 =	vadd.f32 v13, v12;
	v13 =	vperm.xlane v57, v2;
	v2 =	vld [tilespmem:$0x1FF10]  }
0x114: {  	v20 =	vbroadcast v14, $0x0;
	v5 =	vld [tilespmem:s18+$0xFFFFFED0]  }
0x115: {  	v0 =	vld [tilespmem:s18+$0xFFFFFEC0];
	v49 =	vperm.xlane v6, v3  }
0x116: {  	v46 =	vmul.f32 v1, v61;
	vm0 =	veq.s32 v20, v63;
	v20 =	vld [tilespmem:s19+$0xFFFFFE60]  }
0x117: {  	v8 =	vld [tilespmem:s19+$0xFFFFFE80];
	v37 =	vadd.f32 v6, v49;
	v6 =	vperm.xlane v11, v59;
	v1 =	vperm.xlane v7, v59  }
0x118: {  	v23 =	vmul.f32 v23, v56;
	v56 =	vmul.f32 v55, v18;
	v17 =	vnsel vm2, $0x0, v2;
	v2 =	vld [tilespmem:$0x1FF20]  }
0x119: {  	v49 =	vld [tilespmem:s18+$0xFFFFFE10];
	v11 =	vadd.f32 v11, v6;
	v12 =	vadd.f32 v7, v1;
	v1 =	vperm.xlane v37, v59  }
0x11a: {  	v6 =	vmul.f32 v34, v30;
	v21 =	vld [tilespmem:s18+$0xFFFFFE80];
	v57 =	vadd.f32 v57, v13;
	v7 =	vperm.xlane v39, v59  }
0x11b: {  	v30 =	vmul.f32 v54, v45;
	v48 =	vld [tilespmem:s19+$0xFFFFFE10];
	v13 =	vadd.f32 v37, v1;
	v1 =	vbroadcast v14, $0x1  }
0x11c: {  	v37 =	vld [tilespmem:s18+$0xFFFFFE40];
	v14 =	vadd.f32 v39, v7;
	v7 =	vmul.f32 v22, v40;
	v40 =	vperm.xlane v57, v3  }
0x11d: {  	s20 =	simm.s32 $0x40;
	v39 =	vld [tilespmem:s18+$0xFFFFFE50];
	v18 =	vnsel vm1, $0x0, v2;
	vm1 =	veq.s32 v1, v63;
	v1 =	vnsel vm6, $0x0, v31  }
.LBB2_2:
0x11e: {  	v19 =	vmul.f32 v19, v4  }
0x11f: {  	v31 =	vld [tilespmem:s18+$0xFFFFFE90];
	v25 =	vadd.f32 v56, v51;
	v22 =	vmul.f32 v26, v62;
	v26 =	vmul.f32 v28, v27  }
0x120: {  	v2 =	vadd.f32 v57, v40;
	v27 =	vld [tilespmem:s18+$0xFFFFFE60];
	v0 =	vmul.f32 v0, v60;
	v28 =	vmul.f32 v41, v35  }
0x121: {  	v34 =	vld [tilespmem:s18+$0xFFFFFEA0];
	v25 =	vadd.f32 v36, v25;
	v5 =	vmul.f32 v5, v32;
	v45 =	vmul.f32 v43, v47  }
0x122: {  	v47 =	vmul.f32 v49, v48;
	v48 =	vld [tilespmem:s18+$0xFFFFFE70];
	v49 =	vmul.f32 v39, v38;
	v19 =	vadd.f32 v22, v19  }
0x123: {  	v8 =	vmul.f32 v21, v8;
	v3 =	vadd.f32 v46, v25;
	v22 =	vmul.f32 v37, v50;
	v50 =	vld [tilespmem:s18+$0xFFFFFEB0]  }
0x124: {  	v51 =	vld [tilespmem:s17+$0xFFFFFF80];
	v21 =	vmul.f32 v31, v33;
	v0 =	vadd.f32 v5, v0;
	v19 =	vadd.f32 v30, v19  }
0x125: {  	v30 =	vadd.f32 v47, v45;
	v22 =	vadd.f32 v49, v22;
	v20 =	vmul.f32 v27, v20;
	v27 =	vld [tilespmem:s17+$0xFFFFFF90]  }
0x126: {  	v16 =	vmul.f32 v34, v16;
	v8 =	vadd.f32 v21, v8;
	v21 =	vld [tilespmem:s17+$0xFFFFFFA0];
	v17 =	vadd.f32 v17, v3  }
0x127: {  	v25 =	vld [tilespmem:$0x1FF50];
	v15 =	vmul.f32 v48, v15;
	v5 =	vadd.f32 v28, v30;
	v20 =	vadd.f32 v20, v22  }
0x128: {  	v0 =	vadd.f32 v7, v0;
	v8 =	vadd.f32 v16, v8;
	v10 =	vmul.f32 v50, v10;
	v22 =	vld [tilespmem:$0x1FF30]  }
0x129: {  	v7 =	vnsel vm0, $0x0, v51;
	v5 =	vadd.f32 v26, v5;
	v15 =	vadd.f32 v15, v20  }
0x12a: {  	v0 =	vadd.f32 v23, v0;
	v8 =	vadd.f32 v10, v8;
	v16 =	vnsel vm1, $0x0, v27  }
0x12b: {  	v10 =	vnsel vm15, $0x0, v21;
	v5 =	vadd.f32 v7, v5;
	v7 =	vadd.f32 v16, v15  }
0x12c: {  	v24 =	vld [tilespmem:$0x1FF40];
	v6 =	vadd.f32 v6, v19;
	v8 =	vadd.f32 v10, v8;
	v10 =	vperm.xlane v2, v25  }
0x12d: {  	v0 =	vadd.f32 v1, v0;
	v15 =	vperm.xlane v5, v22;
	v16 =	vperm.xlane v7, v22  }
0x12e: {  	v6 =	vadd.f32 v18, v6;
	v1 =	vperm.xlane v8, v22;
	v10 =	vadd.f32 v2, v10  }
0x12f: {  	v5 =	vadd.f32 v5, v15;
	v15 =	vperm.xlane v0, v22;
	v7 =	vadd.f32 v7, v16  }
0x130: {  	v1 =	vadd.f32 v8, v1;
	v8 =	vperm.xlane v6, v22;
	v16 =	vperm.xlane v17, v22  }
0x131: {  	v18 =	vperm.xlane v5, v24;
	v0 =	vadd.f32 v0, v15;
	v19 =	vperm.xlane v7, v24  }
0x132: {  	v15 =	vperm.xlane v1, v24;
	v6 =	vadd.f32 v6, v8;
	v8 =	vadd.f32 v17, v16  }
0x133: {  	v5 =	vadd.f32 v5, v18;
	v16 =	vperm.xlane v0, v24;
	v7 =	vadd.f32 v7, v19  }
0x134: {  	v1 =	vadd.f32 v1, v15;
	v15 =	vperm.xlane v6, v24;
	v17 =	vperm.xlane v8, v24  }
0x135: {  	v18 =	vperm.xlane v5, v25;
	v0 =	vadd.f32 v0, v16;
	v19 =	vperm.xlane v7, v25  }
0x136: {  	v16 =	vperm.xlane v1, v25;
	v6 =	vadd.f32 v6, v15;
	v8 =	vadd.f32 v8, v17  }
0x137: {  	v2 =	vld [tilespmem:$0x1FFC0];
	v5 =	vadd.f32 v5, v18;
	v15 =	vperm.xlane v0, v25;
	v7 =	vadd.f32 v7, v19  }
0x138: {  	v1 =	vadd.f32 v1, v16;
	v16 =	vperm.xlane v6, v25;
	v17 =	vperm.xlane v8, v25  }
0x139: {  	v18 =	vperm.xlane v5, v58;
	v0 =	vadd.f32 v0, v15;
	v19 =	vperm.xlane v7, v58  }
0x13a: {  	v15 =	vperm.xlane v1, v58;
	v6 =	vadd.f32 v6, v16;
	v8 =	vadd.f32 v8, v17  }
0x13b: {  	v5 =	vadd.f32 v5, v18;
	v16 =	vperm.xlane v0, v58;
	v7 =	vadd.f32 v7, v19  }
0x13c: {  	vm0 =	vnez.u8 v2;
	v1 =	vadd.f32 v1, v15;
	v15 =	vperm.xlane v6, v58  }
0x13d: {  	v2 =	vld [tilespmem:$0x1FF70];
	v0 =	vadd.f32 v0, v16;
	v5 =	vsel vm10, v5, v7;
	v7 =	vperm.xlane v8, v58  }
0x13e: {  	v1 =	vsel vm11, v5, v1;
	v5 =	vadd.f32 v6, v15;
	v6 =	vperm.xlane v10, v58  }
0x13f: {  	v0 =	vsel vm12, v1, v0;
	v1 =	vadd.f32 v8, v7  }
0x140: {  	v0 =	vsel vm13, v0, v5;
	v5 =	vadd.f32 v10, v6  }
0x141: {  	v0 =	vsel vm14, v0, v1  }
0x142: {  	v0 =	vsel vm0, v0, v5;
	vm0 =	vnez.u8 v2;
	v2 =	vld [tilespmem:$0x1FF80]  }
0x143: {  	v7 =	vperm.xlane v14, v58;
	_ =	sdelay $0x1  }
0x144: {  	v1 =	vadd.f32 v14, v7;
	_ =	sdelay $0x1  }
0x145: {  	v0 =	vsel vm0, v0, v1;
	vm0 =	vnez.u8 v2;
	v2 =	vld [tilespmem:$0x1FFF0]  }
0x146: {  	v6 =	vperm.xlane v13, v58;
	_ =	sdelay $0x1  }
0x147: {  	v5 =	vadd.f32 v13, v6;
	_ =	sdelay $0x1  }
0x148: {  	v0 =	vsel vm0, v0, v5;
	vm0 =	vnez.u8 v2;
	v2 =	vld [tilespmem:$0x1FF90]  }
0x149: {  	v7 =	vperm.xlane v12, v58;
	_ =	sdelay $0x1  }
0x14a: {  	v1 =	vadd.f32 v12, v7;
	_ =	sdelay $0x1  }
0x14b: {  	v0 =	vsel vm0, v0, v1;
	vm0 =	vnez.u8 v2;
	v2 =	vld [tilespmem:$0x1FFD0]  }
0x14c: {  	v6 =	vperm.xlane v11, v58;
	_ =	sdelay $0x1  }
0x14d: {  	v5 =	vadd.f32 v11, v6;
	_ =	sdelay $0x1  }
0x14e: {  	v0 =	vsel vm0, v0, v5;
	vm0 =	vnez.u8 v2;
	v2 =	vld [tilespmem:$0x1FFA0]  }
0x14f: {  	v7 =	vperm.xlane v9, v58;
	_ =	sdelay $0x1  }
0x150: {  	v1 =	vadd.f32 v9, v7;
	_ =	sdelay $0x1  }
0x151: {  	v0 =	vsel vm0, v0, v1;
	vm0 =	vnez.u8 v2;
	v2 =	vld [tilespmem:$0x1FFE0]  }
0x152: {  	v6 =	vperm.xlane v29, v58;
	_ =	sdelay $0x1  }
0x153: {  	v5 =	vadd.f32 v29, v6;
	_ =	sdelay $0x1  }
0x154: {  	v0 =	vsel vm0, v0, v5;
	vm0 =	vnez.u8 v2;
	v2 =	vld [tilespmem:$0x1FF60]  }
0x155: {  	v7 =	vperm.xlane v53, v58;
	_ =	sdelay $0x1  }
0x156: {  	v1 =	vadd.f32 v53, v7;
	_ =	sdelay $0x1  }
0x157: {  	v0 =	vsel vm0, v0, v1;
	vm0 =	vnez.u8 v2;
	v2 =	vld [tilespmem:$0x1FFB0]  }
0x158: {  	v6 =	vperm.xlane v52, v58  }
0x159: {  	v7 =	vperm.xlane v42, v58  }
0x15a: {  	v5 =	vadd.f32 v52, v6  }
0x15b: {  	v1 =	vadd.f32 v42, v7  }
0x15c: {  	v0 =	vsel vm0, v0, v5;
	vm0 =	vnez.u8 v2  }
0x15d: {  	s21 =	sshra.s32 s20, $0x2;
	v0 =	vsel vm0, v0, v1  }
0x15e: {  	s17 =	sadd.s32 $0x100, s17;
	v18 =	vld [tilespmem:s21+$0x200];
	[tilespmem:s16+$0x12600] =	vst v0  }
0x15f: {  	v2 =	vld [tilespmem:s17+$0x0];
	_ =	sdelay $0x3  }
0x160: {  	s19 =	sadd.s32 $0x400, s19  }
0x161: {  	[tilespmem:$0x1FCB0] =	vst v2;
	v2 =	vld [tilespmem:s19+$0x70];
	_ =	sdelay $0x3  }
0x162: {  	s18 =	sadd.s32 $0x400, s18  }
0x163: {  	[tilespmem:$0x1FC50] =	vst v2;
	v2 =	vld [tilespmem:s18+$0x70];
	_ =	sdelay $0x1  }
0x164: {  	v0 =	vld [tilespmem:s17+$0x70];
	_ =	sdelay $0x2  }
0x165: {  	[tilespmem:$0x1FC60] =	vst v2;
	v2 =	vld [tilespmem:s19+$0xA0];
	_ =	sdelay $0x1  }
0x166: {  	[tilespmem:$0x1FB70] =	vst v0;
	v0 =	vld [tilespmem:s17+$0x60];
	_ =	sdelay $0x2  }
0x167: {  	[tilespmem:$0x1FC90] =	vst v2;
	v2 =	vld [tilespmem:s18+$0xA0];
	_ =	sdelay $0x1  }
0x168: {  	[tilespmem:$0x1FB80] =	vst v0;
	v0 =	vld [tilespmem:s19+$0x1F0];
	_ =	sdelay $0x2  }
0x169: {  	[tilespmem:$0x1FCA0] =	vst v2;
	v2 =	vld [tilespmem:s17+$0xFFFFFFF0];
	_ =	sdelay $0x1  }
0x16a: {  	[tilespmem:$0x1FB60] =	vst v0;
	v0 =	vld [tilespmem:s17+$0x50];
	_ =	sdelay $0x2  }
0x16b: {  	[tilespmem:$0x1FD50] =	vst v2;
	v2 =	vld [tilespmem:s19+$0x30];
	_ =	sdelay $0x1  }
0x16c: {  	[tilespmem:$0x1FBD0] =	vst v0;
	v0 =	vld [tilespmem:s17+$0x40];
	_ =	sdelay $0x2  }
0x16d: {  	[tilespmem:$0x1FD10] =	vst v2;
	v2 =	vld [tilespmem:s18+$0x30];
	_ =	sdelay $0x1  }
0x16e: {  	[tilespmem:$0x1FBE0] =	vst v0;
	v0 =	vld [tilespmem:s19+$0x170];
	_ =	sdelay $0x2  }
0x16f: {  	[tilespmem:$0x1FD20] =	vst v2;
	v2 =	vld [tilespmem:s19+$0x60];
	_ =	sdelay $0x1  }
0x170: {  	[tilespmem:$0x1FB90] =	vst v0;
	v0 =	vld [tilespmem:s18+$0x170];
	_ =	sdelay $0x1  }
0x171: {  	v41 =	vld [tilespmem:s18+$0x1F0]  }
0x172: {  	[tilespmem:$0x1FCD0] =	vst v2;
	v2 =	vld [tilespmem:s18+$0x60]  }
0x173: {  	v51 =	vld [tilespmem:s19+$0x1B0]  }
0x174: {  	[tilespmem:$0x1FBA0] =	vst v0;
	v0 =	vld [tilespmem:s17+$0x30]  }
0x175: {  	v39 =	vld [tilespmem:s18+$0x1B0]  }
0x176: {  	v34 =	vld [tilespmem:s19+$0x1E0]  }
0x177: {  	[tilespmem:$0x1FCE0] =	vst v2;
	v2 =	vld [tilespmem:s19+$0x80]  }
0x178: {  	v57 =	vld [tilespmem:s18+$0x1E0]  }
0x179: {  	[tilespmem:$0x1FC10] =	vst v0;
	v0 =	vld [tilespmem:s19+$0x130]  }
0x17a: {  	v37 =	vld [tilespmem:s19+$0x1A0]  }
0x17b: {  	v35 =	vld [tilespmem:s18+$0x1A0]  }
0x17c: {  	[tilespmem:$0x1FC40] =	vst v2;
	v2 =	vld [tilespmem:s17+$0xFFFFFFE0]  }
0x17d: {  	v21 =	vld [tilespmem:s19+$0x1C0]  }
0x17e: {  	[tilespmem:$0x1FBB0] =	vst v0;
	v0 =	vld [tilespmem:s18+$0x130]  }
0x17f: {  	v20 =	vld [tilespmem:s18+$0x1C0]  }
0x180: {  	v17 =	vld [tilespmem:s19+$0x1D0]  }
0x181: {  	[tilespmem:$0x1FD80] =	vst v2;
	v2 =	vld [tilespmem:s19+$0xFFFFFFF0]  }
0x182: {  	v15 =	vld [tilespmem:s18+$0x1D0]  }
0x183: {  	[tilespmem:$0x1FBC0] =	vst v0;
	v0 =	vld [tilespmem:s17+$0x20]  }
0x184: {  	v32 =	vld [tilespmem:s19+$0x160]  }
0x185: {  	v27 =	vld [tilespmem:s18+$0x160]  }
0x186: {  	[tilespmem:$0x1FD30] =	vst v2;
	v2 =	vld [tilespmem:s18+$0xFFFFFFF0]  }
0x187: {  	v12 =	vld [tilespmem:s19+$0x180]  }
0x188: {  	[tilespmem:$0x1FC20] =	vst v0;
	v0 =	vld [tilespmem:s19+$0xF0]  }
0x189: {  	v11 =	vld [tilespmem:s18+$0x180]  }
0x18a: {  	v9 =	vld [tilespmem:s19+$0x190]  }
0x18b: {  	[tilespmem:$0x1FD40] =	vst v2;
	v2 =	vld [tilespmem:s19+$0x20]  }
0x18c: {  	v7 =	vld [tilespmem:s18+$0x190]  }
0x18d: {  	[tilespmem:$0x1FBF0] =	vst v0;
	v0 =	vld [tilespmem:s18+$0xF0]  }
0x18e: {  	v31 =	vld [tilespmem:s19+$0x120]  }
0x18f: {  	v28 =	vld [tilespmem:s18+$0x120]  }
0x190: {  	[tilespmem:$0x1FCF0] =	vst v2;
	v2 =	vld [tilespmem:s18+$0x20]  }
0x191: {  	v10 =	vld [tilespmem:s19+$0x140]  }
0x192: {  	[tilespmem:$0x1FC00] =	vst v0;
	v0 =	vld [tilespmem:s17+$0x10]  }
0x193: {  	v8 =	vld [tilespmem:s18+$0x140]  }
0x194: {  	v6 =	vld [tilespmem:s19+$0x150]  }
0x195: {  	[tilespmem:$0x1FD00] =	vst v2;
	v2 =	vld [tilespmem:s19+$0x40]  }
0x196: {  	v5 =	vld [tilespmem:s18+$0x150]  }
0x197: {  	[tilespmem:$0x1FC30] =	vst v0;
	v0 =	vld [tilespmem:s19+$0xB0]  }
0x198: {  	v18 =	vand.u32 $0xF, v18;
	v40 =	vld [tilespmem:s19+$0xE0]  }
0x199: {  	v61 =	vbroadcast v18, $0x4;
	v1 =	vld [tilespmem:s18+$0x100]  }
0x19a: {  	v4 =	vlaneseq.u32;
	v23 =	vbroadcast v18, $0xE;
	v45 =	vbroadcast v18, $0xD;
	[tilespmem:$0x1FCC0] =	vst v2;
	v2 =	vld [tilespmem:s17+$0xFFFFFFD0]  }
0x19b: {  	vm3 =	veq.s32 v61, v4;
	v30 =	vld [tilespmem:s19+$0x110];
	v15 =	vmul.f32 v15, v17;
	v17 =	vimm.s32 $0x0  }
0x19c: {  	v54 =	vbroadcast v18, $0x8;
	v20 =	vmul.f32 v20, v21;
	v17 =	vsel vm3, $0xFFFFFFFF, v17;
	[tilespmem:$0x1FC70] =	vst v0;
	v0 =	vld [tilespmem:s18+$0xB0]  }
0x19d: {  	v55 =	vbroadcast v18, $0x9;
	v59 =	vbroadcast v18, $0x6;
	[tilespmem:$0x1FDD0] =	vst v17;
	v17 =	vld [tilespmem:s19+$0xFFFFFF70]  }
0x19e: {  	v60 =	vbroadcast v18, $0x7;
	v7 =	vmul.f32 v7, v9;
	v9 =	vadd.f32 v15, v20;
	v15 =	vld [tilespmem:$0x1FB60]  }
0x19f: {  	v62 =	vbroadcast v18, $0x5;
	v63 =	vbroadcast v18, $0x2;
	[tilespmem:$0x1FD90] =	vst v2;
	v2 =	vld [tilespmem:s19+$0xFFFFFFB0]  }
0x1a0: {  	vm5 =	veq.s32 v23, v4;
	vm6 =	veq.s32 v60, v4;
	v29 =	vbroadcast v18, $0xF;
	v33 =	vld [tilespmem:s18+$0x110]  }
0x1a1: {  	vm7 =	veq.s32 v54, v4;
	vm9 =	veq.s32 v55, v4;
	v11 =	vmul.f32 v11, v12;
	[tilespmem:$0x1FC80] =	vst v0;
	v0 =	vld [tilespmem:s19+$0x100]  }
0x1a2: {  	vm4 =	veq.s32 v59, v4;
	vm15 =	veq.s32 v29, v4;
	v21 =	vld [tilespmem:s18+$0xFFFFFF70];
	[tilespmem:$0x1FDA0] =	vst v17;
	v17 =	vmul.f32 v57, v34  }
0x1a3: {  	v53 =	vbroadcast v18, $0xB;
	v56 =	vld [tilespmem:s18+$0xE0];
	v7 =	vadd.f32 v7, v11;
	v11 =	vmul.f32 v35, v37  }
0x1a4: {  	v52 =	vbroadcast v18, $0xA;
	v17 =	vadd.f32 v17, v9;
	v15 =	vmul.f32 v41, v15;
	[tilespmem:$0x1FD60] =	vst v2;
	v2 =	vld [tilespmem:s18+$0xFFFFFFB0]  }
0x1a5: {  	v12 =	vmul.f32 v39, v51;
	v6 =	vmul.f32 v5, v6;
	v7 =	vadd.f32 v11, v7;
	v5 =	vld [tilespmem:$0x1FB80]  }
0x1a6: {  	v19 =	vld [tilespmem:s19+$0xC0];
	v11 =	vadd.f32 v15, v17;
	v17 =	vmul.f32 v33, v30;
	v0 =	vmul.f32 v1, v0  }
0x1a7: {  	vm2 =	veq.s32 v53, v4;
	v42 =	vbroadcast v18, $0xC;
	v20 =	vld [tilespmem:$0x1FB70];
	[tilespmem:$0x1FDB0] =	vst v21;
	v21 =	vmul.f32 v27, v32  }
0x1a8: {  	v7 =	vadd.f32 v12, v7;
	v12 =	vmul.f32 v28, v31;
	v27 =	vld [tilespmem:$0x1FBA0];
	v0 =	vadd.f32 v17, v0  }
0x1a9: {  	vm8 =	veq.s32 v52, v4;
	vm1 =	veq.s32 v42, v4;
	v1 =	vld [tilespmem:$0x1FB90];
	[tilespmem:$0x1FD70] =	vst v2;
	v2 =	vbroadcast v18, $0x3  }
0x1aa: {  	v8 =	vmul.f32 v8, v10;
	v10 =	vnsel vm5, $0x0, v5;
	v0 =	vadd.f32 v12, v0;
	v12 =	vld [tilespmem:$0x1FBC0]  }
0x1ab: {  	vm0 =	veq.s32 v45, v4;
	vm5 =	veq.s32 v2, v4;
	v2 =	vadd.f32 v10, v7;
	v10 =	vld [tilespmem:$0x1FBB0]  }
0x1ac: {  	vm3 =	veq.s32 v62, v4;
	v20 =	vnsel vm15, $0x0, v20;
	vm15 =	veq.s32 v63, v4;
	v4 =	vld [tilespmem:$0x1FBD0]  }
0x1ad: {  	v16 =	vld [tilespmem:s18+$0xC0];
	v6 =	vadd.f32 v6, v8  }
0x1ae: {  	v14 =	vld [tilespmem:s19+$0xD0]  }
0x1af: {  	v13 =	vld [tilespmem:s18+$0xD0];
	v17 =	vadd.f32 v21, v6;
	v27 =	vmul.f32 v27, v1  }
0x1b0: {  	v44 =	vld [tilespmem:s18+$0x80]  }
0x1b1: {  	v10 =	vmul.f32 v12, v10;
	v12 =	vadd.f32 v27, v17;
	v17 =	vnsel vm0, $0x0, v4;
	v4 =	vld [tilespmem:$0x1FBE0]  }
0x1b2: {  	v46 =	vld [tilespmem:s19+$0x90];
	v11 =	vadd.f32 v20, v11  }
0x1b3: {  	v49 =	vld [tilespmem:s18+$0x90]  }
0x1b4: {  	v48 =	vld [tilespmem:s18+$0x40];
	v7 =	vperm.xlane v11, v22  }
0x1b5: {  	v50 =	vld [tilespmem:s19+$0x50];
	v16 =	vmul.f32 v16, v19;
	v0 =	vadd.f32 v10, v0;
	v10 =	vadd.f32 v17, v12  }
0x1b6: {  	v38 =	vld [tilespmem:s18+$0x50];
	v13 =	vmul.f32 v13, v14;
	v7 =	vadd.f32 v11, v7;
	v14 =	vnsel vm1, $0x0, v4  }
0x1b7: {  	v47 =	vld [tilespmem:s19+$0xFFFFFFE0];
	v0 =	vadd.f32 v14, v0;
	v14 =	vperm.xlane v10, v22  }
0x1b8: {  	v43 =	vld [tilespmem:s18+$0xFFFFFFE0];
	v13 =	vadd.f32 v13, v16;
	v16 =	vmul.f32 v56, v40;
	v19 =	vperm.xlane v7, v24  }
0x1b9: {  	v4 =	vld [tilespmem:$0x1FBF0];
	v10 =	vadd.f32 v10, v14  }
0x1ba: {  	v14 =	vadd.f32 v7, v19;
	v7 =	vadd.f32 v16, v13;
	v13 =	vld [tilespmem:$0x1FC00]  }
0x1bb: {  	v36 =	vld [tilespmem:s19+$0x0]  }
0x1bc: {  	v26 =	vld [tilespmem:s18+$0x0]  }
0x1bd: {  	v23 =	vld [tilespmem:s19+$0x10]  }
0x1be: {  	v45 =	vld [tilespmem:s18+$0x10]  }
0x1bf: {  	v13 =	vmul.f32 v13, v4;
	v4 =	vld [tilespmem:$0x1FC10]  }
0x1c0: {  	v29 =	vld [tilespmem:s17+$0xFFFFFFC0]  }
0x1c1: {  	v59 =	vld [tilespmem:s18+$0xFFFFFF30];
	v11 =	vperm.xlane v2, v22  }
0x1c2: {  	v55 =	vld [tilespmem:s19+$0xFFFFFF60]  }
0x1c3: {  	v61 =	vld [tilespmem:s18+$0xFFFFFF50];
	v2 =	vadd.f32 v2, v11  }
0x1c4: {  	v3 =	vbroadcast v18, $0x0;
	v13 =	vadd.f32 v13, v7;
	v19 =	vnsel vm2, $0x0, v4;
	v4 =	vld [tilespmem:$0x1FC20]  }
0x1c5: {  	v60 =	vld [tilespmem:s19+$0xFFFFFEC0];
	v63 =	vlaneseq.u32;
	v16 =	vperm.xlane v2, v24  }
0x1c6: {  	v39 =	vld [tilespmem:s18+$0xFFFFFF60];
	v18 =	vbroadcast v18, $0x1;
	vm0 =	veq.s32 v3, v63;
	v13 =	vadd.f32 v19, v13  }
0x1c7: {  	v51 =	vld [tilespmem:s18+$0xFFFFFEF0];
	v3 =	vperm.xlane v10, v24;
	v2 =	vadd.f32 v2, v16;
	v16 =	vperm.xlane v14, v25  }
0x1c8: {  	v62 =	vld [tilespmem:s19+$0xFFFFFF10];
	v21 =	vperm.xlane v0, v22;
	v19 =	vperm.xlane v13, v22  }
0x1c9: {  	v3 =	vadd.f32 v10, v3;
	v42 =	vadd.f32 v14, v16;
	v16 =	vnsel vm8, $0x0, v4;
	v4 =	vld [tilespmem:$0x1FC50]  }
0x1ca: {  	v13 =	vadd.f32 v13, v19;
	v19 =	vld [tilespmem:$0x1FC60]  }
0x1cb: {  	v8 =	vld [tilespmem:s18+$0xFFFFFFD0];
	vm1 =	veq.s32 v18, v63;
	v0 =	vadd.f32 v0, v21;
	v18 =	vperm.xlane v3, v25  }
0x1cc: {  	v40 =	vld [tilespmem:s19+$0xFFFFFEF0]  }
0x1cd: {  	v21 =	vperm.xlane v0, v24;
	v53 =	vadd.f32 v3, v18;
	v3 =	vld [tilespmem:$0x1FC40]  }
0x1ce: {  	v56 =	vld [tilespmem:s18+$0xFFFFFF40]  }
0x1cf: {  	v0 =	vadd.f32 v0, v21;
	v54 =	vmul.f32 v19, v4;
	v4 =	vld [tilespmem:$0x1FC70]  }
0x1d0: {  	v19 =	vld [tilespmem:$0x1FC80]  }
0x1d1: {  	v32 =	vld [tilespmem:s19+$0xFFFFFED0];
	v21 =	vperm.xlane v0, v25  }
0x1d2: {  	v31 =	vld [tilespmem:s19+$0xFFFFFF20];
	v18 =	vmul.f32 v49, v46;
	v3 =	vmul.f32 v44, v3  }
0x1d3: {  	v57 =	vld [tilespmem:s19+$0xFFFFFFA0]  }
0x1d4: {  	[tilespmem:$0x1FDC0] =	vst v29;
	v29 =	vadd.f32 v0, v21;
	v0 =	vadd.f32 v18, v3;
	v3 =	vld [tilespmem:$0x1FC90]  }
0x1d5: {  	v27 =	vmul.f32 v19, v4;
	v19 =	vld [tilespmem:$0x1FCB0]  }
0x1d6: {  	v4 =	vld [tilespmem:$0x1FCA0]  }
0x1d7: {  	v34 =	vld [tilespmem:s18+$0xFFFFFF20]  }
0x1d8: {  	v15 =	vld [tilespmem:s19+$0xFFFFFFD0]  }
0x1d9: {  	v9 =	vld [tilespmem:s19+$0xFFFFFFC0]  }
0x1da: {  	v21 =	vnsel vm7, $0x0, v19;
	v19 =	vld [tilespmem:$0x1FCC0]  }
0x1db: {  	v5 =	vld [tilespmem:s18+$0xFFFFFFC0];
	v3 =	vmul.f32 v4, v3  }
0x1dc: {  	v41 =	vld [tilespmem:s18+$0xFFFFFFA0];
	v18 =	vperm.xlane v13, v24  }
0x1dd: {  	v8 =	vmul.f32 v8, v15;
	v15 =	vld [tilespmem:$0x1FD00];
	v0 =	vadd.f32 v3, v0  }
0x1de: {  	v49 =	vld [tilespmem:$0x1FCD0];
	v3 =	vadd.f32 v13, v18;
	v13 =	vmul.f32 v26, v36;
	v18 =	vmul.f32 v45, v23  }
0x1df: {  	v28 =	vmul.f32 v48, v19;
	v48 =	vmul.f32 v38, v50;
	v50 =	vld [tilespmem:$0x1FCE0]  }
0x1e0: {  	v5 =	vmul.f32 v5, v9;
	v9 =	vadd.f32 v18, v13;
	v13 =	vld [tilespmem:$0x1FCF0]  }
0x1e1: {  	v30 =	vld [tilespmem:s19+$0xFFFFFEE0]  }
0x1e2: {  	v33 =	vld [tilespmem:s19+$0xFFFFFE90]  }
0x1e3: {  	v20 =	vld [tilespmem:s19+$0xFFFFFF90]  }
0x1e4: {  	v11 =	vld [tilespmem:s18+$0xFFFFFF90];
	v23 =	vadd.f32 v48, v28;
	v35 =	vmul.f32 v50, v49  }
0x1e5: {  	v12 =	vld [tilespmem:s19+$0xFFFFFF80];
	v0 =	vadd.f32 v27, v0;
	v13 =	vmul.f32 v15, v13  }
0x1e6: {  	v17 =	vld [tilespmem:s18+$0xFFFFFF80];
	v18 =	vadd.f32 v35, v23  }
0x1e7: {  	v23 =	vadd.f32 v16, v0;
	v0 =	vadd.f32 v13, v9;
	v9 =	vld [tilespmem:$0x1FD10]  }
0x1e8: {  	v13 =	vld [tilespmem:$0x1FD20]  }
0x1e9: {  	v5 =	vadd.f32 v8, v5;
	v8 =	vmul.f32 v43, v47;
	v43 =	vld [tilespmem:s18+$0xFFFFFE00]  }
0x1ea: {  	v47 =	vld [tilespmem:s19+$0xFFFFFE00]  }
0x1eb: {  	v5 =	vadd.f32 v8, v5;
	v8 =	vld [tilespmem:$0x1FD30]  }
0x1ec: {  	v6 =	vld [tilespmem:s19+$0xFFFFFF30];
	v11 =	vmul.f32 v11, v20  }
0x1ed: {  	v12 =	vmul.f32 v17, v12;
	v9 =	vmul.f32 v13, v9;
	v13 =	vadd.f32 v54, v18;
	v18 =	vld [tilespmem:$0x1FD40]  }
0x1ee: {  	v1 =	vld [tilespmem:s17+$0xFFFFFFB0]  }
0x1ef: {  	v20 =	vld [tilespmem:$0x1FD70];
	v11 =	vadd.f32 v11, v12;
	v12 =	vmul.f32 v41, v57  }
0x1f0: {  	v41 =	vld [tilespmem:s18+$0xFFFFFE20]  }
0x1f1: {  	v11 =	vadd.f32 v12, v11;
	v12 =	vld [tilespmem:$0x1FD60]  }
0x1f2: {  	v10 =	vperm.xlane v2, v25;
	v8 =	vmul.f32 v18, v8;
	v18 =	vld [tilespmem:$0x1FD50]  }
0x1f3: {  	v14 =	vld [tilespmem:s19+$0xFFFFFF50]  }
0x1f4: {  	v52 =	vadd.f32 v2, v10;
	v2 =	vld [tilespmem:$0x1FC30]  }
0x1f5: {  	v10 =	vld [tilespmem:s19+$0xFFFFFEB0]  }
0x1f6: {  	v7 =	vld [tilespmem:s19+$0xFFFFFF40];
	v8 =	vadd.f32 v8, v5  }
0x1f7: {  	v12 =	vmul.f32 v20, v12;
	v20 =	vld [tilespmem:s19+$0xFFFFFE60];
	v18 =	vnsel vm6, $0x0, v18  }
0x1f8: {  	v44 =	vld [tilespmem:s18+$0xFFFFFEE0];
	v9 =	vadd.f32 v9, v0;
	v18 =	vadd.f32 v18, v8  }
0x1f9: {  	v4 =	vld [tilespmem:s19+$0xFFFFFF00]  }
0x1fa: {  	v26 =	vld [tilespmem:s18+$0xFFFFFF10];
	v9 =	vadd.f32 v21, v9;
	v21 =	vperm.xlane v18, v22  }
0x1fb: {  	v36 =	vmul.f32 v39, v55;
	v39 =	vld [tilespmem:s18+$0xFFFFFE50]  }
0x1fc: {  	v11 =	vadd.f32 v12, v11;
	v2 =	vnsel vm9, $0x0, v2;
	v12 =	vadd.f32 v18, v21;
	v18 =	vld [tilespmem:$0x1FD80]  }
0x1fd: {  	v27 =	vld [tilespmem:s19+$0xFFFFFE30];
	v2 =	vadd.f32 v2, v13  }
0x1fe: {  	v19 =	vld [tilespmem:s18+$0xFFFFFF00];
	v8 =	vperm.xlane v9, v22  }
0x1ff: {  	v38 =	vld [tilespmem:s19+$0xFFFFFE50];
	v13 =	vperm.xlane v23, v22;
	v17 =	vperm.xlane v2, v22  }
0x200: {  	v28 =	vld [tilespmem:s18+$0xFFFFFE30];
	v9 =	vadd.f32 v9, v8  }
0x201: {  	v48 =	vld [tilespmem:s19+$0xFFFFFE10];
	v13 =	vadd.f32 v23, v13;
	v2 =	vadd.f32 v2, v17;
	v18 =	vnsel vm4, $0x0, v18  }
0x202: {  	v15 =	vld [tilespmem:s19+$0xFFFFFE70];
	v54 =	vperm.xlane v9, v24;
	v18 =	vadd.f32 v18, v11;
	v11 =	vperm.xlane v12, v24  }
0x203: {  	v49 =	vld [tilespmem:s18+$0xFFFFFE10];
	v23 =	vperm.xlane v2, v24  }
0x204: {  	v17 =	vperm.xlane v13, v24;
	v37 =	vadd.f32 v9, v54;
	v54 =	vadd.f32 v12, v11;
	v12 =	vld [tilespmem:$0x1FD90]  }
0x205: {  	v50 =	vld [tilespmem:s19+$0xFFFFFE40];
	v2 =	vadd.f32 v2, v23  }
0x206: {  	v16 =	vld [tilespmem:s19+$0xFFFFFEA0];
	v13 =	vadd.f32 v13, v17;
	v17 =	vperm.xlane v3, v25  }
0x207: {  	v35 =	vld [tilespmem:s19+$0xFFFFFE20];
	v57 =	vperm.xlane v2, v25  }
0x208: {  	v9 =	vadd.f32 v3, v17;
	v3 =	vperm.xlane v18, v22;
	v22 =	vld [tilespmem:$0x1FDB0]  }
0x209: {  	v23 =	vperm.xlane v13, v25;
	v17 =	vnsel vm3, $0x0, v12;
	v12 =	vadd.f32 v2, v57;
	v2 =	vld [tilespmem:$0x1FDA0]  }
0x20a: {  	v57 =	vadd.f32 v18, v3;
	v18 =	vld [tilespmem:$0x1FDD0]  }
0x20b: {  	p0 =	sne.s32 s20, $0x7C0;
	v6 =	vmul.f32 v59, v6;
	v11 =	vadd.f32 v13, v23;
	v13 =	vperm.xlane v37, v25;
	v3 =	vld [tilespmem:$0x1FDC0]  }
.Ltmp0:
0x20c: {  	v0 =	vld [tilespmem:s18+$0xFFFFFEC0];
	v23 =	vmul.f32 v51, v40;
	v51 =	vmul.f32 v56, v7;
	(pc) =	sbr.rel @p0 .LBB2_2-.Ltmp0, $4  }
0x20d: {  	v5 =	vld [tilespmem:s18+$0xFFFFFED0];
	v56 =	vmul.f32 v61, v14;
	v7 =	vmul.f32 v44, v30  }
0x20e: {  	v1 =	vnsel vm5, $0x0, v1;
	v8 =	vld [tilespmem:s19+$0xFFFFFE80];
	v46 =	vmul.f32 v22, v2;
	v2 =	vperm.xlane v54, v25  }
0x20f: {  	v21 =	vld [tilespmem:s18+$0xFFFFFE80];
	v30 =	vmul.f32 v34, v31;
	v13 =	vadd.f32 v37, v13;
	vm2 =	vnez.u8 v18  }
0x210: {  	s20 =	sadd.s32 $0x40, s20;
	s16 =	smov.u32 s21;
	v37 =	vld [tilespmem:s18+$0xFFFFFE40];
	v40 =	vperm.xlane v57, v24;
	v18 =	vnsel vm2, $0x0, v3;
	v14 =	vadd.f32 v54, v2  }
0x211: {  	v3 =	vmul.f32 v19, v4  }
0x212: {  	v61 =	vmul.f32 v26, v62;
	v25 =	vmul.f32 v28, v27  }
0x213: {  	v2 =	vld [tilespmem:s18+$0xFFFFFE90];
	v22 =	vadd.f32 v56, v51;
	v0 =	vmul.f32 v0, v60;
	v44 =	vmul.f32 v41, v35  }
0x214: {  	v62 =	vld [tilespmem:s18+$0xFFFFFE60];
	v31 =	vmul.f32 v43, v47;
	v51 =	vmul.f32 v49, v48  }
0x215: {  	v45 =	vld [tilespmem:s18+$0xFFFFFEA0];
	v24 =	vadd.f32 v57, v40;
	v5 =	vmul.f32 v5, v32;
	v22 =	vadd.f32 v36, v22  }
0x216: {  	v34 =	vld [tilespmem:s18+$0xFFFFFE70];
	v55 =	vmul.f32 v39, v38;
	v3 =	vadd.f32 v61, v3;
	v59 =	vadd.f32 v51, v31  }
0x217: {  	v56 =	vld [tilespmem:s18+$0xFFFFFEB0];
	v8 =	vmul.f32 v21, v8;
	v0 =	vadd.f32 v5, v0;
	v22 =	vadd.f32 v46, v22  }
0x218: {  	v57 =	vld [tilespmem:s17+$0xFFFFFF80];
	v54 =	vmul.f32 v37, v50;
	v3 =	vadd.f32 v30, v3;
	v5 =	vadd.f32 v44, v59  }
0x219: {  	v60 =	vld [tilespmem:s17+$0xFFFFFF90];
	v2 =	vmul.f32 v2, v33;
	v20 =	vmul.f32 v62, v20;
	v0 =	vadd.f32 v7, v0  }
0x21a: {  	v4 =	vld [tilespmem:$0x1FF30];
	v61 =	vmul.f32 v45, v16;
	v19 =	vadd.f32 v55, v54;
	v5 =	vadd.f32 v25, v5  }
0x21b: {  	v62 =	vld [tilespmem:s17+$0xFFFFFFA0];
	v15 =	vmul.f32 v34, v15;
	v3 =	vadd.f32 v6, v3;
	v2 =	vadd.f32 v2, v8  }
0x21c: {  	v21 =	vmul.f32 v56, v10;
	v32 =	vadd.f32 v17, v22;
	v0 =	vadd.f32 v23, v0  }
0x21d: {  	v7 =	vnsel vm0, $0x0, v57;
	v19 =	vadd.f32 v20, v19;
	v2 =	vadd.f32 v61, v2  }
0x21e: {  	v5 =	vadd.f32 v7, v5;
	v3 =	vadd.f32 v18, v3  }
0x21f: {  	v26 =	vnsel vm1, $0x0, v60;
	v25 =	vadd.f32 v15, v19;
	v2 =	vadd.f32 v21, v2  }
0x220: {  	v35 =	vperm.xlane v32, v4;
	v0 =	vadd.f32 v1, v0;
	v27 =	vnsel vm15, $0x0, v62  }
0x221: {  	v30 =	vperm.xlane v5, v4;
	v7 =	vadd.f32 v26, v25;
	v2 =	vadd.f32 v27, v2  }
0x222: {  	v34 =	vperm.xlane v3, v4;
	v33 =	vperm.xlane v0, v4  }
0x223: {  	v10 =	vperm.xlane v7, v4;
	v31 =	vperm.xlane v2, v4;
	v4 =	vld [tilespmem:$0x1FF40];
	_ =	sdelay $0x1  }
0x224: {  	v5 =	vadd.f32 v5, v30  }
0x225: {  	v0 =	vadd.f32 v0, v33;
	v7 =	vadd.f32 v7, v10  }
0x226: {  	v1 =	vadd.f32 v2, v31;
	v2 =	vadd.f32 v3, v34  }
0x227: {  	v3 =	vadd.f32 v32, v35;
	v36 =	vperm.xlane v5, v4;
	v37 =	vperm.xlane v7, v4  }
0x228: {  	v38 =	vperm.xlane v1, v4;
	v39 =	vperm.xlane v0, v4  }
0x229: {  	v40 =	vperm.xlane v2, v4;
	v15 =	vperm.xlane v3, v4;
	v4 =	vld [tilespmem:$0x1FFC0];
	_ =	sdelay $0x4  }
0x22a: {  	vm6 =	vnez.u8 v4;
	v4 =	vld [tilespmem:$0x1FF70];
	_ =	sdelay $0x4  }
0x22b: {  	vm7 =	vnez.u8 v4;
	v4 =	vld [tilespmem:$0x1FF80]  }
0x22c: {  	v28 =	vld [tilespmem:$0x1FF50];
	_ =	sdelay $0x2  }
0x22d: {  	v5 =	vadd.f32 v5, v36;
	v7 =	vadd.f32 v7, v37  }
0x22e: {  	vm2 =	vnez.u8 v4;
	v4 =	vld [tilespmem:$0x1FFF0]  }
0x22f: {  	v1 =	vadd.f32 v1, v38;
	v16 =	vperm.xlane v5, v28;
	v17 =	vperm.xlane v7, v28  }
0x230: {  	v0 =	vadd.f32 v0, v39;
	v3 =	vadd.f32 v3, v15  }
0x231: {  	v5 =	vadd.f32 v5, v16;
	v7 =	vadd.f32 v7, v17  }
0x232: {  	v2 =	vadd.f32 v2, v40;
	v41 =	vperm.xlane v1, v28;
	v15 =	vperm.xlane v3, v28  }
0x233: {  	v16 =	vperm.xlane v5, v58;
	v17 =	vperm.xlane v7, v58;
	vm3 =	vnez.u8 v4;
	v4 =	vld [tilespmem:$0x1FF90]  }
0x234: {  	v43 =	vperm.xlane v0, v28;
	v1 =	vadd.f32 v1, v41;
	v3 =	vadd.f32 v3, v15  }
0x235: {  	v5 =	vadd.f32 v5, v16;
	v7 =	vadd.f32 v7, v17  }
0x236: {  	v6 =	vperm.xlane v24, v28;
	v44 =	vperm.xlane v2, v28;
	v0 =	vadd.f32 v0, v43  }
0x237: {  	v45 =	vperm.xlane v1, v58;
	v5 =	vsel vm10, v5, v7;
	v7 =	vperm.xlane v3, v58  }
0x238: {  	v2 =	vadd.f32 v2, v44;
	v46 =	vperm.xlane v0, v58;
	vm4 =	vnez.u8 v4;
	v4 =	vld [tilespmem:$0x1FFD0]  }
0x239: {  	v1 =	vadd.f32 v1, v45;
	v48 =	vadd.f32 v3, v7;
	v3 =	vperm.xlane v14, v58  }
0x23a: {  	v6 =	vadd.f32 v24, v6;
	v47 =	vperm.xlane v2, v58;
	v0 =	vadd.f32 v0, v46  }
0x23b: {  	v1 =	vsel vm11, v5, v1;
	v50 =	vadd.f32 v14, v3;
	v3 =	vperm.xlane v12, v58  }
0x23c: {  	v2 =	vadd.f32 v2, v47;
	v5 =	vperm.xlane v6, v58;
	v0 =	vsel vm12, v1, v0  }
0x23d: {  	v54 =	vadd.f32 v12, v3;
	v3 =	vperm.xlane v9, v58;
	vm5 =	vnez.u8 v4;
	v4 =	vld [tilespmem:$0x1FFA0]  }
0x23e: {  	v0 =	vsel vm13, v0, v2;
	v49 =	vadd.f32 v6, v5;
	v5 =	vperm.xlane v13, v58  }
0x23f: {  	v0 =	vsel vm14, v0, v48;
	v56 =	vadd.f32 v9, v3;
	v3 =	vperm.xlane v53, v58  }
0x240: {  	v0 =	vsel vm6, v0, v49;
	v51 =	vadd.f32 v13, v5;
	v5 =	vperm.xlane v11, v58  }
0x241: {  	v0 =	vsel vm7, v0, v50;
	v59 =	vadd.f32 v53, v3;
	v3 =	vperm.xlane v42, v58  }
0x242: {  	v0 =	vsel vm2, v0, v51;
	vm6 =	vnez.u8 v4;
	v4 =	vld [tilespmem:$0x1FFE0]  }
0x243: {  	v55 =	vadd.f32 v11, v5;
	v5 =	vperm.xlane v29, v58;
	v61 =	vadd.f32 v42, v3;
	v3 =	vld [tilespmem:$0x1FF60]  }
0x244: {  	v62 =	vld [tilespmem:$0x1FFB0];
	v0 =	vsel vm3, v0, v54  }
0x245: {  	v57 =	vadd.f32 v29, v5;
	v5 =	vperm.xlane v52, v58;
	v0 =	vsel vm4, v0, v55  }
0x246: {  	v0 =	vsel vm5, v0, v56  }
0x247: {  	v60 =	vadd.f32 v52, v5;
	v0 =	vsel vm6, v0, v57;
	vm7 =	vnez.u8 v4  }
0x248: {  	vm8 =	vnez.u8 v3;
	v0 =	vsel vm7, v0, v59  }
0x249: {  	s2 =	sadd.s32 $0x1, s2;
	vm9 =	vnez.u8 v62;
	v0 =	vsel vm8, v0, v60  }
0x24a: {  	p0 =	sne.s32 s2, s11;
	v0 =	vsel vm9, v0, v61  }
.Ltmp1:
0x24b: {  	[tilespmem:s16+$0x12600] =	vst v0;
	(pc) =	sbr.rel @p0 .LBB2_1-.Ltmp1, $4  }
0x24c: {  	[hbm4b:s10+s1] =	stream.linear.scatter [tilespmem:s0], [sflag:$0x2], $0x200, $0x38;
	[tilespmem:$0x12800] =	vst v63  }
0x24d: {  	_ =	swait.ge [sflag:s12], $0x200  }
0x24e: {  	[sflag:s12] =	ssyncset.done $0x0  }
0x24f: {  	v4 =	vmov v58;
	[sflag:s12] =	ssyncadd.s32 $0xFFFFFE00  }
0x250: {  	_ =	sfence.sel $0x180000  }
0x251: {  	[bflag:$0x0] =	sbarrier.arrive $0xFFFF  }
0x252: {  	_ =	strace $0x9000004A  }
0x253: {  	s0 =	stileid.u32;
	[bflag:$0x2] =	sbarrier.arrive $0xFFFF  }
0x254: {  	p0 =	sne.s32 s0, $0x0;
	s0 =	rddreg [dreg:$0x3]  }
0x255: {  	s0 =	sadd.s32 @!p0 $0x100000, s0  }
0x256: {  	[sflag:s0] =	ssyncadd.tile.s32 @!p0 $0x1;
	_ =	shalt  }
.Lfunc_end2:
_tile_overlayer_lowered:
.L_overlay_start_2:
0x257: {  	(tag) =	ssettag $0x2  }
0x258: {  	s0 =	rddreg [dreg:$0x0];
	s2 =	stileid.u32  }
0x259: {  	s1 =	rddreg [dreg:$0x1];
	p0 =	sne.s32 s2, $0x0  }
0x25a: {  	s3 =	rddreg [dreg:$0x2];
	[bflag:$0x3] =	sbarrier.arrive $0xFFFF;
	s2 =	simm.s32 @!p0 $0x1C02  }
0x25b: {  	[timem:s3], [sflag:s2] =	dma.local @!p0 [hbm:s0], s1  }
0x25c: {  	s0 =	simm.s32 @!p0 $0x2  }
0x25d: {  	_ =	swait.ge @!p0 [sflag:s0], s1  }
0x25e: {  	s1 =	ssub.s32 @!p0 $0x0, s1;
	[sflag:s0] =	ssyncset.done @!p0 $0x0  }
0x25f: {  	[sflag:s0] =	ssyncadd.s32 @!p0 s1  }
0x260: {  	[bflag:$0x3] =	sbarrier.arrive $0xFFFF  }
0x261: {  	_ =	shalt  }

</sc_bundles>
